<compile_context>
chip_gen: v7x
topology: tpu7x:2x2x1
jax: 0.10.2.dev20260603
libtpu: 0.0.44.dev20260713+nightly
codegen_flags: <defaults>
</compile_context>

<pallas_src>
import dataclasses

import jax
import jax.numpy as jnp
from jax import lax
from jax.experimental import pallas as pl
from jax.experimental.pallas import tpu as pltpu
from jax.experimental.pallas import tpu_sc as plsc

_BTILE = 128
_TILES = 32
_LANE = 128


def kernel(inputs, table):
    batch, hist = inputs.shape
    _, embed_dim = table.shape
    nchunk = embed_dim // 16
    pairs = hist // 2

    tab128 = jnp.pad(table, ((0, 0), (0, _LANE - embed_dim)))
    idx_t = inputs.T

    mesh = plsc.VectorSubcoreMesh(core_axis_name="c", subcore_axis_name="s")

    cp = pltpu.CompilerParams()
    if "needs_layout_passes" in pltpu.CompilerParams.__dataclass_fields__:
        cp = dataclasses.replace(cp, needs_layout_passes=False)

    @pl.kernel(
        out_type=jax.ShapeDtypeStruct((hist, embed_dim, batch), table.dtype),
        mesh=mesh,
        compiler_params=cp,
        scratch_types=[
            pltpu.VMEM((_BTILE,), jnp.int32),
            pltpu.VMEM((_BTILE,), jnp.int32),
            pltpu.VMEM((_BTILE, _LANE), jnp.float32),
            pltpu.VMEM((_BTILE, _LANE), jnp.float32),
            pltpu.VMEM((64, _BTILE), jnp.float32),
            pltpu.VMEM((64, _BTILE), jnp.float32),
            pltpu.SemaphoreType.DMA,
            pltpu.SemaphoreType.DMA,
            pltpu.SemaphoreType.DMA,
            pltpu.SemaphoreType.DMA,
            pltpu.SemaphoreType.DMA,
            pltpu.SemaphoreType.DMA,
        ],
    )
    def gather_kernel(table_hbm, idx_hbm, out_hbm,
                      idx_a, idx_b, gath_a, gath_b, outb_a, outb_b,
                      si_a, si_b, sg_a, sg_b, so_a, so_b):
        wid = lax.axis_index("c") * 16 + lax.axis_index("s")
        b0 = wid * _BTILE

        iota = lax.iota(jnp.int32, 16)
        diag = [(iota + k) & 15 for k in range(16)]
        rows = [iota + 16 * j for j in range(_BTILE // 16)]

        def transpose_into(gath, outb):
            @plsc.parallel_loop(0, nchunk, unroll=2)
            def _(c):
                e0 = 16 * c
                for k in range(16):
                    cols = e0 + diag[k]
                    for j in range(_BTILE // 16):
                        x = plsc.load_gather(gath, [rows[j], cols])
                        plsc.store_scatter(outb, [cols, rows[j]], x)

        pltpu.async_copy(idx_hbm.at[0, pl.ds(b0, _BTILE)], idx_a, si_a)
        pltpu.async_copy(idx_hbm.at[1, pl.ds(b0, _BTILE)], idx_b, si_b)

        @pl.loop(0, pairs)
        def _(p):
            h_a = 2 * p
            h_b = h_a + 1

            pltpu.make_async_copy(idx_hbm.at[0, pl.ds(b0, _BTILE)],
                                  idx_a, si_a).wait()
            cp_a = pltpu.async_copy(table_hbm.at[idx_a], gath_a, sg_a)

            pltpu.make_async_copy(idx_hbm.at[0, pl.ds(b0, _BTILE)],
                                  idx_b, si_b).wait()
            cp_b = pltpu.async_copy(table_hbm.at[idx_b], gath_b, sg_b)

            cp_a.wait()

            @pl.when(p > 0)
            def _():
                pltpu.make_async_copy(outb_a,
                                      out_hbm.at[0, :, pl.ds(b0, _BTILE)],
                                      so_a).wait()

            transpose_into(gath_a, outb_a)
            pltpu.async_copy(outb_a, out_hbm.at[h_a, :, pl.ds(b0, _BTILE)],
                             so_a)

            @pl.when(p < pairs - 1)
            def _():
                pltpu.async_copy(idx_hbm.at[h_a + 2, pl.ds(b0, _BTILE)],
                                 idx_a, si_a)

            cp_b.wait()

            @pl.when(p > 0)
            def _():
                pltpu.make_async_copy(outb_b,
                                      out_hbm.at[0, :, pl.ds(b0, _BTILE)],
                                      so_b).wait()

            transpose_into(gath_b, outb_b)
            pltpu.async_copy(outb_b, out_hbm.at[h_b, :, pl.ds(b0, _BTILE)],
                             so_b)

            @pl.when(p < pairs - 1)
            def _():
                pltpu.async_copy(idx_hbm.at[h_b + 2, pl.ds(b0, _BTILE)],
                                 idx_b, si_b)

        pltpu.make_async_copy(outb_a, out_hbm.at[0, :, pl.ds(b0, _BTILE)],
                              so_a).wait()
        pltpu.make_async_copy(outb_b, out_hbm.at[0, :, pl.ds(b0, _BTILE)],
                              so_b).wait()

    out = gather_kernel(tab128, idx_t)
    return out.transpose(2, 0, 1)

# --- scband reference (transcript-rebuilt; emitter-appended) ---
"""Pipeline reference for scband-word-embedding-36000415875329 (READ-ONLY COPY).

The authoritative reference and input builder live on the scoring server;
editing this copy changes nothing except your own understanding.
"""

import jax, jax.numpy as jnp
import numpy as np

VOCAB = 100000
EMBED_DIM = 64
BATCH = 4096
HIST = 50


def setup_inputs(seed: int = 0) -> dict:
    key = jax.random.key(seed)
    k_idx, k_tab = jax.random.split(key)
    inputs = jax.random.randint(k_idx, (BATCH, HIST), 0, VOCAB, dtype=jnp.int64 if jax.config.jax_enable_x64 else jnp.int32)
    # Keras Embedding default initializer is uniform(-0.05, 0.05)
    table = jax.random.uniform(k_tab, (VOCAB, EMBED_DIM), dtype=jnp.float32, minval=-0.05, maxval=0.05)
    return {"inputs": inputs, "table": table}


def reference(inputs, table):
    # Embedding lookup: gather rows of the table
    return jnp.take(table, inputs, axis=0)

if __name__ == "__main__":
    import jax
    _d = setup_inputs()
    print(jax.jit(kernel)(*tuple(_d.values())))

</pallas_src>

<mosaic_0001>
#map = affine_map<(d0, d1) -> (0, 0)>
#map1 = affine_map<(d0, d1) -> (0, 0, 0)>
module attributes {stable_mosaic.version = 14 : i64} {
  func.func @gather_kernel(%arg0: i32, %arg1: i32, %arg2: memref<100000x128xf32, #tpu.memory_space<hbm>>, %arg3: memref<50x4096xi32, #tpu.memory_space<hbm>>, %arg4: memref<50x64x4096xf32, #tpu.memory_space<hbm>>, %arg5: memref<128xi32, #tpu.memory_space<vmem>>, %arg6: memref<128xi32, #tpu.memory_space<vmem>>, %arg7: memref<128x128xf32, #tpu.memory_space<vmem>>, %arg8: memref<128x128xf32, #tpu.memory_space<vmem>>, %arg9: memref<64x128xf32, #tpu.memory_space<vmem>>, %arg10: memref<64x128xf32, #tpu.memory_space<vmem>>, %arg11: memref<!tpu.dma_semaphore, #tpu.memory_space<semaphore_mem>>, %arg12: memref<!tpu.dma_semaphore, #tpu.memory_space<semaphore_mem>>, %arg13: memref<!tpu.dma_semaphore, #tpu.memory_space<semaphore_mem>>, %arg14: memref<!tpu.dma_semaphore, #tpu.memory_space<semaphore_mem>>, %arg15: memref<!tpu.dma_semaphore, #tpu.memory_space<semaphore_mem>>, %arg16: memref<!tpu.dma_semaphore, #tpu.memory_space<semaphore_mem>>) attributes {dimension_semantics = [#tpu.dimension_semantics<core_parallel>, #tpu.dimension_semantics<subcore_parallel>], iteration_bounds = array<i64: 2, 16>, scalar_prefetch = 0 : i64, scratch_operands = 12 : i64, tpu.core_type = #tpu.core_type<sc_vector_subcore>, window_params = [{transform_indices = #map}, {transform_indices = #map}, {transform_indices = #map1}]} {
    %mul3A = arith.constant 16 : i32
    %mul3A_0 = arith.muli %arg0, %mul3A : i32
    %add3A = arith.addi %mul3A_0, %arg1 : i32
    %mul3A_1 = arith.constant 128 : i32
    %mul3A_2 = arith.muli %add3A, %mul3A_1 : i32
    %iota3A = tpu.iota {dimensions = array<i32: 0>} : vector<16xi32>
    %add3A_3 = arith.constant 0 : i32
    %add3A_4 = vector.broadcast %add3A_3 : i32 to vector<16xi32>
    %add3A_5 = arith.addi %iota3A, %add3A_4 : vector<16xi32>
    %and3A = arith.constant 15 : i32
    %and3A_6 = vector.broadcast %and3A : i32 to vector<16xi32>
    %and3A_7 = arith.andi %add3A_5, %and3A_6 : vector<16xi32>
    %add3A_8 = arith.constant 1 : i32
    %add3A_9 = vector.broadcast %add3A_8 : i32 to vector<16xi32>
    %add3A_10 = arith.addi %iota3A, %add3A_9 : vector<16xi32>
    %and3A_11 = arith.constant 15 : i32
    %and3A_12 = vector.broadcast %and3A_11 : i32 to vector<16xi32>
    %and3A_13 = arith.andi %add3A_10, %and3A_12 : vector<16xi32>
    %add3A_14 = arith.constant 2 : i32
    %add3A_15 = vector.broadcast %add3A_14 : i32 to vector<16xi32>
    %add3A_16 = arith.addi %iota3A, %add3A_15 : vector<16xi32>
    %and3A_17 = arith.constant 15 : i32
    %and3A_18 = vector.broadcast %and3A_17 : i32 to vector<16xi32>
    %and3A_19 = arith.andi %add3A_16, %and3A_18 : vector<16xi32>
    %add3A_20 = arith.constant 3 : i32
    %add3A_21 = vector.broadcast %add3A_20 : i32 to vector<16xi32>
    %add3A_22 = arith.addi %iota3A, %add3A_21 : vector<16xi32>
    %and3A_23 = arith.constant 15 : i32
    %and3A_24 = vector.broadcast %and3A_23 : i32 to vector<16xi32>
    %and3A_25 = arith.andi %add3A_22, %and3A_24 : vector<16xi32>
    %add3A_26 = arith.constant 4 : i32
    %add3A_27 = vector.broadcast %add3A_26 : i32 to vector<16xi32>
    %add3A_28 = arith.addi %iota3A, %add3A_27 : vector<16xi32>
    %and3A_29 = arith.constant 15 : i32
    %and3A_30 = vector.broadcast %and3A_29 : i32 to vector<16xi32>
    %and3A_31 = arith.andi %add3A_28, %and3A_30 : vector<16xi32>
    %add3A_32 = arith.constant 5 : i32
    %add3A_33 = vector.broadcast %add3A_32 : i32 to vector<16xi32>
    %add3A_34 = arith.addi %iota3A, %add3A_33 : vector<16xi32>
    %and3A_35 = arith.constant 15 : i32
    %and3A_36 = vector.broadcast %and3A_35 : i32 to vector<16xi32>
    %and3A_37 = arith.andi %add3A_34, %and3A_36 : vector<16xi32>
    %add3A_38 = arith.constant 6 : i32
    %add3A_39 = vector.broadcast %add3A_38 : i32 to vector<16xi32>
    %add3A_40 = arith.addi %iota3A, %add3A_39 : vector<16xi32>
    %and3A_41 = arith.constant 15 : i32
    %and3A_42 = vector.broadcast %and3A_41 : i32 to vector<16xi32>
    %and3A_43 = arith.andi %add3A_40, %and3A_42 : vector<16xi32>
    %add3A_44 = arith.constant 7 : i32
    %add3A_45 = vector.broadcast %add3A_44 : i32 to vector<16xi32>
    %add3A_46 = arith.addi %iota3A, %add3A_45 : vector<16xi32>
    %and3A_47 = arith.constant 15 : i32
    %and3A_48 = vector.broadcast %and3A_47 : i32 to vector<16xi32>
    %and3A_49 = arith.andi %add3A_46, %and3A_48 : vector<16xi32>
    %add3A_50 = arith.constant 8 : i32
    %add3A_51 = vector.broadcast %add3A_50 : i32 to vector<16xi32>
    %add3A_52 = arith.addi %iota3A, %add3A_51 : vector<16xi32>
    %and3A_53 = arith.constant 15 : i32
    %and3A_54 = vector.broadcast %and3A_53 : i32 to vector<16xi32>
    %and3A_55 = arith.andi %add3A_52, %and3A_54 : vector<16xi32>
    %add3A_56 = arith.constant 9 : i32
    %add3A_57 = vector.broadcast %add3A_56 : i32 to vector<16xi32>
    %add3A_58 = arith.addi %iota3A, %add3A_57 : vector<16xi32>
    %and3A_59 = arith.constant 15 : i32
    %and3A_60 = vector.broadcast %and3A_59 : i32 to vector<16xi32>
    %and3A_61 = arith.andi %add3A_58, %and3A_60 : vector<16xi32>
    %add3A_62 = arith.constant 10 : i32
    %add3A_63 = vector.broadcast %add3A_62 : i32 to vector<16xi32>
    %add3A_64 = arith.addi %iota3A, %add3A_63 : vector<16xi32>
    %and3A_65 = arith.constant 15 : i32
    %and3A_66 = vector.broadcast %and3A_65 : i32 to vector<16xi32>
    %and3A_67 = arith.andi %add3A_64, %and3A_66 : vector<16xi32>
    %add3A_68 = arith.constant 11 : i32
    %add3A_69 = vector.broadcast %add3A_68 : i32 to vector<16xi32>
    %add3A_70 = arith.addi %iota3A, %add3A_69 : vector<16xi32>
    %and3A_71 = arith.constant 15 : i32
    %and3A_72 = vector.broadcast %and3A_71 : i32 to vector<16xi32>
    %and3A_73 = arith.andi %add3A_70, %and3A_72 : vector<16xi32>
    %add3A_74 = arith.constant 12 : i32
    %add3A_75 = vector.broadcast %add3A_74 : i32 to vector<16xi32>
    %add3A_76 = arith.addi %iota3A, %add3A_75 : vector<16xi32>
    %and3A_77 = arith.constant 15 : i32
    %and3A_78 = vector.broadcast %and3A_77 : i32 to vector<16xi32>
    %and3A_79 = arith.andi %add3A_76, %and3A_78 : vector<16xi32>
    %add3A_80 = arith.constant 13 : i32
    %add3A_81 = vector.broadcast %add3A_80 : i32 to vector<16xi32>
    %add3A_82 = arith.addi %iota3A, %add3A_81 : vector<16xi32>
    %and3A_83 = arith.constant 15 : i32
    %and3A_84 = vector.broadcast %and3A_83 : i32 to vector<16xi32>
    %and3A_85 = arith.andi %add3A_82, %and3A_84 : vector<16xi32>
    %add3A_86 = arith.constant 14 : i32
    %add3A_87 = vector.broadcast %add3A_86 : i32 to vector<16xi32>
    %add3A_88 = arith.addi %iota3A, %add3A_87 : vector<16xi32>
    %and3A_89 = arith.constant 15 : i32
    %and3A_90 = vector.broadcast %and3A_89 : i32 to vector<16xi32>
    %and3A_91 = arith.andi %add3A_88, %and3A_90 : vector<16xi32>
    %add3A_92 = arith.constant 15 : i32
    %add3A_93 = vector.broadcast %add3A_92 : i32 to vector<16xi32>
    %add3A_94 = arith.addi %iota3A, %add3A_93 : vector<16xi32>
    %and3A_95 = arith.constant 15 : i32
    %and3A_96 = vector.broadcast %and3A_95 : i32 to vector<16xi32>
    %and3A_97 = arith.andi %add3A_94, %and3A_96 : vector<16xi32>
    %add3A_98 = arith.constant 0 : i32
    %add3A_99 = vector.broadcast %add3A_98 : i32 to vector<16xi32>
    %add3A_100 = arith.addi %iota3A, %add3A_99 : vector<16xi32>
    %add3A_101 = arith.constant 16 : i32
    %add3A_102 = vector.broadcast %add3A_101 : i32 to vector<16xi32>
    %add3A_103 = arith.addi %iota3A, %add3A_102 : vector<16xi32>
    %add3A_104 = arith.constant 32 : i32
    %add3A_105 = vector.broadcast %add3A_104 : i32 to vector<16xi32>
    %add3A_106 = arith.addi %iota3A, %add3A_105 : vector<16xi32>
    %add3A_107 = arith.constant 48 : i32
    %add3A_108 = vector.broadcast %add3A_107 : i32 to vector<16xi32>
    %add3A_109 = arith.addi %iota3A, %add3A_108 : vector<16xi32>
    %add3A_110 = arith.constant 64 : i32
    %add3A_111 = vector.broadcast %add3A_110 : i32 to vector<16xi32>
    %add3A_112 = arith.addi %iota3A, %add3A_111 : vector<16xi32>
    %add3A_113 = arith.constant 80 : i32
    %add3A_114 = vector.broadcast %add3A_113 : i32 to vector<16xi32>
    %add3A_115 = arith.addi %iota3A, %add3A_114 : vector<16xi32>
    %add3A_116 = arith.constant 96 : i32
    %add3A_117 = vector.broadcast %add3A_116 : i32 to vector<16xi32>
    %add3A_118 = arith.addi %iota3A, %add3A_117 : vector<16xi32>
    %add3A_119 = arith.constant 112 : i32
    %add3A_120 = vector.broadcast %add3A_119 : i32 to vector<16xi32>
    %add3A_121 = arith.addi %iota3A, %add3A_120 : vector<16xi32>
    %dma_start3A = arith.constant 0 : i32
    %dma_start3A_122 = tpu.memref_slice %arg3[%dma_start3A, %mul3A_2] : memref<50x4096xi32, #tpu.memory_space<hbm>> -> memref<1x128xi32, #tpu.memory_space<hbm>>
    %dma_start3A_123 = tpu.memref_squeeze %dma_start3A_122 : memref<1x128xi32, #tpu.memory_space<hbm>> -> memref<128xi32, #tpu.memory_space<hbm>>
    %dma_start3A_124 = tpu.memref_slice %arg3[%dma_start3A, %mul3A_2] : memref<50x4096xi32, #tpu.memory_space<hbm>> -> memref<1x128xi32, #tpu.memory_space<hbm>>
    %dma_start3A_125 = tpu.memref_squeeze %dma_start3A_124 : memref<1x128xi32, #tpu.memory_space<hbm>> -> memref<128xi32, #tpu.memory_space<hbm>>
    tpu.enqueue_dma source(%dma_start3A_125 : memref<128xi32, #tpu.memory_space<hbm>>) target(%arg5 : memref<128xi32, #tpu.memory_space<vmem>>) target_semaphore(%arg11 : memref<!tpu.dma_semaphore, #tpu.memory_space<semaphore_mem>>)
    %dma_start3A_126 = arith.constant 1 : i32
    %dma_start3A_127 = tpu.memref_slice %arg3[%dma_start3A_126, %mul3A_2] : memref<50x4096xi32, #tpu.memory_space<hbm>> -> memref<1x128xi32, #tpu.memory_space<hbm>>
    %dma_start3A_128 = tpu.memref_squeeze %dma_start3A_127 : memref<1x128xi32, #tpu.memory_space<hbm>> -> memref<128xi32, #tpu.memory_space<hbm>>
    %dma_start3A_129 = tpu.memref_slice %arg3[%dma_start3A_126, %mul3A_2] : memref<50x4096xi32, #tpu.memory_space<hbm>> -> memref<1x128xi32, #tpu.memory_space<hbm>>
    %dma_start3A_130 = tpu.memref_squeeze %dma_start3A_129 : memref<1x128xi32, #tpu.memory_space<hbm>> -> memref<128xi32, #tpu.memory_space<hbm>>
    tpu.enqueue_dma source(%dma_start3A_130 : memref<128xi32, #tpu.memory_space<hbm>>) target(%arg6 : memref<128xi32, #tpu.memory_space<vmem>>) target_semaphore(%arg12 : memref<!tpu.dma_semaphore, #tpu.memory_space<semaphore_mem>>)
    %scan3A = arith.constant 0 : i32
    %scan3A_131 = arith.constant 25 : i32
    %scan3A_132 = arith.addi %scan3A, %scan3A_131 : i32
    %scan3A_133 = arith.constant 1 : i32
    scf.for %scan3A_148 = %scan3A to %scan3A_132 step %scan3A_133  : i32 {
      %mul3A_149 = arith.constant 1 : i32
      %mul3A_150 = arith.muli %scan3A_148, %mul3A_149 : i32
      %add3A_151 = arith.constant 0 : i32
      %add3A_152 = arith.addi %add3A_151, %mul3A_150 : i32
      %mul3A_153 = arith.constant 2 : i32
      %mul3A_154 = arith.muli %mul3A_153, %add3A_152 : i32
      %add3A_155 = arith.constant 1 : i32
      %add3A_156 = arith.addi %mul3A_154, %add3A_155 : i32
      %dma_wait3A_157 = arith.constant 0 : i32
      %dma_wait3A_158 = tpu.memref_slice %arg3[%dma_wait3A_157, %mul3A_2] : memref<50x4096xi32, #tpu.memory_space<hbm>> -> memref<1x128xi32, #tpu.memory_space<hbm>>
      %dma_wait3A_159 = tpu.memref_squeeze %dma_wait3A_158 : memref<1x128xi32, #tpu.memory_space<hbm>> -> memref<128xi32, #tpu.memory_space<hbm>>
      %dma_wait3A_160 = tpu.memref_slice %arg3[%dma_wait3A_157, %mul3A_2] : memref<50x4096xi32, #tpu.memory_space<hbm>> -> memref<1x128xi32, #tpu.memory_space<hbm>>
      %dma_wait3A_161 = tpu.memref_squeeze %dma_wait3A_160 : memref<1x128xi32, #tpu.memory_space<hbm>> -> memref<128xi32, #tpu.memory_space<hbm>>
      tpu.wait_dma2 semaphore(%arg11 : memref<!tpu.dma_semaphore, #tpu.memory_space<semaphore_mem>>) src(%dma_wait3A_161 : memref<128xi32, #tpu.memory_space<hbm>>) dst(%arg5 : memref<128xi32, #tpu.memory_space<vmem>>)
      %dma_start3A_162 = arith.constant 0 : i32
      %dma_start3A_163 = arith.constant 0 : i32
      %dma_start3A_164 = tpu.memref_slice %arg2[%dma_start3A_162, %dma_start3A_163] : memref<100000x128xf32, #tpu.memory_space<hbm>> -> memref<100000x128xf32, #tpu.memory_space<hbm>>
      tpu.enqueue_indirect_dma source(%dma_start3A_164 : memref<100000x128xf32, #tpu.memory_space<hbm>>) target(%arg7 : memref<128x128xf32, #tpu.memory_space<vmem>>) offsets(%arg5 : memref<128xi32, #tpu.memory_space<vmem>>) semaphore(%arg13 : memref<!tpu.dma_semaphore, #tpu.memory_space<semaphore_mem>>)
      %dma_wait3A_165 = arith.constant 0 : i32
      %dma_wait3A_166 = tpu.memref_slice %arg3[%dma_wait3A_165, %mul3A_2] : memref<50x4096xi32, #tpu.memory_space<hbm>> -> memref<1x128xi32, #tpu.memory_space<hbm>>
      %dma_wait3A_167 = tpu.memref_squeeze %dma_wait3A_166 : memref<1x128xi32, #tpu.memory_space<hbm>> -> memref<128xi32, #tpu.memory_space<hbm>>
      %dma_wait3A_168 = tpu.memref_slice %arg3[%dma_wait3A_165, %mul3A_2] : memref<50x4096xi32, #tpu.memory_space<hbm>> -> memref<1x128xi32, #tpu.memory_space<hbm>>
      %dma_wait3A_169 = tpu.memref_squeeze %dma_wait3A_168 : memref<1x128xi32, #tpu.memory_space<hbm>> -> memref<128xi32, #tpu.memory_space<hbm>>
      tpu.wait_dma2 semaphore(%arg12 : memref<!tpu.dma_semaphore, #tpu.memory_space<semaphore_mem>>) src(%dma_wait3A_169 : memref<128xi32, #tpu.memory_space<hbm>>) dst(%arg6 : memref<128xi32, #tpu.memory_space<vmem>>)
      %dma_start3A_170 = arith.constant 0 : i32
      %dma_start3A_171 = arith.constant 0 : i32
      %dma_start3A_172 = tpu.memref_slice %arg2[%dma_start3A_170, %dma_start3A_171] : memref<100000x128xf32, #tpu.memory_space<hbm>> -> memref<100000x128xf32, #tpu.memory_space<hbm>>
      tpu.enqueue_indirect_dma source(%dma_start3A_172 : memref<100000x128xf32, #tpu.memory_space<hbm>>) target(%arg8 : memref<128x128xf32, #tpu.memory_space<vmem>>) offsets(%arg6 : memref<128xi32, #tpu.memory_space<vmem>>) semaphore(%arg14 : memref<!tpu.dma_semaphore, #tpu.memory_space<semaphore_mem>>)
      %dma_wait3A_173 = arith.constant 0 : i32
      %dma_wait3A_174 = arith.constant 0 : i32
      %dma_wait3A_175 = tpu.memref_slice %arg2[%dma_wait3A_173, %dma_wait3A_174] : memref<100000x128xf32, #tpu.memory_space<hbm>> -> memref<100000x128xf32, #tpu.memory_space<hbm>>
      tpu.wait_indirect_dma semaphore(%arg13 : memref<!tpu.dma_semaphore, #tpu.memory_space<semaphore_mem>>) src(%dma_wait3A_175 : memref<100000x128xf32, #tpu.memory_space<hbm>>) dst(%arg7 : memref<128x128xf32, #tpu.memory_space<vmem>>)
      %gt3A = arith.constant 0 : i32
      %gt3A_176 = arith.cmpi sgt, %add3A_152, %gt3A : i32
      %convert_element_type3A = arith.extui %gt3A_176 : i1 to i32
      %cond3A = arith.constant 0 : i32
      %cond3A_177 = arith.cmpi ne, %convert_element_type3A, %cond3A : i32
      scf.if %cond3A_177 {
        %dma_wait3A_212 = arith.constant 0 : i32
        %dma_wait3A_213 = arith.constant 0 : i32
        %dma_wait3A_214 = tpu.memref_slice %arg4[%dma_wait3A_212, %dma_wait3A_213, %mul3A_2] : memref<50x64x4096xf32, #tpu.memory_space<hbm>> -> memref<1x64x128xf32, #tpu.memory_space<hbm>>
        %dma_wait3A_215 = tpu.memref_squeeze %dma_wait3A_214 : memref<1x64x128xf32, #tpu.memory_space<hbm>> -> memref<64x128xf32, #tpu.memory_space<hbm>>
        %dma_wait3A_216 = arith.constant 0 : i32
        %dma_wait3A_217 = tpu.memref_slice %arg4[%dma_wait3A_212, %dma_wait3A_216, %mul3A_2] : memref<50x64x4096xf32, #tpu.memory_space<hbm>> -> memref<1x64x128xf32, #tpu.memory_space<hbm>>
        %dma_wait3A_218 = tpu.memref_squeeze %dma_wait3A_217 : memref<1x64x128xf32, #tpu.memory_space<hbm>> -> memref<64x128xf32, #tpu.memory_space<hbm>>
        tpu.wait_dma2 semaphore(%arg15 : memref<!tpu.dma_semaphore, #tpu.memory_space<semaphore_mem>>) src(%arg9 : memref<64x128xf32, #tpu.memory_space<vmem>>) dst(%dma_wait3A_218 : memref<64x128xf32, #tpu.memory_space<hbm>>)
      } else {
      }
      %parallel_loop3A = arith.constant 0 : i32
      %parallel_loop3A_178 = arith.constant 4 : i32
      %parallel_loop3A_179 = arith.constant 1 : i32
      scf.for %parallel_loop3A_212 = %parallel_loop3A to %parallel_loop3A_178 step %parallel_loop3A_179  : i32 {
        %parallel_loop3A_213 = arith.constant 16 : i32
        %parallel_loop3A_214 = arith.muli %parallel_loop3A_213, %parallel_loop3A_212 : i32
        %parallel_loop3A_215 = vector.broadcast %parallel_loop3A_214 : i32 to vector<16xi32>
        %parallel_loop3A_216 = arith.addi %parallel_loop3A_215, %and3A_7 : vector<16xi32>
        %parallel_loop3A_217 = tpu.vector_load_idx %arg7[%add3A_100, %parallel_loop3A_216] : memref<128x128xf32, #tpu.memory_space<vmem>>[vector<16xi32>, vector<16xi32>], vector<16xf32>,
        tpu.vector_store_idx %arg9[%parallel_loop3A_216, %add3A_100], %parallel_loop3A_217 : memref<64x128xf32, #tpu.memory_space<vmem>>[vector<16xi32>, vector<16xi32>], vector<16xf32>,
        %parallel_loop3A_218 = tpu.vector_load_idx %arg7[%add3A_103, %parallel_loop3A_216] : memref<128x128xf32, #tpu.memory_space<vmem>>[vector<16xi32>, vector<16xi32>], vector<16xf32>,
        tpu.vector_store_idx %arg9[%parallel_loop3A_216, %add3A_103], %parallel_loop3A_218 : memref<64x128xf32, #tpu.memory_space<vmem>>[vector<16xi32>, vector<16xi32>], vector<16xf32>,
        %parallel_loop3A_219 = tpu.vector_load_idx %arg7[%add3A_106, %parallel_loop3A_216] : memref<128x128xf32, #tpu.memory_space<vmem>>[vector<16xi32>, vector<16xi32>], vector<16xf32>,
        tpu.vector_store_idx %arg9[%parallel_loop3A_216, %add3A_106], %parallel_loop3A_219 : memref<64x128xf32, #tpu.memory_space<vmem>>[vector<16xi32>, vector<16xi32>], vector<16xf32>,
        %parallel_loop3A_220 = tpu.vector_load_idx %arg7[%add3A_109, %parallel_loop3A_216] : memref<128x128xf32, #tpu.memory_space<vmem>>[vector<16xi32>, vector<16xi32>], vector<16xf32>,
        tpu.vector_store_idx %arg9[%parallel_loop3A_216, %add3A_109], %parallel_loop3A_220 : memref<64x128xf32, #tpu.memory_space<vmem>>[vector<16xi32>, vector<16xi32>], vector<16xf32>,
        %parallel_loop3A_221 = tpu.vector_load_idx %arg7[%add3A_112, %parallel_loop3A_216] : memref<128x128xf32, #tpu.memory_space<vmem>>[vector<16xi32>, vector<16xi32>], vector<16xf32>,
        tpu.vector_store_idx %arg9[%parallel_loop3A_216, %add3A_112], %parallel_loop3A_221 : memref<64x128xf32, #tpu.memory_space<vmem>>[vector<16xi32>, vector<16xi32>], vector<16xf32>,
        %parallel_loop3A_222 = tpu.vector_load_idx %arg7[%add3A_115, %parallel_loop3A_216] : memref<128x128xf32, #tpu.memory_space<vmem>>[vector<16xi32>, vector<16xi32>], vector<16xf32>,
        tpu.vector_store_idx %arg9[%parallel_loop3A_216, %add3A_115], %parallel_loop3A_222 : memref<64x128xf32, #tpu.memory_space<vmem>>[vector<16xi32>, vector<16xi32>], vector<16xf32>,
        %parallel_loop3A_223 = tpu.vector_load_idx %arg7[%add3A_118, %parallel_loop3A_216] : memref<128x128xf32, #tpu.memory_space<vmem>>[vector<16xi32>, vector<16xi32>], vector<16xf32>,
        tpu.vector_store_idx %arg9[%parallel_loop3A_216, %add3A_118], %parallel_loop3A_223 : memref<64x128xf32, #tpu.memory_space<vmem>>[vector<16xi32>, vector<16xi32>], vector<16xf32>,
        %parallel_loop3A_224 = tpu.vector_load_idx %arg7[%add3A_121, %parallel_loop3A_216] : memref<128x128xf32, #tpu.memory_space<vmem>>[vector<16xi32>, vector<16xi32>], vector<16xf32>,
        tpu.vector_store_idx %arg9[%parallel_loop3A_216, %add3A_121], %parallel_loop3A_224 : memref<64x128xf32, #tpu.memory_space<vmem>>[vector<16xi32>, vector<16xi32>], vector<16xf32>,
        %parallel_loop3A_225 = vector.broadcast %parallel_loop3A_214 : i32 to vector<16xi32>
        %parallel_loop3A_226 = arith.addi %parallel_loop3A_225, %and3A_13 : vector<16xi32>
        %parallel_loop3A_227 = tpu.vector_load_idx %arg7[%add3A_100, %parallel_loop3A_226] : memref<128x128xf32, #tpu.memory_space<vmem>>[vector<16xi32>, vector<16xi32>], vector<16xf32>,
        tpu.vector_store_idx %arg9[%parallel_loop3A_226, %add3A_100], %parallel_loop3A_227 : memref<64x128xf32, #tpu.memory_space<vmem>>[vector<16xi32>, vector<16xi32>], vector<16xf32>,
        %parallel_loop3A_228 = tpu.vector_load_idx %arg7[%add3A_103, %parallel_loop3A_226] : memref<128x128xf32, #tpu.memory_space<vmem>>[vector<16xi32>, vector<16xi32>], vector<16xf32>,
        tpu.vector_store_idx %arg9[%parallel_loop3A_226, %add3A_103], %parallel_loop3A_228 : memref<64x128xf32, #tpu.memory_space<vmem>>[vector<16xi32>, vector<16xi32>], vector<16xf32>,
        %parallel_loop3A_229 = tpu.vector_load_idx %arg7[%add3A_106, %parallel_loop3A_226] : memref<128x128xf32, #tpu.memory_space<vmem>>[vector<16xi32>, vector<16xi32>], vector<16xf32>,
        tpu.vector_store_idx %arg9[%parallel_loop3A_226, %add3A_106], %parallel_loop3A_229 : memref<64x128xf32, #tpu.memory_space<vmem>>[vector<16xi32>, vector<16xi32>], vector<16xf32>,
        %parallel_loop3A_230 = tpu.vector_load_idx %arg7[%add3A_109, %parallel_loop3A_226] : memref<128x128xf32, #tpu.memory_space<vmem>>[vector<16xi32>, vector<16xi32>], vector<16xf32>,
        tpu.vector_store_idx %arg9[%parallel_loop3A_226, %add3A_109], %parallel_loop3A_230 : memref<64x128xf32, #tpu.memory_space<vmem>>[vector<16xi32>, vector<16xi32>], vector<16xf32>,
        %parallel_loop3A_231 = tpu.vector_load_idx %arg7[%add3A_112, %parallel_loop3A_226] : memref<128x128xf32, #tpu.memory_space<vmem>>[vector<16xi32>, vector<16xi32>], vector<16xf32>,
        tpu.vector_store_idx %arg9[%parallel_loop3A_226, %add3A_112], %parallel_loop3A_231 : memref<64x128xf32, #tpu.memory_space<vmem>>[vector<16xi32>, vector<16xi32>], vector<16xf32>,
        %parallel_loop3A_232 = tpu.vector_load_idx %arg7[%add3A_115, %parallel_loop3A_226] : memref<128x128xf32, #tpu.memory_space<vmem>>[vector<16xi32>, vector<16xi32>], vector<16xf32>,
        tpu.vector_store_idx %arg9[%parallel_loop3A_226, %add3A_115], %parallel_loop3A_232 : memref<64x128xf32, #tpu.memory_space<vmem>>[vector<16xi32>, vector<16xi32>], vector<16xf32>,
        %parallel_loop3A_233 = tpu.vector_load_idx %arg7[%add3A_118, %parallel_loop3A_226] : memref<128x128xf32, #tpu.memory_space<vmem>>[vector<16xi32>, vector<16xi32>], vector<16xf32>,
        tpu.vector_store_idx %arg9[%parallel_loop3A_226, %add3A_118], %parallel_loop3A_233 : memref<64x128xf32, #tpu.memory_space<vmem>>[vector<16xi32>, vector<16xi32>], vector<16xf32>,
        %parallel_loop3A_234 = tpu.vector_load_idx %arg7[%add3A_121, %parallel_loop3A_226] : memref<128x128xf32, #tpu.memory_space<vmem>>[vector<16xi32>, vector<16xi32>], vector<16xf32>,
        tpu.vector_store_idx %arg9[%parallel_loop3A_226, %add3A_121], %parallel_loop3A_234 : memref<64x128xf32, #tpu.memory_space<vmem>>[vector<16xi32>, vector<16xi32>], vector<16xf32>,
        %parallel_loop3A_235 = vector.broadcast %parallel_loop3A_214 : i32 to vector<16xi32>
        %parallel_loop3A_236 = arith.addi %parallel_loop3A_235, %and3A_19 : vector<16xi32>
        %parallel_loop3A_237 = tpu.vector_load_idx %arg7[%add3A_100, %parallel_loop3A_236] : memref<128x128xf32, #tpu.memory_space<vmem>>[vector<16xi32>, vector<16xi32>], vector<16xf32>,
        tpu.vector_store_idx %arg9[%parallel_loop3A_236, %add3A_100], %parallel_loop3A_237 : memref<64x128xf32, #tpu.memory_space<vmem>>[vector<16xi32>, vector<16xi32>], vector<16xf32>,
        %parallel_loop3A_238 = tpu.vector_load_idx %arg7[%add3A_103, %parallel_loop3A_236] : memref<128x128xf32, #tpu.memory_space<vmem>>[vector<16xi32>, vector<16xi32>], vector<16xf32>,
        tpu.vector_store_idx %arg9[%parallel_loop3A_236, %add3A_103], %parallel_loop3A_238 : memref<64x128xf32, #tpu.memory_space<vmem>>[vector<16xi32>, vector<16xi32>], vector<16xf32>,
        %parallel_loop3A_239 = tpu.vector_load_idx %arg7[%add3A_106, %parallel_loop3A_236] : memref<128x128xf32, #tpu.memory_space<vmem>>[vector<16xi32>, vector<16xi32>], vector<16xf32>,
        tpu.vector_store_idx %arg9[%parallel_loop3A_236, %add3A_106], %parallel_loop3A_239 : memref<64x128xf32, #tpu.memory_space<vmem>>[vector<16xi32>, vector<16xi32>], vector<16xf32>,
        %parallel_loop3A_240 = tpu.vector_load_idx %arg7[%add3A_109, %parallel_loop3A_236] : memref<128x128xf32, #tpu.memory_space<vmem>>[vector<16xi32>, vector<16xi32>], vector<16xf32>,
        tpu.vector_store_idx %arg9[%parallel_loop3A_236, %add3A_109], %parallel_loop3A_240 : memref<64x128xf32, #tpu.memory_space<vmem>>[vector<16xi32>, vector<16xi32>], vector<16xf32>,
        %parallel_loop3A_241 = tpu.vector_load_idx %arg7[%add3A_112, %parallel_loop3A_236] : memref<128x128xf32, #tpu.memory_space<vmem>>[vector<16xi32>, vector<16xi32>], vector<16xf32>,
        tpu.vector_store_idx %arg9[%parallel_loop3A_236, %add3A_112], %parallel_loop3A_241 : memref<64x128xf32, #tpu.memory_space<vmem>>[vector<16xi32>, vector<16xi32>], vector<16xf32>,
        %parallel_loop3A_242 = tpu.vector_load_idx %arg7[%add3A_115, %parallel_loop3A_236] : memref<128x128xf32, #tpu.memory_space<vmem>>[vector<16xi32>, vector<16xi32>], vector<16xf32>,
        tpu.vector_store_idx %arg9[%parallel_loop3A_236, %add3A_115], %parallel_loop3A_242 : memref<64x128xf32, #tpu.memory_space<vmem>>[vector<16xi32>, vector<16xi32>], vector<16xf32>,
        %parallel_loop3A_243 = tpu.vector_load_idx %arg7[%add3A_118, %parallel_loop3A_236] : memref<128x128xf32, #tpu.memory_space<vmem>>[vector<16xi32>, vector<16xi32>], vector<16xf32>,
        tpu.vector_store_idx %arg9[%parallel_loop3A_236, %add3A_118], %parallel_loop3A_243 : memref<64x128xf32, #tpu.memory_space<vmem>>[vector<16xi32>, vector<16xi32>], vector<16xf32>,
        %parallel_loop3A_244 = tpu.vector_load_idx %arg7[%add3A_121, %parallel_loop3A_236] : memref<128x128xf32, #tpu.memory_space<vmem>>[vector<16xi32>, vector<16xi32>], vector<16xf32>,
        tpu.vector_store_idx %arg9[%parallel_loop3A_236, %add3A_121], %parallel_loop3A_244 : memref<64x128xf32, #tpu.memory_space<vmem>>[vector<16xi32>, vector<16xi32>], vector<16xf32>,
        %parallel_loop3A_245 = vector.broadcast %parallel_loop3A_214 : i32 to vector<16xi32>
        %parallel_loop3A_246 = arith.addi %parallel_loop3A_245, %and3A_25 : vector<16xi32>
        %parallel_loop3A_247 = tpu.vector_load_idx %arg7[%add3A_100, %parallel_loop3A_246] : memref<128x128xf32, #tpu.memory_space<vmem>>[vector<16xi32>, vector<16xi32>], vector<16xf32>,
        tpu.vector_store_idx %arg9[%parallel_loop3A_246, %add3A_100], %parallel_loop3A_247 : memref<64x128xf32, #tpu.memory_space<vmem>>[vector<16xi32>, vector<16xi32>], vector<16xf32>,
        %parallel_loop3A_248 = tpu.vector_load_idx %arg7[%add3A_103, %parallel_loop3A_246] : memref<128x128xf32, #tpu.memory_space<vmem>>[vector<16xi32>, vector<16xi32>], vector<16xf32>,
        tpu.vector_store_idx %arg9[%parallel_loop3A_246, %add3A_103], %parallel_loop3A_248 : memref<64x128xf32, #tpu.memory_space<vmem>>[vector<16xi32>, vector<16xi32>], vector<16xf32>,
        %parallel_loop3A_249 = tpu.vector_load_idx %arg7[%add3A_106, %parallel_loop3A_246] : memref<128x128xf32, #tpu.memory_space<vmem>>[vector<16xi32>, vector<16xi32>], vector<16xf32>,
        tpu.vector_store_idx %arg9[%parallel_loop3A_246, %add3A_106], %parallel_loop3A_249 : memref<64x128xf32, #tpu.memory_space<vmem>>[vector<16xi32>, vector<16xi32>], vector<16xf32>,
        %parallel_loop3A_250 = tpu.vector_load_idx %arg7[%add3A_109, %parallel_loop3A_246] : memref<128x128xf32, #tpu.memory_space<vmem>>[vector<16xi32>, vector<16xi32>], vector<16xf32>,
        tpu.vector_store_idx %arg9[%parallel_loop3A_246, %add3A_109], %parallel_loop3A_250 : memref<64x128xf32, #tpu.memory_space<vmem>>[vector<16xi32>, vector<16xi32>], vector<16xf32>,
        %parallel_loop3A_251 = tpu.vector_load_idx %arg7[%add3A_112, %parallel_loop3A_246] : memref<128x128xf32, #tpu.memory_space<vmem>>[vector<16xi32>, vector<16xi32>], vector<16xf32>,
        tpu.vector_store_idx %arg9[%parallel_loop3A_246, %add3A_112], %parallel_loop3A_251 : memref<64x128xf32, #tpu.memory_space<vmem>>[vector<16xi32>, vector<16xi32>], vector<16xf32>,
        %parallel_loop3A_252 = tpu.vector_load_idx %arg7[%add3A_115, %parallel_loop3A_246] : memref<128x128xf32, #tpu.memory_space<vmem>>[vector<16xi32>, vector<16xi32>], vector<16xf32>,
        tpu.vector_store_idx %arg9[%parallel_loop3A_246, %add3A_115], %parallel_loop3A_252 : memref<64x128xf32, #tpu.memory_space<vmem>>[vector<16xi32>, vector<16xi32>], vector<16xf32>,
        %parallel_loop3A_253 = tpu.vector_load_idx %arg7[%add3A_118, %parallel_loop3A_246] : memref<128x128xf32, #tpu.memory_space<vmem>>[vector<16xi32>, vector<16xi32>], vector<16xf32>,
        tpu.vector_store_idx %arg9[%parallel_loop3A_246, %add3A_118], %parallel_loop3A_253 : memref<64x128xf32, #tpu.memory_space<vmem>>[vector<16xi32>, vector<16xi32>], vector<16xf32>,
        %parallel_loop3A_254 = tpu.vector_load_idx %arg7[%add3A_121, %parallel_loop3A_246] : memref<128x128xf32, #tpu.memory_space<vmem>>[vector<16xi32>, vector<16xi32>], vector<16xf32>,
        tpu.vector_store_idx %arg9[%parallel_loop3A_246, %add3A_121], %parallel_loop3A_254 : memref<64x128xf32, #tpu.memory_space<vmem>>[vector<16xi32>, vector<16xi32>], vector<16xf32>,
        %parallel_loop3A_255 = vector.broadcast %parallel_loop3A_214 : i32 to vector<16xi32>
        %parallel_loop3A_256 = arith.addi %parallel_loop3A_255, %and3A_31 : vector<16xi32>
        %parallel_loop3A_257 = tpu.vector_load_idx %arg7[%add3A_100, %parallel_loop3A_256] : memref<128x128xf32, #tpu.memory_space<vmem>>[vector<16xi32>, vector<16xi32>], vector<16xf32>,
        tpu.vector_store_idx %arg9[%parallel_loop3A_256, %add3A_100], %parallel_loop3A_257 : memref<64x128xf32, #tpu.memory_space<vmem>>[vector<16xi32>, vector<16xi32>], vector<16xf32>,
        %parallel_loop3A_258 = tpu.vector_load_idx %arg7[%add3A_103, %parallel_loop3A_256] : memref<128x128xf32, #tpu.memory_space<vmem>>[vector<16xi32>, vector<16xi32>], vector<16xf32>,
        tpu.vector_store_idx %arg9[%parallel_loop3A_256, %add3A_103], %parallel_loop3A_258 : memref<64x128xf32, #tpu.memory_space<vmem>>[vector<16xi32>, vector<16xi32>], vector<16xf32>,
        %parallel_loop3A_259 = tpu.vector_load_idx %arg7[%add3A_106, %parallel_loop3A_256] : memref<128x128xf32, #tpu.memory_space<vmem>>[vector<16xi32>, vector<16xi32>], vector<16xf32>,
        tpu.vector_store_idx %arg9[%parallel_loop3A_256, %add3A_106], %parallel_loop3A_259 : memref<64x128xf32, #tpu.memory_space<vmem>>[vector<16xi32>, vector<16xi32>], vector<16xf32>,
        %parallel_loop3A_260 = tpu.vector_load_idx %arg7[%add3A_109, %parallel_loop3A_256] : memref<128x128xf32, #tpu.memory_space<vmem>>[vector<16xi32>, vector<16xi32>], vector<16xf32>,
        tpu.vector_store_idx %arg9[%parallel_loop3A_256, %add3A_109], %parallel_loop3A_260 : memref<64x128xf32, #tpu.memory_space<vmem>>[vector<16xi32>, vector<16xi32>], vector<16xf32>,
        %parallel_loop3A_261 = tpu.vector_load_idx %arg7[%add3A_112, %parallel_loop3A_256] : memref<128x128xf32, #tpu.memory_space<vmem>>[vector<16xi32>, vector<16xi32>], vector<16xf32>,
        tpu.vector_store_idx %arg9[%parallel_loop3A_256, %add3A_112], %parallel_loop3A_261 : memref<64x128xf32, #tpu.memory_space<vmem>>[vector<16xi32>, vector<16xi32>], vector<16xf32>,
        %parallel_loop3A_262 = tpu.vector_load_idx %arg7[%add3A_115, %parallel_loop3A_256] : memref<128x128xf32, #tpu.memory_space<vmem>>[vector<16xi32>, vector<16xi32>], vector<16xf32>,
        tpu.vector_store_idx %arg9[%parallel_loop3A_256, %add3A_115], %parallel_loop3A_262 : memref<64x128xf32, #tpu.memory_space<vmem>>[vector<16xi32>, vector<16xi32>], vector<16xf32>,
        %parallel_loop3A_263 = tpu.vector_load_idx %arg7[%add3A_118, %parallel_loop3A_256] : memref<128x128xf32, #tpu.memory_space<vmem>>[vector<16xi32>, vector<16xi32>], vector<16xf32>,
        tpu.vector_store_idx %arg9[%parallel_loop3A_256, %add3A_118], %parallel_loop3A_263 : memref<64x128xf32, #tpu.memory_space<vmem>>[vector<16xi32>, vector<16xi32>], vector<16xf32>,
        %parallel_loop3A_264 = tpu.vector_load_idx %arg7[%add3A_121, %parallel_loop3A_256] : memref<128x128xf32, #tpu.memory_space<vmem>>[vector<16xi32>, vector<16xi32>], vector<16xf32>,
        tpu.vector_store_idx %arg9[%parallel_loop3A_256, %add3A_121], %parallel_loop3A_264 : memref<64x128xf32, #tpu.memory_space<vmem>>[vector<16xi32>, vector<16xi32>], vector<16xf32>,
        %parallel_loop3A_265 = vector.broadcast %parallel_loop3A_214 : i32 to vector<16xi32>
        %parallel_loop3A_266 = arith.addi %parallel_loop3A_265, %and3A_37 : vector<16xi32>
        %parallel_loop3A_267 = tpu.vector_load_idx %arg7[%add3A_100, %parallel_loop3A_266] : memref<128x128xf32, #tpu.memory_space<vmem>>[vector<16xi32>, vector<16xi32>], vector<16xf32>,
        tpu.vector_store_idx %arg9[%parallel_loop3A_266, %add3A_100], %parallel_loop3A_267 : memref<64x128xf32, #tpu.memory_space<vmem>>[vector<16xi32>, vector<16xi32>], vector<16xf32>,
        %parallel_loop3A_268 = tpu.vector_load_idx %arg7[%add3A_103, %parallel_loop3A_266] : memref<128x128xf32, #tpu.memory_space<vmem>>[vector<16xi32>, vector<16xi32>], vector<16xf32>,
        tpu.vector_store_idx %arg9[%parallel_loop3A_266, %add3A_103], %parallel_loop3A_268 : memref<64x128xf32, #tpu.memory_space<vmem>>[vector<16xi32>, vector<16xi32>], vector<16xf32>,
        %parallel_loop3A_269 = tpu.vector_load_idx %arg7[%add3A_106, %parallel_loop3A_266] : memref<128x128xf32, #tpu.memory_space<vmem>>[vector<16xi32>, vector<16xi32>], vector<16xf32>,
        tpu.vector_store_idx %arg9[%parallel_loop3A_266, %add3A_106], %parallel_loop3A_269 : memref<64x128xf32, #tpu.memory_space<vmem>>[vector<16xi32>, vector<16xi32>], vector<16xf32>,
        %parallel_loop3A_270 = tpu.vector_load_idx %arg7[%add3A_109, %parallel_loop3A_266] : memref<128x128xf32, #tpu.memory_space<vmem>>[vector<16xi32>, vector<16xi32>], vector<16xf32>,
        tpu.vector_store_idx %arg9[%parallel_loop3A_266, %add3A_109], %parallel_loop3A_270 : memref<64x128xf32, #tpu.memory_space<vmem>>[vector<16xi32>, vector<16xi32>], vector<16xf32>,
        %parallel_loop3A_271 = tpu.vector_load_idx %arg7[%add3A_112, %parallel_loop3A_266] : memref<128x128xf32, #tpu.memory_space<vmem>>[vector<16xi32>, vector<16xi32>], vector<16xf32>,
        tpu.vector_store_idx %arg9[%parallel_loop3A_266, %add3A_112], %parallel_loop3A_271 : memref<64x128xf32, #tpu.memory_space<vmem>>[vector<16xi32>, vector<16xi32>], vector<16xf32>,
        %parallel_loop3A_272 = tpu.vector_load_idx %arg7[%add3A_115, %parallel_loop3A_266] : memref<128x128xf32, #tpu.memory_space<vmem>>[vector<16xi32>, vector<16xi32>], vector<16xf32>,
        tpu.vector_store_idx %arg9[%parallel_loop3A_266, %add3A_115], %parallel_loop3A_272 : memref<64x128xf32, #tpu.memory_space<vmem>>[vector<16xi32>, vector<16xi32>], vector<16xf32>,
        %parallel_loop3A_273 = tpu.vector_load_idx %arg7[%add3A_118, %parallel_loop3A_266] : memref<128x128xf32, #tpu.memory_space<vmem>>[vector<16xi32>, vector<16xi32>], vector<16xf32>,
        tpu.vector_store_idx %arg9[%parallel_loop3A_266, %add3A_118], %parallel_loop3A_273 : memref<64x128xf32, #tpu.memory_space<vmem>>[vector<16xi32>, vector<16xi32>], vector<16xf32>,
        %parallel_loop3A_274 = tpu.vector_load_idx %arg7[%add3A_121, %parallel_loop3A_266] : memref<128x128xf32, #tpu.memory_space<vmem>>[vector<16xi32>, vector<16xi32>], vector<16xf32>,
        tpu.vector_store_idx %arg9[%parallel_loop3A_266, %add3A_121], %parallel_loop3A_274 : memref<64x128xf32, #tpu.memory_space<vmem>>[vector<16xi32>, vector<16xi32>], vector<16xf32>,
        %parallel_loop3A_275 = vector.broadcast %parallel_loop3A_214 : i32 to vector<16xi32>
        %parallel_loop3A_276 = arith.addi %parallel_loop3A_275, %and3A_43 : vector<16xi32>
        %parallel_loop3A_277 = tpu.vector_load_idx %arg7[%add3A_100, %parallel_loop3A_276] : memref<128x128xf32, #tpu.memory_space<vmem>>[vector<16xi32>, vector<16xi32>], vector<16xf32>,
        tpu.vector_store_idx %arg9[%parallel_loop3A_276, %add3A_100], %parallel_loop3A_277 : memref<64x128xf32, #tpu.memory_space<vmem>>[vector<16xi32>, vector<16xi32>], vector<16xf32>,
        %parallel_loop3A_278 = tpu.vector_load_idx %arg7[%add3A_103, %parallel_loop3A_276] : memref<128x128xf32, #tpu.memory_space<vmem>>[vector<16xi32>, vector<16xi32>], vector<16xf32>,
        tpu.vector_store_idx %arg9[%parallel_loop3A_276, %add3A_103], %parallel_loop3A_278 : memref<64x128xf32, #tpu.memory_space<vmem>>[vector<16xi32>, vector<16xi32>], vector<16xf32>,
        %parallel_loop3A_279 = tpu.vector_load_idx %arg7[%add3A_106, %parallel_loop3A_276] : memref<128x128xf32, #tpu.memory_space<vmem>>[vector<16xi32>, vector<16xi32>], vector<16xf32>,
        tpu.vector_store_idx %arg9[%parallel_loop3A_276, %add3A_106], %parallel_loop3A_279 : memref<64x128xf32, #tpu.memory_space<vmem>>[vector<16xi32>, vector<16xi32>], vector<16xf32>,
        %parallel_loop3A_280 = tpu.vector_load_idx %arg7[%add3A_109, %parallel_loop3A_276] : memref<128x128xf32, #tpu.memory_space<vmem>>[vector<16xi32>, vector<16xi32>], vector<16xf32>,
        tpu.vector_store_idx %arg9[%parallel_loop3A_276, %add3A_109], %parallel_loop3A_280 : memref<64x128xf32, #tpu.memory_space<vmem>>[vector<16xi32>, vector<16xi32>], vector<16xf32>,
        %parallel_loop3A_281 = tpu.vector_load_idx %arg7[%add3A_112, %parallel_loop3A_276] : memref<128x128xf32, #tpu.memory_space<vmem>>[vector<16xi32>, vector<16xi32>], vector<16xf32>,
        tpu.vector_store_idx %arg9[%parallel_loop3A_276, %add3A_112], %parallel_loop3A_281 : memref<64x128xf32, #tpu.memory_space<vmem>>[vector<16xi32>, vector<16xi32>], vector<16xf32>,
        %parallel_loop3A_282 = tpu.vector_load_idx %arg7[%add3A_115, %parallel_loop3A_276] : memref<128x128xf32, #tpu.memory_space<vmem>>[vector<16xi32>, vector<16xi32>], vector<16xf32>,
        tpu.vector_store_idx %arg9[%parallel_loop3A_276, %add3A_115], %parallel_loop3A_282 : memref<64x128xf32, #tpu.memory_space<vmem>>[vector<16xi32>, vector<16xi32>], vector<16xf32>,
        %parallel_loop3A_283 = tpu.vector_load_idx %arg7[%add3A_118, %parallel_loop3A_276] : memref<128x128xf32, #tpu.memory_space<vmem>>[vector<16xi32>, vector<16xi32>], vector<16xf32>,
        tpu.vector_store_idx %arg9[%parallel_loop3A_276, %add3A_118], %parallel_loop3A_283 : memref<64x128xf32, #tpu.memory_space<vmem>>[vector<16xi32>, vector<16xi32>], vector<16xf32>,
        %parallel_loop3A_284 = tpu.vector_load_idx %arg7[%add3A_121, %parallel_loop3A_276] : memref<128x128xf32, #tpu.memory_space<vmem>>[vector<16xi32>, vector<16xi32>], vector<16xf32>,
        tpu.vector_store_idx %arg9[%parallel_loop3A_276, %add3A_121], %parallel_loop3A_284 : memref<64x128xf32, #tpu.memory_space<vmem>>[vector<16xi32>, vector<16xi32>], vector<16xf32>,
        %parallel_loop3A_285 = vector.broadcast %parallel_loop3A_214 : i32 to vector<16xi32>
        %parallel_loop3A_286 = arith.addi %parallel_loop3A_285, %and3A_49 : vector<16xi32>
        %parallel_loop3A_287 = tpu.vector_load_idx %arg7[%add3A_100, %parallel_loop3A_286] : memref<128x128xf32, #tpu.memory_space<vmem>>[vector<16xi32>, vector<16xi32>], vector<16xf32>,
        tpu.vector_store_idx %arg9[%parallel_loop3A_286, %add3A_100], %parallel_loop3A_287 : memref<64x128xf32, #tpu.memory_space<vmem>>[vector<16xi32>, vector<16xi32>], vector<16xf32>,
        %parallel_loop3A_288 = tpu.vector_load_idx %arg7[%add3A_103, %parallel_loop3A_286] : memref<128x128xf32, #tpu.memory_space<vmem>>[vector<16xi32>, vector<16xi32>], vector<16xf32>,
        tpu.vector_store_idx %arg9[%parallel_loop3A_286, %add3A_103], %parallel_loop3A_288 : memref<64x128xf32, #tpu.memory_space<vmem>>[vector<16xi32>, vector<16xi32>], vector<16xf32>,
        %parallel_loop3A_289 = tpu.vector_load_idx %arg7[%add3A_106, %parallel_loop3A_286] : memref<128x128xf32, #tpu.memory_space<vmem>>[vector<16xi32>, vector<16xi32>], vector<16xf32>,
        tpu.vector_store_idx %arg9[%parallel_loop3A_286, %add3A_106], %parallel_loop3A_289 : memref<64x128xf32, #tpu.memory_space<vmem>>[vector<16xi32>, vector<16xi32>], vector<16xf32>,
        %parallel_loop3A_290 = tpu.vector_load_idx %arg7[%add3A_109, %parallel_loop3A_286] : memref<128x128xf32, #tpu.memory_space<vmem>>[vector<16xi32>, vector<16xi32>], vector<16xf32>,
        tpu.vector_store_idx %arg9[%parallel_loop3A_286, %add3A_109], %parallel_loop3A_290 : memref<64x128xf32, #tpu.memory_space<vmem>>[vector<16xi32>, vector<16xi32>], vector<16xf32>,
        %parallel_loop3A_291 = tpu.vector_load_idx %arg7[%add3A_112, %parallel_loop3A_286] : memref<128x128xf32, #tpu.memory_space<vmem>>[vector<16xi32>, vector<16xi32>], vector<16xf32>,
        tpu.vector_store_idx %arg9[%parallel_loop3A_286, %add3A_112], %parallel_loop3A_291 : memref<64x128xf32, #tpu.memory_space<vmem>>[vector<16xi32>, vector<16xi32>], vector<16xf32>,
        %parallel_loop3A_292 = tpu.vector_load_idx %arg7[%add3A_115, %parallel_loop3A_286] : memref<128x128xf32, #tpu.memory_space<vmem>>[vector<16xi32>, vector<16xi32>], vector<16xf32>,
        tpu.vector_store_idx %arg9[%parallel_loop3A_286, %add3A_115], %parallel_loop3A_292 : memref<64x128xf32, #tpu.memory_space<vmem>>[vector<16xi32>, vector<16xi32>], vector<16xf32>,
        %parallel_loop3A_293 = tpu.vector_load_idx %arg7[%add3A_118, %parallel_loop3A_286] : memref<128x128xf32, #tpu.memory_space<vmem>>[vector<16xi32>, vector<16xi32>], vector<16xf32>,
        tpu.vector_store_idx %arg9[%parallel_loop3A_286, %add3A_118], %parallel_loop3A_293 : memref<64x128xf32, #tpu.memory_space<vmem>>[vector<16xi32>, vector<16xi32>], vector<16xf32>,
        %parallel_loop3A_294 = tpu.vector_load_idx %arg7[%add3A_121, %parallel_loop3A_286] : memref<128x128xf32, #tpu.memory_space<vmem>>[vector<16xi32>, vector<16xi32>], vector<16xf32>,
        tpu.vector_store_idx %arg9[%parallel_loop3A_286, %add3A_121], %parallel_loop3A_294 : memref<64x128xf32, #tpu.memory_space<vmem>>[vector<16xi32>, vector<16xi32>], vector<16xf32>,
        %parallel_loop3A_295 = vector.broadcast %parallel_loop3A_214 : i32 to vector<16xi32>
        %parallel_loop3A_296 = arith.addi %parallel_loop3A_295, %and3A_55 : vector<16xi32>
        %parallel_loop3A_297 = tpu.vector_load_idx %arg7[%add3A_100, %parallel_loop3A_296] : memref<128x128xf32, #tpu.memory_space<vmem>>[vector<16xi32>, vector<16xi32>], vector<16xf32>,
        tpu.vector_store_idx %arg9[%parallel_loop3A_296, %add3A_100], %parallel_loop3A_297 : memref<64x128xf32, #tpu.memory_space<vmem>>[vector<16xi32>, vector<16xi32>], vector<16xf32>,
        %parallel_loop3A_298 = tpu.vector_load_idx %arg7[%add3A_103, %parallel_loop3A_296] : memref<128x128xf32, #tpu.memory_space<vmem>>[vector<16xi32>, vector<16xi32>], vector<16xf32>,
        tpu.vector_store_idx %arg9[%parallel_loop3A_296, %add3A_103], %parallel_loop3A_298 : memref<64x128xf32, #tpu.memory_space<vmem>>[vector<16xi32>, vector<16xi32>], vector<16xf32>,
        %parallel_loop3A_299 = tpu.vector_load_idx %arg7[%add3A_106, %parallel_loop3A_296] : memref<128x128xf32, #tpu.memory_space<vmem>>[vector<16xi32>, vector<16xi32>], vector<16xf32>,
        tpu.vector_store_idx %arg9[%parallel_loop3A_296, %add3A_106], %parallel_loop3A_299 : memref<64x128xf32, #tpu.memory_space<vmem>>[vector<16xi32>, vector<16xi32>], vector<16xf32>,
        %parallel_loop3A_300 = tpu.vector_load_idx %arg7[%add3A_109, %parallel_loop3A_296] : memref<128x128xf32, #tpu.memory_space<vmem>>[vector<16xi32>, vector<16xi32>], vector<16xf32>,
        tpu.vector_store_idx %arg9[%parallel_loop3A_296, %add3A_109], %parallel_loop3A_300 : memref<64x128xf32, #tpu.memory_space<vmem>>[vector<16xi32>, vector<16xi32>], vector<16xf32>,
        %parallel_loop3A_301 = tpu.vector_load_idx %arg7[%add3A_112, %parallel_loop3A_296] : memref<128x128xf32, #tpu.memory_space<vmem>>[vector<16xi32>, vector<16xi32>], vector<16xf32>,
        tpu.vector_store_idx %arg9[%parallel_loop3A_296, %add3A_112], %parallel_loop3A_301 : memref<64x128xf32, #tpu.memory_space<vmem>>[vector<16xi32>, vector<16xi32>], vector<16xf32>,
        %parallel_loop3A_302 = tpu.vector_load_idx %arg7[%add3A_115, %parallel_loop3A_296] : memref<128x128xf32, #tpu.memory_space<vmem>>[vector<16xi32>, vector<16xi32>], vector<16xf32>,
        tpu.vector_store_idx %arg9[%parallel_loop3A_296, %add3A_115], %parallel_loop3A_302 : memref<64x128xf32, #tpu.memory_space<vmem>>[vector<16xi32>, vector<16xi32>], vector<16xf32>,
        %parallel_loop3A_303 = tpu.vector_load_idx %arg7[%add3A_118, %parallel_loop3A_296] : memref<128x128xf32, #tpu.memory_space<vmem>>[vector<16xi32>, vector<16xi32>], vector<16xf32>,
        tpu.vector_store_idx %arg9[%parallel_loop3A_296, %add3A_118], %parallel_loop3A_303 : memref<64x128xf32, #tpu.memory_space<vmem>>[vector<16xi32>, vector<16xi32>], vector<16xf32>,
        %parallel_loop3A_304 = tpu.vector_load_idx %arg7[%add3A_121, %parallel_loop3A_296] : memref<128x128xf32, #tpu.memory_space<vmem>>[vector<16xi32>, vector<16xi32>], vector<16xf32>,
        tpu.vector_store_idx %arg9[%parallel_loop3A_296, %add3A_121], %parallel_loop3A_304 : memref<64x128xf32, #tpu.memory_space<vmem>>[vector<16xi32>, vector<16xi32>], vector<16xf32>,
        %parallel_loop3A_305 = vector.broadcast %parallel_loop3A_214 : i32 to vector<16xi32>
        %parallel_loop3A_306 = arith.addi %parallel_loop3A_305, %and3A_61 : vector<16xi32>
        %parallel_loop3A_307 = tpu.vector_load_idx %arg7[%add3A_100, %parallel_loop3A_306] : memref<128x128xf32, #tpu.memory_space<vmem>>[vector<16xi32>, vector<16xi32>], vector<16xf32>,
        tpu.vector_store_idx %arg9[%parallel_loop3A_306, %add3A_100], %parallel_loop3A_307 : memref<64x128xf32, #tpu.memory_space<vmem>>[vector<16xi32>, vector<16xi32>], vector<16xf32>,
        %parallel_loop3A_308 = tpu.vector_load_idx %arg7[%add3A_103, %parallel_loop3A_306] : memref<128x128xf32, #tpu.memory_space<vmem>>[vector<16xi32>, vector<16xi32>], vector<16xf32>,
        tpu.vector_store_idx %arg9[%parallel_loop3A_306, %add3A_103], %parallel_loop3A_308 : memref<64x128xf32, #tpu.memory_space<vmem>>[vector<16xi32>, vector<16xi32>], vector<16xf32>,
        %parallel_loop3A_309 = tpu.vector_load_idx %arg7[%add3A_106, %parallel_loop3A_306] : memref<128x128xf32, #tpu.memory_space<vmem>>[vector<16xi32>, vector<16xi32>], vector<16xf32>,
        tpu.vector_store_idx %arg9[%parallel_loop3A_306, %add3A_106], %parallel_loop3A_309 : memref<64x128xf32, #tpu.memory_space<vmem>>[vector<16xi32>, vector<16xi32>], vector<16xf32>,
        %parallel_loop3A_310 = tpu.vector_load_idx %arg7[%add3A_109, %parallel_loop3A_306] : memref<128x128xf32, #tpu.memory_space<vmem>>[vector<16xi32>, vector<16xi32>], vector<16xf32>,
        tpu.vector_store_idx %arg9[%parallel_loop3A_306, %add3A_109], %parallel_loop3A_310 : memref<64x128xf32, #tpu.memory_space<vmem>>[vector<16xi32>, vector<16xi32>], vector<16xf32>,
        %parallel_loop3A_311 = tpu.vector_load_idx %arg7[%add3A_112, %parallel_loop3A_306] : memref<128x128xf32, #tpu.memory_space<vmem>>[vector<16xi32>, vector<16xi32>], vector<16xf32>,
        tpu.vector_store_idx %arg9[%parallel_loop3A_306, %add3A_112], %parallel_loop3A_311 : memref<64x128xf32, #tpu.memory_space<vmem>>[vector<16xi32>, vector<16xi32>], vector<16xf32>,
        %parallel_loop3A_312 = tpu.vector_load_idx %arg7[%add3A_115, %parallel_loop3A_306] : memref<128x128xf32, #tpu.memory_space<vmem>>[vector<16xi32>, vector<16xi32>], vector<16xf32>,
        tpu.vector_store_idx %arg9[%parallel_loop3A_306, %add3A_115], %parallel_loop3A_312 : memref<64x128xf32, #tpu.memory_space<vmem>>[vector<16xi32>, vector<16xi32>], vector<16xf32>,
        %parallel_loop3A_313 = tpu.vector_load_idx %arg7[%add3A_118, %parallel_loop3A_306] : memref<128x128xf32, #tpu.memory_space<vmem>>[vector<16xi32>, vector<16xi32>], vector<16xf32>,
        tpu.vector_store_idx %arg9[%parallel_loop3A_306, %add3A_118], %parallel_loop3A_313 : memref<64x128xf32, #tpu.memory_space<vmem>>[vector<16xi32>, vector<16xi32>], vector<16xf32>,
        %parallel_loop3A_314 = tpu.vector_load_idx %arg7[%add3A_121, %parallel_loop3A_306] : memref<128x128xf32, #tpu.memory_space<vmem>>[vector<16xi32>, vector<16xi32>], vector<16xf32>,
        tpu.vector_store_idx %arg9[%parallel_loop3A_306, %add3A_121], %parallel_loop3A_314 : memref<64x128xf32, #tpu.memory_space<vmem>>[vector<16xi32>, vector<16xi32>], vector<16xf32>,
        %parallel_loop3A_315 = vector.broadcast %parallel_loop3A_214 : i32 to vector<16xi32>
        %parallel_loop3A_316 = arith.addi %parallel_loop3A_315, %and3A_67 : vector<16xi32>
        %parallel_loop3A_317 = tpu.vector_load_idx %arg7[%add3A_100, %parallel_loop3A_316] : memref<128x128xf32, #tpu.memory_space<vmem>>[vector<16xi32>, vector<16xi32>], vector<16xf32>,
        tpu.vector_store_idx %arg9[%parallel_loop3A_316, %add3A_100], %parallel_loop3A_317 : memref<64x128xf32, #tpu.memory_space<vmem>>[vector<16xi32>, vector<16xi32>], vector<16xf32>,
        %parallel_loop3A_318 = tpu.vector_load_idx %arg7[%add3A_103, %parallel_loop3A_316] : memref<128x128xf32, #tpu.memory_space<vmem>>[vector<16xi32>, vector<16xi32>], vector<16xf32>,
        tpu.vector_store_idx %arg9[%parallel_loop3A_316, %add3A_103], %parallel_loop3A_318 : memref<64x128xf32, #tpu.memory_space<vmem>>[vector<16xi32>, vector<16xi32>], vector<16xf32>,
        %parallel_loop3A_319 = tpu.vector_load_idx %arg7[%add3A_106, %parallel_loop3A_316] : memref<128x128xf32, #tpu.memory_space<vmem>>[vector<16xi32>, vector<16xi32>], vector<16xf32>,
        tpu.vector_store_idx %arg9[%parallel_loop3A_316, %add3A_106], %parallel_loop3A_319 : memref<64x128xf32, #tpu.memory_space<vmem>>[vector<16xi32>, vector<16xi32>], vector<16xf32>,
        %parallel_loop3A_320 = tpu.vector_load_idx %arg7[%add3A_109, %parallel_loop3A_316] : memref<128x128xf32, #tpu.memory_space<vmem>>[vector<16xi32>, vector<16xi32>], vector<16xf32>,
        tpu.vector_store_idx %arg9[%parallel_loop3A_316, %add3A_109], %parallel_loop3A_320 : memref<64x128xf32, #tpu.memory_space<vmem>>[vector<16xi32>, vector<16xi32>], vector<16xf32>,
        %parallel_loop3A_321 = tpu.vector_load_idx %arg7[%add3A_112, %parallel_loop3A_316] : memref<128x128xf32, #tpu.memory_space<vmem>>[vector<16xi32>, vector<16xi32>], vector<16xf32>,
        tpu.vector_store_idx %arg9[%parallel_loop3A_316, %add3A_112], %parallel_loop3A_321 : memref<64x128xf32, #tpu.memory_space<vmem>>[vector<16xi32>, vector<16xi32>], vector<16xf32>,
        %parallel_loop3A_322 = tpu.vector_load_idx %arg7[%add3A_115, %parallel_loop3A_316] : memref<128x128xf32, #tpu.memory_space<vmem>>[vector<16xi32>, vector<16xi32>], vector<16xf32>,
        tpu.vector_store_idx %arg9[%parallel_loop3A_316, %add3A_115], %parallel_loop3A_322 : memref<64x128xf32, #tpu.memory_space<vmem>>[vector<16xi32>, vector<16xi32>], vector<16xf32>,
        %parallel_loop3A_323 = tpu.vector_load_idx %arg7[%add3A_118, %parallel_loop3A_316] : memref<128x128xf32, #tpu.memory_space<vmem>>[vector<16xi32>, vector<16xi32>], vector<16xf32>,
        tpu.vector_store_idx %arg9[%parallel_loop3A_316, %add3A_118], %parallel_loop3A_323 : memref<64x128xf32, #tpu.memory_space<vmem>>[vector<16xi32>, vector<16xi32>], vector<16xf32>,
        %parallel_loop3A_324 = tpu.vector_load_idx %arg7[%add3A_121, %parallel_loop3A_316] : memref<128x128xf32, #tpu.memory_space<vmem>>[vector<16xi32>, vector<16xi32>], vector<16xf32>,
        tpu.vector_store_idx %arg9[%parallel_loop3A_316, %add3A_121], %parallel_loop3A_324 : memref<64x128xf32, #tpu.memory_space<vmem>>[vector<16xi32>, vector<16xi32>], vector<16xf32>,
        %parallel_loop3A_325 = vector.broadcast %parallel_loop3A_214 : i32 to vector<16xi32>
        %parallel_loop3A_326 = arith.addi %parallel_loop3A_325, %and3A_73 : vector<16xi32>
        %parallel_loop3A_327 = tpu.vector_load_idx %arg7[%add3A_100, %parallel_loop3A_326] : memref<128x128xf32, #tpu.memory_space<vmem>>[vector<16xi32>, vector<16xi32>], vector<16xf32>,
        tpu.vector_store_idx %arg9[%parallel_loop3A_326, %add3A_100], %parallel_loop3A_327 : memref<64x128xf32, #tpu.memory_space<vmem>>[vector<16xi32>, vector<16xi32>], vector<16xf32>,
        %parallel_loop3A_328 = tpu.vector_load_idx %arg7[%add3A_103, %parallel_loop3A_326] : memref<128x128xf32, #tpu.memory_space<vmem>>[vector<16xi32>, vector<16xi32>], vector<16xf32>,
        tpu.vector_store_idx %arg9[%parallel_loop3A_326, %add3A_103], %parallel_loop3A_328 : memref<64x128xf32, #tpu.memory_space<vmem>>[vector<16xi32>, vector<16xi32>], vector<16xf32>,
        %parallel_loop3A_329 = tpu.vector_load_idx %arg7[%add3A_106, %parallel_loop3A_326] : memref<128x128xf32, #tpu.memory_space<vmem>>[vector<16xi32>, vector<16xi32>], vector<16xf32>,
        tpu.vector_store_idx %arg9[%parallel_loop3A_326, %add3A_106], %parallel_loop3A_329 : memref<64x128xf32, #tpu.memory_space<vmem>>[vector<16xi32>, vector<16xi32>], vector<16xf32>,
        %parallel_loop3A_330 = tpu.vector_load_idx %arg7[%add3A_109, %parallel_loop3A_326] : memref<128x128xf32, #tpu.memory_space<vmem>>[vector<16xi32>, vector<16xi32>], vector<16xf32>,
        tpu.vector_store_idx %arg9[%parallel_loop3A_326, %add3A_109], %parallel_loop3A_330 : memref<64x128xf32, #tpu.memory_space<vmem>>[vector<16xi32>, vector<16xi32>], vector<16xf32>,
        %parallel_loop3A_331 = tpu.vector_load_idx %arg7[%add3A_112, %parallel_loop3A_326] : memref<128x128xf32, #tpu.memory_space<vmem>>[vector<16xi32>, vector<16xi32>], vector<16xf32>,
        tpu.vector_store_idx %arg9[%parallel_loop3A_326, %add3A_112], %parallel_loop3A_331 : memref<64x128xf32, #tpu.memory_space<vmem>>[vector<16xi32>, vector<16xi32>], vector<16xf32>,
        %parallel_loop3A_332 = tpu.vector_load_idx %arg7[%add3A_115, %parallel_loop3A_326] : memref<128x128xf32, #tpu.memory_space<vmem>>[vector<16xi32>, vector<16xi32>], vector<16xf32>,
        tpu.vector_store_idx %arg9[%parallel_loop3A_326, %add3A_115], %parallel_loop3A_332 : memref<64x128xf32, #tpu.memory_space<vmem>>[vector<16xi32>, vector<16xi32>], vector<16xf32>,
        %parallel_loop3A_333 = tpu.vector_load_idx %arg7[%add3A_118, %parallel_loop3A_326] : memref<128x128xf32, #tpu.memory_space<vmem>>[vector<16xi32>, vector<16xi32>], vector<16xf32>,
        tpu.vector_store_idx %arg9[%parallel_loop3A_326, %add3A_118], %parallel_loop3A_333 : memref<64x128xf32, #tpu.memory_space<vmem>>[vector<16xi32>, vector<16xi32>], vector<16xf32>,
        %parallel_loop3A_334 = tpu.vector_load_idx %arg7[%add3A_121, %parallel_loop3A_326] : memref<128x128xf32, #tpu.memory_space<vmem>>[vector<16xi32>, vector<16xi32>], vector<16xf32>,
        tpu.vector_store_idx %arg9[%parallel_loop3A_326, %add3A_121], %parallel_loop3A_334 : memref<64x128xf32, #tpu.memory_space<vmem>>[vector<16xi32>, vector<16xi32>], vector<16xf32>,
        %parallel_loop3A_335 = vector.broadcast %parallel_loop3A_214 : i32 to vector<16xi32>
        %parallel_loop3A_336 = arith.addi %parallel_loop3A_335, %and3A_79 : vector<16xi32>
        %parallel_loop3A_337 = tpu.vector_load_idx %arg7[%add3A_100, %parallel_loop3A_336] : memref<128x128xf32, #tpu.memory_space<vmem>>[vector<16xi32>, vector<16xi32>], vector<16xf32>,
        tpu.vector_store_idx %arg9[%parallel_loop3A_336, %add3A_100], %parallel_loop3A_337 : memref<64x128xf32, #tpu.memory_space<vmem>>[vector<16xi32>, vector<16xi32>], vector<16xf32>,
        %parallel_loop3A_338 = tpu.vector_load_idx %arg7[%add3A_103, %parallel_loop3A_336] : memref<128x128xf32, #tpu.memory_space<vmem>>[vector<16xi32>, vector<16xi32>], vector<16xf32>,
        tpu.vector_store_idx %arg9[%parallel_loop3A_336, %add3A_103], %parallel_loop3A_338 : memref<64x128xf32, #tpu.memory_space<vmem>>[vector<16xi32>, vector<16xi32>], vector<16xf32>,
        %parallel_loop3A_339 = tpu.vector_load_idx %arg7[%add3A_106, %parallel_loop3A_336] : memref<128x128xf32, #tpu.memory_space<vmem>>[vector<16xi32>, vector<16xi32>], vector<16xf32>,
        tpu.vector_store_idx %arg9[%parallel_loop3A_336, %add3A_106], %parallel_loop3A_339 : memref<64x128xf32, #tpu.memory_space<vmem>>[vector<16xi32>, vector<16xi32>], vector<16xf32>,
        %parallel_loop3A_340 = tpu.vector_load_idx %arg7[%add3A_109, %parallel_loop3A_336] : memref<128x128xf32, #tpu.memory_space<vmem>>[vector<16xi32>, vector<16xi32>], vector<16xf32>,
        tpu.vector_store_idx %arg9[%parallel_loop3A_336, %add3A_109], %parallel_loop3A_340 : memref<64x128xf32, #tpu.memory_space<vmem>>[vector<16xi32>, vector<16xi32>], vector<16xf32>,
        %parallel_loop3A_341 = tpu.vector_load_idx %arg7[%add3A_112, %parallel_loop3A_336] : memref<128x128xf32, #tpu.memory_space<vmem>>[vector<16xi32>, vector<16xi32>], vector<16xf32>,
        tpu.vector_store_idx %arg9[%parallel_loop3A_336, %add3A_112], %parallel_loop3A_341 : memref<64x128xf32, #tpu.memory_space<vmem>>[vector<16xi32>, vector<16xi32>], vector<16xf32>,
        %parallel_loop3A_342 = tpu.vector_load_idx %arg7[%add3A_115, %parallel_loop3A_336] : memref<128x128xf32, #tpu.memory_space<vmem>>[vector<16xi32>, vector<16xi32>], vector<16xf32>,
        tpu.vector_store_idx %arg9[%parallel_loop3A_336, %add3A_115], %parallel_loop3A_342 : memref<64x128xf32, #tpu.memory_space<vmem>>[vector<16xi32>, vector<16xi32>], vector<16xf32>,
        %parallel_loop3A_343 = tpu.vector_load_idx %arg7[%add3A_118, %parallel_loop3A_336] : memref<128x128xf32, #tpu.memory_space<vmem>>[vector<16xi32>, vector<16xi32>], vector<16xf32>,
        tpu.vector_store_idx %arg9[%parallel_loop3A_336, %add3A_118], %parallel_loop3A_343 : memref<64x128xf32, #tpu.memory_space<vmem>>[vector<16xi32>, vector<16xi32>], vector<16xf32>,
        %parallel_loop3A_344 = tpu.vector_load_idx %arg7[%add3A_121, %parallel_loop3A_336] : memref<128x128xf32, #tpu.memory_space<vmem>>[vector<16xi32>, vector<16xi32>], vector<16xf32>,
        tpu.vector_store_idx %arg9[%parallel_loop3A_336, %add3A_121], %parallel_loop3A_344 : memref<64x128xf32, #tpu.memory_space<vmem>>[vector<16xi32>, vector<16xi32>], vector<16xf32>,
        %parallel_loop3A_345 = vector.broadcast %parallel_loop3A_214 : i32 to vector<16xi32>
        %parallel_loop3A_346 = arith.addi %parallel_loop3A_345, %and3A_85 : vector<16xi32>
        %parallel_loop3A_347 = tpu.vector_load_idx %arg7[%add3A_100, %parallel_loop3A_346] : memref<128x128xf32, #tpu.memory_space<vmem>>[vector<16xi32>, vector<16xi32>], vector<16xf32>,
        tpu.vector_store_idx %arg9[%parallel_loop3A_346, %add3A_100], %parallel_loop3A_347 : memref<64x128xf32, #tpu.memory_space<vmem>>[vector<16xi32>, vector<16xi32>], vector<16xf32>,
        %parallel_loop3A_348 = tpu.vector_load_idx %arg7[%add3A_103, %parallel_loop3A_346] : memref<128x128xf32, #tpu.memory_space<vmem>>[vector<16xi32>, vector<16xi32>], vector<16xf32>,
        tpu.vector_store_idx %arg9[%parallel_loop3A_346, %add3A_103], %parallel_loop3A_348 : memref<64x128xf32, #tpu.memory_space<vmem>>[vector<16xi32>, vector<16xi32>], vector<16xf32>,
        %parallel_loop3A_349 = tpu.vector_load_idx %arg7[%add3A_106, %parallel_loop3A_346] : memref<128x128xf32, #tpu.memory_space<vmem>>[vector<16xi32>, vector<16xi32>], vector<16xf32>,
        tpu.vector_store_idx %arg9[%parallel_loop3A_346, %add3A_106], %parallel_loop3A_349 : memref<64x128xf32, #tpu.memory_space<vmem>>[vector<16xi32>, vector<16xi32>], vector<16xf32>,
        %parallel_loop3A_350 = tpu.vector_load_idx %arg7[%add3A_109, %parallel_loop3A_346] : memref<128x128xf32, #tpu.memory_space<vmem>>[vector<16xi32>, vector<16xi32>], vector<16xf32>,
        tpu.vector_store_idx %arg9[%parallel_loop3A_346, %add3A_109], %parallel_loop3A_350 : memref<64x128xf32, #tpu.memory_space<vmem>>[vector<16xi32>, vector<16xi32>], vector<16xf32>,
        %parallel_loop3A_351 = tpu.vector_load_idx %arg7[%add3A_112, %parallel_loop3A_346] : memref<128x128xf32, #tpu.memory_space<vmem>>[vector<16xi32>, vector<16xi32>], vector<16xf32>,
        tpu.vector_store_idx %arg9[%parallel_loop3A_346, %add3A_112], %parallel_loop3A_351 : memref<64x128xf32, #tpu.memory_space<vmem>>[vector<16xi32>, vector<16xi32>], vector<16xf32>,
        %parallel_loop3A_352 = tpu.vector_load_idx %arg7[%add3A_115, %parallel_loop3A_346] : memref<128x128xf32, #tpu.memory_space<vmem>>[vector<16xi32>, vector<16xi32>], vector<16xf32>,
        tpu.vector_store_idx %arg9[%parallel_loop3A_346, %add3A_115], %parallel_loop3A_352 : memref<64x128xf32, #tpu.memory_space<vmem>>[vector<16xi32>, vector<16xi32>], vector<16xf32>,
        %parallel_loop3A_353 = tpu.vector_load_idx %arg7[%add3A_118, %parallel_loop3A_346] : memref<128x128xf32, #tpu.memory_space<vmem>>[vector<16xi32>, vector<16xi32>], vector<16xf32>,
        tpu.vector_store_idx %arg9[%parallel_loop3A_346, %add3A_118], %parallel_loop3A_353 : memref<64x128xf32, #tpu.memory_space<vmem>>[vector<16xi32>, vector<16xi32>], vector<16xf32>,
        %parallel_loop3A_354 = tpu.vector_load_idx %arg7[%add3A_121, %parallel_loop3A_346] : memref<128x128xf32, #tpu.memory_space<vmem>>[vector<16xi32>, vector<16xi32>], vector<16xf32>,
        tpu.vector_store_idx %arg9[%parallel_loop3A_346, %add3A_121], %parallel_loop3A_354 : memref<64x128xf32, #tpu.memory_space<vmem>>[vector<16xi32>, vector<16xi32>], vector<16xf32>,
        %parallel_loop3A_355 = vector.broadcast %parallel_loop3A_214 : i32 to vector<16xi32>
        %parallel_loop3A_356 = arith.addi %parallel_loop3A_355, %and3A_91 : vector<16xi32>
        %parallel_loop3A_357 = tpu.vector_load_idx %arg7[%add3A_100, %parallel_loop3A_356] : memref<128x128xf32, #tpu.memory_space<vmem>>[vector<16xi32>, vector<16xi32>], vector<16xf32>,
        tpu.vector_store_idx %arg9[%parallel_loop3A_356, %add3A_100], %parallel_loop3A_357 : memref<64x128xf32, #tpu.memory_space<vmem>>[vector<16xi32>, vector<16xi32>], vector<16xf32>,
        %parallel_loop3A_358 = tpu.vector_load_idx %arg7[%add3A_103, %parallel_loop3A_356] : memref<128x128xf32, #tpu.memory_space<vmem>>[vector<16xi32>, vector<16xi32>], vector<16xf32>,
        tpu.vector_store_idx %arg9[%parallel_loop3A_356, %add3A_103], %parallel_loop3A_358 : memref<64x128xf32, #tpu.memory_space<vmem>>[vector<16xi32>, vector<16xi32>], vector<16xf32>,
        %parallel_loop3A_359 = tpu.vector_load_idx %arg7[%add3A_106, %parallel_loop3A_356] : memref<128x128xf32, #tpu.memory_space<vmem>>[vector<16xi32>, vector<16xi32>], vector<16xf32>,
        tpu.vector_store_idx %arg9[%parallel_loop3A_356, %add3A_106], %parallel_loop3A_359 : memref<64x128xf32, #tpu.memory_space<vmem>>[vector<16xi32>, vector<16xi32>], vector<16xf32>,
        %parallel_loop3A_360 = tpu.vector_load_idx %arg7[%add3A_109, %parallel_loop3A_356] : memref<128x128xf32, #tpu.memory_space<vmem>>[vector<16xi32>, vector<16xi32>], vector<16xf32>,
        tpu.vector_store_idx %arg9[%parallel_loop3A_356, %add3A_109], %parallel_loop3A_360 : memref<64x128xf32, #tpu.memory_space<vmem>>[vector<16xi32>, vector<16xi32>], vector<16xf32>,
        %parallel_loop3A_361 = tpu.vector_load_idx %arg7[%add3A_112, %parallel_loop3A_356] : memref<128x128xf32, #tpu.memory_space<vmem>>[vector<16xi32>, vector<16xi32>], vector<16xf32>,
        tpu.vector_store_idx %arg9[%parallel_loop3A_356, %add3A_112], %parallel_loop3A_361 : memref<64x128xf32, #tpu.memory_space<vmem>>[vector<16xi32>, vector<16xi32>], vector<16xf32>,
        %parallel_loop3A_362 = tpu.vector_load_idx %arg7[%add3A_115, %parallel_loop3A_356] : memref<128x128xf32, #tpu.memory_space<vmem>>[vector<16xi32>, vector<16xi32>], vector<16xf32>,
        tpu.vector_store_idx %arg9[%parallel_loop3A_356, %add3A_115], %parallel_loop3A_362 : memref<64x128xf32, #tpu.memory_space<vmem>>[vector<16xi32>, vector<16xi32>], vector<16xf32>,
        %parallel_loop3A_363 = tpu.vector_load_idx %arg7[%add3A_118, %parallel_loop3A_356] : memref<128x128xf32, #tpu.memory_space<vmem>>[vector<16xi32>, vector<16xi32>], vector<16xf32>,
        tpu.vector_store_idx %arg9[%parallel_loop3A_356, %add3A_118], %parallel_loop3A_363 : memref<64x128xf32, #tpu.memory_space<vmem>>[vector<16xi32>, vector<16xi32>], vector<16xf32>,
        %parallel_loop3A_364 = tpu.vector_load_idx %arg7[%add3A_121, %parallel_loop3A_356] : memref<128x128xf32, #tpu.memory_space<vmem>>[vector<16xi32>, vector<16xi32>], vector<16xf32>,
        tpu.vector_store_idx %arg9[%parallel_loop3A_356, %add3A_121], %parallel_loop3A_364 : memref<64x128xf32, #tpu.memory_space<vmem>>[vector<16xi32>, vector<16xi32>], vector<16xf32>,
        %parallel_loop3A_365 = vector.broadcast %parallel_loop3A_214 : i32 to vector<16xi32>
        %parallel_loop3A_366 = arith.addi %parallel_loop3A_365, %and3A_97 : vector<16xi32>
        %parallel_loop3A_367 = tpu.vector_load_idx %arg7[%add3A_100, %parallel_loop3A_366] : memref<128x128xf32, #tpu.memory_space<vmem>>[vector<16xi32>, vector<16xi32>], vector<16xf32>,
        tpu.vector_store_idx %arg9[%parallel_loop3A_366, %add3A_100], %parallel_loop3A_367 : memref<64x128xf32, #tpu.memory_space<vmem>>[vector<16xi32>, vector<16xi32>], vector<16xf32>,
        %parallel_loop3A_368 = tpu.vector_load_idx %arg7[%add3A_103, %parallel_loop3A_366] : memref<128x128xf32, #tpu.memory_space<vmem>>[vector<16xi32>, vector<16xi32>], vector<16xf32>,
        tpu.vector_store_idx %arg9[%parallel_loop3A_366, %add3A_103], %parallel_loop3A_368 : memref<64x128xf32, #tpu.memory_space<vmem>>[vector<16xi32>, vector<16xi32>], vector<16xf32>,
        %parallel_loop3A_369 = tpu.vector_load_idx %arg7[%add3A_106, %parallel_loop3A_366] : memref<128x128xf32, #tpu.memory_space<vmem>>[vector<16xi32>, vector<16xi32>], vector<16xf32>,
        tpu.vector_store_idx %arg9[%parallel_loop3A_366, %add3A_106], %parallel_loop3A_369 : memref<64x128xf32, #tpu.memory_space<vmem>>[vector<16xi32>, vector<16xi32>], vector<16xf32>,
        %parallel_loop3A_370 = tpu.vector_load_idx %arg7[%add3A_109, %parallel_loop3A_366] : memref<128x128xf32, #tpu.memory_space<vmem>>[vector<16xi32>, vector<16xi32>], vector<16xf32>,
        tpu.vector_store_idx %arg9[%parallel_loop3A_366, %add3A_109], %parallel_loop3A_370 : memref<64x128xf32, #tpu.memory_space<vmem>>[vector<16xi32>, vector<16xi32>], vector<16xf32>,
        %parallel_loop3A_371 = tpu.vector_load_idx %arg7[%add3A_112, %parallel_loop3A_366] : memref<128x128xf32, #tpu.memory_space<vmem>>[vector<16xi32>, vector<16xi32>], vector<16xf32>,
        tpu.vector_store_idx %arg9[%parallel_loop3A_366, %add3A_112], %parallel_loop3A_371 : memref<64x128xf32, #tpu.memory_space<vmem>>[vector<16xi32>, vector<16xi32>], vector<16xf32>,
        %parallel_loop3A_372 = tpu.vector_load_idx %arg7[%add3A_115, %parallel_loop3A_366] : memref<128x128xf32, #tpu.memory_space<vmem>>[vector<16xi32>, vector<16xi32>], vector<16xf32>,
        tpu.vector_store_idx %arg9[%parallel_loop3A_366, %add3A_115], %parallel_loop3A_372 : memref<64x128xf32, #tpu.memory_space<vmem>>[vector<16xi32>, vector<16xi32>], vector<16xf32>,
        %parallel_loop3A_373 = tpu.vector_load_idx %arg7[%add3A_118, %parallel_loop3A_366] : memref<128x128xf32, #tpu.memory_space<vmem>>[vector<16xi32>, vector<16xi32>], vector<16xf32>,
        tpu.vector_store_idx %arg9[%parallel_loop3A_366, %add3A_118], %parallel_loop3A_373 : memref<64x128xf32, #tpu.memory_space<vmem>>[vector<16xi32>, vector<16xi32>], vector<16xf32>,
        %parallel_loop3A_374 = tpu.vector_load_idx %arg7[%add3A_121, %parallel_loop3A_366] : memref<128x128xf32, #tpu.memory_space<vmem>>[vector<16xi32>, vector<16xi32>], vector<16xf32>,
        tpu.vector_store_idx %arg9[%parallel_loop3A_366, %add3A_121], %parallel_loop3A_374 : memref<64x128xf32, #tpu.memory_space<vmem>>[vector<16xi32>, vector<16xi32>], vector<16xf32>,
      } {sc.loop_unroll_factor = 2 : i64, sc.parallel_access}
      %dma_start3A_180 = arith.constant 0 : i32
      %dma_start3A_181 = tpu.memref_slice %arg4[%mul3A_154, %dma_start3A_180, %mul3A_2] : memref<50x64x4096xf32, #tpu.memory_space<hbm>> -> memref<1x64x128xf32, #tpu.memory_space<hbm>>
      %dma_start3A_182 = tpu.memref_squeeze %dma_start3A_181 : memref<1x64x128xf32, #tpu.memory_space<hbm>> -> memref<64x128xf32, #tpu.memory_space<hbm>>
      %dma_start3A_183 = arith.constant 0 : i32
      %dma_start3A_184 = tpu.memref_slice %arg4[%mul3A_154, %dma_start3A_183, %mul3A_2] : memref<50x64x4096xf32, #tpu.memory_space<hbm>> -> memref<1x64x128xf32, #tpu.memory_space<hbm>>
      %dma_start3A_185 = tpu.memref_squeeze %dma_start3A_184 : memref<1x64x128xf32, #tpu.memory_space<hbm>> -> memref<64x128xf32, #tpu.memory_space<hbm>>
      tpu.enqueue_dma source(%arg9 : memref<64x128xf32, #tpu.memory_space<vmem>>) target(%dma_start3A_185 : memref<64x128xf32, #tpu.memory_space<hbm>>) target_semaphore(%arg15 : memref<!tpu.dma_semaphore, #tpu.memory_space<semaphore_mem>>)
      %lt3A = arith.constant 24 : i32
      %lt3A_186 = arith.cmpi slt, %add3A_152, %lt3A : i32
      %convert_element_type3A_187 = arith.extui %lt3A_186 : i1 to i32
      %cond3A_188 = arith.constant 0 : i32
      %cond3A_189 = arith.cmpi ne, %convert_element_type3A_187, %cond3A_188 : i32
      scf.if %cond3A_189 {
        %add3A_212 = arith.constant 2 : i32
        %add3A_213 = arith.addi %mul3A_154, %add3A_212 : i32
        %dma_start3A_214 = tpu.memref_slice %arg3[%add3A_213, %mul3A_2] : memref<50x4096xi32, #tpu.memory_space<hbm>> -> memref<1x128xi32, #tpu.memory_space<hbm>>
        %dma_start3A_215 = tpu.memref_squeeze %dma_start3A_214 : memref<1x128xi32, #tpu.memory_space<hbm>> -> memref<128xi32, #tpu.memory_space<hbm>>
        %dma_start3A_216 = tpu.memref_slice %arg3[%add3A_213, %mul3A_2] : memref<50x4096xi32, #tpu.memory_space<hbm>> -> memref<1x128xi32, #tpu.memory_space<hbm>>
        %dma_start3A_217 = tpu.memref_squeeze %dma_start3A_216 : memref<1x128xi32, #tpu.memory_space<hbm>> -> memref<128xi32, #tpu.memory_space<hbm>>
        tpu.enqueue_dma source(%dma_start3A_217 : memref<128xi32, #tpu.memory_space<hbm>>) target(%arg5 : memref<128xi32, #tpu.memory_space<vmem>>) target_semaphore(%arg11 : memref<!tpu.dma_semaphore, #tpu.memory_space<semaphore_mem>>)
      } else {
      }
      %dma_wait3A_190 = arith.constant 0 : i32
      %dma_wait3A_191 = arith.constant 0 : i32
      %dma_wait3A_192 = tpu.memref_slice %arg2[%dma_wait3A_190, %dma_wait3A_191] : memref<100000x128xf32, #tpu.memory_space<hbm>> -> memref<100000x128xf32, #tpu.memory_space<hbm>>
      tpu.wait_indirect_dma semaphore(%arg14 : memref<!tpu.dma_semaphore, #tpu.memory_space<semaphore_mem>>) src(%dma_wait3A_192 : memref<100000x128xf32, #tpu.memory_space<hbm>>) dst(%arg8 : memref<128x128xf32, #tpu.memory_space<vmem>>)
      %gt3A_193 = arith.constant 0 : i32
      %gt3A_194 = arith.cmpi sgt, %add3A_152, %gt3A_193 : i32
      %convert_element_type3A_195 = arith.extui %gt3A_194 : i1 to i32
      %cond3A_196 = arith.constant 0 : i32
      %cond3A_197 = arith.cmpi ne, %convert_element_type3A_195, %cond3A_196 : i32
      scf.if %cond3A_197 {
        %dma_wait3A_212 = arith.constant 0 : i32
        %dma_wait3A_213 = arith.constant 0 : i32
        %dma_wait3A_214 = tpu.memref_slice %arg4[%dma_wait3A_212, %dma_wait3A_213, %mul3A_2] : memref<50x64x4096xf32, #tpu.memory_space<hbm>> -> memref<1x64x128xf32, #tpu.memory_space<hbm>>
        %dma_wait3A_215 = tpu.memref_squeeze %dma_wait3A_214 : memref<1x64x128xf32, #tpu.memory_space<hbm>> -> memref<64x128xf32, #tpu.memory_space<hbm>>
        %dma_wait3A_216 = arith.constant 0 : i32
        %dma_wait3A_217 = tpu.memref_slice %arg4[%dma_wait3A_212, %dma_wait3A_216, %mul3A_2] : memref<50x64x4096xf32, #tpu.memory_space<hbm>> -> memref<1x64x128xf32, #tpu.memory_space<hbm>>
        %dma_wait3A_218 = tpu.memref_squeeze %dma_wait3A_217 : memref<1x64x128xf32, #tpu.memory_space<hbm>> -> memref<64x128xf32, #tpu.memory_space<hbm>>
        tpu.wait_dma2 semaphore(%arg16 : memref<!tpu.dma_semaphore, #tpu.memory_space<semaphore_mem>>) src(%arg10 : memref<64x128xf32, #tpu.memory_space<vmem>>) dst(%dma_wait3A_218 : memref<64x128xf32, #tpu.memory_space<hbm>>)
      } else {
      }
      %parallel_loop3A_198 = arith.constant 0 : i32
      %parallel_loop3A_199 = arith.constant 4 : i32
      %parallel_loop3A_200 = arith.constant 1 : i32
      scf.for %parallel_loop3A_212 = %parallel_loop3A_198 to %parallel_loop3A_199 step %parallel_loop3A_200  : i32 {
        %parallel_loop3A_213 = arith.constant 16 : i32
        %parallel_loop3A_214 = arith.muli %parallel_loop3A_213, %parallel_loop3A_212 : i32
        %parallel_loop3A_215 = vector.broadcast %parallel_loop3A_214 : i32 to vector<16xi32>
        %parallel_loop3A_216 = arith.addi %parallel_loop3A_215, %and3A_7 : vector<16xi32>
        %parallel_loop3A_217 = tpu.vector_load_idx %arg8[%add3A_100, %parallel_loop3A_216] : memref<128x128xf32, #tpu.memory_space<vmem>>[vector<16xi32>, vector<16xi32>], vector<16xf32>,
        tpu.vector_store_idx %arg10[%parallel_loop3A_216, %add3A_100], %parallel_loop3A_217 : memref<64x128xf32, #tpu.memory_space<vmem>>[vector<16xi32>, vector<16xi32>], vector<16xf32>,
        %parallel_loop3A_218 = tpu.vector_load_idx %arg8[%add3A_103, %parallel_loop3A_216] : memref<128x128xf32, #tpu.memory_space<vmem>>[vector<16xi32>, vector<16xi32>], vector<16xf32>,
        tpu.vector_store_idx %arg10[%parallel_loop3A_216, %add3A_103], %parallel_loop3A_218 : memref<64x128xf32, #tpu.memory_space<vmem>>[vector<16xi32>, vector<16xi32>], vector<16xf32>,
        %parallel_loop3A_219 = tpu.vector_load_idx %arg8[%add3A_106, %parallel_loop3A_216] : memref<128x128xf32, #tpu.memory_space<vmem>>[vector<16xi32>, vector<16xi32>], vector<16xf32>,
        tpu.vector_store_idx %arg10[%parallel_loop3A_216, %add3A_106], %parallel_loop3A_219 : memref<64x128xf32, #tpu.memory_space<vmem>>[vector<16xi32>, vector<16xi32>], vector<16xf32>,
        %parallel_loop3A_220 = tpu.vector_load_idx %arg8[%add3A_109, %parallel_loop3A_216] : memref<128x128xf32, #tpu.memory_space<vmem>>[vector<16xi32>, vector<16xi32>], vector<16xf32>,
        tpu.vector_store_idx %arg10[%parallel_loop3A_216, %add3A_109], %parallel_loop3A_220 : memref<64x128xf32, #tpu.memory_space<vmem>>[vector<16xi32>, vector<16xi32>], vector<16xf32>,
        %parallel_loop3A_221 = tpu.vector_load_idx %arg8[%add3A_112, %parallel_loop3A_216] : memref<128x128xf32, #tpu.memory_space<vmem>>[vector<16xi32>, vector<16xi32>], vector<16xf32>,
        tpu.vector_store_idx %arg10[%parallel_loop3A_216, %add3A_112], %parallel_loop3A_221 : memref<64x128xf32, #tpu.memory_space<vmem>>[vector<16xi32>, vector<16xi32>], vector<16xf32>,
        %parallel_loop3A_222 = tpu.vector_load_idx %arg8[%add3A_115, %parallel_loop3A_216] : memref<128x128xf32, #tpu.memory_space<vmem>>[vector<16xi32>, vector<16xi32>], vector<16xf32>,
        tpu.vector_store_idx %arg10[%parallel_loop3A_216, %add3A_115], %parallel_loop3A_222 : memref<64x128xf32, #tpu.memory_space<vmem>>[vector<16xi32>, vector<16xi32>], vector<16xf32>,
        %parallel_loop3A_223 = tpu.vector_load_idx %arg8[%add3A_118, %parallel_loop3A_216] : memref<128x128xf32, #tpu.memory_space<vmem>>[vector<16xi32>, vector<16xi32>], vector<16xf32>,
        tpu.vector_store_idx %arg10[%parallel_loop3A_216, %add3A_118], %parallel_loop3A_223 : memref<64x128xf32, #tpu.memory_space<vmem>>[vector<16xi32>, vector<16xi32>], vector<16xf32>,
        %parallel_loop3A_224 = tpu.vector_load_idx %arg8[%add3A_121, %parallel_loop3A_216] : memref<128x128xf32, #tpu.memory_space<vmem>>[vector<16xi32>, vector<16xi32>], vector<16xf32>,
        tpu.vector_store_idx %arg10[%parallel_loop3A_216, %add3A_121], %parallel_loop3A_224 : memref<64x128xf32, #tpu.memory_space<vmem>>[vector<16xi32>, vector<16xi32>], vector<16xf32>,
        %parallel_loop3A_225 = vector.broadcast %parallel_loop3A_214 : i32 to vector<16xi32>
        %parallel_loop3A_226 = arith.addi %parallel_loop3A_225, %and3A_13 : vector<16xi32>
        %parallel_loop3A_227 = tpu.vector_load_idx %arg8[%add3A_100, %parallel_loop3A_226] : memref<128x128xf32, #tpu.memory_space<vmem>>[vector<16xi32>, vector<16xi32>], vector<16xf32>,
        tpu.vector_store_idx %arg10[%parallel_loop3A_226, %add3A_100], %parallel_loop3A_227 : memref<64x128xf32, #tpu.memory_space<vmem>>[vector<16xi32>, vector<16xi32>], vector<16xf32>,
        %parallel_loop3A_228 = tpu.vector_load_idx %arg8[%add3A_103, %parallel_loop3A_226] : memref<128x128xf32, #tpu.memory_space<vmem>>[vector<16xi32>, vector<16xi32>], vector<16xf32>,
        tpu.vector_store_idx %arg10[%parallel_loop3A_226, %add3A_103], %parallel_loop3A_228 : memref<64x128xf32, #tpu.memory_space<vmem>>[vector<16xi32>, vector<16xi32>], vector<16xf32>,
        %parallel_loop3A_229 = tpu.vector_load_idx %arg8[%add3A_106, %parallel_loop3A_226] : memref<128x128xf32, #tpu.memory_space<vmem>>[vector<16xi32>, vector<16xi32>], vector<16xf32>,
        tpu.vector_store_idx %arg10[%parallel_loop3A_226, %add3A_106], %parallel_loop3A_229 : memref<64x128xf32, #tpu.memory_space<vmem>>[vector<16xi32>, vector<16xi32>], vector<16xf32>,
        %parallel_loop3A_230 = tpu.vector_load_idx %arg8[%add3A_109, %parallel_loop3A_226] : memref<128x128xf32, #tpu.memory_space<vmem>>[vector<16xi32>, vector<16xi32>], vector<16xf32>,
        tpu.vector_store_idx %arg10[%parallel_loop3A_226, %add3A_109], %parallel_loop3A_230 : memref<64x128xf32, #tpu.memory_space<vmem>>[vector<16xi32>, vector<16xi32>], vector<16xf32>,
        %parallel_loop3A_231 = tpu.vector_load_idx %arg8[%add3A_112, %parallel_loop3A_226] : memref<128x128xf32, #tpu.memory_space<vmem>>[vector<16xi32>, vector<16xi32>], vector<16xf32>,
        tpu.vector_store_idx %arg10[%parallel_loop3A_226, %add3A_112], %parallel_loop3A_231 : memref<64x128xf32, #tpu.memory_space<vmem>>[vector<16xi32>, vector<16xi32>], vector<16xf32>,
        %parallel_loop3A_232 = tpu.vector_load_idx %arg8[%add3A_115, %parallel_loop3A_226] : memref<128x128xf32, #tpu.memory_space<vmem>>[vector<16xi32>, vector<16xi32>], vector<16xf32>,
        tpu.vector_store_idx %arg10[%parallel_loop3A_226, %add3A_115], %parallel_loop3A_232 : memref<64x128xf32, #tpu.memory_space<vmem>>[vector<16xi32>, vector<16xi32>], vector<16xf32>,
        %parallel_loop3A_233 = tpu.vector_load_idx %arg8[%add3A_118, %parallel_loop3A_226] : memref<128x128xf32, #tpu.memory_space<vmem>>[vector<16xi32>, vector<16xi32>], vector<16xf32>,
        tpu.vector_store_idx %arg10[%parallel_loop3A_226, %add3A_118], %parallel_loop3A_233 : memref<64x128xf32, #tpu.memory_space<vmem>>[vector<16xi32>, vector<16xi32>], vector<16xf32>,
        %parallel_loop3A_234 = tpu.vector_load_idx %arg8[%add3A_121, %parallel_loop3A_226] : memref<128x128xf32, #tpu.memory_space<vmem>>[vector<16xi32>, vector<16xi32>], vector<16xf32>,
        tpu.vector_store_idx %arg10[%parallel_loop3A_226, %add3A_121], %parallel_loop3A_234 : memref<64x128xf32, #tpu.memory_space<vmem>>[vector<16xi32>, vector<16xi32>], vector<16xf32>,
        %parallel_loop3A_235 = vector.broadcast %parallel_loop3A_214 : i32 to vector<16xi32>
        %parallel_loop3A_236 = arith.addi %parallel_loop3A_235, %and3A_19 : vector<16xi32>
        %parallel_loop3A_237 = tpu.vector_load_idx %arg8[%add3A_100, %parallel_loop3A_236] : memref<128x128xf32, #tpu.memory_space<vmem>>[vector<16xi32>, vector<16xi32>], vector<16xf32>,
        tpu.vector_store_idx %arg10[%parallel_loop3A_236, %add3A_100], %parallel_loop3A_237 : memref<64x128xf32, #tpu.memory_space<vmem>>[vector<16xi32>, vector<16xi32>], vector<16xf32>,
        %parallel_loop3A_238 = tpu.vector_load_idx %arg8[%add3A_103, %parallel_loop3A_236] : memref<128x128xf32, #tpu.memory_space<vmem>>[vector<16xi32>, vector<16xi32>], vector<16xf32>,
        tpu.vector_store_idx %arg10[%parallel_loop3A_236, %add3A_103], %parallel_loop3A_238 : memref<64x128xf32, #tpu.memory_space<vmem>>[vector<16xi32>, vector<16xi32>], vector<16xf32>,
        %parallel_loop3A_239 = tpu.vector_load_idx %arg8[%add3A_106, %parallel_loop3A_236] : memref<128x128xf32, #tpu.memory_space<vmem>>[vector<16xi32>, vector<16xi32>], vector<16xf32>,
        tpu.vector_store_idx %arg10[%parallel_loop3A_236, %add3A_106], %parallel_loop3A_239 : memref<64x128xf32, #tpu.memory_space<vmem>>[vector<16xi32>, vector<16xi32>], vector<16xf32>,
        %parallel_loop3A_240 = tpu.vector_load_idx %arg8[%add3A_109, %parallel_loop3A_236] : memref<128x128xf32, #tpu.memory_space<vmem>>[vector<16xi32>, vector<16xi32>], vector<16xf32>,
        tpu.vector_store_idx %arg10[%parallel_loop3A_236, %add3A_109], %parallel_loop3A_240 : memref<64x128xf32, #tpu.memory_space<vmem>>[vector<16xi32>, vector<16xi32>], vector<16xf32>,
        %parallel_loop3A_241 = tpu.vector_load_idx %arg8[%add3A_112, %parallel_loop3A_236] : memref<128x128xf32, #tpu.memory_space<vmem>>[vector<16xi32>, vector<16xi32>], vector<16xf32>,
        tpu.vector_store_idx %arg10[%parallel_loop3A_236, %add3A_112], %parallel_loop3A_241 : memref<64x128xf32, #tpu.memory_space<vmem>>[vector<16xi32>, vector<16xi32>], vector<16xf32>,
        %parallel_loop3A_242 = tpu.vector_load_idx %arg8[%add3A_115, %parallel_loop3A_236] : memref<128x128xf32, #tpu.memory_space<vmem>>[vector<16xi32>, vector<16xi32>], vector<16xf32>,
        tpu.vector_store_idx %arg10[%parallel_loop3A_236, %add3A_115], %parallel_loop3A_242 : memref<64x128xf32, #tpu.memory_space<vmem>>[vector<16xi32>, vector<16xi32>], vector<16xf32>,
        %parallel_loop3A_243 = tpu.vector_load_idx %arg8[%add3A_118, %parallel_loop3A_236] : memref<128x128xf32, #tpu.memory_space<vmem>>[vector<16xi32>, vector<16xi32>], vector<16xf32>,
        tpu.vector_store_idx %arg10[%parallel_loop3A_236, %add3A_118], %parallel_loop3A_243 : memref<64x128xf32, #tpu.memory_space<vmem>>[vector<16xi32>, vector<16xi32>], vector<16xf32>,
        %parallel_loop3A_244 = tpu.vector_load_idx %arg8[%add3A_121, %parallel_loop3A_236] : memref<128x128xf32, #tpu.memory_space<vmem>>[vector<16xi32>, vector<16xi32>], vector<16xf32>,
        tpu.vector_store_idx %arg10[%parallel_loop3A_236, %add3A_121], %parallel_loop3A_244 : memref<64x128xf32, #tpu.memory_space<vmem>>[vector<16xi32>, vector<16xi32>], vector<16xf32>,
        %parallel_loop3A_245 = vector.broadcast %parallel_loop3A_214 : i32 to vector<16xi32>
        %parallel_loop3A_246 = arith.addi %parallel_loop3A_245, %and3A_25 : vector<16xi32>
        %parallel_loop3A_247 = tpu.vector_load_idx %arg8[%add3A_100, %parallel_loop3A_246] : memref<128x128xf32, #tpu.memory_space<vmem>>[vector<16xi32>, vector<16xi32>], vector<16xf32>,
        tpu.vector_store_idx %arg10[%parallel_loop3A_246, %add3A_100], %parallel_loop3A_247 : memref<64x128xf32, #tpu.memory_space<vmem>>[vector<16xi32>, vector<16xi32>], vector<16xf32>,
        %parallel_loop3A_248 = tpu.vector_load_idx %arg8[%add3A_103, %parallel_loop3A_246] : memref<128x128xf32, #tpu.memory_space<vmem>>[vector<16xi32>, vector<16xi32>], vector<16xf32>,
        tpu.vector_store_idx %arg10[%parallel_loop3A_246, %add3A_103], %parallel_loop3A_248 : memref<64x128xf32, #tpu.memory_space<vmem>>[vector<16xi32>, vector<16xi32>], vector<16xf32>,
        %parallel_loop3A_249 = tpu.vector_load_idx %arg8[%add3A_106, %parallel_loop3A_246] : memref<128x128xf32, #tpu.memory_space<vmem>>[vector<16xi32>, vector<16xi32>], vector<16xf32>,
        tpu.vector_store_idx %arg10[%parallel_loop3A_246, %add3A_106], %parallel_loop3A_249 : memref<64x128xf32, #tpu.memory_space<vmem>>[vector<16xi32>, vector<16xi32>], vector<16xf32>,
        %parallel_loop3A_250 = tpu.vector_load_idx %arg8[%add3A_109, %parallel_loop3A_246] : memref<128x128xf32, #tpu.memory_space<vmem>>[vector<16xi32>, vector<16xi32>], vector<16xf32>,
        tpu.vector_store_idx %arg10[%parallel_loop3A_246, %add3A_109], %parallel_loop3A_250 : memref<64x128xf32, #tpu.memory_space<vmem>>[vector<16xi32>, vector<16xi32>], vector<16xf32>,
        %parallel_loop3A_251 = tpu.vector_load_idx %arg8[%add3A_112, %parallel_loop3A_246] : memref<128x128xf32, #tpu.memory_space<vmem>>[vector<16xi32>, vector<16xi32>], vector<16xf32>,
        tpu.vector_store_idx %arg10[%parallel_loop3A_246, %add3A_112], %parallel_loop3A_251 : memref<64x128xf32, #tpu.memory_space<vmem>>[vector<16xi32>, vector<16xi32>], vector<16xf32>,
        %parallel_loop3A_252 = tpu.vector_load_idx %arg8[%add3A_115, %parallel_loop3A_246] : memref<128x128xf32, #tpu.memory_space<vmem>>[vector<16xi32>, vector<16xi32>], vector<16xf32>,
        tpu.vector_store_idx %arg10[%parallel_loop3A_246, %add3A_115], %parallel_loop3A_252 : memref<64x128xf32, #tpu.memory_space<vmem>>[vector<16xi32>, vector<16xi32>], vector<16xf32>,
        %parallel_loop3A_253 = tpu.vector_load_idx %arg8[%add3A_118, %parallel_loop3A_246] : memref<128x128xf32, #tpu.memory_space<vmem>>[vector<16xi32>, vector<16xi32>], vector<16xf32>,
        tpu.vector_store_idx %arg10[%parallel_loop3A_246, %add3A_118], %parallel_loop3A_253 : memref<64x128xf32, #tpu.memory_space<vmem>>[vector<16xi32>, vector<16xi32>], vector<16xf32>,
        %parallel_loop3A_254 = tpu.vector_load_idx %arg8[%add3A_121, %parallel_loop3A_246] : memref<128x128xf32, #tpu.memory_space<vmem>>[vector<16xi32>, vector<16xi32>], vector<16xf32>,
        tpu.vector_store_idx %arg10[%parallel_loop3A_246, %add3A_121], %parallel_loop3A_254 : memref<64x128xf32, #tpu.memory_space<vmem>>[vector<16xi32>, vector<16xi32>], vector<16xf32>,
        %parallel_loop3A_255 = vector.broadcast %parallel_loop3A_214 : i32 to vector<16xi32>
        %parallel_loop3A_256 = arith.addi %parallel_loop3A_255, %and3A_31 : vector<16xi32>
        %parallel_loop3A_257 = tpu.vector_load_idx %arg8[%add3A_100, %parallel_loop3A_256] : memref<128x128xf32, #tpu.memory_space<vmem>>[vector<16xi32>, vector<16xi32>], vector<16xf32>,
        tpu.vector_store_idx %arg10[%parallel_loop3A_256, %add3A_100], %parallel_loop3A_257 : memref<64x128xf32, #tpu.memory_space<vmem>>[vector<16xi32>, vector<16xi32>], vector<16xf32>,
        %parallel_loop3A_258 = tpu.vector_load_idx %arg8[%add3A_103, %parallel_loop3A_256] : memref<128x128xf32, #tpu.memory_space<vmem>>[vector<16xi32>, vector<16xi32>], vector<16xf32>,
        tpu.vector_store_idx %arg10[%parallel_loop3A_256, %add3A_103], %parallel_loop3A_258 : memref<64x128xf32, #tpu.memory_space<vmem>>[vector<16xi32>, vector<16xi32>], vector<16xf32>,
        %parallel_loop3A_259 = tpu.vector_load_idx %arg8[%add3A_106, %parallel_loop3A_256] : memref<128x128xf32, #tpu.memory_space<vmem>>[vector<16xi32>, vector<16xi32>], vector<16xf32>,
        tpu.vector_store_idx %arg10[%parallel_loop3A_256, %add3A_106], %parallel_loop3A_259 : memref<64x128xf32, #tpu.memory_space<vmem>>[vector<16xi32>, vector<16xi32>], vector<16xf32>,
        %parallel_loop3A_260 = tpu.vector_load_idx %arg8[%add3A_109, %parallel_loop3A_256] : memref<128x128xf32, #tpu.memory_space<vmem>>[vector<16xi32>, vector<16xi32>], vector<16xf32>,
        tpu.vector_store_idx %arg10[%parallel_loop3A_256, %add3A_109], %parallel_loop3A_260 : memref<64x128xf32, #tpu.memory_space<vmem>>[vector<16xi32>, vector<16xi32>], vector<16xf32>,
        %parallel_loop3A_261 = tpu.vector_load_idx %arg8[%add3A_112, %parallel_loop3A_256] : memref<128x128xf32, #tpu.memory_space<vmem>>[vector<16xi32>, vector<16xi32>], vector<16xf32>,
        tpu.vector_store_idx %arg10[%parallel_loop3A_256, %add3A_112], %parallel_loop3A_261 : memref<64x128xf32, #tpu.memory_space<vmem>>[vector<16xi32>, vector<16xi32>], vector<16xf32>,
        %parallel_loop3A_262 = tpu.vector_load_idx %arg8[%add3A_115, %parallel_loop3A_256] : memref<128x128xf32, #tpu.memory_space<vmem>>[vector<16xi32>, vector<16xi32>], vector<16xf32>,
        tpu.vector_store_idx %arg10[%parallel_loop3A_256, %add3A_115], %parallel_loop3A_262 : memref<64x128xf32, #tpu.memory_space<vmem>>[vector<16xi32>, vector<16xi32>], vector<16xf32>,
        %parallel_loop3A_263 = tpu.vector_load_idx %arg8[%add3A_118, %parallel_loop3A_256] : memref<128x128xf32, #tpu.memory_space<vmem>>[vector<16xi32>, vector<16xi32>], vector<16xf32>,
        tpu.vector_store_idx %arg10[%parallel_loop3A_256, %add3A_118], %parallel_loop3A_263 : memref<64x128xf32, #tpu.memory_space<vmem>>[vector<16xi32>, vector<16xi32>], vector<16xf32>,
        %parallel_loop3A_264 = tpu.vector_load_idx %arg8[%add3A_121, %parallel_loop3A_256] : memref<128x128xf32, #tpu.memory_space<vmem>>[vector<16xi32>, vector<16xi32>], vector<16xf32>,
        tpu.vector_store_idx %arg10[%parallel_loop3A_256, %add3A_121], %parallel_loop3A_264 : memref<64x128xf32, #tpu.memory_space<vmem>>[vector<16xi32>, vector<16xi32>], vector<16xf32>,
        %parallel_loop3A_265 = vector.broadcast %parallel_loop3A_214 : i32 to vector<16xi32>
        %parallel_loop3A_266 = arith.addi %parallel_loop3A_265, %and3A_37 : vector<16xi32>
        %parallel_loop3A_267 = tpu.vector_load_idx %arg8[%add3A_100, %parallel_loop3A_266] : memref<128x128xf32, #tpu.memory_space<vmem>>[vector<16xi32>, vector<16xi32>], vector<16xf32>,
        tpu.vector_store_idx %arg10[%parallel_loop3A_266, %add3A_100], %parallel_loop3A_267 : memref<64x128xf32, #tpu.memory_space<vmem>>[vector<16xi32>, vector<16xi32>], vector<16xf32>,
        %parallel_loop3A_268 = tpu.vector_load_idx %arg8[%add3A_103, %parallel_loop3A_266] : memref<128x128xf32, #tpu.memory_space<vmem>>[vector<16xi32>, vector<16xi32>], vector<16xf32>,
        tpu.vector_store_idx %arg10[%parallel_loop3A_266, %add3A_103], %parallel_loop3A_268 : memref<64x128xf32, #tpu.memory_space<vmem>>[vector<16xi32>, vector<16xi32>], vector<16xf32>,
        %parallel_loop3A_269 = tpu.vector_load_idx %arg8[%add3A_106, %parallel_loop3A_266] : memref<128x128xf32, #tpu.memory_space<vmem>>[vector<16xi32>, vector<16xi32>], vector<16xf32>,
        tpu.vector_store_idx %arg10[%parallel_loop3A_266, %add3A_106], %parallel_loop3A_269 : memref<64x128xf32, #tpu.memory_space<vmem>>[vector<16xi32>, vector<16xi32>], vector<16xf32>,
        %parallel_loop3A_270 = tpu.vector_load_idx %arg8[%add3A_109, %parallel_loop3A_266] : memref<128x128xf32, #tpu.memory_space<vmem>>[vector<16xi32>, vector<16xi32>], vector<16xf32>,
        tpu.vector_store_idx %arg10[%parallel_loop3A_266, %add3A_109], %parallel_loop3A_270 : memref<64x128xf32, #tpu.memory_space<vmem>>[vector<16xi32>, vector<16xi32>], vector<16xf32>,
        %parallel_loop3A_271 = tpu.vector_load_idx %arg8[%add3A_112, %parallel_loop3A_266] : memref<128x128xf32, #tpu.memory_space<vmem>>[vector<16xi32>, vector<16xi32>], vector<16xf32>,
        tpu.vector_store_idx %arg10[%parallel_loop3A_266, %add3A_112], %parallel_loop3A_271 : memref<64x128xf32, #tpu.memory_space<vmem>>[vector<16xi32>, vector<16xi32>], vector<16xf32>,
        %parallel_loop3A_272 = tpu.vector_load_idx %arg8[%add3A_115, %parallel_loop3A_266] : memref<128x128xf32, #tpu.memory_space<vmem>>[vector<16xi32>, vector<16xi32>], vector<16xf32>,
        tpu.vector_store_idx %arg10[%parallel_loop3A_266, %add3A_115], %parallel_loop3A_272 : memref<64x128xf32, #tpu.memory_space<vmem>>[vector<16xi32>, vector<16xi32>], vector<16xf32>,
        %parallel_loop3A_273 = tpu.vector_load_idx %arg8[%add3A_118, %parallel_loop3A_266] : memref<128x128xf32, #tpu.memory_space<vmem>>[vector<16xi32>, vector<16xi32>], vector<16xf32>,
        tpu.vector_store_idx %arg10[%parallel_loop3A_266, %add3A_118], %parallel_loop3A_273 : memref<64x128xf32, #tpu.memory_space<vmem>>[vector<16xi32>, vector<16xi32>], vector<16xf32>,
        %parallel_loop3A_274 = tpu.vector_load_idx %arg8[%add3A_121, %parallel_loop3A_266] : memref<128x128xf32, #tpu.memory_space<vmem>>[vector<16xi32>, vector<16xi32>], vector<16xf32>,
        tpu.vector_store_idx %arg10[%parallel_loop3A_266, %add3A_121], %parallel_loop3A_274 : memref<64x128xf32, #tpu.memory_space<vmem>>[vector<16xi32>, vector<16xi32>], vector<16xf32>,
        %parallel_loop3A_275 = vector.broadcast %parallel_loop3A_214 : i32 to vector<16xi32>
        %parallel_loop3A_276 = arith.addi %parallel_loop3A_275, %and3A_43 : vector<16xi32>
        %parallel_loop3A_277 = tpu.vector_load_idx %arg8[%add3A_100, %parallel_loop3A_276] : memref<128x128xf32, #tpu.memory_space<vmem>>[vector<16xi32>, vector<16xi32>], vector<16xf32>,
        tpu.vector_store_idx %arg10[%parallel_loop3A_276, %add3A_100], %parallel_loop3A_277 : memref<64x128xf32, #tpu.memory_space<vmem>>[vector<16xi32>, vector<16xi32>], vector<16xf32>,
        %parallel_loop3A_278 = tpu.vector_load_idx %arg8[%add3A_103, %parallel_loop3A_276] : memref<128x128xf32, #tpu.memory_space<vmem>>[vector<16xi32>, vector<16xi32>], vector<16xf32>,
        tpu.vector_store_idx %arg10[%parallel_loop3A_276, %add3A_103], %parallel_loop3A_278 : memref<64x128xf32, #tpu.memory_space<vmem>>[vector<16xi32>, vector<16xi32>], vector<16xf32>,
        %parallel_loop3A_279 = tpu.vector_load_idx %arg8[%add3A_106, %parallel_loop3A_276] : memref<128x128xf32, #tpu.memory_space<vmem>>[vector<16xi32>, vector<16xi32>], vector<16xf32>,
        tpu.vector_store_idx %arg10[%parallel_loop3A_276, %add3A_106], %parallel_loop3A_279 : memref<64x128xf32, #tpu.memory_space<vmem>>[vector<16xi32>, vector<16xi32>], vector<16xf32>,
        %parallel_loop3A_280 = tpu.vector_load_idx %arg8[%add3A_109, %parallel_loop3A_276] : memref<128x128xf32, #tpu.memory_space<vmem>>[vector<16xi32>, vector<16xi32>], vector<16xf32>,
        tpu.vector_store_idx %arg10[%parallel_loop3A_276, %add3A_109], %parallel_loop3A_280 : memref<64x128xf32, #tpu.memory_space<vmem>>[vector<16xi32>, vector<16xi32>], vector<16xf32>,
        %parallel_loop3A_281 = tpu.vector_load_idx %arg8[%add3A_112, %parallel_loop3A_276] : memref<128x128xf32, #tpu.memory_space<vmem>>[vector<16xi32>, vector<16xi32>], vector<16xf32>,
        tpu.vector_store_idx %arg10[%parallel_loop3A_276, %add3A_112], %parallel_loop3A_281 : memref<64x128xf32, #tpu.memory_space<vmem>>[vector<16xi32>, vector<16xi32>], vector<16xf32>,
        %parallel_loop3A_282 = tpu.vector_load_idx %arg8[%add3A_115, %parallel_loop3A_276] : memref<128x128xf32, #tpu.memory_space<vmem>>[vector<16xi32>, vector<16xi32>], vector<16xf32>,
        tpu.vector_store_idx %arg10[%parallel_loop3A_276, %add3A_115], %parallel_loop3A_282 : memref<64x128xf32, #tpu.memory_space<vmem>>[vector<16xi32>, vector<16xi32>], vector<16xf32>,
        %parallel_loop3A_283 = tpu.vector_load_idx %arg8[%add3A_118, %parallel_loop3A_276] : memref<128x128xf32, #tpu.memory_space<vmem>>[vector<16xi32>, vector<16xi32>], vector<16xf32>,
        tpu.vector_store_idx %arg10[%parallel_loop3A_276, %add3A_118], %parallel_loop3A_283 : memref<64x128xf32, #tpu.memory_space<vmem>>[vector<16xi32>, vector<16xi32>], vector<16xf32>,
        %parallel_loop3A_284 = tpu.vector_load_idx %arg8[%add3A_121, %parallel_loop3A_276] : memref<128x128xf32, #tpu.memory_space<vmem>>[vector<16xi32>, vector<16xi32>], vector<16xf32>,
        tpu.vector_store_idx %arg10[%parallel_loop3A_276, %add3A_121], %parallel_loop3A_284 : memref<64x128xf32, #tpu.memory_space<vmem>>[vector<16xi32>, vector<16xi32>], vector<16xf32>,
        %parallel_loop3A_285 = vector.broadcast %parallel_loop3A_214 : i32 to vector<16xi32>
        %parallel_loop3A_286 = arith.addi %parallel_loop3A_285, %and3A_49 : vector<16xi32>
        %parallel_loop3A_287 = tpu.vector_load_idx %arg8[%add3A_100, %parallel_loop3A_286] : memref<128x128xf32, #tpu.memory_space<vmem>>[vector<16xi32>, vector<16xi32>], vector<16xf32>,
        tpu.vector_store_idx %arg10[%parallel_loop3A_286, %add3A_100], %parallel_loop3A_287 : memref<64x128xf32, #tpu.memory_space<vmem>>[vector<16xi32>, vector<16xi32>], vector<16xf32>,
        %parallel_loop3A_288 = tpu.vector_load_idx %arg8[%add3A_103, %parallel_loop3A_286] : memref<128x128xf32, #tpu.memory_space<vmem>>[vector<16xi32>, vector<16xi32>], vector<16xf32>,
        tpu.vector_store_idx %arg10[%parallel_loop3A_286, %add3A_103], %parallel_loop3A_288 : memref<64x128xf32, #tpu.memory_space<vmem>>[vector<16xi32>, vector<16xi32>], vector<16xf32>,
        %parallel_loop3A_289 = tpu.vector_load_idx %arg8[%add3A_106, %parallel_loop3A_286] : memref<128x128xf32, #tpu.memory_space<vmem>>[vector<16xi32>, vector<16xi32>], vector<16xf32>,
        tpu.vector_store_idx %arg10[%parallel_loop3A_286, %add3A_106], %parallel_loop3A_289 : memref<64x128xf32, #tpu.memory_space<vmem>>[vector<16xi32>, vector<16xi32>], vector<16xf32>,
        %parallel_loop3A_290 = tpu.vector_load_idx %arg8[%add3A_109, %parallel_loop3A_286] : memref<128x128xf32, #tpu.memory_space<vmem>>[vector<16xi32>, vector<16xi32>], vector<16xf32>,
        tpu.vector_store_idx %arg10[%parallel_loop3A_286, %add3A_109], %parallel_loop3A_290 : memref<64x128xf32, #tpu.memory_space<vmem>>[vector<16xi32>, vector<16xi32>], vector<16xf32>,
        %parallel_loop3A_291 = tpu.vector_load_idx %arg8[%add3A_112, %parallel_loop3A_286] : memref<128x128xf32, #tpu.memory_space<vmem>>[vector<16xi32>, vector<16xi32>], vector<16xf32>,
        tpu.vector_store_idx %arg10[%parallel_loop3A_286, %add3A_112], %parallel_loop3A_291 : memref<64x128xf32, #tpu.memory_space<vmem>>[vector<16xi32>, vector<16xi32>], vector<16xf32>,
        %parallel_loop3A_292 = tpu.vector_load_idx %arg8[%add3A_115, %parallel_loop3A_286] : memref<128x128xf32, #tpu.memory_space<vmem>>[vector<16xi32>, vector<16xi32>], vector<16xf32>,
        tpu.vector_store_idx %arg10[%parallel_loop3A_286, %add3A_115], %parallel_loop3A_292 : memref<64x128xf32, #tpu.memory_space<vmem>>[vector<16xi32>, vector<16xi32>], vector<16xf32>,
        %parallel_loop3A_293 = tpu.vector_load_idx %arg8[%add3A_118, %parallel_loop3A_286] : memref<128x128xf32, #tpu.memory_space<vmem>>[vector<16xi32>, vector<16xi32>], vector<16xf32>,
        tpu.vector_store_idx %arg10[%parallel_loop3A_286, %add3A_118], %parallel_loop3A_293 : memref<64x128xf32, #tpu.memory_space<vmem>>[vector<16xi32>, vector<16xi32>], vector<16xf32>,
        %parallel_loop3A_294 = tpu.vector_load_idx %arg8[%add3A_121, %parallel_loop3A_286] : memref<128x128xf32, #tpu.memory_space<vmem>>[vector<16xi32>, vector<16xi32>], vector<16xf32>,
        tpu.vector_store_idx %arg10[%parallel_loop3A_286, %add3A_121], %parallel_loop3A_294 : memref<64x128xf32, #tpu.memory_space<vmem>>[vector<16xi32>, vector<16xi32>], vector<16xf32>,
        %parallel_loop3A_295 = vector.broadcast %parallel_loop3A_214 : i32 to vector<16xi32>
        %parallel_loop3A_296 = arith.addi %parallel_loop3A_295, %and3A_55 : vector<16xi32>
        %parallel_loop3A_297 = tpu.vector_load_idx %arg8[%add3A_100, %parallel_loop3A_296] : memref<128x128xf32, #tpu.memory_space<vmem>>[vector<16xi32>, vector<16xi32>], vector<16xf32>,
        tpu.vector_store_idx %arg10[%parallel_loop3A_296, %add3A_100], %parallel_loop3A_297 : memref<64x128xf32, #tpu.memory_space<vmem>>[vector<16xi32>, vector<16xi32>], vector<16xf32>,
        %parallel_loop3A_298 = tpu.vector_load_idx %arg8[%add3A_103, %parallel_loop3A_296] : memref<128x128xf32, #tpu.memory_space<vmem>>[vector<16xi32>, vector<16xi32>], vector<16xf32>,
        tpu.vector_store_idx %arg10[%parallel_loop3A_296, %add3A_103], %parallel_loop3A_298 : memref<64x128xf32, #tpu.memory_space<vmem>>[vector<16xi32>, vector<16xi32>], vector<16xf32>,
        %parallel_loop3A_299 = tpu.vector_load_idx %arg8[%add3A_106, %parallel_loop3A_296] : memref<128x128xf32, #tpu.memory_space<vmem>>[vector<16xi32>, vector<16xi32>], vector<16xf32>,
        tpu.vector_store_idx %arg10[%parallel_loop3A_296, %add3A_106], %parallel_loop3A_299 : memref<64x128xf32, #tpu.memory_space<vmem>>[vector<16xi32>, vector<16xi32>], vector<16xf32>,
        %parallel_loop3A_300 = tpu.vector_load_idx %arg8[%add3A_109, %parallel_loop3A_296] : memref<128x128xf32, #tpu.memory_space<vmem>>[vector<16xi32>, vector<16xi32>], vector<16xf32>,
        tpu.vector_store_idx %arg10[%parallel_loop3A_296, %add3A_109], %parallel_loop3A_300 : memref<64x128xf32, #tpu.memory_space<vmem>>[vector<16xi32>, vector<16xi32>], vector<16xf32>,
        %parallel_loop3A_301 = tpu.vector_load_idx %arg8[%add3A_112, %parallel_loop3A_296] : memref<128x128xf32, #tpu.memory_space<vmem>>[vector<16xi32>, vector<16xi32>], vector<16xf32>,
        tpu.vector_store_idx %arg10[%parallel_loop3A_296, %add3A_112], %parallel_loop3A_301 : memref<64x128xf32, #tpu.memory_space<vmem>>[vector<16xi32>, vector<16xi32>], vector<16xf32>,
        %parallel_loop3A_302 = tpu.vector_load_idx %arg8[%add3A_115, %parallel_loop3A_296] : memref<128x128xf32, #tpu.memory_space<vmem>>[vector<16xi32>, vector<16xi32>], vector<16xf32>,
        tpu.vector_store_idx %arg10[%parallel_loop3A_296, %add3A_115], %parallel_loop3A_302 : memref<64x128xf32, #tpu.memory_space<vmem>>[vector<16xi32>, vector<16xi32>], vector<16xf32>,
        %parallel_loop3A_303 = tpu.vector_load_idx %arg8[%add3A_118, %parallel_loop3A_296] : memref<128x128xf32, #tpu.memory_space<vmem>>[vector<16xi32>, vector<16xi32>], vector<16xf32>,
        tpu.vector_store_idx %arg10[%parallel_loop3A_296, %add3A_118], %parallel_loop3A_303 : memref<64x128xf32, #tpu.memory_space<vmem>>[vector<16xi32>, vector<16xi32>], vector<16xf32>,
        %parallel_loop3A_304 = tpu.vector_load_idx %arg8[%add3A_121, %parallel_loop3A_296] : memref<128x128xf32, #tpu.memory_space<vmem>>[vector<16xi32>, vector<16xi32>], vector<16xf32>,
        tpu.vector_store_idx %arg10[%parallel_loop3A_296, %add3A_121], %parallel_loop3A_304 : memref<64x128xf32, #tpu.memory_space<vmem>>[vector<16xi32>, vector<16xi32>], vector<16xf32>,
        %parallel_loop3A_305 = vector.broadcast %parallel_loop3A_214 : i32 to vector<16xi32>
        %parallel_loop3A_306 = arith.addi %parallel_loop3A_305, %and3A_61 : vector<16xi32>
        %parallel_loop3A_307 = tpu.vector_load_idx %arg8[%add3A_100, %parallel_loop3A_306] : memref<128x128xf32, #tpu.memory_space<vmem>>[vector<16xi32>, vector<16xi32>], vector<16xf32>,
        tpu.vector_store_idx %arg10[%parallel_loop3A_306, %add3A_100], %parallel_loop3A_307 : memref<64x128xf32, #tpu.memory_space<vmem>>[vector<16xi32>, vector<16xi32>], vector<16xf32>,
        %parallel_loop3A_308 = tpu.vector_load_idx %arg8[%add3A_103, %parallel_loop3A_306] : memref<128x128xf32, #tpu.memory_space<vmem>>[vector<16xi32>, vector<16xi32>], vector<16xf32>,
        tpu.vector_store_idx %arg10[%parallel_loop3A_306, %add3A_103], %parallel_loop3A_308 : memref<64x128xf32, #tpu.memory_space<vmem>>[vector<16xi32>, vector<16xi32>], vector<16xf32>,
        %parallel_loop3A_309 = tpu.vector_load_idx %arg8[%add3A_106, %parallel_loop3A_306] : memref<128x128xf32, #tpu.memory_space<vmem>>[vector<16xi32>, vector<16xi32>], vector<16xf32>,
        tpu.vector_store_idx %arg10[%parallel_loop3A_306, %add3A_106], %parallel_loop3A_309 : memref<64x128xf32, #tpu.memory_space<vmem>>[vector<16xi32>, vector<16xi32>], vector<16xf32>,
        %parallel_loop3A_310 = tpu.vector_load_idx %arg8[%add3A_109, %parallel_loop3A_306] : memref<128x128xf32, #tpu.memory_space<vmem>>[vector<16xi32>, vector<16xi32>], vector<16xf32>,
        tpu.vector_store_idx %arg10[%parallel_loop3A_306, %add3A_109], %parallel_loop3A_310 : memref<64x128xf32, #tpu.memory_space<vmem>>[vector<16xi32>, vector<16xi32>], vector<16xf32>,
        %parallel_loop3A_311 = tpu.vector_load_idx %arg8[%add3A_112, %parallel_loop3A_306] : memref<128x128xf32, #tpu.memory_space<vmem>>[vector<16xi32>, vector<16xi32>], vector<16xf32>,
        tpu.vector_store_idx %arg10[%parallel_loop3A_306, %add3A_112], %parallel_loop3A_311 : memref<64x128xf32, #tpu.memory_space<vmem>>[vector<16xi32>, vector<16xi32>], vector<16xf32>,
        %parallel_loop3A_312 = tpu.vector_load_idx %arg8[%add3A_115, %parallel_loop3A_306] : memref<128x128xf32, #tpu.memory_space<vmem>>[vector<16xi32>, vector<16xi32>], vector<16xf32>,
        tpu.vector_store_idx %arg10[%parallel_loop3A_306, %add3A_115], %parallel_loop3A_312 : memref<64x128xf32, #tpu.memory_space<vmem>>[vector<16xi32>, vector<16xi32>], vector<16xf32>,
        %parallel_loop3A_313 = tpu.vector_load_idx %arg8[%add3A_118, %parallel_loop3A_306] : memref<128x128xf32, #tpu.memory_space<vmem>>[vector<16xi32>, vector<16xi32>], vector<16xf32>,
        tpu.vector_store_idx %arg10[%parallel_loop3A_306, %add3A_118], %parallel_loop3A_313 : memref<64x128xf32, #tpu.memory_space<vmem>>[vector<16xi32>, vector<16xi32>], vector<16xf32>,
        %parallel_loop3A_314 = tpu.vector_load_idx %arg8[%add3A_121, %parallel_loop3A_306] : memref<128x128xf32, #tpu.memory_space<vmem>>[vector<16xi32>, vector<16xi32>], vector<16xf32>,
        tpu.vector_store_idx %arg10[%parallel_loop3A_306, %add3A_121], %parallel_loop3A_314 : memref<64x128xf32, #tpu.memory_space<vmem>>[vector<16xi32>, vector<16xi32>], vector<16xf32>,
        %parallel_loop3A_315 = vector.broadcast %parallel_loop3A_214 : i32 to vector<16xi32>
        %parallel_loop3A_316 = arith.addi %parallel_loop3A_315, %and3A_67 : vector<16xi32>
        %parallel_loop3A_317 = tpu.vector_load_idx %arg8[%add3A_100, %parallel_loop3A_316] : memref<128x128xf32, #tpu.memory_space<vmem>>[vector<16xi32>, vector<16xi32>], vector<16xf32>,
        tpu.vector_store_idx %arg10[%parallel_loop3A_316, %add3A_100], %parallel_loop3A_317 : memref<64x128xf32, #tpu.memory_space<vmem>>[vector<16xi32>, vector<16xi32>], vector<16xf32>,
        %parallel_loop3A_318 = tpu.vector_load_idx %arg8[%add3A_103, %parallel_loop3A_316] : memref<128x128xf32, #tpu.memory_space<vmem>>[vector<16xi32>, vector<16xi32>], vector<16xf32>,
        tpu.vector_store_idx %arg10[%parallel_loop3A_316, %add3A_103], %parallel_loop3A_318 : memref<64x128xf32, #tpu.memory_space<vmem>>[vector<16xi32>, vector<16xi32>], vector<16xf32>,
        %parallel_loop3A_319 = tpu.vector_load_idx %arg8[%add3A_106, %parallel_loop3A_316] : memref<128x128xf32, #tpu.memory_space<vmem>>[vector<16xi32>, vector<16xi32>], vector<16xf32>,
        tpu.vector_store_idx %arg10[%parallel_loop3A_316, %add3A_106], %parallel_loop3A_319 : memref<64x128xf32, #tpu.memory_space<vmem>>[vector<16xi32>, vector<16xi32>], vector<16xf32>,
        %parallel_loop3A_320 = tpu.vector_load_idx %arg8[%add3A_109, %parallel_loop3A_316] : memref<128x128xf32, #tpu.memory_space<vmem>>[vector<16xi32>, vector<16xi32>], vector<16xf32>,
        tpu.vector_store_idx %arg10[%parallel_loop3A_316, %add3A_109], %parallel_loop3A_320 : memref<64x128xf32, #tpu.memory_space<vmem>>[vector<16xi32>, vector<16xi32>], vector<16xf32>,
        %parallel_loop3A_321 = tpu.vector_load_idx %arg8[%add3A_112, %parallel_loop3A_316] : memref<128x128xf32, #tpu.memory_space<vmem>>[vector<16xi32>, vector<16xi32>], vector<16xf32>,
        tpu.vector_store_idx %arg10[%parallel_loop3A_316, %add3A_112], %parallel_loop3A_321 : memref<64x128xf32, #tpu.memory_space<vmem>>[vector<16xi32>, vector<16xi32>], vector<16xf32>,
        %parallel_loop3A_322 = tpu.vector_load_idx %arg8[%add3A_115, %parallel_loop3A_316] : memref<128x128xf32, #tpu.memory_space<vmem>>[vector<16xi32>, vector<16xi32>], vector<16xf32>,
        tpu.vector_store_idx %arg10[%parallel_loop3A_316, %add3A_115], %parallel_loop3A_322 : memref<64x128xf32, #tpu.memory_space<vmem>>[vector<16xi32>, vector<16xi32>], vector<16xf32>,
        %parallel_loop3A_323 = tpu.vector_load_idx %arg8[%add3A_118, %parallel_loop3A_316] : memref<128x128xf32, #tpu.memory_space<vmem>>[vector<16xi32>, vector<16xi32>], vector<16xf32>,
        tpu.vector_store_idx %arg10[%parallel_loop3A_316, %add3A_118], %parallel_loop3A_323 : memref<64x128xf32, #tpu.memory_space<vmem>>[vector<16xi32>, vector<16xi32>], vector<16xf32>,
        %parallel_loop3A_324 = tpu.vector_load_idx %arg8[%add3A_121, %parallel_loop3A_316] : memref<128x128xf32, #tpu.memory_space<vmem>>[vector<16xi32>, vector<16xi32>], vector<16xf32>,
        tpu.vector_store_idx %arg10[%parallel_loop3A_316, %add3A_121], %parallel_loop3A_324 : memref<64x128xf32, #tpu.memory_space<vmem>>[vector<16xi32>, vector<16xi32>], vector<16xf32>,
        %parallel_loop3A_325 = vector.broadcast %parallel_loop3A_214 : i32 to vector<16xi32>
        %parallel_loop3A_326 = arith.addi %parallel_loop3A_325, %and3A_73 : vector<16xi32>
        %parallel_loop3A_327 = tpu.vector_load_idx %arg8[%add3A_100, %parallel_loop3A_326] : memref<128x128xf32, #tpu.memory_space<vmem>>[vector<16xi32>, vector<16xi32>], vector<16xf32>,
        tpu.vector_store_idx %arg10[%parallel_loop3A_326, %add3A_100], %parallel_loop3A_327 : memref<64x128xf32, #tpu.memory_space<vmem>>[vector<16xi32>, vector<16xi32>], vector<16xf32>,
        %parallel_loop3A_328 = tpu.vector_load_idx %arg8[%add3A_103, %parallel_loop3A_326] : memref<128x128xf32, #tpu.memory_space<vmem>>[vector<16xi32>, vector<16xi32>], vector<16xf32>,
        tpu.vector_store_idx %arg10[%parallel_loop3A_326, %add3A_103], %parallel_loop3A_328 : memref<64x128xf32, #tpu.memory_space<vmem>>[vector<16xi32>, vector<16xi32>], vector<16xf32>,
        %parallel_loop3A_329 = tpu.vector_load_idx %arg8[%add3A_106, %parallel_loop3A_326] : memref<128x128xf32, #tpu.memory_space<vmem>>[vector<16xi32>, vector<16xi32>], vector<16xf32>,
        tpu.vector_store_idx %arg10[%parallel_loop3A_326, %add3A_106], %parallel_loop3A_329 : memref<64x128xf32, #tpu.memory_space<vmem>>[vector<16xi32>, vector<16xi32>], vector<16xf32>,
        %parallel_loop3A_330 = tpu.vector_load_idx %arg8[%add3A_109, %parallel_loop3A_326] : memref<128x128xf32, #tpu.memory_space<vmem>>[vector<16xi32>, vector<16xi32>], vector<16xf32>,
        tpu.vector_store_idx %arg10[%parallel_loop3A_326, %add3A_109], %parallel_loop3A_330 : memref<64x128xf32, #tpu.memory_space<vmem>>[vector<16xi32>, vector<16xi32>], vector<16xf32>,
        %parallel_loop3A_331 = tpu.vector_load_idx %arg8[%add3A_112, %parallel_loop3A_326] : memref<128x128xf32, #tpu.memory_space<vmem>>[vector<16xi32>, vector<16xi32>], vector<16xf32>,
        tpu.vector_store_idx %arg10[%parallel_loop3A_326, %add3A_112], %parallel_loop3A_331 : memref<64x128xf32, #tpu.memory_space<vmem>>[vector<16xi32>, vector<16xi32>], vector<16xf32>,
        %parallel_loop3A_332 = tpu.vector_load_idx %arg8[%add3A_115, %parallel_loop3A_326] : memref<128x128xf32, #tpu.memory_space<vmem>>[vector<16xi32>, vector<16xi32>], vector<16xf32>,
        tpu.vector_store_idx %arg10[%parallel_loop3A_326, %add3A_115], %parallel_loop3A_332 : memref<64x128xf32, #tpu.memory_space<vmem>>[vector<16xi32>, vector<16xi32>], vector<16xf32>,
        %parallel_loop3A_333 = tpu.vector_load_idx %arg8[%add3A_118, %parallel_loop3A_326] : memref<128x128xf32, #tpu.memory_space<vmem>>[vector<16xi32>, vector<16xi32>], vector<16xf32>,
        tpu.vector_store_idx %arg10[%parallel_loop3A_326, %add3A_118], %parallel_loop3A_333 : memref<64x128xf32, #tpu.memory_space<vmem>>[vector<16xi32>, vector<16xi32>], vector<16xf32>,
        %parallel_loop3A_334 = tpu.vector_load_idx %arg8[%add3A_121, %parallel_loop3A_326] : memref<128x128xf32, #tpu.memory_space<vmem>>[vector<16xi32>, vector<16xi32>], vector<16xf32>,
        tpu.vector_store_idx %arg10[%parallel_loop3A_326, %add3A_121], %parallel_loop3A_334 : memref<64x128xf32, #tpu.memory_space<vmem>>[vector<16xi32>, vector<16xi32>], vector<16xf32>,
        %parallel_loop3A_335 = vector.broadcast %parallel_loop3A_214 : i32 to vector<16xi32>
        %parallel_loop3A_336 = arith.addi %parallel_loop3A_335, %and3A_79 : vector<16xi32>
        %parallel_loop3A_337 = tpu.vector_load_idx %arg8[%add3A_100, %parallel_loop3A_336] : memref<128x128xf32, #tpu.memory_space<vmem>>[vector<16xi32>, vector<16xi32>], vector<16xf32>,
        tpu.vector_store_idx %arg10[%parallel_loop3A_336, %add3A_100], %parallel_loop3A_337 : memref<64x128xf32, #tpu.memory_space<vmem>>[vector<16xi32>, vector<16xi32>], vector<16xf32>,
        %parallel_loop3A_338 = tpu.vector_load_idx %arg8[%add3A_103, %parallel_loop3A_336] : memref<128x128xf32, #tpu.memory_space<vmem>>[vector<16xi32>, vector<16xi32>], vector<16xf32>,
        tpu.vector_store_idx %arg10[%parallel_loop3A_336, %add3A_103], %parallel_loop3A_338 : memref<64x128xf32, #tpu.memory_space<vmem>>[vector<16xi32>, vector<16xi32>], vector<16xf32>,
        %parallel_loop3A_339 = tpu.vector_load_idx %arg8[%add3A_106, %parallel_loop3A_336] : memref<128x128xf32, #tpu.memory_space<vmem>>[vector<16xi32>, vector<16xi32>], vector<16xf32>,
        tpu.vector_store_idx %arg10[%parallel_loop3A_336, %add3A_106], %parallel_loop3A_339 : memref<64x128xf32, #tpu.memory_space<vmem>>[vector<16xi32>, vector<16xi32>], vector<16xf32>,
        %parallel_loop3A_340 = tpu.vector_load_idx %arg8[%add3A_109, %parallel_loop3A_336] : memref<128x128xf32, #tpu.memory_space<vmem>>[vector<16xi32>, vector<16xi32>], vector<16xf32>,
        tpu.vector_store_idx %arg10[%parallel_loop3A_336, %add3A_109], %parallel_loop3A_340 : memref<64x128xf32, #tpu.memory_space<vmem>>[vector<16xi32>, vector<16xi32>], vector<16xf32>,
        %parallel_loop3A_341 = tpu.vector_load_idx %arg8[%add3A_112, %parallel_loop3A_336] : memref<128x128xf32, #tpu.memory_space<vmem>>[vector<16xi32>, vector<16xi32>], vector<16xf32>,
        tpu.vector_store_idx %arg10[%parallel_loop3A_336, %add3A_112], %parallel_loop3A_341 : memref<64x128xf32, #tpu.memory_space<vmem>>[vector<16xi32>, vector<16xi32>], vector<16xf32>,
        %parallel_loop3A_342 = tpu.vector_load_idx %arg8[%add3A_115, %parallel_loop3A_336] : memref<128x128xf32, #tpu.memory_space<vmem>>[vector<16xi32>, vector<16xi32>], vector<16xf32>,
        tpu.vector_store_idx %arg10[%parallel_loop3A_336, %add3A_115], %parallel_loop3A_342 : memref<64x128xf32, #tpu.memory_space<vmem>>[vector<16xi32>, vector<16xi32>], vector<16xf32>,
        %parallel_loop3A_343 = tpu.vector_load_idx %arg8[%add3A_118, %parallel_loop3A_336] : memref<128x128xf32, #tpu.memory_space<vmem>>[vector<16xi32>, vector<16xi32>], vector<16xf32>,
        tpu.vector_store_idx %arg10[%parallel_loop3A_336, %add3A_118], %parallel_loop3A_343 : memref<64x128xf32, #tpu.memory_space<vmem>>[vector<16xi32>, vector<16xi32>], vector<16xf32>,
        %parallel_loop3A_344 = tpu.vector_load_idx %arg8[%add3A_121, %parallel_loop3A_336] : memref<128x128xf32, #tpu.memory_space<vmem>>[vector<16xi32>, vector<16xi32>], vector<16xf32>,
        tpu.vector_store_idx %arg10[%parallel_loop3A_336, %add3A_121], %parallel_loop3A_344 : memref<64x128xf32, #tpu.memory_space<vmem>>[vector<16xi32>, vector<16xi32>], vector<16xf32>,
        %parallel_loop3A_345 = vector.broadcast %parallel_loop3A_214 : i32 to vector<16xi32>
        %parallel_loop3A_346 = arith.addi %parallel_loop3A_345, %and3A_85 : vector<16xi32>
        %parallel_loop3A_347 = tpu.vector_load_idx %arg8[%add3A_100, %parallel_loop3A_346] : memref<128x128xf32, #tpu.memory_space<vmem>>[vector<16xi32>, vector<16xi32>], vector<16xf32>,
        tpu.vector_store_idx %arg10[%parallel_loop3A_346, %add3A_100], %parallel_loop3A_347 : memref<64x128xf32, #tpu.memory_space<vmem>>[vector<16xi32>, vector<16xi32>], vector<16xf32>,
        %parallel_loop3A_348 = tpu.vector_load_idx %arg8[%add3A_103, %parallel_loop3A_346] : memref<128x128xf32, #tpu.memory_space<vmem>>[vector<16xi32>, vector<16xi32>], vector<16xf32>,
        tpu.vector_store_idx %arg10[%parallel_loop3A_346, %add3A_103], %parallel_loop3A_348 : memref<64x128xf32, #tpu.memory_space<vmem>>[vector<16xi32>, vector<16xi32>], vector<16xf32>,
        %parallel_loop3A_349 = tpu.vector_load_idx %arg8[%add3A_106, %parallel_loop3A_346] : memref<128x128xf32, #tpu.memory_space<vmem>>[vector<16xi32>, vector<16xi32>], vector<16xf32>,
        tpu.vector_store_idx %arg10[%parallel_loop3A_346, %add3A_106], %parallel_loop3A_349 : memref<64x128xf32, #tpu.memory_space<vmem>>[vector<16xi32>, vector<16xi32>], vector<16xf32>,
        %parallel_loop3A_350 = tpu.vector_load_idx %arg8[%add3A_109, %parallel_loop3A_346] : memref<128x128xf32, #tpu.memory_space<vmem>>[vector<16xi32>, vector<16xi32>], vector<16xf32>,
        tpu.vector_store_idx %arg10[%parallel_loop3A_346, %add3A_109], %parallel_loop3A_350 : memref<64x128xf32, #tpu.memory_space<vmem>>[vector<16xi32>, vector<16xi32>], vector<16xf32>,
        %parallel_loop3A_351 = tpu.vector_load_idx %arg8[%add3A_112, %parallel_loop3A_346] : memref<128x128xf32, #tpu.memory_space<vmem>>[vector<16xi32>, vector<16xi32>], vector<16xf32>,
        tpu.vector_store_idx %arg10[%parallel_loop3A_346, %add3A_112], %parallel_loop3A_351 : memref<64x128xf32, #tpu.memory_space<vmem>>[vector<16xi32>, vector<16xi32>], vector<16xf32>,
        %parallel_loop3A_352 = tpu.vector_load_idx %arg8[%add3A_115, %parallel_loop3A_346] : memref<128x128xf32, #tpu.memory_space<vmem>>[vector<16xi32>, vector<16xi32>], vector<16xf32>,
        tpu.vector_store_idx %arg10[%parallel_loop3A_346, %add3A_115], %parallel_loop3A_352 : memref<64x128xf32, #tpu.memory_space<vmem>>[vector<16xi32>, vector<16xi32>], vector<16xf32>,
        %parallel_loop3A_353 = tpu.vector_load_idx %arg8[%add3A_118, %parallel_loop3A_346] : memref<128x128xf32, #tpu.memory_space<vmem>>[vector<16xi32>, vector<16xi32>], vector<16xf32>,
        tpu.vector_store_idx %arg10[%parallel_loop3A_346, %add3A_118], %parallel_loop3A_353 : memref<64x128xf32, #tpu.memory_space<vmem>>[vector<16xi32>, vector<16xi32>], vector<16xf32>,
        %parallel_loop3A_354 = tpu.vector_load_idx %arg8[%add3A_121, %parallel_loop3A_346] : memref<128x128xf32, #tpu.memory_space<vmem>>[vector<16xi32>, vector<16xi32>], vector<16xf32>,
        tpu.vector_store_idx %arg10[%parallel_loop3A_346, %add3A_121], %parallel_loop3A_354 : memref<64x128xf32, #tpu.memory_space<vmem>>[vector<16xi32>, vector<16xi32>], vector<16xf32>,
        %parallel_loop3A_355 = vector.broadcast %parallel_loop3A_214 : i32 to vector<16xi32>
        %parallel_loop3A_356 = arith.addi %parallel_loop3A_355, %and3A_91 : vector<16xi32>
        %parallel_loop3A_357 = tpu.vector_load_idx %arg8[%add3A_100, %parallel_loop3A_356] : memref<128x128xf32, #tpu.memory_space<vmem>>[vector<16xi32>, vector<16xi32>], vector<16xf32>,
        tpu.vector_store_idx %arg10[%parallel_loop3A_356, %add3A_100], %parallel_loop3A_357 : memref<64x128xf32, #tpu.memory_space<vmem>>[vector<16xi32>, vector<16xi32>], vector<16xf32>,
        %parallel_loop3A_358 = tpu.vector_load_idx %arg8[%add3A_103, %parallel_loop3A_356] : memref<128x128xf32, #tpu.memory_space<vmem>>[vector<16xi32>, vector<16xi32>], vector<16xf32>,
        tpu.vector_store_idx %arg10[%parallel_loop3A_356, %add3A_103], %parallel_loop3A_358 : memref<64x128xf32, #tpu.memory_space<vmem>>[vector<16xi32>, vector<16xi32>], vector<16xf32>,
        %parallel_loop3A_359 = tpu.vector_load_idx %arg8[%add3A_106, %parallel_loop3A_356] : memref<128x128xf32, #tpu.memory_space<vmem>>[vector<16xi32>, vector<16xi32>], vector<16xf32>,
        tpu.vector_store_idx %arg10[%parallel_loop3A_356, %add3A_106], %parallel_loop3A_359 : memref<64x128xf32, #tpu.memory_space<vmem>>[vector<16xi32>, vector<16xi32>], vector<16xf32>,
        %parallel_loop3A_360 = tpu.vector_load_idx %arg8[%add3A_109, %parallel_loop3A_356] : memref<128x128xf32, #tpu.memory_space<vmem>>[vector<16xi32>, vector<16xi32>], vector<16xf32>,
        tpu.vector_store_idx %arg10[%parallel_loop3A_356, %add3A_109], %parallel_loop3A_360 : memref<64x128xf32, #tpu.memory_space<vmem>>[vector<16xi32>, vector<16xi32>], vector<16xf32>,
        %parallel_loop3A_361 = tpu.vector_load_idx %arg8[%add3A_112, %parallel_loop3A_356] : memref<128x128xf32, #tpu.memory_space<vmem>>[vector<16xi32>, vector<16xi32>], vector<16xf32>,
        tpu.vector_store_idx %arg10[%parallel_loop3A_356, %add3A_112], %parallel_loop3A_361 : memref<64x128xf32, #tpu.memory_space<vmem>>[vector<16xi32>, vector<16xi32>], vector<16xf32>,
        %parallel_loop3A_362 = tpu.vector_load_idx %arg8[%add3A_115, %parallel_loop3A_356] : memref<128x128xf32, #tpu.memory_space<vmem>>[vector<16xi32>, vector<16xi32>], vector<16xf32>,
        tpu.vector_store_idx %arg10[%parallel_loop3A_356, %add3A_115], %parallel_loop3A_362 : memref<64x128xf32, #tpu.memory_space<vmem>>[vector<16xi32>, vector<16xi32>], vector<16xf32>,
        %parallel_loop3A_363 = tpu.vector_load_idx %arg8[%add3A_118, %parallel_loop3A_356] : memref<128x128xf32, #tpu.memory_space<vmem>>[vector<16xi32>, vector<16xi32>], vector<16xf32>,
        tpu.vector_store_idx %arg10[%parallel_loop3A_356, %add3A_118], %parallel_loop3A_363 : memref<64x128xf32, #tpu.memory_space<vmem>>[vector<16xi32>, vector<16xi32>], vector<16xf32>,
        %parallel_loop3A_364 = tpu.vector_load_idx %arg8[%add3A_121, %parallel_loop3A_356] : memref<128x128xf32, #tpu.memory_space<vmem>>[vector<16xi32>, vector<16xi32>], vector<16xf32>,
        tpu.vector_store_idx %arg10[%parallel_loop3A_356, %add3A_121], %parallel_loop3A_364 : memref<64x128xf32, #tpu.memory_space<vmem>>[vector<16xi32>, vector<16xi32>], vector<16xf32>,
        %parallel_loop3A_365 = vector.broadcast %parallel_loop3A_214 : i32 to vector<16xi32>
        %parallel_loop3A_366 = arith.addi %parallel_loop3A_365, %and3A_97 : vector<16xi32>
        %parallel_loop3A_367 = tpu.vector_load_idx %arg8[%add3A_100, %parallel_loop3A_366] : memref<128x128xf32, #tpu.memory_space<vmem>>[vector<16xi32>, vector<16xi32>], vector<16xf32>,
        tpu.vector_store_idx %arg10[%parallel_loop3A_366, %add3A_100], %parallel_loop3A_367 : memref<64x128xf32, #tpu.memory_space<vmem>>[vector<16xi32>, vector<16xi32>], vector<16xf32>,
        %parallel_loop3A_368 = tpu.vector_load_idx %arg8[%add3A_103, %parallel_loop3A_366] : memref<128x128xf32, #tpu.memory_space<vmem>>[vector<16xi32>, vector<16xi32>], vector<16xf32>,
        tpu.vector_store_idx %arg10[%parallel_loop3A_366, %add3A_103], %parallel_loop3A_368 : memref<64x128xf32, #tpu.memory_space<vmem>>[vector<16xi32>, vector<16xi32>], vector<16xf32>,
        %parallel_loop3A_369 = tpu.vector_load_idx %arg8[%add3A_106, %parallel_loop3A_366] : memref<128x128xf32, #tpu.memory_space<vmem>>[vector<16xi32>, vector<16xi32>], vector<16xf32>,
        tpu.vector_store_idx %arg10[%parallel_loop3A_366, %add3A_106], %parallel_loop3A_369 : memref<64x128xf32, #tpu.memory_space<vmem>>[vector<16xi32>, vector<16xi32>], vector<16xf32>,
        %parallel_loop3A_370 = tpu.vector_load_idx %arg8[%add3A_109, %parallel_loop3A_366] : memref<128x128xf32, #tpu.memory_space<vmem>>[vector<16xi32>, vector<16xi32>], vector<16xf32>,
        tpu.vector_store_idx %arg10[%parallel_loop3A_366, %add3A_109], %parallel_loop3A_370 : memref<64x128xf32, #tpu.memory_space<vmem>>[vector<16xi32>, vector<16xi32>], vector<16xf32>,
        %parallel_loop3A_371 = tpu.vector_load_idx %arg8[%add3A_112, %parallel_loop3A_366] : memref<128x128xf32, #tpu.memory_space<vmem>>[vector<16xi32>, vector<16xi32>], vector<16xf32>,
        tpu.vector_store_idx %arg10[%parallel_loop3A_366, %add3A_112], %parallel_loop3A_371 : memref<64x128xf32, #tpu.memory_space<vmem>>[vector<16xi32>, vector<16xi32>], vector<16xf32>,
        %parallel_loop3A_372 = tpu.vector_load_idx %arg8[%add3A_115, %parallel_loop3A_366] : memref<128x128xf32, #tpu.memory_space<vmem>>[vector<16xi32>, vector<16xi32>], vector<16xf32>,
        tpu.vector_store_idx %arg10[%parallel_loop3A_366, %add3A_115], %parallel_loop3A_372 : memref<64x128xf32, #tpu.memory_space<vmem>>[vector<16xi32>, vector<16xi32>], vector<16xf32>,
        %parallel_loop3A_373 = tpu.vector_load_idx %arg8[%add3A_118, %parallel_loop3A_366] : memref<128x128xf32, #tpu.memory_space<vmem>>[vector<16xi32>, vector<16xi32>], vector<16xf32>,
        tpu.vector_store_idx %arg10[%parallel_loop3A_366, %add3A_118], %parallel_loop3A_373 : memref<64x128xf32, #tpu.memory_space<vmem>>[vector<16xi32>, vector<16xi32>], vector<16xf32>,
        %parallel_loop3A_374 = tpu.vector_load_idx %arg8[%add3A_121, %parallel_loop3A_366] : memref<128x128xf32, #tpu.memory_space<vmem>>[vector<16xi32>, vector<16xi32>], vector<16xf32>,
        tpu.vector_store_idx %arg10[%parallel_loop3A_366, %add3A_121], %parallel_loop3A_374 : memref<64x128xf32, #tpu.memory_space<vmem>>[vector<16xi32>, vector<16xi32>], vector<16xf32>,
      } {sc.loop_unroll_factor = 2 : i64, sc.parallel_access}
      %dma_start3A_201 = arith.constant 0 : i32
      %dma_start3A_202 = tpu.memref_slice %arg4[%add3A_156, %dma_start3A_201, %mul3A_2] : memref<50x64x4096xf32, #tpu.memory_space<hbm>> -> memref<1x64x128xf32, #tpu.memory_space<hbm>>
      %dma_start3A_203 = tpu.memref_squeeze %dma_start3A_202 : memref<1x64x128xf32, #tpu.memory_space<hbm>> -> memref<64x128xf32, #tpu.memory_space<hbm>>
      %dma_start3A_204 = arith.constant 0 : i32
      %dma_start3A_205 = tpu.memref_slice %arg4[%add3A_156, %dma_start3A_204, %mul3A_2] : memref<50x64x4096xf32, #tpu.memory_space<hbm>> -> memref<1x64x128xf32, #tpu.memory_space<hbm>>
      %dma_start3A_206 = tpu.memref_squeeze %dma_start3A_205 : memref<1x64x128xf32, #tpu.memory_space<hbm>> -> memref<64x128xf32, #tpu.memory_space<hbm>>
      tpu.enqueue_dma source(%arg10 : memref<64x128xf32, #tpu.memory_space<vmem>>) target(%dma_start3A_206 : memref<64x128xf32, #tpu.memory_space<hbm>>) target_semaphore(%arg16 : memref<!tpu.dma_semaphore, #tpu.memory_space<semaphore_mem>>)
      %lt3A_207 = arith.constant 24 : i32
      %lt3A_208 = arith.cmpi slt, %add3A_152, %lt3A_207 : i32
      %convert_element_type3A_209 = arith.extui %lt3A_208 : i1 to i32
      %cond3A_210 = arith.constant 0 : i32
      %cond3A_211 = arith.cmpi ne, %convert_element_type3A_209, %cond3A_210 : i32
      scf.if %cond3A_211 {
        %add3A_212 = arith.constant 2 : i32
        %add3A_213 = arith.addi %add3A_156, %add3A_212 : i32
        %dma_start3A_214 = tpu.memref_slice %arg3[%add3A_213, %mul3A_2] : memref<50x4096xi32, #tpu.memory_space<hbm>> -> memref<1x128xi32, #tpu.memory_space<hbm>>
        %dma_start3A_215 = tpu.memref_squeeze %dma_start3A_214 : memref<1x128xi32, #tpu.memory_space<hbm>> -> memref<128xi32, #tpu.memory_space<hbm>>
        %dma_start3A_216 = tpu.memref_slice %arg3[%add3A_213, %mul3A_2] : memref<50x4096xi32, #tpu.memory_space<hbm>> -> memref<1x128xi32, #tpu.memory_space<hbm>>
        %dma_start3A_217 = tpu.memref_squeeze %dma_start3A_216 : memref<1x128xi32, #tpu.memory_space<hbm>> -> memref<128xi32, #tpu.memory_space<hbm>>
        tpu.enqueue_dma source(%dma_start3A_217 : memref<128xi32, #tpu.memory_space<hbm>>) target(%arg6 : memref<128xi32, #tpu.memory_space<vmem>>) target_semaphore(%arg12 : memref<!tpu.dma_semaphore, #tpu.memory_space<semaphore_mem>>)
      } else {
      }
    }
    %scan3A_134 = arith.constant 25 : i32
    %dma_wait3A = arith.constant 0 : i32
    %dma_wait3A_135 = arith.constant 0 : i32
    %dma_wait3A_136 = tpu.memref_slice %arg4[%dma_wait3A, %dma_wait3A_135, %mul3A_2] : memref<50x64x4096xf32, #tpu.memory_space<hbm>> -> memref<1x64x128xf32, #tpu.memory_space<hbm>>
    %dma_wait3A_137 = tpu.memref_squeeze %dma_wait3A_136 : memref<1x64x128xf32, #tpu.memory_space<hbm>> -> memref<64x128xf32, #tpu.memory_space<hbm>>
    %dma_wait3A_138 = arith.constant 0 : i32
    %dma_wait3A_139 = tpu.memref_slice %arg4[%dma_wait3A, %dma_wait3A_138, %mul3A_2] : memref<50x64x4096xf32, #tpu.memory_space<hbm>> -> memref<1x64x128xf32, #tpu.memory_space<hbm>>
    %dma_wait3A_140 = tpu.memref_squeeze %dma_wait3A_139 : memref<1x64x128xf32, #tpu.memory_space<hbm>> -> memref<64x128xf32, #tpu.memory_space<hbm>>
    tpu.wait_dma2 semaphore(%arg15 : memref<!tpu.dma_semaphore, #tpu.memory_space<semaphore_mem>>) src(%arg9 : memref<64x128xf32, #tpu.memory_space<vmem>>) dst(%dma_wait3A_140 : memref<64x128xf32, #tpu.memory_space<hbm>>)
    %dma_wait3A_141 = arith.constant 0 : i32
    %dma_wait3A_142 = arith.constant 0 : i32
    %dma_wait3A_143 = tpu.memref_slice %arg4[%dma_wait3A_141, %dma_wait3A_142, %mul3A_2] : memref<50x64x4096xf32, #tpu.memory_space<hbm>> -> memref<1x64x128xf32, #tpu.memory_space<hbm>>
    %dma_wait3A_144 = tpu.memref_squeeze %dma_wait3A_143 : memref<1x64x128xf32, #tpu.memory_space<hbm>> -> memref<64x128xf32, #tpu.memory_space<hbm>>
    %dma_wait3A_145 = arith.constant 0 : i32
    %dma_wait3A_146 = tpu.memref_slice %arg4[%dma_wait3A_141, %dma_wait3A_145, %mul3A_2] : memref<50x64x4096xf32, #tpu.memory_space<hbm>> -> memref<1x64x128xf32, #tpu.memory_space<hbm>>
    %dma_wait3A_147 = tpu.memref_squeeze %dma_wait3A_146 : memref<1x64x128xf32, #tpu.memory_space<hbm>> -> memref<64x128xf32, #tpu.memory_space<hbm>>
    tpu.wait_dma2 semaphore(%arg16 : memref<!tpu.dma_semaphore, #tpu.memory_space<semaphore_mem>>) src(%arg10 : memref<64x128xf32, #tpu.memory_space<vmem>>) dst(%dma_wait3A_147 : memref<64x128xf32, #tpu.memory_space<hbm>>)
    return
  }
}

</mosaic_0001>

<sc_bundles>
// kernel: kernel.3.cloned.1.call-start
scs
__scs_entry_jumppad:
0x0: {  	(pc) =	sbr.rel $0x88, $3  }
0x1: {  	(tag) =	ssettag $0x0;
	lr =	simm.s32 $0x1  }
0x2: {  	[smem:$0x3F9F] =	sst lr;
	_ =	strace $0xD0000000  }
0x3: {  	_ = 	snop  }
0x4: {  	_ = 	snop  }
0x5: {  	_ = 	snop  }
0x6: {  	_ = 	snop  }
0x7: {  	_ = 	snop  }
__scs_overlays_trampoline_lowered:
0x8: {  	[smem:$0x3FAE] =	sst s0  }
0x9: {  	[smem:$0x3FAF] =	sst s1  }
0xa: {  	[smem:$0x3FB0] =	sst s2  }
0xb: {  	[smem:$0x3FB1] =	sst s3  }
0xc: {  	[smem:$0x3FB2] =	sst s4  }
0xd: {  	[smem:$0x3FB3] =	sst s5  }
0xe: {  	[smem:$0x3FB4] =	sst s6  }
0xf: {  	[smem:$0x3FB5] =	sst s7  }
0x10: {  	[smem:$0x3FB6] =	sst s8  }
0x11: {  	[smem:$0x3FB7] =	sst s9;
	s0 =	simm.s32 @!p0 $0x0  }
0x12: {  	s1 =	sld [smem:$0x3F9D];
	s0 =	simm.s32 @p0 $0x1  }
0x13: {  	[smem:$0x3FB8] =	sst s0;
	s0 =	simm.s32 @!p1 $0x0  }
0x14: {  	s2 =	sld [smem:$0x3F9C];
	s0 =	simm.s32 @p1 $0x1  }
0x15: {  	[smem:$0x3FB9] =	sst s0;
	s0 =	simm.s32 @!p2 $0x0  }
0x16: {  	s3 =	sld [smem:$0x3FDB];
	s0 =	simm.s32 @p2 $0x1  }
0x17: {  	s4 =	simm.s32 $0x1BF5;
	[smem:$0x3FBB] =	sst s0  }
0x18: {  	s0 =	sld [smem:$0x3F9E];
	_ =	swait.ge [sflag:s4], $0x0  }
0x19: {  	s7 =	sld [smem:$0x3F9F]  }
0x1a: {  	s8 =	sadd.s32 $0xFFFFE003, lr  }
0x1b: {  	s9 =	sadd.s32 $0xFFFFFEF7, lr;
	s5 =	simm.s32 $0xFFFFFFFF;
	p2 =	slt.u32 s8, $0xFFFFF086  }
0x1c: {  	p1 =	slt.u32 s9, $0xF7A;
	s5 =	simm.s32 @!p2 $0x0  }
0x1d: {  	s5 =	simm.s32 @p1 $0x1;
	p0 =	seq.s32 s7, s2  }
0x1e: {  	s7 =	smul.u32 @!p0 $0xF7A, s2;
	p2 =	seq.s32 @!p0 s5, $0x0  }
0x1f: {  	s9 =	smul.u32 $0xF7A, s1;
	s8 =	simm.s32 @!p0 $0x1BF5;
	p2 =	por !p2, p0  }
0x20: {  	[sflag:s8] =	ssyncset.s32 @!p0 $0xFFFFF086;
	s6 =	sadd.s32 @!p0 s3, s7;
	s7 =	simm.s32 @!p0 $0x108  }
0x21: {  	s3 =	sadd.s32 s3, s9;
	s6 =	sadd.s32 @!p0 $0x88, s6;
	s7 =	simm.s32 @p2 $0x1082  }
0x22: {  	[simem:s7], [sflag:s8] =	dma.local @!p0 [hbm:s6], $0xF7A  }
0x23: {  	s9 =	sor.u32 $0xD0000000, s2;
	s6 =	simm.s32 $0x108;
	_ =	swait.ge @!p0 [sflag:s8], $0x0  }
0x24: {  	s3 =	sadd.s32 $0x88, s3;
	s6 =	simm.s32 @!p1 $0x1082;
	[sflag:s4] =	ssyncset.s32 $0xFFFFF086  }
0x25: {  	[simem:s6], [sflag:s4] =	dma.local [hbm:s3], $0xF7A  }
0x26: {  	[smem:$0x3F9F] =	sst s1;
	(tag) =	ssettag s2;
	_ =	strace s9  }
0x27: {  	s1 =	sld [smem:$0x3FAF]  }
0x28: {  	s2 =	sld [smem:$0x3FB0]  }
0x29: {  	s4 =	sld [smem:$0x3FB2]  }
0x2a: {  	p0 =	seq.s32 s5, $0x0;
	s5 =	sld [smem:$0x3FB3]  }
0x2b: {  	s6 =	sld [smem:$0x3FB4]  }
0x2c: {  	s7 =	sld [smem:$0x3FB5]  }
0x2d: {  	s3 =	simm.s32 $0x108;
	s8 =	sld [smem:$0x3FB6]  }
0x2e: {  	s3 =	simm.s32 @!p0 $0x1082;
	s9 =	sld [smem:$0x3FB7]  }
0x2f: {  	lr =	sadd.s32 s0, s3;
	s0 =	sld [smem:$0x3FAE]  }
0x30: {  	s3 =	sld [smem:$0x3FB1]  }
0x31: {  	[smem:$0x3FBA] =	sst s10  }
0x32: {  	s10 =	sld [smem:$0x3FB8];
	_ =	sdelay $0x3  }
0x33: {  	p0 =	seq.s32 s10, $0x1;
	s10 =	sld [smem:$0x3FBA];
	_ =	sdelay $0x3  }
0x34: {  	[smem:$0x3FBA] =	sst s10  }
0x35: {  	s10 =	sld [smem:$0x3FB9];
	_ =	sdelay $0x3  }
0x36: {  	p1 =	seq.s32 s10, $0x1;
	s10 =	sld [smem:$0x3FBA];
	_ =	sdelay $0x3  }
0x37: {  	[smem:$0x3FBA] =	sst s10  }
0x38: {  	s10 =	sld [smem:$0x3FBB]  }
0x39: {  	_ = 	snop;
	(pc) =	sbr.ind lr, $3  }
0x3a: {  	_ = 	snop  }
0x3b: {  	_ = 	snop  }
0x3c: {  	p2 =	seq.s32 s10, $0x1;
	s10 =	sld [smem:$0x3FBA]  }
0x3d: {  	_ =	shalt  }
0x3e: {  	_ =	shalt  }
0x3f: {  	_ =	shalt  }
0x40: {  	_ =	shalt  }
0x41: {  	_ =	shalt  }
0x42: {  	_ =	shalt  }
0x43: {  	_ =	shalt  }
0x44: {  	_ =	shalt  }
0x45: {  	_ =	shalt  }
0x46: {  	_ =	shalt  }
0x47: {  	_ =	shalt  }
0x48: {  	_ =	shalt  }
0x49: {  	_ =	shalt  }
0x4a: {  	_ =	shalt  }
0x4b: {  	_ =	shalt  }
0x4c: {  	_ =	shalt  }
0x4d: {  	_ =	shalt  }
0x4e: {  	_ =	shalt  }
0x4f: {  	_ =	shalt  }
0x50: {  	_ =	shalt  }
0x51: {  	_ =	shalt  }
0x52: {  	_ =	shalt  }
0x53: {  	_ =	shalt  }
0x54: {  	_ =	shalt  }
0x55: {  	_ =	shalt  }
0x56: {  	_ =	shalt  }
0x57: {  	_ =	shalt  }
0x58: {  	_ =	shalt  }
0x59: {  	_ =	shalt  }
0x5a: {  	_ =	shalt  }
0x5b: {  	_ =	shalt  }
0x5c: {  	_ =	shalt  }
0x5d: {  	_ =	shalt  }
0x5e: {  	_ =	shalt  }
0x5f: {  	_ =	shalt  }
0x60: {  	_ =	shalt  }
0x61: {  	_ =	shalt  }
0x62: {  	_ =	shalt  }
0x63: {  	_ =	shalt  }
0x64: {  	_ =	shalt  }
0x65: {  	_ =	shalt  }
0x66: {  	_ =	shalt  }
0x67: {  	_ =	shalt  }
0x68: {  	_ =	shalt  }
0x69: {  	_ =	shalt  }
0x6a: {  	_ =	shalt  }
0x6b: {  	_ =	shalt  }
0x6c: {  	_ =	shalt  }
0x6d: {  	_ =	shalt  }
0x6e: {  	_ =	shalt  }
0x6f: {  	_ =	shalt  }
0x70: {  	_ =	shalt  }
0x71: {  	_ =	shalt  }
0x72: {  	_ =	shalt  }
0x73: {  	_ =	shalt  }
0x74: {  	_ =	shalt  }
0x75: {  	_ =	shalt  }
0x76: {  	_ =	shalt  }
0x77: {  	_ =	shalt  }
0x78: {  	_ =	shalt  }
0x79: {  	_ =	shalt  }
0x7a: {  	_ =	shalt  }
0x7b: {  	_ =	shalt  }
0x7c: {  	_ =	shalt  }
0x7d: {  	_ =	shalt  }
0x7e: {  	_ =	shalt  }
0x7f: {  	_ =	shalt  }
0x80: {  	_ =	shalt  }
0x81: {  	_ =	shalt  }
0x82: {  	_ =	shalt  }
0x83: {  	_ =	shalt  }
0x84: {  	_ =	shalt  }
0x85: {  	_ =	shalt  }
0x86: {  	_ =	shalt  }
0x87: {  	_ =	shalt  }
.Lfunc_end0:
.L_simem_size_0:
called_computation_lowered:
.L_overlay_start_0:
0x88: {  	s2 =	sld [smem:$0x3FD9]  }
0x89: {  	s3 =	sld [smem:$0x3FFE];
	_ =	sdelay $0x1  }
0x8a: {  	s1 =	srdreg.scid  }
0x8b: {  	s0 =	sand.u32 $0x1, s1  }
0x8c: {  	s17 =	sshll.u32 s0, $0xA;
	s2 =	sadd.s32 s3, s2  }
0x8d: {  	s2 =	sadd.s32 s2, s17  }
0x8e: {  	[smem:$0x3FC6] =	sst s2  }
0x8f: {  	_ = 	snop  }
0x90: {  	s2 =	sld [smem:$0x3FC9]  }
0x91: {  	s18 =	sld [smem:$0x3FD0];
	(tm) =	ssettm $0x1  }
0x92: {  	s4 =	sld [smem:$0x3FFB];
	_ =	sdelay $0x3  }
0x93: {  	_ =	strace s4  }
0x94: {  	s4 =	sld [smem:$0x3FFC];
	_ =	sdelay $0x3  }
0x95: {  	_ =	strace s4  }
0x96: {  	s4 =	sld [smem:$0x3FFD];
	_ =	sdelay $0x3  }
0x97: {  	_ =	strace s4  }
0x98: {  	_ =	strace $0x8FFFFFFF  }
0x99: {  	s19 =	sld [smem:$0x3FDB];
	_ =	sdelay $0x1  }
0x9a: {  	s5 =	simm.s32 $_scs_section_size  }
0x9b: {  	s6 =	simm.s32 $_size__tile_overlayer_lowered;
	s7 =	simm.s32 $_tile_overlayer_lowered  }
0x9c: {  	s22 =	simm.s32 $0x1BFF;
	s21 =	sshll.u32 s7, $0x1;
	s4 =	sadd.s32 s5, s19  }
0x9d: {  	s8 =	simm.s32 $0x0;
	s20 =	sshll.u32 s6, $0x1;
	s6 =	sadd.s32 s21, s4  }
0x9e: {  	[timem:s8], [sflag:s22] =	dma.local [hbm:s6], s20  }
0x9f: {  	_ =	swait.ge [sflag:s22], s20  }
0xa0: {  	s5 =	ssub.s32 $0x0, s20;
	[sflag:s22] =	ssyncset.done $0x0  }
0xa1: {  	[sflag:s22] =	ssyncadd.s32 s5;
	_ =	sdelay $0x1  }
0xa2: {  	s23 =	simm.s32 $0x1B8B  }
0xa3: {  	_ =	swait.ge [sflag:s23], $0x1  }
0xa4: {  	[sflag:s23] =	ssyncset.done $0x0  }
0xa5: {  	s25 =	simm.s32 $0x1B8E;
	s24 =	sld [smem:$0x3FFE];
	[sflag:s23] =	ssyncadd.s32 $0xFFFFFFFF  }
0xa6: {  	s26 =	simm.s32 $execute0_lowered;
	[smem:$0x3FD2] =	sst s25  }
0xa7: {  	s6 =	sshll.u32 s26, $0x1;
	_ =	strace $0x80000046;
	[dreg:$0x1] =	wrdreg $0xFFFFFFFF  }
0xa8: {  	s28 =	simm.s32 $_size_execute0_lowered;
	s4 =	sadd.s32 s4, s6;
	[dreg:$0x0] =	wrdreg $0x0  }
0xa9: {  	s6 =	sshll.u32 s28, $0x1;
	[dreg:$0x2] =	wrdreg s4  }
0xaa: {  	[dreg:$0x3] =	wrdreg s6  }
0xab: {  	[dreg:$0x4] =	wrdreg $0xC0  }
0xac: {  	_ =	task [dreg:s8], $0x5FFFF  }
0xad: {  	[dreg:$0x1] =	wrdreg $0xFFFFFFFF  }
0xae: {  	[dreg:$0x0] =	wrdreg $0x60  }
0xaf: {  	[dreg:$0x2] =	wrdreg s24  }
0xb0: {  	[dreg:$0x3] =	wrdreg s2  }
0xb1: {  	[dreg:$0x4] =	wrdreg s18  }
0xb2: {  	[dreg:$0x5] =	wrdreg $0x9  }
0xb3: {  	_ =	task.clear_ibuf [dreg:s8], $0x6FFFF;
	_ =	strace $0x90000046  }
0xb4: {  	s29 =	simm.s32 $0x9;
	_ =	strace $0x80000048  }
0xb5: {  	_ =	swait.ge [sflag:s29], $0x1  }
0xb6: {  	[sflag:s29] =	ssyncadd.s32 $0xFFFFFFFF  }
0xb7: {  	_ =	strace $0x90000048  }
0xb8: {  	_ =	sfence  }
0xb9: {  	s30 =	sld [smem:$0x0];
	_ =	sdelay $0x2  }
0xba: {  	s31 =	sshll.u32 s1, $0xD;
	s1 =	sshrl.u32 s1, $0x2  }
0xbb: {  	s3 =	sand.u32 $0x4000, s31;
	s1 =	sadd.s32 s1, s30  }
0xbc: {  	s0 =	sor.u32 s3, s0;
	s1 =	sshll.u32 s1, $0x11  }
0xbd: {  	s0 =	sor.u32 s1, s0  }
0xbe: {  	s0 =	sadd.s32 $0x8F2B, s0  }
0xbf: {  	[sflag:s0] =	ssyncadd.remote.s32 $0x1  }
0xc0: {  	_ =	sfence.sel $0xFFFF  }
0xc1: {  	[dreg:$0x0] =	wrdreg $0xFFFFFFFF;
	(pc) =	sbr.abs _section_cstart, $3  }
0xc2: {  	[dreg:$0x1] =	wrdreg $0xFFFFFFFF  }
0xc3: {  	_ =	task.clear_ibuf [dreg:s8], $0x2FFFF;
	_ =	strace $0x9FFFFFFF  }
0xc4: {  	(tm) =	ssettm $0x7FFFFFFF  }
0xc5: {  	_ =	shalt  }
tec
execute0_lowered:
.L_overlay_start_1:
0x0: {  	(tag) =	ssettag $0x1  }
0x1: {  	v0 =	vimm.s32 $0x700;
	vm0 =	vcmask $0x300  }
0x2: {  	v1 =	vimm.s32 $0x600;
	v2 =	vsel vm0, $0x780, v0;
	v0 =	vimm.s32 $0x680  }
0x3: {  	v4 =	vsel vm0, $0x680, v1;
	v3 =	vsel vm0, $0x700, v0;
	v0 =	vimm.s32 $0x580  }
0x4: {  	v1 =	vimm.s32 $0x480;
	v6 =	vsel vm0, $0x600, v0;
	v0 =	vimm.s32 $0x500  }
0x5: {  	v10 =	vsel vm0, $0x500, v1;
	v8 =	vsel vm0, $0x580, v0;
	v0 =	vimm.s32 $0x400  }
0x6: {  	v1 =	vimm.s32 $0x300;
	v11 =	vsel vm0, $0x480, v0;
	v0 =	vimm.s32 $0x380  }
0x7: {  	v13 =	vsel vm0, $0x380, v1;
	v12 =	vsel vm0, $0x400, v0;
	v0 =	vimm.s32 $0x280  }
0x8: {  	v1 =	vimm.s32 $0x180;
	v14 =	vsel vm0, $0x300, v0;
	v0 =	vimm.s32 $0x200  }
0x9: {  	v16 =	vsel vm0, $0x200, v1;
	v15 =	vsel vm0, $0x280, v0;
	v0 =	vimm.s32 $0x100  }
0xa: {  	v1 =	vimm.s32 $0x0;
	v17 =	vsel vm0, $0x180, v0;
	v0 =	vimm.s32 $0x80  }
0xb: {  	v19 =	vsel vm0, $0x80, v1;
	v18 =	vsel vm0, $0x100, v0;
	v0 =	vimm.s32 $0x780  }
0xc: {  	v1 =	vimm.s32 $0x1780;
	v20 =	vsel vm0, $0x1, v0;
	v0 =	vimm.s32 $0xF80  }
0xd: {  	v22 =	vsel vm0, $0x1001, v1;
	v21 =	vsel vm0, $0x801, v0;
	v0 =	vimm.s32 $0x1F80  }
0xe: {  	v1 =	vimm.s32 $0x2F80;
	v23 =	vsel vm0, $0x1801, v0;
	v0 =	vimm.s32 $0x2780  }
0xf: {  	v25 =	vsel vm0, $0x2801, v1;
	v24 =	vsel vm0, $0x2001, v0;
	v0 =	vimm.s32 $0x3780  }
0x10: {  	v1 =	vimm.s32 $0x781;
	v26 =	vsel vm0, $0x3001, v0;
	v0 =	vimm.s32 $0x3F80  }
0x11: {  	v28 =	vsel vm0, $0x2, v1;
	v27 =	vsel vm0, $0x3801, v0;
	v0 =	vimm.s32 $0xF81  }
0x12: {  	v1 =	vimm.s32 $0x1F81;
	v29 =	vsel vm0, $0x802, v0;
	v0 =	vimm.s32 $0x1781  }
0x13: {  	v31 =	vsel vm0, $0x1802, v1;
	v30 =	vsel vm0, $0x1002, v0;
	v0 =	vimm.s32 $0x2781  }
0x14: {  	v1 =	vimm.s32 $0x3781;
	v32 =	vsel vm0, $0x2002, v0;
	v0 =	vimm.s32 $0x2F81  }
0x15: {  	v34 =	vsel vm0, $0x3002, v1;
	v33 =	vsel vm0, $0x2802, v0;
	v0 =	vimm.s32 $0x3F81  }
0x16: {  	v1 =	vimm.s32 $0xF82;
	v35 =	vsel vm0, $0x3802, v0;
	v0 =	vimm.s32 $0x782  }
0x17: {  	v37 =	vsel vm0, $0x803, v1;
	v36 =	vsel vm0, $0x3, v0;
	v0 =	vimm.s32 $0x1782  }
0x18: {  	v1 =	vimm.s32 $0x2782;
	v38 =	vsel vm0, $0x1003, v0;
	v0 =	vimm.s32 $0x1F82  }
0x19: {  	v40 =	vsel vm0, $0x2003, v1;
	v39 =	vsel vm0, $0x1803, v0;
	v0 =	vimm.s32 $0x2F82  }
0x1a: {  	v1 =	vimm.s32 $0x3F82;
	v41 =	vsel vm0, $0x2803, v0;
	v0 =	vimm.s32 $0x3782  }
0x1b: {  	v43 =	vsel vm0, $0x3803, v1;
	v42 =	vsel vm0, $0x3003, v0;
	v0 =	vimm.s32 $0x783  }
0x1c: {  	v1 =	vimm.s32 $0x1783;
	v44 =	vsel vm0, $0x4, v0;
	v0 =	vimm.s32 $0xF83  }
0x1d: {  	v46 =	vsel vm0, $0x1004, v1;
	v45 =	vsel vm0, $0x804, v0;
	v0 =	vimm.s32 $0x1F83  }
0x1e: {  	v1 =	vimm.s32 $0x2F83;
	v47 =	vsel vm0, $0x1804, v0;
	v0 =	vimm.s32 $0x2783  }
0x1f: {  	v49 =	vsel vm0, $0x2804, v1;
	v48 =	vsel vm0, $0x2004, v0;
	v0 =	vimm.s32 $0x3783  }
0x20: {  	v1 =	vimm.s32 $0x784;
	v50 =	vsel vm0, $0x3004, v0;
	v0 =	vimm.s32 $0x3F83  }
0x21: {  	v52 =	vsel vm0, $0x5, v1;
	v51 =	vsel vm0, $0x3804, v0;
	v0 =	vimm.s32 $0xF84  }
0x22: {  	v1 =	vimm.s32 $0x1F84;
	v53 =	vsel vm0, $0x805, v0;
	v0 =	vimm.s32 $0x1784  }
0x23: {  	v55 =	vsel vm0, $0x1805, v1;
	v54 =	vsel vm0, $0x1005, v0;
	v0 =	vimm.s32 $0x2784  }
0x24: {  	v1 =	vimm.s32 $0x3784;
	v56 =	vsel vm0, $0x2005, v0;
	v0 =	vimm.s32 $0x2F84  }
0x25: {  	v58 =	vsel vm0, $0x3005, v1;
	v57 =	vsel vm0, $0x2805, v0;
	v0 =	vimm.s32 $0x3F84  }
0x26: {  	v1 =	vimm.s32 $0xF85;
	v59 =	vsel vm0, $0x3805, v0;
	v0 =	vimm.s32 $0x785  }
0x27: {  	v61 =	vsel vm0, $0x806, v1;
	v60 =	vsel vm0, $0x6, v0;
	v0 =	vimm.s32 $0x1785  }
0x28: {  	v1 =	vimm.s32 $0x2785;
	v62 =	vsel vm0, $0x1006, v0;
	v0 =	vimm.s32 $0x1F85  }
0x29: {  	v63 =	vsel vm0, $0x1806, v0;
	v0 =	vsel vm0, $0x2006, v1  }
0x2a: {  	[tilespmem:$0x1B530] =	vst v0;
	v0 =	vimm.s32 $0x2F85  }
0x2b: {  	v0 =	vsel vm0, $0x2806, v0  }
0x2c: {  	[tilespmem:$0x1B540] =	vst v0;
	v0 =	vimm.s32 $0x3785  }
0x2d: {  	v0 =	vsel vm0, $0x3006, v0  }
0x2e: {  	[tilespmem:$0x1B550] =	vst v0  }
0x2f: {  	v9 =	vld [tilespmem:$0x1B550];
	_ =	sdelay $0x2  }
0x30: {  	v1 =	vimm.s32 $0x3F85  }
0x31: {  	vm1 =	vcmask $0x704;
	v0 =	vsel vm0, $0x3806, v1  }
0x32: {  	[tilespmem:$0x1B560] =	vst v0;
	v9 =	vsel vm1, $0x3087, v9  }
0x33: {  	[tilespmem:$0x1B9D0] =	vst v9;
	v9 =	vld [tilespmem:$0x1B560];
	_ =	sdelay $0x2  }
0x34: {  	v0 =	vimm.s32 $0x786  }
0x35: {  	v0 =	vsel vm0, $0x7, v0  }
0x36: {  	[tilespmem:$0x1B570] =	vst v0;
	v9 =	vsel vm1, $0x3887, v9  }
0x37: {  	[tilespmem:$0x1B9E0] =	vst v9;
	v9 =	vld [tilespmem:$0x1B570];
	_ =	sdelay $0x2  }
0x38: {  	v0 =	vimm.s32 $0xF86  }
0x39: {  	v0 =	vsel vm0, $0x807, v0  }
0x3a: {  	[tilespmem:$0x1B580] =	vst v0;
	v9 =	vsel vm1, $0x88, v9  }
0x3b: {  	[tilespmem:$0x1B9F0] =	vst v9;
	v9 =	vld [tilespmem:$0x1B580];
	_ =	sdelay $0x2  }
0x3c: {  	v1 =	vimm.s32 $0x1786  }
0x3d: {  	v0 =	vsel vm0, $0x1007, v1  }
0x3e: {  	[tilespmem:$0x1B590] =	vst v0;
	v9 =	vsel vm1, $0x888, v9  }
0x3f: {  	[tilespmem:$0x1BA00] =	vst v9;
	v9 =	vld [tilespmem:$0x1B590];
	_ =	sdelay $0x2  }
0x40: {  	v0 =	vimm.s32 $0x1F86  }
0x41: {  	v0 =	vsel vm0, $0x1807, v0  }
0x42: {  	[tilespmem:$0x1B5A0] =	vst v0;
	v9 =	vsel vm1, $0x1088, v9  }
0x43: {  	[tilespmem:$0x1BA10] =	vst v9;
	v9 =	vld [tilespmem:$0x1B5A0];
	_ =	sdelay $0x2  }
0x44: {  	v0 =	vimm.s32 $0x2786  }
0x45: {  	v0 =	vsel vm0, $0x2007, v0  }
0x46: {  	[tilespmem:$0x1B5B0] =	vst v0;
	v9 =	vsel vm1, $0x1888, v9  }
0x47: {  	[tilespmem:$0x1BA20] =	vst v9;
	v9 =	vld [tilespmem:$0x1B5B0];
	_ =	sdelay $0x2  }
0x48: {  	v1 =	vimm.s32 $0x2F86  }
0x49: {  	v0 =	vsel vm0, $0x2807, v1  }
0x4a: {  	[tilespmem:$0x1B5C0] =	vst v0;
	v9 =	vsel vm1, $0x2088, v9  }
0x4b: {  	[tilespmem:$0x1BA30] =	vst v9;
	v9 =	vld [tilespmem:$0x1B5C0];
	_ =	sdelay $0x2  }
0x4c: {  	v0 =	vimm.s32 $0x3786  }
0x4d: {  	v0 =	vsel vm0, $0x3007, v0  }
0x4e: {  	[tilespmem:$0x1B5D0] =	vst v0;
	v9 =	vsel vm1, $0x2888, v9  }
0x4f: {  	[tilespmem:$0x1BA40] =	vst v9;
	v9 =	vld [tilespmem:$0x1B5D0];
	_ =	sdelay $0x2  }
0x50: {  	v0 =	vimm.s32 $0x3F86  }
0x51: {  	v0 =	vsel vm0, $0x3807, v0  }
0x52: {  	[tilespmem:$0x1B5E0] =	vst v0;
	v9 =	vsel vm1, $0x3088, v9  }
0x53: {  	[tilespmem:$0x1BA50] =	vst v9;
	v9 =	vld [tilespmem:$0x1B5E0];
	_ =	sdelay $0x2  }
0x54: {  	v1 =	vimm.s32 $0x787  }
0x55: {  	v0 =	vsel vm0, $0x8, v1  }
0x56: {  	[tilespmem:$0x1B5F0] =	vst v0;
	v9 =	vsel vm1, $0x3888, v9  }
0x57: {  	[tilespmem:$0x1BA60] =	vst v9;
	v9 =	vld [tilespmem:$0x1B5F0];
	_ =	sdelay $0x2  }
0x58: {  	v0 =	vimm.s32 $0xF87  }
0x59: {  	v0 =	vsel vm0, $0x808, v0  }
0x5a: {  	[tilespmem:$0x1B600] =	vst v0;
	v9 =	vsel vm1, $0x89, v9  }
0x5b: {  	[tilespmem:$0x1BA70] =	vst v9;
	v9 =	vld [tilespmem:$0x1B600];
	_ =	sdelay $0x2  }
0x5c: {  	v0 =	vimm.s32 $0x1787  }
0x5d: {  	v0 =	vsel vm0, $0x1008, v0  }
0x5e: {  	[tilespmem:$0x1B610] =	vst v0;
	v9 =	vsel vm1, $0x889, v9  }
0x5f: {  	[tilespmem:$0x1BA80] =	vst v9;
	v9 =	vld [tilespmem:$0x1B610];
	_ =	sdelay $0x2  }
0x60: {  	v1 =	vimm.s32 $0x1F87  }
0x61: {  	v0 =	vsel vm0, $0x1808, v1  }
0x62: {  	[tilespmem:$0x1B620] =	vst v0;
	v9 =	vsel vm1, $0x1089, v9  }
0x63: {  	[tilespmem:$0x1BA90] =	vst v9;
	v9 =	vld [tilespmem:$0x1B620];
	_ =	sdelay $0x2  }
0x64: {  	v0 =	vimm.s32 $0x2787  }
0x65: {  	v0 =	vsel vm0, $0x2008, v0  }
0x66: {  	[tilespmem:$0x1B630] =	vst v0;
	v9 =	vsel vm1, $0x1889, v9  }
0x67: {  	[tilespmem:$0x1BAA0] =	vst v9;
	v9 =	vld [tilespmem:$0x1B630];
	_ =	sdelay $0x2  }
0x68: {  	v0 =	vimm.s32 $0x2F87  }
0x69: {  	v0 =	vsel vm0, $0x2808, v0  }
0x6a: {  	[tilespmem:$0x1B640] =	vst v0;
	v9 =	vsel vm1, $0x2089, v9  }
0x6b: {  	[tilespmem:$0x1BAB0] =	vst v9;
	v9 =	vld [tilespmem:$0x1B640];
	_ =	sdelay $0x2  }
0x6c: {  	v1 =	vimm.s32 $0x3787  }
0x6d: {  	v0 =	vsel vm0, $0x3008, v1  }
0x6e: {  	[tilespmem:$0x1B650] =	vst v0;
	v9 =	vsel vm1, $0x2889, v9  }
0x6f: {  	[tilespmem:$0x1BAC0] =	vst v9;
	v9 =	vld [tilespmem:$0x1B650];
	_ =	sdelay $0x2  }
0x70: {  	v0 =	vimm.s32 $0x3F87  }
0x71: {  	v0 =	vsel vm0, $0x3808, v0  }
0x72: {  	[tilespmem:$0x1B660] =	vst v0;
	v9 =	vsel vm1, $0x3089, v9  }
0x73: {  	[tilespmem:$0x1BAD0] =	vst v9;
	v9 =	vld [tilespmem:$0x1B660];
	_ =	sdelay $0x2  }
0x74: {  	v0 =	vimm.s32 $0x788  }
0x75: {  	v0 =	vsel vm0, $0x9, v0  }
0x76: {  	[tilespmem:$0x1B670] =	vst v0;
	v9 =	vsel vm1, $0x3889, v9  }
0x77: {  	[tilespmem:$0x1BAE0] =	vst v9;
	v9 =	vld [tilespmem:$0x1B670];
	_ =	sdelay $0x2  }
0x78: {  	v1 =	vimm.s32 $0xF88  }
0x79: {  	v0 =	vsel vm0, $0x809, v1  }
0x7a: {  	[tilespmem:$0x1B680] =	vst v0;
	v9 =	vsel vm1, $0x8A, v9  }
0x7b: {  	[tilespmem:$0x1BAF0] =	vst v9;
	v9 =	vld [tilespmem:$0x1B680];
	_ =	sdelay $0x2  }
0x7c: {  	v0 =	vimm.s32 $0x1788  }
0x7d: {  	v0 =	vsel vm0, $0x1009, v0  }
0x7e: {  	[tilespmem:$0x1B690] =	vst v0;
	v9 =	vsel vm1, $0x88A, v9  }
0x7f: {  	[tilespmem:$0x1BB00] =	vst v9;
	v9 =	vld [tilespmem:$0x1B690];
	_ =	sdelay $0x2  }
0x80: {  	v0 =	vimm.s32 $0x1F88  }
0x81: {  	v0 =	vsel vm0, $0x1809, v0  }
0x82: {  	[tilespmem:$0x1B6A0] =	vst v0;
	v9 =	vsel vm1, $0x108A, v9  }
0x83: {  	[tilespmem:$0x1BB10] =	vst v9;
	v9 =	vld [tilespmem:$0x1B6A0];
	_ =	sdelay $0x2  }
0x84: {  	v1 =	vimm.s32 $0x2788  }
0x85: {  	v0 =	vsel vm0, $0x2009, v1  }
0x86: {  	[tilespmem:$0x1B6B0] =	vst v0;
	v9 =	vsel vm1, $0x188A, v9  }
0x87: {  	[tilespmem:$0x1BB20] =	vst v9;
	v9 =	vld [tilespmem:$0x1B6B0];
	_ =	sdelay $0x2  }
0x88: {  	v0 =	vimm.s32 $0x2F88  }
0x89: {  	v0 =	vsel vm0, $0x2809, v0  }
0x8a: {  	[tilespmem:$0x1B6C0] =	vst v0;
	v9 =	vsel vm1, $0x208A, v9  }
0x8b: {  	[tilespmem:$0x1BB30] =	vst v9;
	v9 =	vld [tilespmem:$0x1B6C0];
	_ =	sdelay $0x2  }
0x8c: {  	v0 =	vimm.s32 $0x3788  }
0x8d: {  	v0 =	vsel vm0, $0x3009, v0  }
0x8e: {  	[tilespmem:$0x1B6D0] =	vst v0;
	v9 =	vsel vm1, $0x288A, v9  }
0x8f: {  	[tilespmem:$0x1BB40] =	vst v9;
	v9 =	vld [tilespmem:$0x1B6D0];
	_ =	sdelay $0x2  }
0x90: {  	v1 =	vimm.s32 $0x3F88  }
0x91: {  	v0 =	vsel vm0, $0x3809, v1  }
0x92: {  	[tilespmem:$0x1B6E0] =	vst v0;
	v9 =	vsel vm1, $0x308A, v9  }
0x93: {  	[tilespmem:$0x1BB50] =	vst v9;
	v9 =	vld [tilespmem:$0x1B6E0];
	_ =	sdelay $0x2  }
0x94: {  	v0 =	vimm.s32 $0x789  }
0x95: {  	v0 =	vsel vm0, $0xA, v0  }
0x96: {  	[tilespmem:$0x1B6F0] =	vst v0;
	v9 =	vsel vm1, $0x388A, v9  }
0x97: {  	[tilespmem:$0x1BB60] =	vst v9;
	v9 =	vld [tilespmem:$0x1B6F0];
	_ =	sdelay $0x2  }
0x98: {  	v0 =	vimm.s32 $0xF89  }
0x99: {  	v0 =	vsel vm0, $0x80A, v0  }
0x9a: {  	[tilespmem:$0x1B700] =	vst v0;
	v9 =	vsel vm1, $0x8B, v9  }
0x9b: {  	[tilespmem:$0x1BB70] =	vst v9;
	v9 =	vld [tilespmem:$0x1B700];
	_ =	sdelay $0x2  }
0x9c: {  	v1 =	vimm.s32 $0x1789  }
0x9d: {  	v0 =	vsel vm0, $0x100A, v1  }
0x9e: {  	[tilespmem:$0x1B710] =	vst v0;
	v9 =	vsel vm1, $0x88B, v9  }
0x9f: {  	[tilespmem:$0x1BB80] =	vst v9;
	v9 =	vld [tilespmem:$0x1B710];
	_ =	sdelay $0x2  }
0xa0: {  	v0 =	vimm.s32 $0x1F89  }
0xa1: {  	v0 =	vsel vm0, $0x180A, v0  }
0xa2: {  	[tilespmem:$0x1B720] =	vst v0;
	v9 =	vsel vm1, $0x108B, v9  }
0xa3: {  	[tilespmem:$0x1BB90] =	vst v9;
	v9 =	vld [tilespmem:$0x1B720];
	_ =	sdelay $0x2  }
0xa4: {  	v0 =	vimm.s32 $0x2789  }
0xa5: {  	v0 =	vsel vm0, $0x200A, v0  }
0xa6: {  	[tilespmem:$0x1B730] =	vst v0;
	v9 =	vsel vm1, $0x188B, v9  }
0xa7: {  	[tilespmem:$0x1BBA0] =	vst v9;
	v9 =	vld [tilespmem:$0x1B730];
	_ =	sdelay $0x2  }
0xa8: {  	v1 =	vimm.s32 $0x2F89  }
0xa9: {  	v0 =	vsel vm0, $0x280A, v1  }
0xaa: {  	[tilespmem:$0x1B740] =	vst v0;
	v9 =	vsel vm1, $0x208B, v9  }
0xab: {  	[tilespmem:$0x1BBB0] =	vst v9;
	v9 =	vld [tilespmem:$0x1B740];
	_ =	sdelay $0x2  }
0xac: {  	v0 =	vimm.s32 $0x3789  }
0xad: {  	v0 =	vsel vm0, $0x300A, v0  }
0xae: {  	[tilespmem:$0x1B750] =	vst v0;
	v9 =	vsel vm1, $0x288B, v9  }
0xaf: {  	[tilespmem:$0x1BBC0] =	vst v9;
	v9 =	vld [tilespmem:$0x1B750];
	_ =	sdelay $0x2  }
0xb0: {  	v0 =	vimm.s32 $0x3F89  }
0xb1: {  	v0 =	vsel vm0, $0x380A, v0  }
0xb2: {  	[tilespmem:$0x1B760] =	vst v0;
	v9 =	vsel vm1, $0x308B, v9  }
0xb3: {  	[tilespmem:$0x1BBD0] =	vst v9;
	v9 =	vld [tilespmem:$0x1B760];
	_ =	sdelay $0x2  }
0xb4: {  	v1 =	vimm.s32 $0x78A  }
0xb5: {  	v0 =	vsel vm0, $0xB, v1  }
0xb6: {  	[tilespmem:$0x1B770] =	vst v0;
	v9 =	vsel vm1, $0x388B, v9  }
0xb7: {  	[tilespmem:$0x1BBE0] =	vst v9;
	v9 =	vld [tilespmem:$0x1B770];
	_ =	sdelay $0x2  }
0xb8: {  	v0 =	vimm.s32 $0xF8A  }
0xb9: {  	v0 =	vsel vm0, $0x80B, v0  }
0xba: {  	[tilespmem:$0x1B780] =	vst v0;
	v9 =	vsel vm1, $0x8C, v9  }
0xbb: {  	[tilespmem:$0x1BBF0] =	vst v9;
	v9 =	vld [tilespmem:$0x1B780];
	_ =	sdelay $0x2  }
0xbc: {  	v0 =	vimm.s32 $0x178A  }
0xbd: {  	v0 =	vsel vm0, $0x100B, v0  }
0xbe: {  	[tilespmem:$0x1B790] =	vst v0;
	v9 =	vsel vm1, $0x88C, v9  }
0xbf: {  	[tilespmem:$0x1BC00] =	vst v9;
	v9 =	vld [tilespmem:$0x1B790];
	_ =	sdelay $0x2  }
0xc0: {  	v1 =	vimm.s32 $0x1F8A  }
0xc1: {  	v0 =	vsel vm0, $0x180B, v1  }
0xc2: {  	[tilespmem:$0x1B7A0] =	vst v0;
	v9 =	vsel vm1, $0x108C, v9  }
0xc3: {  	[tilespmem:$0x1BC10] =	vst v9;
	v9 =	vld [tilespmem:$0x1B7A0];
	_ =	sdelay $0x2  }
0xc4: {  	v0 =	vimm.s32 $0x278A  }
0xc5: {  	v0 =	vsel vm0, $0x200B, v0  }
0xc6: {  	[tilespmem:$0x1B7B0] =	vst v0;
	v9 =	vsel vm1, $0x188C, v9  }
0xc7: {  	[tilespmem:$0x1BC20] =	vst v9;
	v9 =	vld [tilespmem:$0x1B7B0];
	_ =	sdelay $0x2  }
0xc8: {  	v0 =	vimm.s32 $0x2F8A  }
0xc9: {  	v0 =	vsel vm0, $0x280B, v0  }
0xca: {  	[tilespmem:$0x1B7C0] =	vst v0;
	v9 =	vsel vm1, $0x208C, v9  }
0xcb: {  	[tilespmem:$0x1BC30] =	vst v9;
	v9 =	vld [tilespmem:$0x1B7C0];
	_ =	sdelay $0x2  }
0xcc: {  	v1 =	vimm.s32 $0x378A  }
0xcd: {  	v0 =	vsel vm0, $0x300B, v1  }
0xce: {  	[tilespmem:$0x1B7D0] =	vst v0;
	v9 =	vsel vm1, $0x288C, v9  }
0xcf: {  	[tilespmem:$0x1BC40] =	vst v9;
	v9 =	vld [tilespmem:$0x1B7D0];
	_ =	sdelay $0x2  }
0xd0: {  	v0 =	vimm.s32 $0x3F8A  }
0xd1: {  	v0 =	vsel vm0, $0x380B, v0  }
0xd2: {  	[tilespmem:$0x1B7E0] =	vst v0;
	v9 =	vsel vm1, $0x308C, v9  }
0xd3: {  	[tilespmem:$0x1BC50] =	vst v9;
	v9 =	vld [tilespmem:$0x1B7E0];
	_ =	sdelay $0x2  }
0xd4: {  	v0 =	vimm.s32 $0x78B  }
0xd5: {  	v0 =	vsel vm0, $0xC, v0  }
0xd6: {  	[tilespmem:$0x1B7F0] =	vst v0;
	v9 =	vsel vm1, $0x388C, v9  }
0xd7: {  	[tilespmem:$0x1BC60] =	vst v9;
	v9 =	vld [tilespmem:$0x1B7F0];
	_ =	sdelay $0x2  }
0xd8: {  	v1 =	vimm.s32 $0xF8B  }
0xd9: {  	v0 =	vsel vm0, $0x80C, v1  }
0xda: {  	[tilespmem:$0x1B800] =	vst v0;
	v9 =	vsel vm1, $0x8D, v9  }
0xdb: {  	v0 =	vimm.s32 $0x178B;
	[tilespmem:$0x1BC70] =	vst v9;
	v9 =	vld [tilespmem:$0x1B800]  }
0xdc: {  	v0 =	vsel vm0, $0x100C, v0  }
0xdd: {  	[tilespmem:$0x1B810] =	vst v0;
	v0 =	vimm.s32 $0x1F8B  }
0xde: {  	v1 =	vimm.s32 $0x278B;
	v0 =	vsel vm0, $0x180C, v0  }
0xdf: {  	[tilespmem:$0x1B820] =	vst v0;
	v0 =	vsel vm0, $0x200C, v1  }
0xe0: {  	[tilespmem:$0x1B830] =	vst v0;
	v9 =	vsel vm1, $0x88D, v9  }
0xe1: {  	v0 =	vimm.s32 $0x2F8B;
	[tilespmem:$0x1BC80] =	vst v9;
	v9 =	vld [tilespmem:$0x1B810]  }
0xe2: {  	v0 =	vsel vm0, $0x280C, v0  }
0xe3: {  	[tilespmem:$0x1B840] =	vst v0;
	v0 =	vimm.s32 $0x378B  }
0xe4: {  	v1 =	vimm.s32 $0x3F8B;
	v0 =	vsel vm0, $0x300C, v0  }
0xe5: {  	[tilespmem:$0x1B850] =	vst v0;
	v0 =	vsel vm0, $0x380C, v1  }
0xe6: {  	[tilespmem:$0x1B860] =	vst v0;
	v9 =	vsel vm1, $0x108D, v9  }
0xe7: {  	v0 =	vimm.s32 $0x78C;
	[tilespmem:$0x1BC90] =	vst v9;
	v9 =	vld [tilespmem:$0x1B820]  }
0xe8: {  	v0 =	vsel vm0, $0xD, v0  }
0xe9: {  	[tilespmem:$0x1B870] =	vst v0;
	v0 =	vimm.s32 $0xF8C  }
0xea: {  	v1 =	vimm.s32 $0x178C;
	v0 =	vsel vm0, $0x80D, v0  }
0xeb: {  	[tilespmem:$0x1B880] =	vst v0;
	v0 =	vsel vm0, $0x100D, v1  }
0xec: {  	[tilespmem:$0x1B890] =	vst v0;
	v9 =	vsel vm1, $0x188D, v9  }
0xed: {  	v0 =	vimm.s32 $0x1F8C;
	[tilespmem:$0x1BCA0] =	vst v9;
	v9 =	vld [tilespmem:$0x1B830]  }
0xee: {  	v0 =	vsel vm0, $0x180D, v0  }
0xef: {  	[tilespmem:$0x1B8A0] =	vst v0;
	v0 =	vimm.s32 $0x278C  }
0xf0: {  	v1 =	vimm.s32 $0x2F8C;
	v0 =	vsel vm0, $0x200D, v0  }
0xf1: {  	[tilespmem:$0x1B8B0] =	vst v0;
	v0 =	vsel vm0, $0x280D, v1  }
0xf2: {  	[tilespmem:$0x1B8C0] =	vst v0;
	v9 =	vsel vm1, $0x208D, v9  }
0xf3: {  	v0 =	vimm.s32 $0x378C;
	[tilespmem:$0x1BCB0] =	vst v9;
	v9 =	vld [tilespmem:$0x1B840]  }
0xf4: {  	v0 =	vsel vm0, $0x300D, v0  }
0xf5: {  	[tilespmem:$0x1B8D0] =	vst v0;
	v0 =	vimm.s32 $0x3F8C  }
0xf6: {  	v1 =	vimm.s32 $0x78D;
	v0 =	vsel vm0, $0x380D, v0  }
0xf7: {  	[tilespmem:$0x1B8E0] =	vst v0;
	v0 =	vsel vm0, $0xE, v1  }
0xf8: {  	[tilespmem:$0x1B8F0] =	vst v0;
	v9 =	vsel vm1, $0x288D, v9  }
0xf9: {  	v0 =	vimm.s32 $0xF8D;
	[tilespmem:$0x1BCC0] =	vst v9;
	v9 =	vld [tilespmem:$0x1B850]  }
0xfa: {  	v0 =	vsel vm0, $0x80E, v0  }
0xfb: {  	[tilespmem:$0x1B900] =	vst v0;
	v0 =	vimm.s32 $0x178D  }
0xfc: {  	v1 =	vimm.s32 $0x1F8D;
	v0 =	vsel vm0, $0x100E, v0  }
0xfd: {  	[tilespmem:$0x1B910] =	vst v0;
	v0 =	vsel vm0, $0x180E, v1  }
0xfe: {  	[tilespmem:$0x1B920] =	vst v0;
	v9 =	vsel vm1, $0x308D, v9  }
0xff: {  	v0 =	vimm.s32 $0x278D;
	[tilespmem:$0x1BCD0] =	vst v9;
	v9 =	vld [tilespmem:$0x1B860]  }
0x100: {  	v0 =	vsel vm0, $0x200E, v0  }
0x101: {  	[tilespmem:$0x1B930] =	vst v0;
	v0 =	vimm.s32 $0x2F8D  }
0x102: {  	v1 =	vimm.s32 $0x378D;
	v0 =	vsel vm0, $0x280E, v0  }
0x103: {  	[tilespmem:$0x1B940] =	vst v0;
	v0 =	vsel vm0, $0x300E, v1  }
0x104: {  	[tilespmem:$0x1B950] =	vst v0;
	v9 =	vsel vm1, $0x388D, v9  }
0x105: {  	v0 =	vimm.s32 $0x3F8D;
	[tilespmem:$0x1BCE0] =	vst v9;
	v9 =	vld [tilespmem:$0x1B870]  }
0x106: {  	v0 =	vsel vm0, $0x380E, v0  }
0x107: {  	[tilespmem:$0x1B960] =	vst v0;
	v0 =	vimm.s32 $0x78E  }
0x108: {  	v1 =	vimm.s32 $0xF8E;
	v0 =	vsel vm0, $0xF, v0  }
0x109: {  	[tilespmem:$0x1B970] =	vst v0;
	v0 =	vsel vm0, $0x80F, v1  }
0x10a: {  	[tilespmem:$0x1B980] =	vst v0;
	v9 =	vsel vm1, $0x8E, v9  }
0x10b: {  	v0 =	vimm.s32 $0x178E;
	[tilespmem:$0x1BCF0] =	vst v9;
	v9 =	vld [tilespmem:$0x1B880]  }
0x10c: {  	v0 =	vsel vm0, $0x100F, v0  }
0x10d: {  	[tilespmem:$0x1B990] =	vst v0;
	v0 =	vimm.s32 $0x1F8E  }
0x10e: {  	v1 =	vimm.s32 $0x278E;
	v0 =	vsel vm0, $0x180F, v0  }
0x10f: {  	[tilespmem:$0x1B9A0] =	vst v0;
	v0 =	vsel vm0, $0x200F, v1  }
0x110: {  	[tilespmem:$0x1B9B0] =	vst v0;
	v9 =	vsel vm1, $0x88E, v9  }
0x111: {  	v0 =	vimm.s32 $0x2F8E;
	[tilespmem:$0x1BD00] =	vst v9;
	v9 =	vld [tilespmem:$0x1B890]  }
0x112: {  	v0 =	vsel vm0, $0x280F, v0  }
0x113: {  	[tilespmem:$0x1B9C0] =	vst v0;
	v0 =	vimm.s32 $0x378E  }
0x114: {  	vm15 =	vcmask $0xB08;
	v5 =	vsel vm0, $0x300F, v0;
	v0 =	vsel vm1, $0x0, v2  }
0x115: {  	v1 =	vimm.s32 $0x3F8E;
	v0 =	vsel vm15, $0x80, v0  }
0x116: {  	v7 =	vsel vm0, $0x380F, v1;
	v1 =	vsel vm1, $0x780, v3;
	[tilespmem:$0x1BE70] =	vst v0;
	v9 =	vsel vm1, $0x108E, v9  }
0x117: {  	v0 =	vsel vm15, $0x0, v1;
	[tilespmem:$0x1BD10] =	vst v9;
	v9 =	vld [tilespmem:$0x1B8A0]  }
0x118: {  	[tilespmem:$0x1BE80] =	vst v0;
	v0 =	vld [tilespmem:$0x1B9D0];
	_ =	sdelay $0x3  }
0x119: {  	v9 =	vsel vm1, $0x188E, v9  }
0x11a: {  	v0 =	vsel vm15, $0x3108, v0;
	[tilespmem:$0x1BD20] =	vst v9;
	v9 =	vld [tilespmem:$0x1B8B0]  }
0x11b: {  	[tilespmem:$0x1BE90] =	vst v0;
	v0 =	vld [tilespmem:$0x1B9E0];
	_ =	sdelay $0x3  }
0x11c: {  	v9 =	vsel vm1, $0x208E, v9  }
0x11d: {  	v0 =	vsel vm15, $0x3908, v0;
	[tilespmem:$0x1BD30] =	vst v9;
	v9 =	vld [tilespmem:$0x1B8C0]  }
0x11e: {  	[tilespmem:$0x1BEA0] =	vst v0;
	v0 =	vld [tilespmem:$0x1B9F0];
	_ =	sdelay $0x3  }
0x11f: {  	v9 =	vsel vm1, $0x288E, v9  }
0x120: {  	v0 =	vsel vm15, $0x109, v0;
	[tilespmem:$0x1BD40] =	vst v9;
	v9 =	vld [tilespmem:$0x1B8D0]  }
0x121: {  	[tilespmem:$0x1BEB0] =	vst v0;
	v0 =	vld [tilespmem:$0x1BA00];
	_ =	sdelay $0x3  }
0x122: {  	v9 =	vsel vm1, $0x308E, v9  }
0x123: {  	v0 =	vsel vm15, $0x909, v0;
	[tilespmem:$0x1BD50] =	vst v9;
	v9 =	vld [tilespmem:$0x1B8E0]  }
0x124: {  	[tilespmem:$0x1BEC0] =	vst v0;
	v0 =	vld [tilespmem:$0x1BA10];
	_ =	sdelay $0x3  }
0x125: {  	v9 =	vsel vm1, $0x388E, v9  }
0x126: {  	v0 =	vsel vm15, $0x1109, v0;
	[tilespmem:$0x1BD60] =	vst v9;
	v9 =	vld [tilespmem:$0x1B8F0]  }
0x127: {  	[tilespmem:$0x1BED0] =	vst v0;
	v0 =	vld [tilespmem:$0x1BA20];
	_ =	sdelay $0x3  }
0x128: {  	v9 =	vsel vm1, $0x8F, v9  }
0x129: {  	v0 =	vsel vm15, $0x1909, v0;
	[tilespmem:$0x1BD70] =	vst v9;
	v9 =	vld [tilespmem:$0x1B900]  }
0x12a: {  	[tilespmem:$0x1BEE0] =	vst v0;
	v0 =	vld [tilespmem:$0x1BA30];
	_ =	sdelay $0x3  }
0x12b: {  	v9 =	vsel vm1, $0x88F, v9  }
0x12c: {  	v0 =	vsel vm15, $0x2109, v0;
	[tilespmem:$0x1BD80] =	vst v9;
	v9 =	vld [tilespmem:$0x1B910]  }
0x12d: {  	[tilespmem:$0x1BEF0] =	vst v0;
	v0 =	vld [tilespmem:$0x1BA40];
	_ =	sdelay $0x3  }
0x12e: {  	v9 =	vsel vm1, $0x108F, v9  }
0x12f: {  	v0 =	vsel vm15, $0x2909, v0;
	[tilespmem:$0x1BD90] =	vst v9;
	v9 =	vld [tilespmem:$0x1B920]  }
0x130: {  	[tilespmem:$0x1BF00] =	vst v0;
	v0 =	vld [tilespmem:$0x1BA50];
	_ =	sdelay $0x3  }
0x131: {  	v9 =	vsel vm1, $0x188F, v9  }
0x132: {  	v0 =	vsel vm15, $0x3109, v0;
	[tilespmem:$0x1BDA0] =	vst v9;
	v9 =	vld [tilespmem:$0x1B930]  }
0x133: {  	[tilespmem:$0x1BF10] =	vst v0;
	v0 =	vld [tilespmem:$0x1BA60];
	_ =	sdelay $0x3  }
0x134: {  	v9 =	vsel vm1, $0x208F, v9  }
0x135: {  	v0 =	vsel vm15, $0x3909, v0;
	[tilespmem:$0x1BDB0] =	vst v9;
	v9 =	vld [tilespmem:$0x1B940]  }
0x136: {  	[tilespmem:$0x1BF20] =	vst v0;
	v0 =	vld [tilespmem:$0x1BA70];
	_ =	sdelay $0x3  }
0x137: {  	v9 =	vsel vm1, $0x288F, v9  }
0x138: {  	v0 =	vsel vm15, $0x10A, v0;
	[tilespmem:$0x1BDC0] =	vst v9;
	v9 =	vld [tilespmem:$0x1B950]  }
0x139: {  	[tilespmem:$0x1BF30] =	vst v0;
	v0 =	vld [tilespmem:$0x1BA80];
	_ =	sdelay $0x3  }
0x13a: {  	v9 =	vsel vm1, $0x308F, v9  }
0x13b: {  	v0 =	vsel vm15, $0x90A, v0;
	[tilespmem:$0x1BDD0] =	vst v9;
	v9 =	vld [tilespmem:$0x1B960]  }
0x13c: {  	[tilespmem:$0x1BF40] =	vst v0;
	v0 =	vld [tilespmem:$0x1BA90];
	_ =	sdelay $0x3  }
0x13d: {  	v9 =	vsel vm1, $0x388F, v9  }
0x13e: {  	v0 =	vsel vm15, $0x110A, v0;
	[tilespmem:$0x1BDE0] =	vst v9;
	v9 =	vld [tilespmem:$0x1B970]  }
0x13f: {  	[tilespmem:$0x1BF50] =	vst v0;
	v0 =	vld [tilespmem:$0x1BAA0];
	_ =	sdelay $0x3  }
0x140: {  	v9 =	vsel vm1, $0x80, v9  }
0x141: {  	v0 =	vsel vm15, $0x190A, v0;
	[tilespmem:$0x1BDF0] =	vst v9;
	v9 =	vld [tilespmem:$0x1B980]  }
0x142: {  	[tilespmem:$0x1BF60] =	vst v0;
	v0 =	vld [tilespmem:$0x1BAB0];
	_ =	sdelay $0x3  }
0x143: {  	v9 =	vsel vm1, $0x880, v9  }
0x144: {  	v0 =	vsel vm15, $0x210A, v0;
	[tilespmem:$0x1BE00] =	vst v9;
	v9 =	vld [tilespmem:$0x1B990]  }
0x145: {  	vm4 =	vcmask $0xF0C;
	v3 =	vsel vm1, $0x680, v6;
	[tilespmem:$0x1BF70] =	vst v0;
	v0 =	vld [tilespmem:$0x1BAC0]  }
0x146: {  	v6 =	vsel vm1, $0x580, v10;
	v10 =	vsel vm1, $0x480, v12;
	v12 =	vsel vm1, $0x380, v14  }
0x147: {  	v14 =	vsel vm1, $0x280, v16;
	v16 =	vsel vm1, $0x180, v18;
	v18 =	vsel vm1, $0x82, v20  }
0x148: {  	v20 =	vsel vm1, $0x1082, v22;
	v22 =	vsel vm1, $0x2082, v24;
	v24 =	vsel vm1, $0x3082, v26  }
0x149: {  	v26 =	vsel vm1, $0x83, v28;
	v28 =	vsel vm1, $0x1083, v30;
	v9 =	vsel vm1, $0x1080, v9  }
0x14a: {  	v30 =	vsel vm1, $0x2083, v32;
	v32 =	vsel vm1, $0x3083, v34;
	v0 =	vsel vm15, $0x290A, v0;
	[tilespmem:$0x1BE10] =	vst v9;
	v9 =	vld [tilespmem:$0x1B9A0]  }
0x14b: {  	v34 =	vsel vm1, $0x84, v36;
	v36 =	vsel vm1, $0x1084, v38;
	v38 =	vsel vm1, $0x2084, v40;
	[tilespmem:$0x1BF80] =	vst v0;
	v0 =	vld [tilespmem:$0x1BAD0]  }
0x14c: {  	v40 =	vsel vm1, $0x3084, v42;
	v42 =	vsel vm1, $0x85, v44;
	v44 =	vsel vm1, $0x1085, v46  }
0x14d: {  	v46 =	vsel vm1, $0x2085, v48;
	v48 =	vsel vm1, $0x3085, v50;
	v50 =	vsel vm1, $0x86, v52  }
0x14e: {  	v52 =	vsel vm1, $0x1086, v54;
	v54 =	vsel vm1, $0x2086, v56;
	v56 =	vsel vm1, $0x3086, v58  }
0x14f: {  	v58 =	vsel vm1, $0x87, v60;
	v60 =	vsel vm1, $0x1087, v62;
	v9 =	vsel vm1, $0x1880, v9  }
0x150: {  	v10 =	vsel vm15, $0x500, v10;
	v12 =	vsel vm15, $0x400, v12;
	v0 =	vsel vm15, $0x310A, v0;
	[tilespmem:$0x1BE20] =	vst v9;
	v9 =	vld [tilespmem:$0x1B9B0]  }
0x151: {  	v14 =	vsel vm15, $0x300, v14;
	v16 =	vsel vm15, $0x200, v16;
	v18 =	vsel vm15, $0x103, v18;
	[tilespmem:$0x1BF90] =	vst v0;
	v0 =	vld [tilespmem:$0x1BAE0]  }
0x152: {  	v20 =	vsel vm15, $0x1103, v20;
	v2 =	vsel vm1, $0x700, v4;
	v4 =	vsel vm1, $0x600, v8  }
0x153: {  	v8 =	vsel vm1, $0x500, v11;
	v11 =	vsel vm1, $0x400, v13;
	v13 =	vsel vm1, $0x300, v15  }
0x154: {  	v15 =	vsel vm1, $0x200, v17;
	v17 =	vsel vm1, $0x100, v19;
	v19 =	vsel vm1, $0x882, v21  }
0x155: {  	v21 =	vsel vm1, $0x1882, v23;
	v23 =	vsel vm1, $0x2882, v25;
	v9 =	vsel vm1, $0x2080, v9  }
0x156: {  	v25 =	vsel vm1, $0x3882, v27;
	v27 =	vsel vm1, $0x883, v29;
	v0 =	vsel vm15, $0x390A, v0;
	[tilespmem:$0x1BE30] =	vst v9;
	v9 =	vld [tilespmem:$0x1B9C0]  }
0x157: {  	v29 =	vsel vm1, $0x1883, v31;
	v31 =	vsel vm1, $0x2883, v33;
	v33 =	vsel vm1, $0x3883, v35;
	[tilespmem:$0x1BFA0] =	vst v0;
	v0 =	vld [tilespmem:$0x1BAF0]  }
0x158: {  	v35 =	vsel vm1, $0x884, v37;
	v37 =	vsel vm1, $0x1884, v39;
	v39 =	vsel vm1, $0x2884, v41  }
0x159: {  	v41 =	vsel vm1, $0x3884, v43;
	v43 =	vsel vm1, $0x885, v45;
	v5 =	vsel vm1, $0x3080, v5  }
0x15a: {  	v45 =	vsel vm1, $0x1885, v47;
	v47 =	vsel vm1, $0x2885, v49;
	[tilespmem:$0x1BE50] =	vst v5;
	v5 =	vsel vm1, $0x3880, v7  }
0x15b: {  	v49 =	vsel vm1, $0x3885, v51;
	v51 =	vsel vm1, $0x886, v53;
	[tilespmem:$0x1BE60] =	vst v5;
	v9 =	vsel vm1, $0x2880, v9  }
0x15c: {  	v62 =	vld [tilespmem:$0x1B530];
	v53 =	vsel vm1, $0x1886, v55;
	v55 =	vsel vm1, $0x2886, v57;
	v0 =	vsel vm15, $0x10B, v0;
	[tilespmem:$0x1BE40] =	vst v9  }
0x15d: {  	v57 =	vsel vm1, $0x3886, v59;
	v59 =	vsel vm1, $0x887, v61;
	v61 =	vsel vm1, $0x1887, v63;
	v63 =	vld [tilespmem:$0x1B540];
	[tilespmem:$0x1BFB0] =	vst v0  }
0x15e: {  	v22 =	vsel vm15, $0x2103, v22;
	v24 =	vsel vm15, $0x3103, v24;
	v26 =	vsel vm15, $0x104, v26;
	v0 =	vld [tilespmem:$0x1BB00]  }
0x15f: {  	v28 =	vsel vm15, $0x1104, v28;
	v30 =	vsel vm15, $0x2104, v30;
	v32 =	vsel vm15, $0x3104, v32  }
0x160: {  	v34 =	vsel vm15, $0x105, v34;
	v36 =	vsel vm15, $0x1105, v36;
	v38 =	vsel vm15, $0x2105, v38  }
0x161: {  	v40 =	vsel vm15, $0x3105, v40;
	v42 =	vsel vm15, $0x106, v42;
	v44 =	vsel vm15, $0x1106, v44  }
0x162: {  	v46 =	vsel vm15, $0x2106, v46;
	v48 =	vsel vm15, $0x3106, v48;
	v50 =	vsel vm15, $0x107, v50  }
0x163: {  	v52 =	vsel vm15, $0x1107, v52;
	v54 =	vsel vm15, $0x2107, v54;
	v0 =	vsel vm15, $0x90B, v0  }
0x164: {  	v56 =	vsel vm15, $0x3107, v56;
	v58 =	vsel vm15, $0x108, v58;
	v60 =	vsel vm15, $0x1108, v60;
	[tilespmem:$0x1BFC0] =	vst v0;
	v0 =	vld [tilespmem:$0x1BB10]  }
0x165: {  	v2 =	vsel vm15, $0x780, v2;
	v11 =	vsel vm15, $0x480, v11;
	v13 =	vsel vm15, $0x380, v13  }
0x166: {  	v15 =	vsel vm15, $0x280, v15;
	v17 =	vsel vm15, $0x180, v17;
	v19 =	vsel vm15, $0x903, v19  }
0x167: {  	v21 =	vsel vm15, $0x1903, v21;
	v23 =	vsel vm15, $0x2903, v23;
	v25 =	vsel vm15, $0x3903, v25  }
0x168: {  	v27 =	vsel vm15, $0x904, v27;
	v29 =	vsel vm15, $0x1904, v29;
	v31 =	vsel vm15, $0x2904, v31  }
0x169: {  	v33 =	vsel vm15, $0x3904, v33;
	v35 =	vsel vm15, $0x905, v35;
	v0 =	vsel vm15, $0x110B, v0  }
0x16a: {  	v37 =	vsel vm15, $0x1905, v37;
	v39 =	vsel vm15, $0x2905, v39;
	v41 =	vsel vm15, $0x3905, v41;
	[tilespmem:$0x1BFD0] =	vst v0;
	v0 =	vld [tilespmem:$0x1BB20]  }
0x16b: {  	v43 =	vsel vm15, $0x906, v43;
	v45 =	vsel vm15, $0x1906, v45;
	v47 =	vsel vm15, $0x2906, v47  }
0x16c: {  	v49 =	vsel vm15, $0x3906, v49;
	v51 =	vsel vm15, $0x907, v51;
	v53 =	vsel vm15, $0x1907, v53  }
0x16d: {  	v55 =	vsel vm15, $0x2907, v55;
	v57 =	vsel vm15, $0x3907, v57;
	v59 =	vsel vm15, $0x908, v59  }
0x16e: {  	v61 =	vsel vm15, $0x1908, v61;
	v62 =	vsel vm1, $0x2087, v62;
	v7 =	vsel vm15, $0x680, v4  }
0x16f: {  	v4 =	vsel vm4, $0x0, v2;
	v63 =	vsel vm1, $0x2887, v63;
	v0 =	vsel vm15, $0x190B, v0  }
0x170: {  	v62 =	vsel vm15, $0x2108, v62;
	v63 =	vsel vm15, $0x2908, v63;
	v9 =	vsel vm15, $0x600, v6;
	[tilespmem:$0x1BFE0] =	vst v0;
	v0 =	vld [tilespmem:$0x1BB30]  }
0x171: {  	v6 =	vsel vm4, $0x700, v7;
	v7 =	vsel vm4, $0x680, v9;
	v9 =	vsel vm4, $0x580, v10  }
0x172: {  	v10 =	vsel vm4, $0x500, v11;
	v11 =	vsel vm4, $0x480, v12;
	v12 =	vsel vm4, $0x400, v13  }
0x173: {  	v13 =	vsel vm4, $0x380, v14;
	v14 =	vsel vm4, $0x300, v15;
	v15 =	vsel vm4, $0x280, v16  }
0x174: {  	v16 =	vsel vm4, $0x200, v17;
	v17 =	vsel vm4, $0x184, v18;
	v18 =	vsel vm4, $0x984, v19  }
0x175: {  	v19 =	vsel vm4, $0x1184, v20;
	v20 =	vsel vm4, $0x1984, v21;
	v0 =	vsel vm15, $0x210B, v0  }
0x176: {  	v21 =	vsel vm4, $0x2184, v22;
	v22 =	vsel vm4, $0x2984, v23;
	v23 =	vsel vm4, $0x3184, v24;
	[tilespmem:$0x1BFF0] =	vst v0;
	v0 =	vld [tilespmem:$0x1BB40]  }
0x177: {  	v24 =	vsel vm4, $0x3984, v25;
	v25 =	vsel vm4, $0x185, v26;
	v26 =	vsel vm4, $0x985, v27  }
0x178: {  	v27 =	vsel vm4, $0x1185, v28;
	v28 =	vsel vm4, $0x1985, v29;
	v29 =	vsel vm4, $0x2185, v30  }
0x179: {  	v30 =	vsel vm4, $0x2985, v31;
	v31 =	vsel vm4, $0x3185, v32;
	v32 =	vsel vm4, $0x3985, v33  }
0x17a: {  	v33 =	vsel vm4, $0x186, v34;
	v34 =	vsel vm4, $0x986, v35;
	v35 =	vsel vm4, $0x1186, v36  }
0x17b: {  	v36 =	vsel vm4, $0x1986, v37;
	v37 =	vsel vm4, $0x2186, v38;
	v0 =	vsel vm15, $0x290B, v0  }
0x17c: {  	v38 =	vsel vm4, $0x2986, v39;
	v39 =	vsel vm4, $0x3186, v40;
	v40 =	vsel vm4, $0x3986, v41;
	[tilespmem:$0x1C000] =	vst v0;
	v0 =	vld [tilespmem:$0x1BB50]  }
0x17d: {  	v41 =	vsel vm4, $0x187, v42;
	v42 =	vsel vm4, $0x987, v43;
	v43 =	vsel vm4, $0x1187, v44  }
0x17e: {  	v44 =	vsel vm4, $0x1987, v45;
	v45 =	vsel vm4, $0x2187, v46;
	v46 =	vsel vm4, $0x2987, v47  }
0x17f: {  	v47 =	vsel vm4, $0x3187, v48;
	v48 =	vsel vm4, $0x3987, v49;
	v49 =	vsel vm4, $0x188, v50;
	v2 =	vld [tilespmem:$0x1BE90]  }
0x180: {  	v50 =	vsel vm4, $0x988, v51;
	v51 =	vsel vm4, $0x1188, v52;
	v52 =	vsel vm4, $0x1988, v53  }
0x181: {  	v53 =	vsel vm4, $0x2188, v54;
	v54 =	vsel vm4, $0x2988, v55;
	v0 =	vsel vm15, $0x310B, v0  }
0x182: {  	v55 =	vsel vm4, $0x3188, v56;
	v56 =	vsel vm4, $0x3988, v57;
	v57 =	vsel vm4, $0x189, v58;
	[tilespmem:$0x1C010] =	vst v0;
	v0 =	vld [tilespmem:$0x1BB60]  }
0x183: {  	v58 =	vsel vm4, $0x989, v59;
	v59 =	vsel vm4, $0x1189, v60;
	v60 =	vsel vm4, $0x1989, v61  }
0x184: {  	v61 =	vsel vm4, $0x2189, v62;
	v62 =	vsel vm4, $0x2989, v63;
	v63 =	vsel vm4, $0x3189, v2;
	v2 =	vld [tilespmem:$0x1BEA0];
	_ =	sdelay $0x2  }
0x185: {  	v0 =	vsel vm15, $0x390B, v0  }
0x186: {  	[tilespmem:$0x1C020] =	vst v0;
	v0 =	vld [tilespmem:$0x1BB70]  }
0x187: {  	v2 =	vsel vm4, $0x3989, v2  }
0x188: {  	[tilespmem:$0x1C320] =	vst v2;
	v2 =	vld [tilespmem:$0x1BEB0];
	_ =	sdelay $0x2  }
0x189: {  	v0 =	vsel vm15, $0x10C, v0  }
0x18a: {  	[tilespmem:$0x1C030] =	vst v0;
	v0 =	vld [tilespmem:$0x1BB80]  }
0x18b: {  	v2 =	vsel vm4, $0x18A, v2  }
0x18c: {  	[tilespmem:$0x1C330] =	vst v2;
	v2 =	vld [tilespmem:$0x1BEC0];
	_ =	sdelay $0x2  }
0x18d: {  	v0 =	vsel vm15, $0x90C, v0  }
0x18e: {  	[tilespmem:$0x1C040] =	vst v0;
	v0 =	vld [tilespmem:$0x1BB90]  }
0x18f: {  	v2 =	vsel vm4, $0x98A, v2  }
0x190: {  	[tilespmem:$0x1C340] =	vst v2;
	v2 =	vld [tilespmem:$0x1BED0];
	_ =	sdelay $0x2  }
0x191: {  	v0 =	vsel vm15, $0x110C, v0  }
0x192: {  	[tilespmem:$0x1C050] =	vst v0;
	v0 =	vld [tilespmem:$0x1BBA0]  }
0x193: {  	v2 =	vsel vm4, $0x118A, v2  }
0x194: {  	[tilespmem:$0x1C350] =	vst v2;
	v2 =	vld [tilespmem:$0x1BEE0];
	_ =	sdelay $0x2  }
0x195: {  	v0 =	vsel vm15, $0x190C, v0  }
0x196: {  	[tilespmem:$0x1C060] =	vst v0;
	v0 =	vld [tilespmem:$0x1BBB0]  }
0x197: {  	v2 =	vsel vm4, $0x198A, v2  }
0x198: {  	[tilespmem:$0x1C360] =	vst v2;
	v2 =	vld [tilespmem:$0x1BEF0];
	_ =	sdelay $0x2  }
0x199: {  	v0 =	vsel vm15, $0x210C, v0  }
0x19a: {  	[tilespmem:$0x1C070] =	vst v0;
	v0 =	vld [tilespmem:$0x1BBC0]  }
0x19b: {  	v2 =	vsel vm4, $0x218A, v2  }
0x19c: {  	[tilespmem:$0x1C370] =	vst v2;
	v2 =	vld [tilespmem:$0x1BF00];
	_ =	sdelay $0x2  }
0x19d: {  	v0 =	vsel vm15, $0x290C, v0  }
0x19e: {  	[tilespmem:$0x1C080] =	vst v0;
	v0 =	vld [tilespmem:$0x1BBD0]  }
0x19f: {  	v2 =	vsel vm4, $0x298A, v2  }
0x1a0: {  	[tilespmem:$0x1C380] =	vst v2;
	v2 =	vld [tilespmem:$0x1BF10];
	_ =	sdelay $0x2  }
0x1a1: {  	v0 =	vsel vm15, $0x310C, v0  }
0x1a2: {  	[tilespmem:$0x1C090] =	vst v0;
	v0 =	vld [tilespmem:$0x1BBE0]  }
0x1a3: {  	v2 =	vsel vm4, $0x318A, v2  }
0x1a4: {  	[tilespmem:$0x1C390] =	vst v2;
	v2 =	vld [tilespmem:$0x1BF20];
	_ =	sdelay $0x2  }
0x1a5: {  	v0 =	vsel vm15, $0x390C, v0  }
0x1a6: {  	[tilespmem:$0x1C0A0] =	vst v0;
	v0 =	vld [tilespmem:$0x1BBF0]  }
0x1a7: {  	v2 =	vsel vm4, $0x398A, v2  }
0x1a8: {  	[tilespmem:$0x1C3A0] =	vst v2;
	v2 =	vld [tilespmem:$0x1BF30];
	_ =	sdelay $0x2  }
0x1a9: {  	v0 =	vsel vm15, $0x10D, v0  }
0x1aa: {  	[tilespmem:$0x1C0B0] =	vst v0;
	v0 =	vld [tilespmem:$0x1BC00]  }
0x1ab: {  	v2 =	vsel vm4, $0x18B, v2  }
0x1ac: {  	[tilespmem:$0x1C3B0] =	vst v2;
	v2 =	vld [tilespmem:$0x1BF40];
	_ =	sdelay $0x2  }
0x1ad: {  	v0 =	vsel vm15, $0x90D, v0  }
0x1ae: {  	[tilespmem:$0x1C0C0] =	vst v0;
	v0 =	vld [tilespmem:$0x1BC10]  }
0x1af: {  	v2 =	vsel vm4, $0x98B, v2  }
0x1b0: {  	[tilespmem:$0x1C3C0] =	vst v2;
	v2 =	vld [tilespmem:$0x1BF50];
	_ =	sdelay $0x2  }
0x1b1: {  	v0 =	vsel vm15, $0x110D, v0  }
0x1b2: {  	[tilespmem:$0x1C0D0] =	vst v0;
	v0 =	vld [tilespmem:$0x1BC20]  }
0x1b3: {  	v2 =	vsel vm4, $0x118B, v2  }
0x1b4: {  	[tilespmem:$0x1C3D0] =	vst v2;
	v2 =	vld [tilespmem:$0x1BF60];
	_ =	sdelay $0x2  }
0x1b5: {  	v0 =	vsel vm15, $0x190D, v0  }
0x1b6: {  	[tilespmem:$0x1C0E0] =	vst v0;
	v0 =	vld [tilespmem:$0x1BC30]  }
0x1b7: {  	v2 =	vsel vm4, $0x198B, v2  }
0x1b8: {  	[tilespmem:$0x1C3E0] =	vst v2;
	v2 =	vld [tilespmem:$0x1BF70];
	_ =	sdelay $0x2  }
0x1b9: {  	v0 =	vsel vm15, $0x210D, v0  }
0x1ba: {  	[tilespmem:$0x1C0F0] =	vst v0;
	v0 =	vld [tilespmem:$0x1BC40]  }
0x1bb: {  	v2 =	vsel vm4, $0x218B, v2  }
0x1bc: {  	[tilespmem:$0x1C3F0] =	vst v2;
	v2 =	vld [tilespmem:$0x1BF80];
	_ =	sdelay $0x2  }
0x1bd: {  	v0 =	vsel vm15, $0x290D, v0  }
0x1be: {  	[tilespmem:$0x1C100] =	vst v0;
	v0 =	vld [tilespmem:$0x1BC50]  }
0x1bf: {  	v2 =	vsel vm4, $0x298B, v2  }
0x1c0: {  	[tilespmem:$0x1C400] =	vst v2;
	v2 =	vld [tilespmem:$0x1BF90];
	_ =	sdelay $0x2  }
0x1c1: {  	v0 =	vsel vm15, $0x310D, v0  }
0x1c2: {  	[tilespmem:$0x1C110] =	vst v0;
	v0 =	vld [tilespmem:$0x1BC60]  }
0x1c3: {  	v2 =	vsel vm4, $0x318B, v2  }
0x1c4: {  	[tilespmem:$0x1C410] =	vst v2;
	v2 =	vld [tilespmem:$0x1BFA0];
	_ =	sdelay $0x2  }
0x1c5: {  	v0 =	vsel vm15, $0x390D, v0  }
0x1c6: {  	[tilespmem:$0x1C120] =	vst v0;
	v0 =	vld [tilespmem:$0x1BC70]  }
0x1c7: {  	v2 =	vsel vm4, $0x398B, v2  }
0x1c8: {  	[tilespmem:$0x1C420] =	vst v2;
	v2 =	vld [tilespmem:$0x1BFB0];
	_ =	sdelay $0x2  }
0x1c9: {  	v0 =	vsel vm15, $0x10E, v0  }
0x1ca: {  	[tilespmem:$0x1C130] =	vst v0;
	v0 =	vld [tilespmem:$0x1BC80]  }
0x1cb: {  	v2 =	vsel vm4, $0x18C, v2  }
0x1cc: {  	[tilespmem:$0x1C430] =	vst v2;
	v2 =	vld [tilespmem:$0x1BFC0];
	_ =	sdelay $0x2  }
0x1cd: {  	v0 =	vsel vm15, $0x90E, v0  }
0x1ce: {  	[tilespmem:$0x1C140] =	vst v0;
	v0 =	vld [tilespmem:$0x1BC90]  }
0x1cf: {  	v2 =	vsel vm4, $0x98C, v2  }
0x1d0: {  	[tilespmem:$0x1C440] =	vst v2;
	v2 =	vld [tilespmem:$0x1BFD0];
	_ =	sdelay $0x2  }
0x1d1: {  	v0 =	vsel vm15, $0x110E, v0  }
0x1d2: {  	[tilespmem:$0x1C150] =	vst v0;
	v0 =	vld [tilespmem:$0x1BCA0]  }
0x1d3: {  	v2 =	vsel vm4, $0x118C, v2  }
0x1d4: {  	[tilespmem:$0x1C450] =	vst v2;
	v2 =	vld [tilespmem:$0x1BFE0];
	_ =	sdelay $0x2  }
0x1d5: {  	v0 =	vsel vm15, $0x190E, v0  }
0x1d6: {  	[tilespmem:$0x1C160] =	vst v0;
	v0 =	vld [tilespmem:$0x1BCB0]  }
0x1d7: {  	v2 =	vsel vm4, $0x198C, v2  }
0x1d8: {  	[tilespmem:$0x1C460] =	vst v2;
	v2 =	vld [tilespmem:$0x1BFF0];
	_ =	sdelay $0x2  }
0x1d9: {  	v0 =	vsel vm15, $0x210E, v0  }
0x1da: {  	[tilespmem:$0x1C170] =	vst v0;
	v0 =	vld [tilespmem:$0x1BCC0]  }
0x1db: {  	v2 =	vsel vm4, $0x218C, v2  }
0x1dc: {  	[tilespmem:$0x1C470] =	vst v2;
	v2 =	vld [tilespmem:$0x1C000];
	_ =	sdelay $0x2  }
0x1dd: {  	v0 =	vsel vm15, $0x290E, v0  }
0x1de: {  	[tilespmem:$0x1C180] =	vst v0;
	v0 =	vld [tilespmem:$0x1BCD0]  }
0x1df: {  	v2 =	vsel vm4, $0x298C, v2  }
0x1e0: {  	[tilespmem:$0x1C480] =	vst v2;
	v2 =	vld [tilespmem:$0x1C010];
	_ =	sdelay $0x2  }
0x1e1: {  	v0 =	vsel vm15, $0x310E, v0  }
0x1e2: {  	[tilespmem:$0x1C190] =	vst v0;
	v0 =	vld [tilespmem:$0x1BCE0]  }
0x1e3: {  	v2 =	vsel vm4, $0x318C, v2  }
0x1e4: {  	[tilespmem:$0x1C490] =	vst v2;
	v2 =	vld [tilespmem:$0x1C020];
	_ =	sdelay $0x2  }
0x1e5: {  	v0 =	vsel vm15, $0x390E, v0  }
0x1e6: {  	[tilespmem:$0x1C1A0] =	vst v0;
	v0 =	vld [tilespmem:$0x1BCF0]  }
0x1e7: {  	v2 =	vsel vm4, $0x398C, v2  }
0x1e8: {  	[tilespmem:$0x1C4A0] =	vst v2;
	v2 =	vld [tilespmem:$0x1C030];
	_ =	sdelay $0x2  }
0x1e9: {  	v0 =	vsel vm15, $0x10F, v0  }
0x1ea: {  	[tilespmem:$0x1C1B0] =	vst v0;
	v0 =	vld [tilespmem:$0x1BD00]  }
0x1eb: {  	v2 =	vsel vm4, $0x18D, v2  }
0x1ec: {  	[tilespmem:$0x1C4B0] =	vst v2;
	v2 =	vld [tilespmem:$0x1C040];
	_ =	sdelay $0x2  }
0x1ed: {  	v0 =	vsel vm15, $0x90F, v0  }
0x1ee: {  	[tilespmem:$0x1C1C0] =	vst v0;
	v0 =	vld [tilespmem:$0x1BD10]  }
0x1ef: {  	v2 =	vsel vm4, $0x98D, v2  }
0x1f0: {  	[tilespmem:$0x1C4C0] =	vst v2;
	v2 =	vld [tilespmem:$0x1C050];
	_ =	sdelay $0x2  }
0x1f1: {  	v0 =	vsel vm15, $0x110F, v0  }
0x1f2: {  	[tilespmem:$0x1C1D0] =	vst v0;
	v0 =	vld [tilespmem:$0x1BD20]  }
0x1f3: {  	v2 =	vsel vm4, $0x118D, v2  }
0x1f4: {  	[tilespmem:$0x1C4D0] =	vst v2;
	v2 =	vld [tilespmem:$0x1C060];
	_ =	sdelay $0x2  }
0x1f5: {  	v0 =	vsel vm15, $0x190F, v0  }
0x1f6: {  	[tilespmem:$0x1C1E0] =	vst v0;
	v0 =	vld [tilespmem:$0x1BD30]  }
0x1f7: {  	v2 =	vsel vm4, $0x198D, v2  }
0x1f8: {  	[tilespmem:$0x1C4E0] =	vst v2;
	v2 =	vld [tilespmem:$0x1C070];
	_ =	sdelay $0x2  }
0x1f9: {  	v0 =	vsel vm15, $0x210F, v0  }
0x1fa: {  	[tilespmem:$0x1C1F0] =	vst v0;
	v0 =	vld [tilespmem:$0x1BD40]  }
0x1fb: {  	v2 =	vsel vm4, $0x218D, v2  }
0x1fc: {  	[tilespmem:$0x1C4F0] =	vst v2;
	v2 =	vld [tilespmem:$0x1C080];
	_ =	sdelay $0x2  }
0x1fd: {  	v0 =	vsel vm15, $0x290F, v0  }
0x1fe: {  	[tilespmem:$0x1C200] =	vst v0;
	v0 =	vld [tilespmem:$0x1BD50]  }
0x1ff: {  	v2 =	vsel vm4, $0x298D, v2  }
0x200: {  	[tilespmem:$0x1C500] =	vst v2;
	v2 =	vld [tilespmem:$0x1C090];
	_ =	sdelay $0x2  }
0x201: {  	v0 =	vsel vm15, $0x310F, v0  }
0x202: {  	[tilespmem:$0x1C210] =	vst v0;
	v0 =	vld [tilespmem:$0x1BD60]  }
0x203: {  	v2 =	vsel vm4, $0x318D, v2  }
0x204: {  	[tilespmem:$0x1C510] =	vst v2;
	v2 =	vld [tilespmem:$0x1C0A0];
	_ =	sdelay $0x2  }
0x205: {  	v0 =	vsel vm15, $0x390F, v0  }
0x206: {  	[tilespmem:$0x1C220] =	vst v0;
	v0 =	vld [tilespmem:$0x1BD70]  }
0x207: {  	v2 =	vsel vm4, $0x398D, v2  }
0x208: {  	[tilespmem:$0x1C520] =	vst v2;
	v2 =	vld [tilespmem:$0x1C0B0];
	_ =	sdelay $0x2  }
0x209: {  	v0 =	vsel vm15, $0x100, v0  }
0x20a: {  	[tilespmem:$0x1C230] =	vst v0;
	v0 =	vld [tilespmem:$0x1BD80]  }
0x20b: {  	v2 =	vsel vm4, $0x18E, v2  }
0x20c: {  	[tilespmem:$0x1C530] =	vst v2;
	v2 =	vld [tilespmem:$0x1C0C0];
	_ =	sdelay $0x2  }
0x20d: {  	v0 =	vsel vm15, $0x900, v0  }
0x20e: {  	[tilespmem:$0x1C240] =	vst v0;
	v0 =	vld [tilespmem:$0x1BD90]  }
0x20f: {  	v2 =	vsel vm4, $0x98E, v2  }
0x210: {  	[tilespmem:$0x1C540] =	vst v2;
	v2 =	vld [tilespmem:$0x1C0D0];
	_ =	sdelay $0x2  }
0x211: {  	v0 =	vsel vm15, $0x1100, v0  }
0x212: {  	[tilespmem:$0x1C250] =	vst v0;
	v0 =	vld [tilespmem:$0x1BDA0]  }
0x213: {  	v2 =	vsel vm4, $0x118E, v2  }
0x214: {  	[tilespmem:$0x1C550] =	vst v2;
	v2 =	vld [tilespmem:$0x1C0E0];
	_ =	sdelay $0x2  }
0x215: {  	v0 =	vsel vm15, $0x1900, v0  }
0x216: {  	[tilespmem:$0x1C260] =	vst v0;
	v0 =	vld [tilespmem:$0x1BDB0]  }
0x217: {  	v2 =	vsel vm4, $0x198E, v2  }
0x218: {  	[tilespmem:$0x1C560] =	vst v2;
	v2 =	vld [tilespmem:$0x1C0F0];
	_ =	sdelay $0x2  }
0x219: {  	v0 =	vsel vm15, $0x2100, v0  }
0x21a: {  	[tilespmem:$0x1C270] =	vst v0;
	v0 =	vld [tilespmem:$0x1BDC0]  }
0x21b: {  	v2 =	vsel vm4, $0x218E, v2  }
0x21c: {  	[tilespmem:$0x1C570] =	vst v2;
	v2 =	vld [tilespmem:$0x1C100];
	_ =	sdelay $0x2  }
0x21d: {  	v0 =	vsel vm15, $0x2900, v0  }
0x21e: {  	[tilespmem:$0x1C280] =	vst v0;
	v0 =	vld [tilespmem:$0x1BDD0]  }
0x21f: {  	v2 =	vsel vm4, $0x298E, v2  }
0x220: {  	[tilespmem:$0x1C580] =	vst v2;
	v2 =	vld [tilespmem:$0x1C110];
	_ =	sdelay $0x2  }
0x221: {  	v0 =	vsel vm15, $0x3100, v0  }
0x222: {  	[tilespmem:$0x1C290] =	vst v0;
	v0 =	vld [tilespmem:$0x1BDE0]  }
0x223: {  	v2 =	vsel vm4, $0x318E, v2  }
0x224: {  	[tilespmem:$0x1C590] =	vst v2;
	v2 =	vld [tilespmem:$0x1C120];
	_ =	sdelay $0x2  }
0x225: {  	v0 =	vsel vm15, $0x3900, v0  }
0x226: {  	[tilespmem:$0x1C2A0] =	vst v0;
	v0 =	vld [tilespmem:$0x1BDF0]  }
0x227: {  	v2 =	vsel vm4, $0x398E, v2  }
0x228: {  	[tilespmem:$0x1C5A0] =	vst v2;
	v2 =	vld [tilespmem:$0x1C130];
	_ =	sdelay $0x2  }
0x229: {  	v0 =	vsel vm15, $0x101, v0  }
0x22a: {  	[tilespmem:$0x1C2B0] =	vst v0;
	v0 =	vld [tilespmem:$0x1BE00]  }
0x22b: {  	v2 =	vsel vm4, $0x18F, v2  }
0x22c: {  	[tilespmem:$0x1C5B0] =	vst v2;
	v2 =	vld [tilespmem:$0x1C140];
	_ =	sdelay $0x2  }
0x22d: {  	v0 =	vsel vm15, $0x901, v0  }
0x22e: {  	[tilespmem:$0x1C2C0] =	vst v0;
	v0 =	vld [tilespmem:$0x1BE10]  }
0x22f: {  	v2 =	vsel vm4, $0x98F, v2  }
0x230: {  	[tilespmem:$0x1C5C0] =	vst v2;
	v2 =	vld [tilespmem:$0x1C150];
	_ =	sdelay $0x2  }
0x231: {  	v0 =	vsel vm15, $0x1101, v0  }
0x232: {  	[tilespmem:$0x1C2D0] =	vst v0;
	v0 =	vld [tilespmem:$0x1BE20]  }
0x233: {  	v2 =	vsel vm4, $0x118F, v2  }
0x234: {  	[tilespmem:$0x1C5D0] =	vst v2;
	v2 =	vld [tilespmem:$0x1C160];
	_ =	sdelay $0x2  }
0x235: {  	v0 =	vsel vm15, $0x1901, v0  }
0x236: {  	[tilespmem:$0x1C2E0] =	vst v0;
	v0 =	vld [tilespmem:$0x1BE30]  }
0x237: {  	v2 =	vsel vm4, $0x198F, v2  }
0x238: {  	[tilespmem:$0x1C5E0] =	vst v2;
	v2 =	vld [tilespmem:$0x1C170];
	_ =	sdelay $0x2  }
0x239: {  	v0 =	vsel vm15, $0x2101, v0  }
0x23a: {  	[tilespmem:$0x1C2F0] =	vst v0;
	v0 =	vld [tilespmem:$0x1BE40]  }
0x23b: {  	v2 =	vsel vm4, $0x218F, v2  }
0x23c: {  	[tilespmem:$0x1C5F0] =	vst v2;
	v2 =	vld [tilespmem:$0x1C180];
	_ =	sdelay $0x2  }
0x23d: {  	v0 =	vsel vm15, $0x2901, v0  }
0x23e: {  	[tilespmem:$0x1C300] =	vst v0;
	v0 =	vld [tilespmem:$0x1BE50]  }
0x23f: {  	v1 =	vld [tilespmem:$0x1BE60];
	v2 =	vsel vm4, $0x298F, v2  }
0x240: {  	[tilespmem:$0x1C600] =	vst v2;
	v2 =	vld [tilespmem:$0x1C190];
	_ =	sdelay $0x2  }
0x241: {  	v0 =	vsel vm15, $0x3101, v0  }
0x242: {  	v1 =	vsel vm15, $0x3901, v1;
	v0 =	vsel vm4, $0x3182, v0  }
0x243: {  	v2 =	vsel vm4, $0x318F, v2;
	[tilespmem:$0x1C790] =	vst v0;
	v0 =	vsel vm4, $0x3982, v1;
	v1 =	vld [tilespmem:$0x1C330]  }
0x244: {  	[tilespmem:$0x1C610] =	vst v2;
	v2 =	vld [tilespmem:$0x1C1A0];
	_ =	sdelay $0x2  }
0x245: {  	vm5 =	vcmask $0x1310  }
0x246: {  	v1 =	vsel vm5, $0x20B, v1  }
0x247: {  	v2 =	vsel vm4, $0x398F, v2;
	[tilespmem:$0x1C7B0] =	vst v1;
	v1 =	vld [tilespmem:$0x1C340]  }
0x248: {  	[tilespmem:$0x1C620] =	vst v2;
	v2 =	vld [tilespmem:$0x1C1B0];
	_ =	sdelay $0x3  }
0x249: {  	v1 =	vsel vm5, $0xA0B, v1  }
0x24a: {  	v2 =	vsel vm4, $0x180, v2;
	[tilespmem:$0x1C7C0] =	vst v1;
	v1 =	vld [tilespmem:$0x1C350]  }
0x24b: {  	[tilespmem:$0x1C630] =	vst v2;
	v2 =	vld [tilespmem:$0x1C1C0];
	_ =	sdelay $0x3  }
0x24c: {  	v1 =	vsel vm5, $0x120B, v1  }
0x24d: {  	v2 =	vsel vm4, $0x980, v2;
	[tilespmem:$0x1C7D0] =	vst v1;
	v1 =	vld [tilespmem:$0x1C360]  }
0x24e: {  	[tilespmem:$0x1C640] =	vst v2;
	v2 =	vld [tilespmem:$0x1C1D0];
	_ =	sdelay $0x3  }
0x24f: {  	v1 =	vsel vm5, $0x1A0B, v1  }
0x250: {  	v2 =	vsel vm4, $0x1180, v2;
	[tilespmem:$0x1C7E0] =	vst v1;
	v1 =	vld [tilespmem:$0x1C370]  }
0x251: {  	[tilespmem:$0x1C650] =	vst v2;
	v2 =	vld [tilespmem:$0x1C1E0];
	_ =	sdelay $0x3  }
0x252: {  	v1 =	vsel vm5, $0x220B, v1  }
0x253: {  	v2 =	vsel vm4, $0x1980, v2;
	[tilespmem:$0x1C7F0] =	vst v1;
	v1 =	vld [tilespmem:$0x1C380]  }
0x254: {  	[tilespmem:$0x1C660] =	vst v2;
	v2 =	vld [tilespmem:$0x1C1F0];
	_ =	sdelay $0x3  }
0x255: {  	v1 =	vsel vm5, $0x2A0B, v1  }
0x256: {  	v2 =	vsel vm4, $0x2180, v2;
	[tilespmem:$0x1C800] =	vst v1;
	v1 =	vld [tilespmem:$0x1C390]  }
0x257: {  	[tilespmem:$0x1C670] =	vst v2;
	v2 =	vld [tilespmem:$0x1C200];
	_ =	sdelay $0x3  }
0x258: {  	v1 =	vsel vm5, $0x320B, v1  }
0x259: {  	v2 =	vsel vm4, $0x2980, v2;
	[tilespmem:$0x1C810] =	vst v1;
	v1 =	vld [tilespmem:$0x1C3A0]  }
0x25a: {  	[tilespmem:$0x1C680] =	vst v2;
	v2 =	vld [tilespmem:$0x1C210];
	_ =	sdelay $0x3  }
0x25b: {  	v1 =	vsel vm5, $0x3A0B, v1  }
0x25c: {  	v2 =	vsel vm4, $0x3180, v2;
	[tilespmem:$0x1C820] =	vst v1;
	v1 =	vld [tilespmem:$0x1C3B0]  }
0x25d: {  	[tilespmem:$0x1C690] =	vst v2;
	v2 =	vld [tilespmem:$0x1C220];
	_ =	sdelay $0x3  }
0x25e: {  	v1 =	vsel vm5, $0x20C, v1  }
0x25f: {  	v2 =	vsel vm4, $0x3980, v2;
	[tilespmem:$0x1C830] =	vst v1;
	v1 =	vld [tilespmem:$0x1C3C0]  }
0x260: {  	[tilespmem:$0x1C6A0] =	vst v2;
	v2 =	vld [tilespmem:$0x1C230];
	_ =	sdelay $0x3  }
0x261: {  	v1 =	vsel vm5, $0xA0C, v1  }
0x262: {  	v2 =	vsel vm4, $0x181, v2;
	[tilespmem:$0x1C840] =	vst v1;
	v1 =	vld [tilespmem:$0x1C3D0]  }
0x263: {  	[tilespmem:$0x1C6B0] =	vst v2;
	v2 =	vld [tilespmem:$0x1C240];
	_ =	sdelay $0x3  }
0x264: {  	v1 =	vsel vm5, $0x120C, v1  }
0x265: {  	v2 =	vsel vm4, $0x981, v2;
	[tilespmem:$0x1C850] =	vst v1;
	v1 =	vld [tilespmem:$0x1C3E0]  }
0x266: {  	[tilespmem:$0x1C6C0] =	vst v2;
	v2 =	vld [tilespmem:$0x1C250];
	_ =	sdelay $0x3  }
0x267: {  	v1 =	vsel vm5, $0x1A0C, v1  }
0x268: {  	v2 =	vsel vm4, $0x1181, v2;
	[tilespmem:$0x1C860] =	vst v1;
	v1 =	vld [tilespmem:$0x1C3F0]  }
0x269: {  	[tilespmem:$0x1C6D0] =	vst v2;
	v2 =	vld [tilespmem:$0x1C260];
	_ =	sdelay $0x3  }
0x26a: {  	v1 =	vsel vm5, $0x220C, v1  }
0x26b: {  	v2 =	vsel vm4, $0x1981, v2;
	[tilespmem:$0x1C870] =	vst v1;
	v1 =	vld [tilespmem:$0x1C400]  }
0x26c: {  	[tilespmem:$0x1C6E0] =	vst v2;
	v2 =	vld [tilespmem:$0x1C270];
	_ =	sdelay $0x3  }
0x26d: {  	v1 =	vsel vm5, $0x2A0C, v1  }
0x26e: {  	v2 =	vsel vm4, $0x2181, v2;
	[tilespmem:$0x1C880] =	vst v1;
	v1 =	vld [tilespmem:$0x1C410]  }
0x26f: {  	[tilespmem:$0x1C6F0] =	vst v2;
	v2 =	vld [tilespmem:$0x1C280];
	_ =	sdelay $0x3  }
0x270: {  	v1 =	vsel vm5, $0x320C, v1  }
0x271: {  	v2 =	vsel vm4, $0x2981, v2;
	[tilespmem:$0x1C890] =	vst v1;
	v1 =	vld [tilespmem:$0x1C420]  }
0x272: {  	[tilespmem:$0x1C700] =	vst v2;
	v2 =	vld [tilespmem:$0x1C290];
	_ =	sdelay $0x3  }
0x273: {  	v1 =	vsel vm5, $0x3A0C, v1  }
0x274: {  	v2 =	vsel vm4, $0x3181, v2;
	[tilespmem:$0x1C8A0] =	vst v1;
	v1 =	vld [tilespmem:$0x1C430]  }
0x275: {  	[tilespmem:$0x1C710] =	vst v2;
	v2 =	vld [tilespmem:$0x1C2A0];
	_ =	sdelay $0x3  }
0x276: {  	v1 =	vsel vm5, $0x20D, v1  }
0x277: {  	v2 =	vsel vm4, $0x3981, v2;
	[tilespmem:$0x1C8B0] =	vst v1;
	v1 =	vld [tilespmem:$0x1C440]  }
0x278: {  	[tilespmem:$0x1C720] =	vst v2;
	v2 =	vld [tilespmem:$0x1C2B0];
	_ =	sdelay $0x3  }
0x279: {  	v1 =	vsel vm5, $0xA0D, v1  }
0x27a: {  	v2 =	vsel vm4, $0x182, v2;
	[tilespmem:$0x1C8C0] =	vst v1;
	v1 =	vld [tilespmem:$0x1C450]  }
0x27b: {  	[tilespmem:$0x1C730] =	vst v2;
	v2 =	vld [tilespmem:$0x1C2C0];
	_ =	sdelay $0x3  }
0x27c: {  	v1 =	vsel vm5, $0x120D, v1  }
0x27d: {  	v2 =	vsel vm4, $0x982, v2;
	[tilespmem:$0x1C8D0] =	vst v1;
	v1 =	vld [tilespmem:$0x1C460]  }
0x27e: {  	[tilespmem:$0x1C740] =	vst v2;
	v2 =	vld [tilespmem:$0x1C2D0];
	_ =	sdelay $0x3  }
0x27f: {  	v1 =	vsel vm5, $0x1A0D, v1  }
0x280: {  	v2 =	vsel vm4, $0x1182, v2;
	[tilespmem:$0x1C8E0] =	vst v1;
	v1 =	vld [tilespmem:$0x1C470]  }
0x281: {  	[tilespmem:$0x1C750] =	vst v2;
	v2 =	vld [tilespmem:$0x1C2E0];
	_ =	sdelay $0x3  }
0x282: {  	v5 =	vsel vm15, $0x700, v3;
	v3 =	vld [tilespmem:$0x1BE70];
	v1 =	vsel vm5, $0x220D, v1  }
0x283: {  	v2 =	vsel vm4, $0x1982, v2;
	[tilespmem:$0x1C8F0] =	vst v1;
	v1 =	vld [tilespmem:$0x1C480]  }
0x284: {  	[tilespmem:$0x1C760] =	vst v2;
	v2 =	vld [tilespmem:$0x1C2F0];
	_ =	sdelay $0x2  }
0x285: {  	v3 =	vsel vm4, $0x100, v3  }
0x286: {  	[tilespmem:$0x1C310] =	vst v3;
	v1 =	vsel vm5, $0x2A0D, v1  }
0x287: {  	v2 =	vsel vm4, $0x2182, v2;
	[tilespmem:$0x1C900] =	vst v1;
	v1 =	vld [tilespmem:$0x1C490]  }
0x288: {  	[tilespmem:$0x1C770] =	vst v2;
	v2 =	vld [tilespmem:$0x1C300]  }
0x289: {  	[tilespmem:$0x1C7A0] =	vst v0;
	v0 =	vld [tilespmem:$0x1C310];
	_ =	sdelay $0x2  }
0x28a: {  	v1 =	vsel vm5, $0x320D, v1  }
0x28b: {  	v2 =	vsel vm4, $0x2982, v2;
	[tilespmem:$0x1C910] =	vst v1;
	v1 =	vld [tilespmem:$0x1C4A0]  }
0x28c: {  	[tilespmem:$0x1C780] =	vst v2;
	v2 =	vsel vm5, $0x180, v0;
	v0 =	vld [tilespmem:$0x1C320];
	_ =	sdelay $0x3  }
0x28d: {  	v1 =	vsel vm5, $0x3A0D, v1  }
0x28e: {  	vm6 =	vcmask $0x1714;
	v0 =	vsel vm5, $0x3A0A, v0;
	[tilespmem:$0x1C920] =	vst v1;
	v1 =	vld [tilespmem:$0x1C4B0]  }
0x28f: {  	v0 =	vsel vm6, $0x3A8B, v0  }
0x290: {  	[tilespmem:$0x1CC40] =	vst v0;
	v0 =	vld [tilespmem:$0x1C7B0];
	_ =	sdelay $0x2  }
0x291: {  	v1 =	vsel vm5, $0x20E, v1  }
0x292: {  	[tilespmem:$0x1C930] =	vst v1;
	v1 =	vld [tilespmem:$0x1C4C0]  }
0x293: {  	v0 =	vsel vm6, $0x28C, v0  }
0x294: {  	[tilespmem:$0x1CC50] =	vst v0;
	v0 =	vld [tilespmem:$0x1C7C0];
	_ =	sdelay $0x2  }
0x295: {  	v1 =	vsel vm5, $0xA0E, v1  }
0x296: {  	[tilespmem:$0x1C940] =	vst v1;
	v1 =	vld [tilespmem:$0x1C4D0]  }
0x297: {  	v0 =	vsel vm6, $0xA8C, v0  }
0x298: {  	[tilespmem:$0x1CC60] =	vst v0;
	v0 =	vld [tilespmem:$0x1C7D0];
	_ =	sdelay $0x2  }
0x299: {  	v1 =	vsel vm5, $0x120E, v1  }
0x29a: {  	[tilespmem:$0x1C950] =	vst v1;
	v1 =	vld [tilespmem:$0x1C4E0]  }
0x29b: {  	v0 =	vsel vm6, $0x128C, v0  }
0x29c: {  	[tilespmem:$0x1CC70] =	vst v0;
	v0 =	vld [tilespmem:$0x1C7E0];
	_ =	sdelay $0x2  }
0x29d: {  	v1 =	vsel vm5, $0x1A0E, v1  }
0x29e: {  	[tilespmem:$0x1C960] =	vst v1;
	v1 =	vld [tilespmem:$0x1C4F0]  }
0x29f: {  	v0 =	vsel vm6, $0x1A8C, v0  }
0x2a0: {  	[tilespmem:$0x1CC80] =	vst v0;
	v0 =	vld [tilespmem:$0x1C7F0];
	_ =	sdelay $0x2  }
0x2a1: {  	v1 =	vsel vm5, $0x220E, v1  }
0x2a2: {  	[tilespmem:$0x1C970] =	vst v1;
	v1 =	vld [tilespmem:$0x1C500]  }
0x2a3: {  	v0 =	vsel vm6, $0x228C, v0  }
0x2a4: {  	[tilespmem:$0x1CC90] =	vst v0;
	v0 =	vld [tilespmem:$0x1C800];
	_ =	sdelay $0x2  }
0x2a5: {  	v1 =	vsel vm5, $0x2A0E, v1  }
0x2a6: {  	[tilespmem:$0x1C980] =	vst v1;
	v1 =	vld [tilespmem:$0x1C510]  }
0x2a7: {  	v0 =	vsel vm6, $0x2A8C, v0  }
0x2a8: {  	[tilespmem:$0x1CCA0] =	vst v0;
	v0 =	vld [tilespmem:$0x1C810];
	_ =	sdelay $0x2  }
0x2a9: {  	v1 =	vsel vm5, $0x320E, v1  }
0x2aa: {  	[tilespmem:$0x1C990] =	vst v1;
	v1 =	vld [tilespmem:$0x1C520]  }
0x2ab: {  	v0 =	vsel vm6, $0x328C, v0  }
0x2ac: {  	[tilespmem:$0x1CCB0] =	vst v0;
	v0 =	vld [tilespmem:$0x1C820];
	_ =	sdelay $0x2  }
0x2ad: {  	v1 =	vsel vm5, $0x3A0E, v1  }
0x2ae: {  	[tilespmem:$0x1C9A0] =	vst v1;
	v1 =	vld [tilespmem:$0x1C530]  }
0x2af: {  	v0 =	vsel vm6, $0x3A8C, v0  }
0x2b0: {  	[tilespmem:$0x1CCC0] =	vst v0;
	v0 =	vld [tilespmem:$0x1C830];
	_ =	sdelay $0x2  }
0x2b1: {  	v1 =	vsel vm5, $0x20F, v1  }
0x2b2: {  	[tilespmem:$0x1C9B0] =	vst v1;
	v1 =	vld [tilespmem:$0x1C540]  }
0x2b3: {  	v0 =	vsel vm6, $0x28D, v0  }
0x2b4: {  	[tilespmem:$0x1CCD0] =	vst v0;
	v0 =	vld [tilespmem:$0x1C840];
	_ =	sdelay $0x2  }
0x2b5: {  	v1 =	vsel vm5, $0xA0F, v1  }
0x2b6: {  	[tilespmem:$0x1C9C0] =	vst v1;
	v1 =	vld [tilespmem:$0x1C550]  }
0x2b7: {  	v0 =	vsel vm6, $0xA8D, v0  }
0x2b8: {  	[tilespmem:$0x1CCE0] =	vst v0;
	v0 =	vld [tilespmem:$0x1C850];
	_ =	sdelay $0x2  }
0x2b9: {  	v1 =	vsel vm5, $0x120F, v1  }
0x2ba: {  	[tilespmem:$0x1C9D0] =	vst v1;
	v1 =	vld [tilespmem:$0x1C560]  }
0x2bb: {  	v0 =	vsel vm6, $0x128D, v0  }
0x2bc: {  	[tilespmem:$0x1CCF0] =	vst v0;
	v0 =	vld [tilespmem:$0x1C860];
	_ =	sdelay $0x2  }
0x2bd: {  	v1 =	vsel vm5, $0x1A0F, v1  }
0x2be: {  	[tilespmem:$0x1C9E0] =	vst v1;
	v1 =	vld [tilespmem:$0x1C570]  }
0x2bf: {  	v0 =	vsel vm6, $0x1A8D, v0  }
0x2c0: {  	[tilespmem:$0x1CD00] =	vst v0;
	v0 =	vld [tilespmem:$0x1C870];
	_ =	sdelay $0x2  }
0x2c1: {  	v1 =	vsel vm5, $0x220F, v1  }
0x2c2: {  	[tilespmem:$0x1C9F0] =	vst v1;
	v1 =	vld [tilespmem:$0x1C580]  }
0x2c3: {  	v0 =	vsel vm6, $0x228D, v0  }
0x2c4: {  	[tilespmem:$0x1CD10] =	vst v0;
	v0 =	vld [tilespmem:$0x1C880];
	_ =	sdelay $0x2  }
0x2c5: {  	v1 =	vsel vm5, $0x2A0F, v1  }
0x2c6: {  	[tilespmem:$0x1CA00] =	vst v1;
	v1 =	vld [tilespmem:$0x1C590]  }
0x2c7: {  	v0 =	vsel vm6, $0x2A8D, v0  }
0x2c8: {  	[tilespmem:$0x1CD20] =	vst v0;
	v0 =	vld [tilespmem:$0x1C890];
	_ =	sdelay $0x2  }
0x2c9: {  	v1 =	vsel vm5, $0x320F, v1  }
0x2ca: {  	[tilespmem:$0x1CA10] =	vst v1;
	v1 =	vld [tilespmem:$0x1C5A0]  }
0x2cb: {  	v0 =	vsel vm6, $0x328D, v0  }
0x2cc: {  	[tilespmem:$0x1CD30] =	vst v0;
	v0 =	vld [tilespmem:$0x1C8A0];
	_ =	sdelay $0x2  }
0x2cd: {  	v1 =	vsel vm5, $0x3A0F, v1  }
0x2ce: {  	[tilespmem:$0x1CA20] =	vst v1;
	v1 =	vld [tilespmem:$0x1C5B0]  }
0x2cf: {  	v0 =	vsel vm6, $0x3A8D, v0  }
0x2d0: {  	[tilespmem:$0x1CD40] =	vst v0;
	v0 =	vld [tilespmem:$0x1C8B0];
	_ =	sdelay $0x2  }
0x2d1: {  	v1 =	vsel vm5, $0x200, v1  }
0x2d2: {  	[tilespmem:$0x1CA30] =	vst v1;
	v1 =	vld [tilespmem:$0x1C5C0]  }
0x2d3: {  	v0 =	vsel vm6, $0x28E, v0  }
0x2d4: {  	[tilespmem:$0x1CD50] =	vst v0;
	v0 =	vld [tilespmem:$0x1C8C0];
	_ =	sdelay $0x2  }
0x2d5: {  	v1 =	vsel vm5, $0xA00, v1  }
0x2d6: {  	[tilespmem:$0x1CA40] =	vst v1;
	v1 =	vld [tilespmem:$0x1C5D0]  }
0x2d7: {  	v0 =	vsel vm6, $0xA8E, v0  }
0x2d8: {  	[tilespmem:$0x1CD60] =	vst v0;
	v0 =	vld [tilespmem:$0x1C8D0];
	_ =	sdelay $0x2  }
0x2d9: {  	v1 =	vsel vm5, $0x1200, v1  }
0x2da: {  	[tilespmem:$0x1CA50] =	vst v1;
	v1 =	vld [tilespmem:$0x1C5E0]  }
0x2db: {  	v0 =	vsel vm6, $0x128E, v0  }
0x2dc: {  	[tilespmem:$0x1CD70] =	vst v0;
	v0 =	vld [tilespmem:$0x1C8E0];
	_ =	sdelay $0x2  }
0x2dd: {  	v1 =	vsel vm5, $0x1A00, v1  }
0x2de: {  	[tilespmem:$0x1CA60] =	vst v1;
	v1 =	vld [tilespmem:$0x1C5F0]  }
0x2df: {  	v0 =	vsel vm6, $0x1A8E, v0  }
0x2e0: {  	[tilespmem:$0x1CD80] =	vst v0;
	v0 =	vld [tilespmem:$0x1C8F0];
	_ =	sdelay $0x2  }
0x2e1: {  	v1 =	vsel vm5, $0x2200, v1  }
0x2e2: {  	[tilespmem:$0x1CA70] =	vst v1;
	v1 =	vld [tilespmem:$0x1C600]  }
0x2e3: {  	v0 =	vsel vm6, $0x228E, v0  }
0x2e4: {  	[tilespmem:$0x1CD90] =	vst v0;
	v0 =	vld [tilespmem:$0x1C900];
	_ =	sdelay $0x2  }
0x2e5: {  	v1 =	vsel vm5, $0x2A00, v1  }
0x2e6: {  	[tilespmem:$0x1CA80] =	vst v1;
	v1 =	vld [tilespmem:$0x1C610]  }
0x2e7: {  	v0 =	vsel vm6, $0x2A8E, v0  }
0x2e8: {  	[tilespmem:$0x1CDA0] =	vst v0;
	v0 =	vld [tilespmem:$0x1C910];
	_ =	sdelay $0x2  }
0x2e9: {  	v1 =	vsel vm5, $0x3200, v1  }
0x2ea: {  	[tilespmem:$0x1CA90] =	vst v1;
	v1 =	vld [tilespmem:$0x1C620]  }
0x2eb: {  	v0 =	vsel vm6, $0x328E, v0  }
0x2ec: {  	[tilespmem:$0x1CDB0] =	vst v0;
	v0 =	vld [tilespmem:$0x1C920];
	_ =	sdelay $0x2  }
0x2ed: {  	v1 =	vsel vm5, $0x3A00, v1  }
0x2ee: {  	[tilespmem:$0x1CAA0] =	vst v1;
	v1 =	vld [tilespmem:$0x1C630]  }
0x2ef: {  	v0 =	vsel vm6, $0x3A8E, v0  }
0x2f0: {  	[tilespmem:$0x1CDC0] =	vst v0;
	v0 =	vld [tilespmem:$0x1C930];
	_ =	sdelay $0x2  }
0x2f1: {  	v1 =	vsel vm5, $0x201, v1  }
0x2f2: {  	[tilespmem:$0x1CAB0] =	vst v1;
	v1 =	vld [tilespmem:$0x1C640]  }
0x2f3: {  	v0 =	vsel vm6, $0x28F, v0  }
0x2f4: {  	[tilespmem:$0x1CDD0] =	vst v0;
	v0 =	vld [tilespmem:$0x1C940];
	_ =	sdelay $0x2  }
0x2f5: {  	v1 =	vsel vm5, $0xA01, v1  }
0x2f6: {  	[tilespmem:$0x1CAC0] =	vst v1;
	v1 =	vld [tilespmem:$0x1C650]  }
0x2f7: {  	v0 =	vsel vm6, $0xA8F, v0  }
0x2f8: {  	[tilespmem:$0x1CDE0] =	vst v0;
	v0 =	vld [tilespmem:$0x1C950];
	_ =	sdelay $0x2  }
0x2f9: {  	v1 =	vsel vm5, $0x1201, v1  }
0x2fa: {  	[tilespmem:$0x1CAD0] =	vst v1;
	v1 =	vld [tilespmem:$0x1C660]  }
0x2fb: {  	v0 =	vsel vm6, $0x128F, v0  }
0x2fc: {  	[tilespmem:$0x1CDF0] =	vst v0;
	v0 =	vld [tilespmem:$0x1C960];
	_ =	sdelay $0x2  }
0x2fd: {  	v1 =	vsel vm5, $0x1A01, v1  }
0x2fe: {  	[tilespmem:$0x1CAE0] =	vst v1;
	v1 =	vld [tilespmem:$0x1C670]  }
0x2ff: {  	v0 =	vsel vm6, $0x1A8F, v0  }
0x300: {  	[tilespmem:$0x1CE00] =	vst v0;
	v0 =	vld [tilespmem:$0x1C970];
	_ =	sdelay $0x2  }
0x301: {  	v1 =	vsel vm5, $0x2201, v1  }
0x302: {  	[tilespmem:$0x1CAF0] =	vst v1;
	v1 =	vld [tilespmem:$0x1C680]  }
0x303: {  	v0 =	vsel vm6, $0x228F, v0  }
0x304: {  	[tilespmem:$0x1CE10] =	vst v0;
	v0 =	vld [tilespmem:$0x1C980];
	_ =	sdelay $0x2  }
0x305: {  	v1 =	vsel vm5, $0x2A01, v1  }
0x306: {  	[tilespmem:$0x1CB00] =	vst v1;
	v1 =	vld [tilespmem:$0x1C690]  }
0x307: {  	v0 =	vsel vm6, $0x2A8F, v0  }
0x308: {  	[tilespmem:$0x1CE20] =	vst v0;
	v0 =	vld [tilespmem:$0x1C990];
	_ =	sdelay $0x2  }
0x309: {  	v1 =	vsel vm5, $0x3201, v1  }
0x30a: {  	[tilespmem:$0x1CB10] =	vst v1;
	v1 =	vld [tilespmem:$0x1C6A0]  }
0x30b: {  	v0 =	vsel vm6, $0x328F, v0  }
0x30c: {  	[tilespmem:$0x1CE30] =	vst v0;
	v0 =	vld [tilespmem:$0x1C9A0];
	_ =	sdelay $0x2  }
0x30d: {  	v1 =	vsel vm5, $0x3A01, v1  }
0x30e: {  	[tilespmem:$0x1CB20] =	vst v1;
	v1 =	vld [tilespmem:$0x1C6B0]  }
0x30f: {  	v0 =	vsel vm6, $0x3A8F, v0  }
0x310: {  	[tilespmem:$0x1CE40] =	vst v0;
	v0 =	vld [tilespmem:$0x1C9B0];
	_ =	sdelay $0x2  }
0x311: {  	v1 =	vsel vm5, $0x202, v1  }
0x312: {  	[tilespmem:$0x1CB30] =	vst v1;
	v1 =	vld [tilespmem:$0x1C6C0]  }
0x313: {  	v0 =	vsel vm6, $0x280, v0  }
0x314: {  	[tilespmem:$0x1CE50] =	vst v0;
	v0 =	vld [tilespmem:$0x1C9C0];
	_ =	sdelay $0x2  }
0x315: {  	v1 =	vsel vm5, $0xA02, v1  }
0x316: {  	[tilespmem:$0x1CB40] =	vst v1;
	v1 =	vld [tilespmem:$0x1C6D0]  }
0x317: {  	v0 =	vsel vm6, $0xA80, v0  }
0x318: {  	[tilespmem:$0x1CE60] =	vst v0;
	v0 =	vld [tilespmem:$0x1C9D0];
	_ =	sdelay $0x2  }
0x319: {  	v1 =	vsel vm5, $0x1202, v1  }
0x31a: {  	[tilespmem:$0x1CB50] =	vst v1;
	v1 =	vld [tilespmem:$0x1C6E0]  }
0x31b: {  	v0 =	vsel vm6, $0x1280, v0  }
0x31c: {  	[tilespmem:$0x1CE70] =	vst v0;
	v0 =	vld [tilespmem:$0x1C9E0];
	_ =	sdelay $0x2  }
0x31d: {  	v1 =	vsel vm5, $0x1A02, v1  }
0x31e: {  	[tilespmem:$0x1CB60] =	vst v1;
	v1 =	vld [tilespmem:$0x1C6F0]  }
0x31f: {  	v0 =	vsel vm6, $0x1A80, v0  }
0x320: {  	[tilespmem:$0x1CE80] =	vst v0;
	v0 =	vld [tilespmem:$0x1C9F0];
	_ =	sdelay $0x2  }
0x321: {  	v1 =	vsel vm5, $0x2202, v1  }
0x322: {  	[tilespmem:$0x1CB70] =	vst v1;
	v1 =	vld [tilespmem:$0x1C700]  }
0x323: {  	v0 =	vsel vm6, $0x2280, v0  }
0x324: {  	[tilespmem:$0x1CE90] =	vst v0;
	v0 =	vld [tilespmem:$0x1CA00];
	_ =	sdelay $0x2  }
0x325: {  	v1 =	vsel vm5, $0x2A02, v1  }
0x326: {  	[tilespmem:$0x1CB80] =	vst v1;
	v1 =	vld [tilespmem:$0x1C710]  }
0x327: {  	v0 =	vsel vm6, $0x2A80, v0  }
0x328: {  	[tilespmem:$0x1CEA0] =	vst v0;
	v0 =	vld [tilespmem:$0x1CA10];
	_ =	sdelay $0x2  }
0x329: {  	v1 =	vsel vm5, $0x3202, v1  }
0x32a: {  	[tilespmem:$0x1CB90] =	vst v1;
	v1 =	vld [tilespmem:$0x1C720]  }
0x32b: {  	v0 =	vsel vm6, $0x3280, v0  }
0x32c: {  	[tilespmem:$0x1CEB0] =	vst v0;
	v0 =	vld [tilespmem:$0x1CA20];
	_ =	sdelay $0x2  }
0x32d: {  	v1 =	vsel vm5, $0x3A02, v1  }
0x32e: {  	[tilespmem:$0x1CBA0] =	vst v1;
	v1 =	vld [tilespmem:$0x1C730]  }
0x32f: {  	v0 =	vsel vm6, $0x3A80, v0  }
0x330: {  	[tilespmem:$0x1CEC0] =	vst v0;
	v0 =	vld [tilespmem:$0x1CA30];
	_ =	sdelay $0x2  }
0x331: {  	v1 =	vsel vm5, $0x203, v1  }
0x332: {  	[tilespmem:$0x1CBB0] =	vst v1;
	v1 =	vld [tilespmem:$0x1C740]  }
0x333: {  	v0 =	vsel vm6, $0x281, v0  }
0x334: {  	[tilespmem:$0x1CED0] =	vst v0;
	v0 =	vld [tilespmem:$0x1CA40];
	_ =	sdelay $0x2  }
0x335: {  	v1 =	vsel vm5, $0xA03, v1  }
0x336: {  	[tilespmem:$0x1CBC0] =	vst v1;
	v1 =	vld [tilespmem:$0x1C750]  }
0x337: {  	v0 =	vsel vm6, $0xA81, v0  }
0x338: {  	[tilespmem:$0x1CEE0] =	vst v0;
	v0 =	vld [tilespmem:$0x1CA50];
	_ =	sdelay $0x2  }
0x339: {  	v1 =	vsel vm5, $0x1203, v1  }
0x33a: {  	[tilespmem:$0x1CBD0] =	vst v1;
	v1 =	vld [tilespmem:$0x1C760]  }
0x33b: {  	v0 =	vsel vm6, $0x1281, v0  }
0x33c: {  	[tilespmem:$0x1CEF0] =	vst v0;
	v0 =	vld [tilespmem:$0x1CA60];
	_ =	sdelay $0x2  }
0x33d: {  	v1 =	vsel vm5, $0x1A03, v1  }
0x33e: {  	[tilespmem:$0x1CBE0] =	vst v1;
	v1 =	vld [tilespmem:$0x1C770]  }
0x33f: {  	v0 =	vsel vm6, $0x1A81, v0  }
0x340: {  	[tilespmem:$0x1CF00] =	vst v0;
	v0 =	vld [tilespmem:$0x1CA70];
	_ =	sdelay $0x2  }
0x341: {  	v1 =	vsel vm5, $0x2203, v1  }
0x342: {  	[tilespmem:$0x1CBF0] =	vst v1;
	v1 =	vld [tilespmem:$0x1C780]  }
0x343: {  	v0 =	vsel vm6, $0x2281, v0  }
0x344: {  	[tilespmem:$0x1CF10] =	vst v0;
	v0 =	vld [tilespmem:$0x1CA80];
	_ =	sdelay $0x2  }
0x345: {  	v1 =	vsel vm5, $0x2A03, v1  }
0x346: {  	[tilespmem:$0x1CC00] =	vst v1;
	v1 =	vld [tilespmem:$0x1C790]  }
0x347: {  	v0 =	vsel vm6, $0x2A81, v0  }
0x348: {  	[tilespmem:$0x1CF20] =	vst v0;
	v0 =	vld [tilespmem:$0x1CA90];
	_ =	sdelay $0x2  }
0x349: {  	v1 =	vsel vm5, $0x3203, v1  }
0x34a: {  	[tilespmem:$0x1CC10] =	vst v1;
	v1 =	vld [tilespmem:$0x1C7A0]  }
0x34b: {  	v3 =	vld [tilespmem:$0x1BE80];
	v0 =	vsel vm6, $0x3281, v0  }
0x34c: {  	[tilespmem:$0x1CF30] =	vst v0;
	v0 =	vld [tilespmem:$0x1CAA0];
	_ =	sdelay $0x2  }
0x34d: {  	v1 =	vsel vm5, $0x3A03, v1  }
0x34e: {  	[tilespmem:$0x1CC20] =	vst v1;
	v1 =	vsel vm6, $0x200, v2  }
0x34f: {  	v3 =	vsel vm4, $0x80, v3;
	v0 =	vsel vm6, $0x3A81, v0;
	[tilespmem:$0x1CC30] =	vst v1  }
0x350: {  	v3 =	vsel vm5, $0x100, v3;
	[tilespmem:$0x1CF40] =	vst v0  }
0x351: {  	v2 =	vsel vm6, $0x180, v3;
	v3 =	vld [tilespmem:$0x1CC30];
	_ =	sdelay $0x3  }
0x352: {  	vm7 =	vcmask $0x1B18  }
0x353: {  	v3 =	vsel vm7, $0x280, v3  }
0x354: {  	[tilespmem:$0x1D0B0] =	vst v3;
	v3 =	vsel vm7, $0x200, v2;
	v2 =	vld [tilespmem:$0x1CC40];
	_ =	sdelay $0x4  }
0x355: {  	v2 =	vsel vm7, $0x3B0C, v2  }
0x356: {  	[tilespmem:$0x1D0C0] =	vst v2;
	v2 =	vld [tilespmem:$0x1CC50];
	_ =	sdelay $0x4  }
0x357: {  	v2 =	vsel vm7, $0x30D, v2  }
0x358: {  	[tilespmem:$0x1D0D0] =	vst v2;
	v2 =	vld [tilespmem:$0x1CC60];
	_ =	sdelay $0x4  }
0x359: {  	v2 =	vsel vm7, $0xB0D, v2  }
0x35a: {  	[tilespmem:$0x1D0E0] =	vst v2;
	v2 =	vld [tilespmem:$0x1CC70];
	_ =	sdelay $0x4  }
0x35b: {  	v2 =	vsel vm7, $0x130D, v2  }
0x35c: {  	[tilespmem:$0x1D0F0] =	vst v2;
	v2 =	vld [tilespmem:$0x1CC80];
	_ =	sdelay $0x4  }
0x35d: {  	v2 =	vsel vm7, $0x1B0D, v2  }
0x35e: {  	[tilespmem:$0x1D100] =	vst v2;
	v2 =	vld [tilespmem:$0x1CC90];
	_ =	sdelay $0x4  }
0x35f: {  	v2 =	vsel vm7, $0x230D, v2  }
0x360: {  	[tilespmem:$0x1D110] =	vst v2;
	v2 =	vld [tilespmem:$0x1CCA0];
	_ =	sdelay $0x4  }
0x361: {  	v2 =	vsel vm7, $0x2B0D, v2  }
0x362: {  	[tilespmem:$0x1D120] =	vst v2;
	v2 =	vld [tilespmem:$0x1CCB0];
	_ =	sdelay $0x4  }
0x363: {  	v2 =	vsel vm7, $0x330D, v2  }
0x364: {  	[tilespmem:$0x1D130] =	vst v2;
	v2 =	vld [tilespmem:$0x1CCC0];
	_ =	sdelay $0x4  }
0x365: {  	v2 =	vsel vm7, $0x3B0D, v2  }
0x366: {  	[tilespmem:$0x1D140] =	vst v2;
	v2 =	vld [tilespmem:$0x1CCD0];
	_ =	sdelay $0x4  }
0x367: {  	v2 =	vsel vm7, $0x30E, v2  }
0x368: {  	[tilespmem:$0x1D150] =	vst v2;
	v2 =	vld [tilespmem:$0x1CCE0];
	_ =	sdelay $0x4  }
0x369: {  	v2 =	vsel vm7, $0xB0E, v2  }
0x36a: {  	[tilespmem:$0x1D160] =	vst v2;
	v2 =	vld [tilespmem:$0x1CCF0];
	_ =	sdelay $0x4  }
0x36b: {  	v2 =	vsel vm7, $0x130E, v2  }
0x36c: {  	[tilespmem:$0x1D170] =	vst v2;
	v2 =	vld [tilespmem:$0x1CD00];
	_ =	sdelay $0x4  }
0x36d: {  	v2 =	vsel vm7, $0x1B0E, v2  }
0x36e: {  	[tilespmem:$0x1D180] =	vst v2;
	v2 =	vld [tilespmem:$0x1CD10];
	_ =	sdelay $0x4  }
0x36f: {  	v2 =	vsel vm7, $0x230E, v2  }
0x370: {  	[tilespmem:$0x1D190] =	vst v2;
	v2 =	vld [tilespmem:$0x1CD20];
	_ =	sdelay $0x4  }
0x371: {  	v2 =	vsel vm7, $0x2B0E, v2  }
0x372: {  	[tilespmem:$0x1D1A0] =	vst v2;
	v2 =	vld [tilespmem:$0x1CD30];
	_ =	sdelay $0x4  }
0x373: {  	v2 =	vsel vm7, $0x330E, v2  }
0x374: {  	[tilespmem:$0x1D1B0] =	vst v2;
	v2 =	vld [tilespmem:$0x1CD40];
	_ =	sdelay $0x4  }
0x375: {  	v2 =	vsel vm7, $0x3B0E, v2  }
0x376: {  	[tilespmem:$0x1D1C0] =	vst v2;
	v2 =	vld [tilespmem:$0x1CD50];
	_ =	sdelay $0x4  }
0x377: {  	v2 =	vsel vm7, $0x30F, v2  }
0x378: {  	[tilespmem:$0x1D1D0] =	vst v2;
	v2 =	vld [tilespmem:$0x1CD60];
	_ =	sdelay $0x4  }
0x379: {  	v2 =	vsel vm7, $0xB0F, v2  }
0x37a: {  	[tilespmem:$0x1D1E0] =	vst v2;
	v2 =	vld [tilespmem:$0x1CD70];
	_ =	sdelay $0x4  }
0x37b: {  	v2 =	vsel vm7, $0x130F, v2  }
0x37c: {  	[tilespmem:$0x1D1F0] =	vst v2;
	v2 =	vld [tilespmem:$0x1CD80];
	_ =	sdelay $0x4  }
0x37d: {  	v2 =	vsel vm7, $0x1B0F, v2  }
0x37e: {  	[tilespmem:$0x1D200] =	vst v2;
	v2 =	vld [tilespmem:$0x1CD90];
	_ =	sdelay $0x4  }
0x37f: {  	v2 =	vsel vm7, $0x230F, v2  }
0x380: {  	[tilespmem:$0x1D210] =	vst v2;
	v2 =	vld [tilespmem:$0x1CDA0];
	_ =	sdelay $0x4  }
0x381: {  	v2 =	vsel vm7, $0x2B0F, v2  }
0x382: {  	[tilespmem:$0x1D220] =	vst v2;
	v2 =	vld [tilespmem:$0x1CDB0];
	_ =	sdelay $0x4  }
0x383: {  	v2 =	vsel vm7, $0x330F, v2  }
0x384: {  	[tilespmem:$0x1D230] =	vst v2;
	v2 =	vld [tilespmem:$0x1CDC0];
	_ =	sdelay $0x4  }
0x385: {  	v2 =	vsel vm7, $0x3B0F, v2  }
0x386: {  	[tilespmem:$0x1D240] =	vst v2;
	v2 =	vld [tilespmem:$0x1CDD0];
	_ =	sdelay $0x4  }
0x387: {  	v2 =	vsel vm7, $0x300, v2  }
0x388: {  	[tilespmem:$0x1D250] =	vst v2;
	v2 =	vld [tilespmem:$0x1CDE0];
	_ =	sdelay $0x4  }
0x389: {  	v2 =	vsel vm7, $0xB00, v2  }
0x38a: {  	[tilespmem:$0x1D260] =	vst v2;
	v2 =	vld [tilespmem:$0x1CDF0];
	_ =	sdelay $0x4  }
0x38b: {  	v2 =	vsel vm7, $0x1300, v2  }
0x38c: {  	[tilespmem:$0x1D270] =	vst v2;
	v2 =	vld [tilespmem:$0x1CE00];
	_ =	sdelay $0x4  }
0x38d: {  	v2 =	vsel vm7, $0x1B00, v2  }
0x38e: {  	[tilespmem:$0x1D280] =	vst v2;
	v2 =	vld [tilespmem:$0x1CE10];
	_ =	sdelay $0x4  }
0x38f: {  	v2 =	vsel vm7, $0x2300, v2  }
0x390: {  	[tilespmem:$0x1D290] =	vst v2;
	v2 =	vld [tilespmem:$0x1CE20];
	_ =	sdelay $0x4  }
0x391: {  	v2 =	vsel vm7, $0x2B00, v2  }
0x392: {  	[tilespmem:$0x1D2A0] =	vst v2;
	v2 =	vld [tilespmem:$0x1CE30];
	_ =	sdelay $0x4  }
0x393: {  	v2 =	vsel vm7, $0x3300, v2  }
0x394: {  	[tilespmem:$0x1D2B0] =	vst v2;
	v2 =	vld [tilespmem:$0x1CE40];
	_ =	sdelay $0x4  }
0x395: {  	v2 =	vsel vm7, $0x3B00, v2  }
0x396: {  	[tilespmem:$0x1D2C0] =	vst v2;
	v2 =	vld [tilespmem:$0x1CE50];
	_ =	sdelay $0x4  }
0x397: {  	v2 =	vsel vm7, $0x301, v2  }
0x398: {  	[tilespmem:$0x1D2D0] =	vst v2;
	v2 =	vld [tilespmem:$0x1CE60];
	_ =	sdelay $0x4  }
0x399: {  	v2 =	vsel vm7, $0xB01, v2  }
0x39a: {  	[tilespmem:$0x1D2E0] =	vst v2;
	v2 =	vld [tilespmem:$0x1CE70];
	_ =	sdelay $0x4  }
0x39b: {  	v2 =	vsel vm7, $0x1301, v2  }
0x39c: {  	[tilespmem:$0x1D2F0] =	vst v2;
	v2 =	vld [tilespmem:$0x1CE80];
	_ =	sdelay $0x4  }
0x39d: {  	v2 =	vsel vm7, $0x1B01, v2  }
0x39e: {  	[tilespmem:$0x1D300] =	vst v2;
	v2 =	vld [tilespmem:$0x1CE90];
	_ =	sdelay $0x3  }
0x39f: {  	v0 =	vld [tilespmem:$0x1CAB0]  }
0x3a0: {  	v2 =	vsel vm7, $0x2301, v2  }
0x3a1: {  	[tilespmem:$0x1D310] =	vst v2;
	v2 =	vld [tilespmem:$0x1CEA0];
	_ =	sdelay $0x2  }
0x3a2: {  	v0 =	vsel vm6, $0x282, v0  }
0x3a3: {  	[tilespmem:$0x1CF50] =	vst v0;
	v0 =	vld [tilespmem:$0x1CAC0]  }
0x3a4: {  	v2 =	vsel vm7, $0x2B01, v2  }
0x3a5: {  	[tilespmem:$0x1D320] =	vst v2;
	v2 =	vld [tilespmem:$0x1CEB0];
	_ =	sdelay $0x2  }
0x3a6: {  	v0 =	vsel vm6, $0xA82, v0  }
0x3a7: {  	[tilespmem:$0x1CF60] =	vst v0;
	v0 =	vld [tilespmem:$0x1CAD0]  }
0x3a8: {  	v2 =	vsel vm7, $0x3301, v2  }
0x3a9: {  	[tilespmem:$0x1D330] =	vst v2;
	v2 =	vld [tilespmem:$0x1CEC0];
	_ =	sdelay $0x2  }
0x3aa: {  	v0 =	vsel vm6, $0x1282, v0  }
0x3ab: {  	[tilespmem:$0x1CF70] =	vst v0;
	v0 =	vld [tilespmem:$0x1CAE0]  }
0x3ac: {  	v2 =	vsel vm7, $0x3B01, v2  }
0x3ad: {  	[tilespmem:$0x1D340] =	vst v2;
	v2 =	vld [tilespmem:$0x1CED0];
	_ =	sdelay $0x2  }
0x3ae: {  	v0 =	vsel vm6, $0x1A82, v0  }
0x3af: {  	[tilespmem:$0x1CF80] =	vst v0;
	v0 =	vld [tilespmem:$0x1CAF0]  }
0x3b0: {  	v2 =	vsel vm7, $0x302, v2  }
0x3b1: {  	[tilespmem:$0x1D350] =	vst v2;
	v2 =	vld [tilespmem:$0x1CEE0];
	_ =	sdelay $0x2  }
0x3b2: {  	v0 =	vsel vm6, $0x2282, v0  }
0x3b3: {  	[tilespmem:$0x1CF90] =	vst v0;
	v0 =	vld [tilespmem:$0x1CB00]  }
0x3b4: {  	v2 =	vsel vm7, $0xB02, v2  }
0x3b5: {  	[tilespmem:$0x1D360] =	vst v2;
	v2 =	vld [tilespmem:$0x1CEF0];
	_ =	sdelay $0x2  }
0x3b6: {  	v0 =	vsel vm6, $0x2A82, v0  }
0x3b7: {  	[tilespmem:$0x1CFA0] =	vst v0;
	v0 =	vld [tilespmem:$0x1CB10]  }
0x3b8: {  	v2 =	vsel vm7, $0x1302, v2  }
0x3b9: {  	[tilespmem:$0x1D370] =	vst v2;
	v2 =	vld [tilespmem:$0x1CF00];
	_ =	sdelay $0x2  }
0x3ba: {  	v0 =	vsel vm6, $0x3282, v0  }
0x3bb: {  	[tilespmem:$0x1CFB0] =	vst v0;
	v0 =	vld [tilespmem:$0x1CB20]  }
0x3bc: {  	v2 =	vsel vm7, $0x1B02, v2  }
0x3bd: {  	[tilespmem:$0x1D380] =	vst v2;
	v2 =	vld [tilespmem:$0x1CF10];
	_ =	sdelay $0x2  }
0x3be: {  	v0 =	vsel vm6, $0x3A82, v0  }
0x3bf: {  	[tilespmem:$0x1CFC0] =	vst v0;
	v0 =	vld [tilespmem:$0x1CB30]  }
0x3c0: {  	v2 =	vsel vm7, $0x2302, v2  }
0x3c1: {  	[tilespmem:$0x1D390] =	vst v2;
	v2 =	vld [tilespmem:$0x1CF20];
	_ =	sdelay $0x2  }
0x3c2: {  	v0 =	vsel vm6, $0x283, v0  }
0x3c3: {  	[tilespmem:$0x1CFD0] =	vst v0;
	v0 =	vld [tilespmem:$0x1CB40]  }
0x3c4: {  	v2 =	vsel vm7, $0x2B02, v2  }
0x3c5: {  	[tilespmem:$0x1D3A0] =	vst v2;
	v2 =	vld [tilespmem:$0x1CF30];
	_ =	sdelay $0x2  }
0x3c6: {  	v0 =	vsel vm6, $0xA83, v0  }
0x3c7: {  	[tilespmem:$0x1CFE0] =	vst v0;
	v0 =	vld [tilespmem:$0x1CB50]  }
0x3c8: {  	v2 =	vsel vm7, $0x3302, v2  }
0x3c9: {  	[tilespmem:$0x1D3B0] =	vst v2;
	v2 =	vld [tilespmem:$0x1CF40];
	_ =	sdelay $0x2  }
0x3ca: {  	v0 =	vsel vm6, $0x1283, v0  }
0x3cb: {  	[tilespmem:$0x1CFF0] =	vst v0;
	v0 =	vld [tilespmem:$0x1CB60]  }
0x3cc: {  	v2 =	vsel vm7, $0x3B02, v2  }
0x3cd: {  	[tilespmem:$0x1D3C0] =	vst v2;
	v2 =	vld [tilespmem:$0x1CF50];
	_ =	sdelay $0x2  }
0x3ce: {  	v0 =	vsel vm6, $0x1A83, v0  }
0x3cf: {  	[tilespmem:$0x1D000] =	vst v0;
	v0 =	vld [tilespmem:$0x1CB70]  }
0x3d0: {  	v2 =	vsel vm7, $0x303, v2  }
0x3d1: {  	[tilespmem:$0x1D3D0] =	vst v2;
	v2 =	vld [tilespmem:$0x1CF60];
	_ =	sdelay $0x2  }
0x3d2: {  	v0 =	vsel vm6, $0x2283, v0  }
0x3d3: {  	[tilespmem:$0x1D010] =	vst v0;
	v0 =	vld [tilespmem:$0x1CB80]  }
0x3d4: {  	v2 =	vsel vm7, $0xB03, v2  }
0x3d5: {  	[tilespmem:$0x1D3E0] =	vst v2;
	v2 =	vld [tilespmem:$0x1CF70];
	_ =	sdelay $0x2  }
0x3d6: {  	v0 =	vsel vm6, $0x2A83, v0  }
0x3d7: {  	[tilespmem:$0x1D020] =	vst v0;
	v0 =	vld [tilespmem:$0x1CB90]  }
0x3d8: {  	v2 =	vsel vm7, $0x1303, v2  }
0x3d9: {  	[tilespmem:$0x1D3F0] =	vst v2;
	v2 =	vld [tilespmem:$0x1CF80];
	_ =	sdelay $0x2  }
0x3da: {  	v0 =	vsel vm6, $0x3283, v0  }
0x3db: {  	[tilespmem:$0x1D030] =	vst v0;
	v0 =	vld [tilespmem:$0x1CBA0]  }
0x3dc: {  	v2 =	vsel vm7, $0x1B03, v2  }
0x3dd: {  	[tilespmem:$0x1D400] =	vst v2;
	v2 =	vld [tilespmem:$0x1CF90];
	_ =	sdelay $0x2  }
0x3de: {  	v0 =	vsel vm6, $0x3A83, v0  }
0x3df: {  	[tilespmem:$0x1D040] =	vst v0;
	v0 =	vld [tilespmem:$0x1CBB0]  }
0x3e0: {  	v2 =	vsel vm7, $0x2303, v2  }
0x3e1: {  	[tilespmem:$0x1D410] =	vst v2;
	v2 =	vld [tilespmem:$0x1CFA0];
	_ =	sdelay $0x2  }
0x3e2: {  	v0 =	vsel vm6, $0x284, v0  }
0x3e3: {  	[tilespmem:$0x1D050] =	vst v0;
	v0 =	vld [tilespmem:$0x1CBC0]  }
0x3e4: {  	v2 =	vsel vm7, $0x2B03, v2  }
0x3e5: {  	[tilespmem:$0x1D420] =	vst v2;
	v2 =	vld [tilespmem:$0x1CFB0];
	_ =	sdelay $0x2  }
0x3e6: {  	v0 =	vsel vm6, $0xA84, v0  }
0x3e7: {  	[tilespmem:$0x1D060] =	vst v0;
	v0 =	vld [tilespmem:$0x1CBD0]  }
0x3e8: {  	v2 =	vsel vm7, $0x3303, v2  }
0x3e9: {  	[tilespmem:$0x1D430] =	vst v2;
	v2 =	vld [tilespmem:$0x1CFC0];
	_ =	sdelay $0x2  }
0x3ea: {  	v0 =	vsel vm6, $0x1284, v0  }
0x3eb: {  	[tilespmem:$0x1D070] =	vst v0;
	v0 =	vld [tilespmem:$0x1CBE0]  }
0x3ec: {  	v2 =	vsel vm7, $0x3B03, v2  }
0x3ed: {  	[tilespmem:$0x1D440] =	vst v2;
	v2 =	vld [tilespmem:$0x1CFD0];
	_ =	sdelay $0x2  }
0x3ee: {  	v0 =	vsel vm6, $0x1A84, v0  }
0x3ef: {  	[tilespmem:$0x1D080] =	vst v0;
	v0 =	vld [tilespmem:$0x1CBF0]  }
0x3f0: {  	v2 =	vsel vm7, $0x304, v2  }
0x3f1: {  	[tilespmem:$0x1D450] =	vst v2;
	v2 =	vld [tilespmem:$0x1CFE0];
	_ =	sdelay $0x2  }
0x3f2: {  	v0 =	vsel vm6, $0x2284, v0  }
0x3f3: {  	[tilespmem:$0x1D090] =	vst v0;
	v0 =	vld [tilespmem:$0x1CC00]  }
0x3f4: {  	v2 =	vsel vm7, $0xB04, v2  }
0x3f5: {  	[tilespmem:$0x1D460] =	vst v2;
	v2 =	vld [tilespmem:$0x1CFF0];
	_ =	sdelay $0x2  }
0x3f6: {  	v0 =	vsel vm6, $0x2A84, v0  }
0x3f7: {  	[tilespmem:$0x1D0A0] =	vst v0;
	v0 =	vld [tilespmem:$0x1CC10]  }
0x3f8: {  	v1 =	vld [tilespmem:$0x1CC20];
	v2 =	vsel vm7, $0x1304, v2  }
0x3f9: {  	[tilespmem:$0x1D470] =	vst v2;
	v2 =	vld [tilespmem:$0x1D000];
	_ =	sdelay $0x2  }
0x3fa: {  	v0 =	vsel vm6, $0x3284, v0  }
0x3fb: {  	v1 =	vsel vm6, $0x3A84, v1;
	v0 =	vsel vm7, $0x3305, v0  }
0x3fc: {  	[tilespmem:$0x1D530] =	vst v0;
	v0 =	vsel vm7, $0x3B05, v1;
	v1 =	vld [tilespmem:$0x1D0D0];
	v2 =	vsel vm7, $0x1B04, v2  }
0x3fd: {  	[tilespmem:$0x1D480] =	vst v2;
	v2 =	vld [tilespmem:$0x1D010];
	_ =	sdelay $0x2  }
0x3fe: {  	vm8 =	vcmask $0x1F1C  }
0x3ff: {  	v1 =	vsel vm8, $0x38E, v1  }
0x400: {  	[tilespmem:$0x1D550] =	vst v1;
	v1 =	vld [tilespmem:$0x1D0E0];
	v2 =	vsel vm7, $0x2304, v2  }
0x401: {  	[tilespmem:$0x1D490] =	vst v2;
	v2 =	vld [tilespmem:$0x1D020];
	_ =	sdelay $0x3  }
0x402: {  	v1 =	vsel vm8, $0xB8E, v1  }
0x403: {  	[tilespmem:$0x1D560] =	vst v1;
	v1 =	vld [tilespmem:$0x1D0F0];
	v2 =	vsel vm7, $0x2B04, v2  }
0x404: {  	[tilespmem:$0x1D4A0] =	vst v2;
	v2 =	vld [tilespmem:$0x1D030];
	_ =	sdelay $0x3  }
0x405: {  	v1 =	vsel vm8, $0x138E, v1  }
0x406: {  	[tilespmem:$0x1D570] =	vst v1;
	v1 =	vld [tilespmem:$0x1D100];
	v2 =	vsel vm7, $0x3304, v2  }
0x407: {  	[tilespmem:$0x1D4B0] =	vst v2;
	v2 =	vld [tilespmem:$0x1D040];
	_ =	sdelay $0x3  }
0x408: {  	v1 =	vsel vm8, $0x1B8E, v1  }
0x409: {  	[tilespmem:$0x1D580] =	vst v1;
	v1 =	vld [tilespmem:$0x1D110];
	v2 =	vsel vm7, $0x3B04, v2  }
0x40a: {  	[tilespmem:$0x1D4C0] =	vst v2;
	v2 =	vld [tilespmem:$0x1D050];
	_ =	sdelay $0x3  }
0x40b: {  	v1 =	vsel vm8, $0x238E, v1  }
0x40c: {  	[tilespmem:$0x1D590] =	vst v1;
	v1 =	vld [tilespmem:$0x1D120];
	v2 =	vsel vm7, $0x305, v2  }
0x40d: {  	[tilespmem:$0x1D4D0] =	vst v2;
	v2 =	vld [tilespmem:$0x1D060];
	_ =	sdelay $0x3  }
0x40e: {  	v1 =	vsel vm8, $0x2B8E, v1  }
0x40f: {  	[tilespmem:$0x1D5A0] =	vst v1;
	v1 =	vld [tilespmem:$0x1D130];
	v2 =	vsel vm7, $0xB05, v2  }
0x410: {  	[tilespmem:$0x1D4E0] =	vst v2;
	v2 =	vld [tilespmem:$0x1D070];
	_ =	sdelay $0x3  }
0x411: {  	v1 =	vsel vm8, $0x338E, v1  }
0x412: {  	[tilespmem:$0x1D5B0] =	vst v1;
	v1 =	vld [tilespmem:$0x1D140];
	v2 =	vsel vm7, $0x1305, v2  }
0x413: {  	[tilespmem:$0x1D4F0] =	vst v2;
	v2 =	vld [tilespmem:$0x1D080];
	_ =	sdelay $0x3  }
0x414: {  	v1 =	vsel vm8, $0x3B8E, v1  }
0x415: {  	[tilespmem:$0x1D5C0] =	vst v1;
	v1 =	vld [tilespmem:$0x1D150];
	v2 =	vsel vm7, $0x1B05, v2  }
0x416: {  	[tilespmem:$0x1D500] =	vst v2;
	v2 =	vld [tilespmem:$0x1D090];
	_ =	sdelay $0x3  }
0x417: {  	v1 =	vsel vm8, $0x38F, v1  }
0x418: {  	[tilespmem:$0x1D5D0] =	vst v1;
	v1 =	vld [tilespmem:$0x1D160];
	v2 =	vsel vm7, $0x2305, v2  }
0x419: {  	[tilespmem:$0x1D510] =	vst v2;
	v2 =	vld [tilespmem:$0x1D0A0]  }
0x41a: {  	[tilespmem:$0x1D540] =	vst v0;
	v0 =	vld [tilespmem:$0x1D0B0];
	_ =	sdelay $0x2  }
0x41b: {  	v1 =	vsel vm8, $0xB8F, v1  }
0x41c: {  	[tilespmem:$0x1D5E0] =	vst v1;
	v1 =	vld [tilespmem:$0x1D170];
	v2 =	vsel vm7, $0x2B05, v2  }
0x41d: {  	[tilespmem:$0x1D520] =	vst v2;
	v2 =	vsel vm8, $0x300, v0;
	v0 =	vld [tilespmem:$0x1D0C0];
	_ =	sdelay $0x3  }
0x41e: {  	v1 =	vsel vm8, $0x138F, v1  }
0x41f: {  	vm9 =	vcmask $0x2320;
	[tilespmem:$0x1D5F0] =	vst v1;
	v1 =	vld [tilespmem:$0x1D180];
	v0 =	vsel vm8, $0x3B8D, v0  }
0x420: {  	v0 =	vsel vm9, $0x3C0E, v0  }
0x421: {  	[tilespmem:$0x1D9E0] =	vst v0;
	v0 =	vld [tilespmem:$0x1D550];
	_ =	sdelay $0x2  }
0x422: {  	v1 =	vsel vm8, $0x1B8F, v1  }
0x423: {  	[tilespmem:$0x1D600] =	vst v1;
	v1 =	vld [tilespmem:$0x1D190]  }
0x424: {  	v0 =	vsel vm9, $0x40F, v0  }
0x425: {  	[tilespmem:$0x1D9F0] =	vst v0;
	v0 =	vld [tilespmem:$0x1D560];
	_ =	sdelay $0x2  }
0x426: {  	v1 =	vsel vm8, $0x238F, v1  }
0x427: {  	[tilespmem:$0x1D610] =	vst v1;
	v1 =	vld [tilespmem:$0x1D1A0]  }
0x428: {  	v0 =	vsel vm9, $0xC0F, v0  }
0x429: {  	[tilespmem:$0x1DA00] =	vst v0;
	v0 =	vld [tilespmem:$0x1D570];
	_ =	sdelay $0x2  }
0x42a: {  	v1 =	vsel vm8, $0x2B8F, v1  }
0x42b: {  	[tilespmem:$0x1D620] =	vst v1;
	v1 =	vld [tilespmem:$0x1D1B0]  }
0x42c: {  	v0 =	vsel vm9, $0x140F, v0  }
0x42d: {  	[tilespmem:$0x1DA10] =	vst v0;
	v0 =	vld [tilespmem:$0x1D580];
	_ =	sdelay $0x2  }
0x42e: {  	v1 =	vsel vm8, $0x338F, v1  }
0x42f: {  	[tilespmem:$0x1D630] =	vst v1;
	v1 =	vld [tilespmem:$0x1D1C0]  }
0x430: {  	v0 =	vsel vm9, $0x1C0F, v0  }
0x431: {  	[tilespmem:$0x1DA20] =	vst v0;
	v0 =	vld [tilespmem:$0x1D590];
	_ =	sdelay $0x2  }
0x432: {  	v1 =	vsel vm8, $0x3B8F, v1  }
0x433: {  	[tilespmem:$0x1D640] =	vst v1;
	v1 =	vld [tilespmem:$0x1D1D0]  }
0x434: {  	v0 =	vsel vm9, $0x240F, v0  }
0x435: {  	[tilespmem:$0x1DA30] =	vst v0;
	v0 =	vld [tilespmem:$0x1D5A0];
	_ =	sdelay $0x2  }
0x436: {  	v1 =	vsel vm8, $0x380, v1  }
0x437: {  	[tilespmem:$0x1D650] =	vst v1;
	v1 =	vld [tilespmem:$0x1D1E0]  }
0x438: {  	v0 =	vsel vm9, $0x2C0F, v0  }
0x439: {  	[tilespmem:$0x1DA40] =	vst v0;
	v0 =	vld [tilespmem:$0x1D5B0];
	_ =	sdelay $0x2  }
0x43a: {  	v1 =	vsel vm8, $0xB80, v1  }
0x43b: {  	[tilespmem:$0x1D660] =	vst v1;
	v1 =	vld [tilespmem:$0x1D1F0]  }
0x43c: {  	v0 =	vsel vm9, $0x340F, v0  }
0x43d: {  	[tilespmem:$0x1DA50] =	vst v0;
	v0 =	vld [tilespmem:$0x1D5C0];
	_ =	sdelay $0x2  }
0x43e: {  	v1 =	vsel vm8, $0x1380, v1  }
0x43f: {  	[tilespmem:$0x1D670] =	vst v1;
	v1 =	vld [tilespmem:$0x1D200]  }
0x440: {  	v0 =	vsel vm9, $0x3C0F, v0  }
0x441: {  	[tilespmem:$0x1DA60] =	vst v0;
	v0 =	vld [tilespmem:$0x1D5D0];
	_ =	sdelay $0x2  }
0x442: {  	v1 =	vsel vm8, $0x1B80, v1  }
0x443: {  	[tilespmem:$0x1D680] =	vst v1;
	v1 =	vld [tilespmem:$0x1D210]  }
0x444: {  	v0 =	vsel vm9, $0x400, v0  }
0x445: {  	[tilespmem:$0x1DA70] =	vst v0;
	v0 =	vld [tilespmem:$0x1D5E0];
	_ =	sdelay $0x2  }
0x446: {  	v1 =	vsel vm8, $0x2380, v1  }
0x447: {  	[tilespmem:$0x1D690] =	vst v1;
	v1 =	vld [tilespmem:$0x1D220]  }
0x448: {  	v0 =	vsel vm9, $0xC00, v0  }
0x449: {  	[tilespmem:$0x1DA80] =	vst v0;
	v0 =	vld [tilespmem:$0x1D5F0];
	_ =	sdelay $0x2  }
0x44a: {  	v1 =	vsel vm8, $0x2B80, v1  }
0x44b: {  	[tilespmem:$0x1D6A0] =	vst v1;
	v1 =	vld [tilespmem:$0x1D230]  }
0x44c: {  	v0 =	vsel vm9, $0x1400, v0  }
0x44d: {  	[tilespmem:$0x1DA90] =	vst v0;
	v0 =	vld [tilespmem:$0x1D600];
	_ =	sdelay $0x2  }
0x44e: {  	v1 =	vsel vm8, $0x3380, v1  }
0x44f: {  	[tilespmem:$0x1D6B0] =	vst v1;
	v1 =	vld [tilespmem:$0x1D240]  }
0x450: {  	v0 =	vsel vm9, $0x1C00, v0  }
0x451: {  	[tilespmem:$0x1DAA0] =	vst v0;
	v0 =	vld [tilespmem:$0x1D610];
	_ =	sdelay $0x2  }
0x452: {  	v1 =	vsel vm8, $0x3B80, v1  }
0x453: {  	[tilespmem:$0x1D6C0] =	vst v1;
	v1 =	vld [tilespmem:$0x1D250]  }
0x454: {  	v0 =	vsel vm9, $0x2400, v0  }
0x455: {  	[tilespmem:$0x1DAB0] =	vst v0;
	v0 =	vld [tilespmem:$0x1D620];
	_ =	sdelay $0x2  }
0x456: {  	v1 =	vsel vm8, $0x381, v1  }
0x457: {  	[tilespmem:$0x1D6D0] =	vst v1;
	v1 =	vld [tilespmem:$0x1D260]  }
0x458: {  	v0 =	vsel vm9, $0x2C00, v0  }
0x459: {  	[tilespmem:$0x1DAC0] =	vst v0;
	v0 =	vld [tilespmem:$0x1D630];
	_ =	sdelay $0x2  }
0x45a: {  	v1 =	vsel vm8, $0xB81, v1  }
0x45b: {  	[tilespmem:$0x1D6E0] =	vst v1;
	v1 =	vld [tilespmem:$0x1D270]  }
0x45c: {  	v0 =	vsel vm9, $0x3400, v0  }
0x45d: {  	[tilespmem:$0x1DAD0] =	vst v0;
	v0 =	vld [tilespmem:$0x1D640];
	_ =	sdelay $0x2  }
0x45e: {  	v1 =	vsel vm8, $0x1381, v1  }
0x45f: {  	[tilespmem:$0x1D6F0] =	vst v1;
	v1 =	vld [tilespmem:$0x1D280]  }
0x460: {  	v0 =	vsel vm9, $0x3C00, v0  }
0x461: {  	[tilespmem:$0x1DAE0] =	vst v0;
	v0 =	vld [tilespmem:$0x1D650];
	_ =	sdelay $0x2  }
0x462: {  	v1 =	vsel vm8, $0x1B81, v1  }
0x463: {  	[tilespmem:$0x1D700] =	vst v1;
	v1 =	vld [tilespmem:$0x1D290]  }
0x464: {  	v0 =	vsel vm9, $0x401, v0  }
0x465: {  	[tilespmem:$0x1DAF0] =	vst v0;
	v0 =	vld [tilespmem:$0x1D660];
	_ =	sdelay $0x2  }
0x466: {  	v1 =	vsel vm8, $0x2381, v1  }
0x467: {  	[tilespmem:$0x1D710] =	vst v1;
	v1 =	vld [tilespmem:$0x1D2A0]  }
0x468: {  	v0 =	vsel vm9, $0xC01, v0  }
0x469: {  	[tilespmem:$0x1DB00] =	vst v0;
	v0 =	vld [tilespmem:$0x1D670];
	_ =	sdelay $0x2  }
0x46a: {  	v1 =	vsel vm8, $0x2B81, v1  }
0x46b: {  	[tilespmem:$0x1D720] =	vst v1;
	v1 =	vld [tilespmem:$0x1D2B0]  }
0x46c: {  	v0 =	vsel vm9, $0x1401, v0  }
0x46d: {  	[tilespmem:$0x1DB10] =	vst v0;
	v0 =	vld [tilespmem:$0x1D680];
	_ =	sdelay $0x2  }
0x46e: {  	v1 =	vsel vm8, $0x3381, v1  }
0x46f: {  	[tilespmem:$0x1D730] =	vst v1;
	v1 =	vld [tilespmem:$0x1D2C0]  }
0x470: {  	v0 =	vsel vm9, $0x1C01, v0  }
0x471: {  	[tilespmem:$0x1DB20] =	vst v0;
	v0 =	vld [tilespmem:$0x1D690];
	_ =	sdelay $0x2  }
0x472: {  	v1 =	vsel vm8, $0x3B81, v1  }
0x473: {  	[tilespmem:$0x1D740] =	vst v1;
	v1 =	vld [tilespmem:$0x1D2D0]  }
0x474: {  	v0 =	vsel vm9, $0x2401, v0  }
0x475: {  	[tilespmem:$0x1DB30] =	vst v0;
	v0 =	vld [tilespmem:$0x1D6A0];
	_ =	sdelay $0x2  }
0x476: {  	v1 =	vsel vm8, $0x382, v1  }
0x477: {  	[tilespmem:$0x1D750] =	vst v1;
	v1 =	vld [tilespmem:$0x1D2E0]  }
0x478: {  	v0 =	vsel vm9, $0x2C01, v0  }
0x479: {  	[tilespmem:$0x1DB40] =	vst v0;
	v0 =	vld [tilespmem:$0x1D6B0];
	_ =	sdelay $0x2  }
0x47a: {  	v1 =	vsel vm8, $0xB82, v1  }
0x47b: {  	[tilespmem:$0x1D760] =	vst v1;
	v1 =	vld [tilespmem:$0x1D2F0]  }
0x47c: {  	v0 =	vsel vm9, $0x3401, v0  }
0x47d: {  	[tilespmem:$0x1DB50] =	vst v0;
	v0 =	vld [tilespmem:$0x1D6C0];
	_ =	sdelay $0x2  }
0x47e: {  	v1 =	vsel vm8, $0x1382, v1  }
0x47f: {  	[tilespmem:$0x1D770] =	vst v1;
	v1 =	vld [tilespmem:$0x1D300]  }
0x480: {  	v0 =	vsel vm9, $0x3C01, v0  }
0x481: {  	[tilespmem:$0x1DB60] =	vst v0;
	v0 =	vld [tilespmem:$0x1D6D0];
	_ =	sdelay $0x2  }
0x482: {  	v1 =	vsel vm8, $0x1B82, v1  }
0x483: {  	[tilespmem:$0x1D780] =	vst v1;
	v1 =	vld [tilespmem:$0x1D310]  }
0x484: {  	v0 =	vsel vm9, $0x402, v0  }
0x485: {  	[tilespmem:$0x1DB70] =	vst v0;
	v0 =	vld [tilespmem:$0x1D6E0];
	_ =	sdelay $0x2  }
0x486: {  	v1 =	vsel vm8, $0x2382, v1  }
0x487: {  	[tilespmem:$0x1D790] =	vst v1;
	v1 =	vld [tilespmem:$0x1D320]  }
0x488: {  	v0 =	vsel vm9, $0xC02, v0  }
0x489: {  	[tilespmem:$0x1DB80] =	vst v0;
	v0 =	vld [tilespmem:$0x1D6F0];
	_ =	sdelay $0x2  }
0x48a: {  	v1 =	vsel vm8, $0x2B82, v1  }
0x48b: {  	[tilespmem:$0x1D7A0] =	vst v1;
	v1 =	vld [tilespmem:$0x1D330]  }
0x48c: {  	v0 =	vsel vm9, $0x1402, v0  }
0x48d: {  	[tilespmem:$0x1DB90] =	vst v0;
	v0 =	vld [tilespmem:$0x1D700];
	_ =	sdelay $0x2  }
0x48e: {  	v1 =	vsel vm8, $0x3382, v1  }
0x48f: {  	[tilespmem:$0x1D7B0] =	vst v1;
	v1 =	vld [tilespmem:$0x1D340]  }
0x490: {  	v0 =	vsel vm9, $0x1C02, v0  }
0x491: {  	[tilespmem:$0x1DBA0] =	vst v0;
	v0 =	vld [tilespmem:$0x1D710];
	_ =	sdelay $0x2  }
0x492: {  	v1 =	vsel vm8, $0x3B82, v1  }
0x493: {  	[tilespmem:$0x1D7C0] =	vst v1;
	v1 =	vld [tilespmem:$0x1D350]  }
0x494: {  	v0 =	vsel vm9, $0x2402, v0  }
0x495: {  	[tilespmem:$0x1DBB0] =	vst v0;
	v0 =	vld [tilespmem:$0x1D720];
	_ =	sdelay $0x2  }
0x496: {  	v1 =	vsel vm8, $0x383, v1  }
0x497: {  	[tilespmem:$0x1D7D0] =	vst v1;
	v1 =	vld [tilespmem:$0x1D360]  }
0x498: {  	v0 =	vsel vm9, $0x2C02, v0  }
0x499: {  	[tilespmem:$0x1DBC0] =	vst v0;
	v0 =	vld [tilespmem:$0x1D730];
	_ =	sdelay $0x2  }
0x49a: {  	v1 =	vsel vm8, $0xB83, v1  }
0x49b: {  	[tilespmem:$0x1D7E0] =	vst v1;
	v1 =	vld [tilespmem:$0x1D370]  }
0x49c: {  	v0 =	vsel vm9, $0x3402, v0  }
0x49d: {  	[tilespmem:$0x1DBD0] =	vst v0;
	v0 =	vld [tilespmem:$0x1D740];
	_ =	sdelay $0x2  }
0x49e: {  	v1 =	vsel vm8, $0x1383, v1  }
0x49f: {  	[tilespmem:$0x1D7F0] =	vst v1;
	v1 =	vld [tilespmem:$0x1D380]  }
0x4a0: {  	v0 =	vsel vm9, $0x3C02, v0  }
0x4a1: {  	[tilespmem:$0x1DBE0] =	vst v0;
	v0 =	vld [tilespmem:$0x1D750];
	_ =	sdelay $0x2  }
0x4a2: {  	v1 =	vsel vm8, $0x1B83, v1  }
0x4a3: {  	[tilespmem:$0x1D800] =	vst v1;
	v1 =	vld [tilespmem:$0x1D390]  }
0x4a4: {  	v0 =	vsel vm9, $0x403, v0  }
0x4a5: {  	[tilespmem:$0x1DBF0] =	vst v0;
	v0 =	vld [tilespmem:$0x1D760];
	_ =	sdelay $0x2  }
0x4a6: {  	v1 =	vsel vm8, $0x2383, v1  }
0x4a7: {  	[tilespmem:$0x1D810] =	vst v1;
	v1 =	vld [tilespmem:$0x1D3A0]  }
0x4a8: {  	v0 =	vsel vm9, $0xC03, v0  }
0x4a9: {  	[tilespmem:$0x1DC00] =	vst v0;
	v0 =	vld [tilespmem:$0x1D770];
	_ =	sdelay $0x2  }
0x4aa: {  	v1 =	vsel vm8, $0x2B83, v1  }
0x4ab: {  	[tilespmem:$0x1D820] =	vst v1;
	v1 =	vld [tilespmem:$0x1D3B0]  }
0x4ac: {  	v0 =	vsel vm9, $0x1403, v0  }
0x4ad: {  	[tilespmem:$0x1DC10] =	vst v0;
	v0 =	vld [tilespmem:$0x1D780];
	_ =	sdelay $0x2  }
0x4ae: {  	v1 =	vsel vm8, $0x3383, v1  }
0x4af: {  	[tilespmem:$0x1D830] =	vst v1;
	v1 =	vld [tilespmem:$0x1D3C0]  }
0x4b0: {  	v0 =	vsel vm9, $0x1C03, v0  }
0x4b1: {  	[tilespmem:$0x1DC20] =	vst v0;
	v0 =	vld [tilespmem:$0x1D790];
	_ =	sdelay $0x2  }
0x4b2: {  	v1 =	vsel vm8, $0x3B83, v1  }
0x4b3: {  	[tilespmem:$0x1D840] =	vst v1;
	v1 =	vld [tilespmem:$0x1D3D0]  }
0x4b4: {  	v0 =	vsel vm9, $0x2403, v0  }
0x4b5: {  	[tilespmem:$0x1DC30] =	vst v0;
	v0 =	vld [tilespmem:$0x1D7A0];
	_ =	sdelay $0x2  }
0x4b6: {  	v1 =	vsel vm8, $0x384, v1  }
0x4b7: {  	[tilespmem:$0x1D850] =	vst v1;
	v1 =	vld [tilespmem:$0x1D3E0]  }
0x4b8: {  	v0 =	vsel vm9, $0x2C03, v0  }
0x4b9: {  	[tilespmem:$0x1DC40] =	vst v0;
	v0 =	vld [tilespmem:$0x1D7B0];
	_ =	sdelay $0x2  }
0x4ba: {  	v1 =	vsel vm8, $0xB84, v1  }
0x4bb: {  	[tilespmem:$0x1D860] =	vst v1;
	v1 =	vld [tilespmem:$0x1D3F0]  }
0x4bc: {  	v0 =	vsel vm9, $0x3403, v0  }
0x4bd: {  	[tilespmem:$0x1DC50] =	vst v0;
	v0 =	vld [tilespmem:$0x1D7C0];
	_ =	sdelay $0x2  }
0x4be: {  	v1 =	vsel vm8, $0x1384, v1  }
0x4bf: {  	[tilespmem:$0x1D870] =	vst v1;
	v1 =	vld [tilespmem:$0x1D400]  }
0x4c0: {  	v0 =	vsel vm9, $0x3C03, v0  }
0x4c1: {  	[tilespmem:$0x1DC60] =	vst v0;
	v0 =	vld [tilespmem:$0x1D7D0];
	_ =	sdelay $0x2  }
0x4c2: {  	v1 =	vsel vm8, $0x1B84, v1  }
0x4c3: {  	[tilespmem:$0x1D880] =	vst v1;
	v1 =	vld [tilespmem:$0x1D410]  }
0x4c4: {  	v0 =	vsel vm9, $0x404, v0  }
0x4c5: {  	[tilespmem:$0x1DC70] =	vst v0;
	v0 =	vld [tilespmem:$0x1D7E0];
	_ =	sdelay $0x2  }
0x4c6: {  	v1 =	vsel vm8, $0x2384, v1  }
0x4c7: {  	[tilespmem:$0x1D890] =	vst v1;
	v1 =	vld [tilespmem:$0x1D420]  }
0x4c8: {  	v0 =	vsel vm9, $0xC04, v0  }
0x4c9: {  	[tilespmem:$0x1DC80] =	vst v0;
	v0 =	vld [tilespmem:$0x1D7F0];
	_ =	sdelay $0x2  }
0x4ca: {  	v1 =	vsel vm8, $0x2B84, v1  }
0x4cb: {  	[tilespmem:$0x1D8A0] =	vst v1;
	v1 =	vld [tilespmem:$0x1D430]  }
0x4cc: {  	v0 =	vsel vm9, $0x1404, v0  }
0x4cd: {  	[tilespmem:$0x1DC90] =	vst v0;
	v0 =	vld [tilespmem:$0x1D800];
	_ =	sdelay $0x2  }
0x4ce: {  	v1 =	vsel vm8, $0x3384, v1  }
0x4cf: {  	[tilespmem:$0x1D8B0] =	vst v1;
	v1 =	vld [tilespmem:$0x1D440]  }
0x4d0: {  	v0 =	vsel vm9, $0x1C04, v0  }
0x4d1: {  	[tilespmem:$0x1DCA0] =	vst v0;
	v0 =	vld [tilespmem:$0x1D810];
	_ =	sdelay $0x2  }
0x4d2: {  	v1 =	vsel vm8, $0x3B84, v1  }
0x4d3: {  	[tilespmem:$0x1D8C0] =	vst v1;
	v1 =	vld [tilespmem:$0x1D450]  }
0x4d4: {  	v0 =	vsel vm9, $0x2404, v0  }
0x4d5: {  	[tilespmem:$0x1DCB0] =	vst v0;
	v0 =	vld [tilespmem:$0x1D820];
	_ =	sdelay $0x2  }
0x4d6: {  	v1 =	vsel vm8, $0x385, v1  }
0x4d7: {  	[tilespmem:$0x1D8D0] =	vst v1;
	v1 =	vld [tilespmem:$0x1D460]  }
0x4d8: {  	v0 =	vsel vm9, $0x2C04, v0  }
0x4d9: {  	[tilespmem:$0x1DCC0] =	vst v0;
	v0 =	vld [tilespmem:$0x1D830];
	_ =	sdelay $0x2  }
0x4da: {  	v1 =	vsel vm8, $0xB85, v1  }
0x4db: {  	[tilespmem:$0x1D8E0] =	vst v1;
	v1 =	vld [tilespmem:$0x1D470]  }
0x4dc: {  	v0 =	vsel vm9, $0x3404, v0  }
0x4dd: {  	[tilespmem:$0x1DCD0] =	vst v0;
	v0 =	vld [tilespmem:$0x1D840];
	_ =	sdelay $0x2  }
0x4de: {  	v1 =	vsel vm8, $0x1385, v1  }
0x4df: {  	[tilespmem:$0x1D8F0] =	vst v1;
	v1 =	vld [tilespmem:$0x1D480]  }
0x4e0: {  	v0 =	vsel vm9, $0x3C04, v0  }
0x4e1: {  	[tilespmem:$0x1DCE0] =	vst v0;
	v0 =	vld [tilespmem:$0x1D850];
	_ =	sdelay $0x2  }
0x4e2: {  	v1 =	vsel vm8, $0x1B85, v1  }
0x4e3: {  	[tilespmem:$0x1D900] =	vst v1;
	v1 =	vld [tilespmem:$0x1D490]  }
0x4e4: {  	v0 =	vsel vm9, $0x405, v0  }
0x4e5: {  	[tilespmem:$0x1DCF0] =	vst v0;
	v0 =	vld [tilespmem:$0x1D860];
	_ =	sdelay $0x2  }
0x4e6: {  	v1 =	vsel vm8, $0x2385, v1  }
0x4e7: {  	[tilespmem:$0x1D910] =	vst v1;
	v1 =	vld [tilespmem:$0x1D4A0]  }
0x4e8: {  	v0 =	vsel vm9, $0xC05, v0  }
0x4e9: {  	[tilespmem:$0x1DD00] =	vst v0;
	v0 =	vld [tilespmem:$0x1D870];
	_ =	sdelay $0x2  }
0x4ea: {  	v1 =	vsel vm8, $0x2B85, v1  }
0x4eb: {  	[tilespmem:$0x1D920] =	vst v1;
	v1 =	vld [tilespmem:$0x1D4B0]  }
0x4ec: {  	v0 =	vsel vm9, $0x1405, v0  }
0x4ed: {  	[tilespmem:$0x1DD10] =	vst v0;
	v0 =	vld [tilespmem:$0x1D880];
	_ =	sdelay $0x2  }
0x4ee: {  	v1 =	vsel vm8, $0x3385, v1  }
0x4ef: {  	[tilespmem:$0x1D930] =	vst v1;
	v1 =	vld [tilespmem:$0x1D4C0]  }
0x4f0: {  	v0 =	vsel vm9, $0x1C05, v0  }
0x4f1: {  	[tilespmem:$0x1DD20] =	vst v0;
	v0 =	vld [tilespmem:$0x1D890];
	_ =	sdelay $0x2  }
0x4f2: {  	v1 =	vsel vm8, $0x3B85, v1  }
0x4f3: {  	[tilespmem:$0x1D940] =	vst v1;
	v1 =	vld [tilespmem:$0x1D4D0]  }
0x4f4: {  	v0 =	vsel vm9, $0x2405, v0  }
0x4f5: {  	[tilespmem:$0x1DD30] =	vst v0;
	v0 =	vld [tilespmem:$0x1D8A0];
	_ =	sdelay $0x2  }
0x4f6: {  	v1 =	vsel vm8, $0x386, v1  }
0x4f7: {  	[tilespmem:$0x1D950] =	vst v1;
	v1 =	vld [tilespmem:$0x1D4E0]  }
0x4f8: {  	v0 =	vsel vm9, $0x2C05, v0  }
0x4f9: {  	[tilespmem:$0x1DD40] =	vst v0;
	v0 =	vld [tilespmem:$0x1D8B0];
	_ =	sdelay $0x2  }
0x4fa: {  	v1 =	vsel vm8, $0xB86, v1  }
0x4fb: {  	[tilespmem:$0x1D960] =	vst v1;
	v1 =	vld [tilespmem:$0x1D4F0]  }
0x4fc: {  	v0 =	vsel vm9, $0x3405, v0  }
0x4fd: {  	[tilespmem:$0x1DD50] =	vst v0;
	v0 =	vld [tilespmem:$0x1D8C0];
	_ =	sdelay $0x2  }
0x4fe: {  	v1 =	vsel vm8, $0x1386, v1  }
0x4ff: {  	[tilespmem:$0x1D970] =	vst v1;
	v1 =	vld [tilespmem:$0x1D500]  }
0x500: {  	v0 =	vsel vm9, $0x3C05, v0  }
0x501: {  	[tilespmem:$0x1DD60] =	vst v0;
	v0 =	vld [tilespmem:$0x1D8D0];
	_ =	sdelay $0x2  }
0x502: {  	v1 =	vsel vm8, $0x1B86, v1  }
0x503: {  	[tilespmem:$0x1D980] =	vst v1;
	v1 =	vld [tilespmem:$0x1D510]  }
0x504: {  	v0 =	vsel vm9, $0x406, v0  }
0x505: {  	[tilespmem:$0x1DD70] =	vst v0;
	v0 =	vld [tilespmem:$0x1D8E0];
	_ =	sdelay $0x2  }
0x506: {  	v1 =	vsel vm8, $0x2386, v1  }
0x507: {  	[tilespmem:$0x1D990] =	vst v1;
	v1 =	vld [tilespmem:$0x1D520]  }
0x508: {  	v0 =	vsel vm9, $0xC06, v0  }
0x509: {  	[tilespmem:$0x1DD80] =	vst v0;
	v0 =	vld [tilespmem:$0x1D8F0];
	_ =	sdelay $0x2  }
0x50a: {  	v1 =	vsel vm8, $0x2B86, v1  }
0x50b: {  	[tilespmem:$0x1D9A0] =	vst v1;
	v1 =	vld [tilespmem:$0x1D530]  }
0x50c: {  	v0 =	vsel vm9, $0x1406, v0  }
0x50d: {  	[tilespmem:$0x1DD90] =	vst v0;
	v0 =	vld [tilespmem:$0x1D900];
	_ =	sdelay $0x2  }
0x50e: {  	v1 =	vsel vm8, $0x3386, v1  }
0x50f: {  	[tilespmem:$0x1D9B0] =	vst v1;
	v1 =	vld [tilespmem:$0x1D540]  }
0x510: {  	v0 =	vsel vm9, $0x1C06, v0  }
0x511: {  	[tilespmem:$0x1DDA0] =	vst v0;
	v0 =	vld [tilespmem:$0x1D910];
	_ =	sdelay $0x2  }
0x512: {  	v1 =	vsel vm8, $0x3B86, v1  }
0x513: {  	[tilespmem:$0x1D9C0] =	vst v1;
	v1 =	vsel vm9, $0x380, v2  }
0x514: {  	[tilespmem:$0x1D9D0] =	vst v1;
	v0 =	vsel vm9, $0x2406, v0  }
0x515: {  	v3 =	vsel vm8, $0x280, v3;
	[tilespmem:$0x1DDB0] =	vst v0;
	v0 =	vld [tilespmem:$0x1D920]  }
0x516: {  	v2 =	vsel vm9, $0x300, v3;
	v3 =	vld [tilespmem:$0x1D9D0];
	_ =	sdelay $0x3  }
0x517: {  	vm10 =	vcmask $0x2724;
	v0 =	vsel vm9, $0x2C06, v0  }
0x518: {  	v3 =	vsel vm10, $0x400, v3;
	[tilespmem:$0x1DDC0] =	vst v0;
	v0 =	vld [tilespmem:$0x1D930]  }
0x519: {  	[tilespmem:$0x1DE50] =	vst v3;
	v3 =	vsel vm10, $0x380, v2;
	v2 =	vld [tilespmem:$0x1D9E0];
	_ =	sdelay $0x3  }
0x51a: {  	v0 =	vsel vm9, $0x3406, v0  }
0x51b: {  	v2 =	vsel vm10, $0x3C8F, v2;
	[tilespmem:$0x1DDD0] =	vst v0;
	v0 =	vld [tilespmem:$0x1D940]  }
0x51c: {  	[tilespmem:$0x1DE60] =	vst v2;
	v2 =	vld [tilespmem:$0x1D9F0];
	_ =	sdelay $0x3  }
0x51d: {  	v0 =	vsel vm9, $0x3C06, v0  }
0x51e: {  	v2 =	vsel vm10, $0x480, v2;
	[tilespmem:$0x1DDE0] =	vst v0;
	v0 =	vld [tilespmem:$0x1D950]  }
0x51f: {  	[tilespmem:$0x1DE70] =	vst v2;
	v2 =	vld [tilespmem:$0x1DA00];
	_ =	sdelay $0x3  }
0x520: {  	v0 =	vsel vm9, $0x407, v0  }
0x521: {  	v2 =	vsel vm10, $0xC80, v2;
	[tilespmem:$0x1DDF0] =	vst v0;
	v0 =	vld [tilespmem:$0x1D960]  }
0x522: {  	[tilespmem:$0x1DE80] =	vst v2;
	v2 =	vld [tilespmem:$0x1DA10];
	_ =	sdelay $0x3  }
0x523: {  	v0 =	vsel vm9, $0xC07, v0  }
0x524: {  	v2 =	vsel vm10, $0x1480, v2;
	[tilespmem:$0x1DE00] =	vst v0;
	v0 =	vld [tilespmem:$0x1D970]  }
0x525: {  	[tilespmem:$0x1DE90] =	vst v2;
	v2 =	vld [tilespmem:$0x1DA20];
	_ =	sdelay $0x3  }
0x526: {  	v0 =	vsel vm9, $0x1407, v0  }
0x527: {  	v2 =	vsel vm10, $0x1C80, v2;
	[tilespmem:$0x1DE10] =	vst v0;
	v0 =	vld [tilespmem:$0x1D980]  }
0x528: {  	[tilespmem:$0x1DEA0] =	vst v2;
	v2 =	vld [tilespmem:$0x1DA30];
	_ =	sdelay $0x3  }
0x529: {  	v0 =	vsel vm9, $0x1C07, v0  }
0x52a: {  	v2 =	vsel vm10, $0x2480, v2;
	[tilespmem:$0x1DE20] =	vst v0;
	v0 =	vld [tilespmem:$0x1D990]  }
0x52b: {  	[tilespmem:$0x1DEB0] =	vst v2;
	v2 =	vld [tilespmem:$0x1DA40];
	_ =	sdelay $0x3  }
0x52c: {  	v0 =	vsel vm9, $0x2407, v0  }
0x52d: {  	v2 =	vsel vm10, $0x2C80, v2;
	[tilespmem:$0x1DE30] =	vst v0;
	v0 =	vld [tilespmem:$0x1D9A0]  }
0x52e: {  	[tilespmem:$0x1DEC0] =	vst v2;
	v2 =	vld [tilespmem:$0x1DA50];
	_ =	sdelay $0x3  }
0x52f: {  	v0 =	vsel vm9, $0x2C07, v0  }
0x530: {  	v1 =	vld [tilespmem:$0x1D9C0];
	v2 =	vsel vm10, $0x3480, v2;
	[tilespmem:$0x1DE40] =	vst v0  }
0x531: {  	v0 =	vld [tilespmem:$0x1D9B0];
	[tilespmem:$0x1DED0] =	vst v2  }
0x532: {  	v2 =	vld [tilespmem:$0x1DA60];
	_ =	sdelay $0x4  }
0x533: {  	v2 =	vsel vm10, $0x3C80, v2  }
0x534: {  	[tilespmem:$0x1DEE0] =	vst v2;
	v2 =	vld [tilespmem:$0x1DA70];
	_ =	sdelay $0x4  }
0x535: {  	v2 =	vsel vm10, $0x481, v2  }
0x536: {  	[tilespmem:$0x1DEF0] =	vst v2;
	v2 =	vld [tilespmem:$0x1DA80];
	_ =	sdelay $0x4  }
0x537: {  	v2 =	vsel vm10, $0xC81, v2  }
0x538: {  	[tilespmem:$0x1DF00] =	vst v2;
	v2 =	vld [tilespmem:$0x1DA90];
	_ =	sdelay $0x4  }
0x539: {  	v2 =	vsel vm10, $0x1481, v2  }
0x53a: {  	[tilespmem:$0x1DF10] =	vst v2;
	v2 =	vld [tilespmem:$0x1DAA0];
	_ =	sdelay $0x4  }
0x53b: {  	v2 =	vsel vm10, $0x1C81, v2  }
0x53c: {  	[tilespmem:$0x1DF20] =	vst v2;
	v2 =	vld [tilespmem:$0x1DAB0];
	_ =	sdelay $0x4  }
0x53d: {  	v2 =	vsel vm10, $0x2481, v2  }
0x53e: {  	[tilespmem:$0x1DF30] =	vst v2;
	v2 =	vld [tilespmem:$0x1DAC0];
	_ =	sdelay $0x4  }
0x53f: {  	v2 =	vsel vm10, $0x2C81, v2  }
0x540: {  	[tilespmem:$0x1DF40] =	vst v2;
	v2 =	vld [tilespmem:$0x1DAD0];
	_ =	sdelay $0x4  }
0x541: {  	v2 =	vsel vm10, $0x3481, v2  }
0x542: {  	[tilespmem:$0x1DF50] =	vst v2;
	v2 =	vld [tilespmem:$0x1DAE0];
	_ =	sdelay $0x4  }
0x543: {  	v2 =	vsel vm10, $0x3C81, v2  }
0x544: {  	[tilespmem:$0x1DF60] =	vst v2;
	v2 =	vld [tilespmem:$0x1DAF0];
	_ =	sdelay $0x4  }
0x545: {  	v2 =	vsel vm10, $0x482, v2  }
0x546: {  	[tilespmem:$0x1DF70] =	vst v2;
	v2 =	vld [tilespmem:$0x1DB00];
	_ =	sdelay $0x4  }
0x547: {  	v2 =	vsel vm10, $0xC82, v2  }
0x548: {  	[tilespmem:$0x1DF80] =	vst v2;
	v2 =	vld [tilespmem:$0x1DB10];
	_ =	sdelay $0x4  }
0x549: {  	v2 =	vsel vm10, $0x1482, v2  }
0x54a: {  	[tilespmem:$0x1DF90] =	vst v2;
	v2 =	vld [tilespmem:$0x1DB20];
	_ =	sdelay $0x4  }
0x54b: {  	v2 =	vsel vm10, $0x1C82, v2  }
0x54c: {  	[tilespmem:$0x1DFA0] =	vst v2;
	v2 =	vld [tilespmem:$0x1DB30];
	_ =	sdelay $0x4  }
0x54d: {  	v2 =	vsel vm10, $0x2482, v2  }
0x54e: {  	[tilespmem:$0x1DFB0] =	vst v2;
	v2 =	vld [tilespmem:$0x1DB40];
	_ =	sdelay $0x4  }
0x54f: {  	v2 =	vsel vm10, $0x2C82, v2  }
0x550: {  	[tilespmem:$0x1DFC0] =	vst v2;
	v2 =	vld [tilespmem:$0x1DB50];
	_ =	sdelay $0x4  }
0x551: {  	v2 =	vsel vm10, $0x3482, v2  }
0x552: {  	[tilespmem:$0x1DFD0] =	vst v2;
	v2 =	vld [tilespmem:$0x1DB60];
	_ =	sdelay $0x4  }
0x553: {  	v2 =	vsel vm10, $0x3C82, v2  }
0x554: {  	[tilespmem:$0x1DFE0] =	vst v2;
	v2 =	vld [tilespmem:$0x1DB70];
	_ =	sdelay $0x4  }
0x555: {  	v2 =	vsel vm10, $0x483, v2  }
0x556: {  	[tilespmem:$0x1DFF0] =	vst v2;
	v2 =	vld [tilespmem:$0x1DB80];
	_ =	sdelay $0x4  }
0x557: {  	v2 =	vsel vm10, $0xC83, v2  }
0x558: {  	[tilespmem:$0x1E000] =	vst v2;
	v2 =	vld [tilespmem:$0x1DB90];
	_ =	sdelay $0x4  }
0x559: {  	v2 =	vsel vm10, $0x1483, v2  }
0x55a: {  	[tilespmem:$0x1E010] =	vst v2;
	v2 =	vld [tilespmem:$0x1DBA0];
	_ =	sdelay $0x4  }
0x55b: {  	v2 =	vsel vm10, $0x1C83, v2  }
0x55c: {  	[tilespmem:$0x1E020] =	vst v2;
	v2 =	vld [tilespmem:$0x1DBB0];
	_ =	sdelay $0x4  }
0x55d: {  	v2 =	vsel vm10, $0x2483, v2  }
0x55e: {  	[tilespmem:$0x1E030] =	vst v2;
	v2 =	vld [tilespmem:$0x1DBC0];
	_ =	sdelay $0x4  }
0x55f: {  	v2 =	vsel vm10, $0x2C83, v2  }
0x560: {  	[tilespmem:$0x1E040] =	vst v2;
	v2 =	vld [tilespmem:$0x1DBD0];
	_ =	sdelay $0x4  }
0x561: {  	v2 =	vsel vm10, $0x3483, v2  }
0x562: {  	[tilespmem:$0x1E050] =	vst v2;
	v2 =	vld [tilespmem:$0x1DBE0];
	_ =	sdelay $0x4  }
0x563: {  	v2 =	vsel vm10, $0x3C83, v2  }
0x564: {  	[tilespmem:$0x1E060] =	vst v2;
	v2 =	vld [tilespmem:$0x1DBF0];
	_ =	sdelay $0x4  }
0x565: {  	v2 =	vsel vm10, $0x484, v2  }
0x566: {  	[tilespmem:$0x1E070] =	vst v2;
	v2 =	vld [tilespmem:$0x1DC00];
	_ =	sdelay $0x4  }
0x567: {  	v2 =	vsel vm10, $0xC84, v2  }
0x568: {  	[tilespmem:$0x1E080] =	vst v2;
	v2 =	vld [tilespmem:$0x1DC10];
	_ =	sdelay $0x4  }
0x569: {  	v2 =	vsel vm10, $0x1484, v2  }
0x56a: {  	[tilespmem:$0x1E090] =	vst v2;
	v2 =	vld [tilespmem:$0x1DC20];
	_ =	sdelay $0x4  }
0x56b: {  	v2 =	vsel vm10, $0x1C84, v2  }
0x56c: {  	[tilespmem:$0x1E0A0] =	vst v2;
	v2 =	vld [tilespmem:$0x1DC30];
	_ =	sdelay $0x4  }
0x56d: {  	v2 =	vsel vm10, $0x2484, v2  }
0x56e: {  	[tilespmem:$0x1E0B0] =	vst v2;
	v2 =	vld [tilespmem:$0x1DC40];
	_ =	sdelay $0x4  }
0x56f: {  	v2 =	vsel vm10, $0x2C84, v2  }
0x570: {  	[tilespmem:$0x1E0C0] =	vst v2;
	v2 =	vld [tilespmem:$0x1DC50];
	_ =	sdelay $0x4  }
0x571: {  	v2 =	vsel vm10, $0x3484, v2  }
0x572: {  	[tilespmem:$0x1E0D0] =	vst v2;
	v2 =	vld [tilespmem:$0x1DC60];
	_ =	sdelay $0x4  }
0x573: {  	v2 =	vsel vm10, $0x3C84, v2  }
0x574: {  	[tilespmem:$0x1E0E0] =	vst v2;
	v2 =	vld [tilespmem:$0x1DC70];
	_ =	sdelay $0x4  }
0x575: {  	v2 =	vsel vm10, $0x485, v2  }
0x576: {  	[tilespmem:$0x1E0F0] =	vst v2;
	v2 =	vld [tilespmem:$0x1DC80];
	_ =	sdelay $0x4  }
0x577: {  	v2 =	vsel vm10, $0xC85, v2  }
0x578: {  	[tilespmem:$0x1E100] =	vst v2;
	v2 =	vld [tilespmem:$0x1DC90];
	_ =	sdelay $0x4  }
0x579: {  	v2 =	vsel vm10, $0x1485, v2  }
0x57a: {  	[tilespmem:$0x1E110] =	vst v2;
	v2 =	vld [tilespmem:$0x1DCA0];
	_ =	sdelay $0x4  }
0x57b: {  	v2 =	vsel vm10, $0x1C85, v2  }
0x57c: {  	[tilespmem:$0x1E120] =	vst v2;
	v2 =	vld [tilespmem:$0x1DCB0];
	_ =	sdelay $0x4  }
0x57d: {  	v2 =	vsel vm10, $0x2485, v2  }
0x57e: {  	[tilespmem:$0x1E130] =	vst v2;
	v2 =	vld [tilespmem:$0x1DCC0];
	_ =	sdelay $0x4  }
0x57f: {  	v2 =	vsel vm10, $0x2C85, v2  }
0x580: {  	[tilespmem:$0x1E140] =	vst v2;
	v2 =	vld [tilespmem:$0x1DCD0];
	_ =	sdelay $0x4  }
0x581: {  	v2 =	vsel vm10, $0x3485, v2  }
0x582: {  	[tilespmem:$0x1E150] =	vst v2;
	v2 =	vld [tilespmem:$0x1DCE0];
	_ =	sdelay $0x4  }
0x583: {  	v2 =	vsel vm10, $0x3C85, v2  }
0x584: {  	[tilespmem:$0x1E160] =	vst v2;
	v2 =	vld [tilespmem:$0x1DCF0];
	_ =	sdelay $0x4  }
0x585: {  	v2 =	vsel vm10, $0x486, v2  }
0x586: {  	[tilespmem:$0x1E170] =	vst v2;
	v2 =	vld [tilespmem:$0x1DD00];
	_ =	sdelay $0x4  }
0x587: {  	v2 =	vsel vm10, $0xC86, v2  }
0x588: {  	[tilespmem:$0x1E180] =	vst v2;
	v2 =	vld [tilespmem:$0x1DD10];
	_ =	sdelay $0x4  }
0x589: {  	v2 =	vsel vm10, $0x1486, v2  }
0x58a: {  	[tilespmem:$0x1E190] =	vst v2;
	v2 =	vld [tilespmem:$0x1DD20];
	_ =	sdelay $0x4  }
0x58b: {  	v2 =	vsel vm10, $0x1C86, v2  }
0x58c: {  	[tilespmem:$0x1E1A0] =	vst v2;
	v2 =	vld [tilespmem:$0x1DD30];
	_ =	sdelay $0x4  }
0x58d: {  	v2 =	vsel vm10, $0x2486, v2  }
0x58e: {  	[tilespmem:$0x1E1B0] =	vst v2;
	v2 =	vld [tilespmem:$0x1DD40];
	_ =	sdelay $0x4  }
0x58f: {  	v2 =	vsel vm10, $0x2C86, v2  }
0x590: {  	[tilespmem:$0x1E1C0] =	vst v2;
	v2 =	vld [tilespmem:$0x1DD50];
	_ =	sdelay $0x4  }
0x591: {  	v2 =	vsel vm10, $0x3486, v2  }
0x592: {  	[tilespmem:$0x1E1D0] =	vst v2;
	v2 =	vld [tilespmem:$0x1DD60];
	_ =	sdelay $0x4  }
0x593: {  	v2 =	vsel vm10, $0x3C86, v2  }
0x594: {  	[tilespmem:$0x1E1E0] =	vst v2;
	v2 =	vld [tilespmem:$0x1DD70]  }
0x595: {  	v0 =	vsel vm9, $0x3407, v0  }
0x596: {  	v1 =	vsel vm9, $0x3C07, v1;
	v0 =	vsel vm10, $0x3488, v0  }
0x597: {  	[tilespmem:$0x1E2D0] =	vst v0;
	v0 =	vsel vm10, $0x3C88, v1;
	v1 =	vld [tilespmem:$0x1DE70];
	_ =	sdelay $0x1  }
0x598: {  	v2 =	vsel vm10, $0x487, v2  }
0x599: {  	[tilespmem:$0x1E1F0] =	vst v2;
	v2 =	vld [tilespmem:$0x1DD80]  }
0x59a: {  	vm11 =	vcmask $0x2B28  }
0x59b: {  	v1 =	vsel vm11, $0x501, v1  }
0x59c: {  	[tilespmem:$0x1E2F0] =	vst v1;
	v1 =	vld [tilespmem:$0x1DE80];
	_ =	sdelay $0x1  }
0x59d: {  	v2 =	vsel vm10, $0xC87, v2  }
0x59e: {  	[tilespmem:$0x1E200] =	vst v2;
	v2 =	vld [tilespmem:$0x1DD90];
	_ =	sdelay $0x1  }
0x59f: {  	v1 =	vsel vm11, $0xD01, v1  }
0x5a0: {  	[tilespmem:$0x1E300] =	vst v1;
	v1 =	vld [tilespmem:$0x1DE90];
	_ =	sdelay $0x1  }
0x5a1: {  	v2 =	vsel vm10, $0x1487, v2  }
0x5a2: {  	[tilespmem:$0x1E210] =	vst v2;
	v2 =	vld [tilespmem:$0x1DDA0];
	_ =	sdelay $0x1  }
0x5a3: {  	v1 =	vsel vm11, $0x1501, v1  }
0x5a4: {  	[tilespmem:$0x1E310] =	vst v1;
	v1 =	vld [tilespmem:$0x1DEA0];
	_ =	sdelay $0x1  }
0x5a5: {  	v2 =	vsel vm10, $0x1C87, v2  }
0x5a6: {  	[tilespmem:$0x1E220] =	vst v2;
	v2 =	vld [tilespmem:$0x1DDB0];
	_ =	sdelay $0x1  }
0x5a7: {  	v1 =	vsel vm11, $0x1D01, v1  }
0x5a8: {  	[tilespmem:$0x1E320] =	vst v1;
	v1 =	vld [tilespmem:$0x1DEB0];
	_ =	sdelay $0x1  }
0x5a9: {  	v2 =	vsel vm10, $0x2487, v2  }
0x5aa: {  	[tilespmem:$0x1E230] =	vst v2;
	v2 =	vld [tilespmem:$0x1DDC0];
	_ =	sdelay $0x1  }
0x5ab: {  	v1 =	vsel vm11, $0x2501, v1  }
0x5ac: {  	[tilespmem:$0x1E330] =	vst v1;
	v1 =	vld [tilespmem:$0x1DEC0];
	_ =	sdelay $0x1  }
0x5ad: {  	v2 =	vsel vm10, $0x2C87, v2  }
0x5ae: {  	[tilespmem:$0x1E240] =	vst v2;
	v2 =	vld [tilespmem:$0x1DDD0];
	_ =	sdelay $0x1  }
0x5af: {  	v1 =	vsel vm11, $0x2D01, v1  }
0x5b0: {  	[tilespmem:$0x1E340] =	vst v1;
	v1 =	vld [tilespmem:$0x1DED0];
	_ =	sdelay $0x1  }
0x5b1: {  	v2 =	vsel vm10, $0x3487, v2  }
0x5b2: {  	[tilespmem:$0x1E250] =	vst v2;
	v2 =	vld [tilespmem:$0x1DDE0];
	_ =	sdelay $0x1  }
0x5b3: {  	v1 =	vsel vm11, $0x3501, v1  }
0x5b4: {  	[tilespmem:$0x1E350] =	vst v1;
	v1 =	vld [tilespmem:$0x1DEE0];
	_ =	sdelay $0x1  }
0x5b5: {  	v2 =	vsel vm10, $0x3C87, v2  }
0x5b6: {  	[tilespmem:$0x1E260] =	vst v2;
	v2 =	vld [tilespmem:$0x1DDF0];
	_ =	sdelay $0x1  }
0x5b7: {  	v1 =	vsel vm11, $0x3D01, v1  }
0x5b8: {  	[tilespmem:$0x1E360] =	vst v1;
	v1 =	vld [tilespmem:$0x1DEF0];
	_ =	sdelay $0x1  }
0x5b9: {  	v2 =	vsel vm10, $0x488, v2  }
0x5ba: {  	[tilespmem:$0x1E270] =	vst v2;
	v2 =	vld [tilespmem:$0x1DE00];
	_ =	sdelay $0x1  }
0x5bb: {  	v1 =	vsel vm11, $0x502, v1  }
0x5bc: {  	[tilespmem:$0x1E370] =	vst v1;
	v1 =	vld [tilespmem:$0x1DF00];
	_ =	sdelay $0x1  }
0x5bd: {  	v2 =	vsel vm10, $0xC88, v2  }
0x5be: {  	[tilespmem:$0x1E280] =	vst v2;
	v2 =	vld [tilespmem:$0x1DE10];
	_ =	sdelay $0x1  }
0x5bf: {  	v1 =	vsel vm11, $0xD02, v1  }
0x5c0: {  	[tilespmem:$0x1E380] =	vst v1;
	v1 =	vld [tilespmem:$0x1DF10];
	_ =	sdelay $0x1  }
0x5c1: {  	v2 =	vsel vm10, $0x1488, v2  }
0x5c2: {  	[tilespmem:$0x1E290] =	vst v2;
	v2 =	vld [tilespmem:$0x1DE20];
	_ =	sdelay $0x1  }
0x5c3: {  	v1 =	vsel vm11, $0x1502, v1  }
0x5c4: {  	[tilespmem:$0x1E390] =	vst v1;
	v1 =	vld [tilespmem:$0x1DF20];
	_ =	sdelay $0x1  }
0x5c5: {  	v2 =	vsel vm10, $0x1C88, v2  }
0x5c6: {  	[tilespmem:$0x1E2A0] =	vst v2;
	v2 =	vld [tilespmem:$0x1DE30];
	_ =	sdelay $0x1  }
0x5c7: {  	v1 =	vsel vm11, $0x1D02, v1  }
0x5c8: {  	[tilespmem:$0x1E3A0] =	vst v1;
	v1 =	vld [tilespmem:$0x1DF30];
	_ =	sdelay $0x1  }
0x5c9: {  	v2 =	vsel vm10, $0x2488, v2  }
0x5ca: {  	[tilespmem:$0x1E2B0] =	vst v2;
	v2 =	vld [tilespmem:$0x1DE40]  }
0x5cb: {  	[tilespmem:$0x1E2E0] =	vst v0;
	v0 =	vld [tilespmem:$0x1DE50]  }
0x5cc: {  	v1 =	vsel vm11, $0x2502, v1  }
0x5cd: {  	[tilespmem:$0x1E3B0] =	vst v1;
	v1 =	vld [tilespmem:$0x1DF40];
	_ =	sdelay $0x1  }
0x5ce: {  	v2 =	vsel vm10, $0x2C88, v2  }
0x5cf: {  	[tilespmem:$0x1E2C0] =	vst v2;
	v2 =	vsel vm11, $0x480, v0;
	v0 =	vld [tilespmem:$0x1DE60];
	_ =	sdelay $0x1  }
0x5d0: {  	v1 =	vsel vm11, $0x2D02, v1  }
0x5d1: {  	[tilespmem:$0x1E3C0] =	vst v1;
	v1 =	vld [tilespmem:$0x1DF50];
	_ =	sdelay $0x1  }
0x5d2: {  	vm12 =	vcmask $0x2F2C;
	v0 =	vsel vm11, $0x3D00, v0  }
0x5d3: {  	v0 =	vsel vm12, $0x3D81, v0  }
0x5d4: {  	[tilespmem:$0x1E860] =	vst v0;
	v0 =	vld [tilespmem:$0x1E2F0]  }
0x5d5: {  	v1 =	vsel vm11, $0x3502, v1  }
0x5d6: {  	[tilespmem:$0x1E3D0] =	vst v1;
	v1 =	vld [tilespmem:$0x1DF60];
	_ =	sdelay $0x2  }
0x5d7: {  	v0 =	vsel vm12, $0x582, v0  }
0x5d8: {  	[tilespmem:$0x1E870] =	vst v0;
	v0 =	vld [tilespmem:$0x1E300]  }
0x5d9: {  	v1 =	vsel vm11, $0x3D02, v1  }
0x5da: {  	[tilespmem:$0x1E3E0] =	vst v1;
	v1 =	vld [tilespmem:$0x1DF70];
	_ =	sdelay $0x2  }
0x5db: {  	v0 =	vsel vm12, $0xD82, v0  }
0x5dc: {  	[tilespmem:$0x1E880] =	vst v0;
	v0 =	vld [tilespmem:$0x1E310]  }
0x5dd: {  	v1 =	vsel vm11, $0x503, v1  }
0x5de: {  	[tilespmem:$0x1E3F0] =	vst v1;
	v1 =	vld [tilespmem:$0x1DF80];
	_ =	sdelay $0x2  }
0x5df: {  	v0 =	vsel vm12, $0x1582, v0  }
0x5e0: {  	[tilespmem:$0x1E890] =	vst v0;
	v0 =	vld [tilespmem:$0x1E320]  }
0x5e1: {  	v1 =	vsel vm11, $0xD03, v1  }
0x5e2: {  	[tilespmem:$0x1E400] =	vst v1;
	v1 =	vld [tilespmem:$0x1DF90];
	_ =	sdelay $0x2  }
0x5e3: {  	v0 =	vsel vm12, $0x1D82, v0  }
0x5e4: {  	[tilespmem:$0x1E8A0] =	vst v0;
	v0 =	vld [tilespmem:$0x1E330]  }
0x5e5: {  	v1 =	vsel vm11, $0x1503, v1  }
0x5e6: {  	[tilespmem:$0x1E410] =	vst v1;
	v1 =	vld [tilespmem:$0x1DFA0];
	_ =	sdelay $0x2  }
0x5e7: {  	v0 =	vsel vm12, $0x2582, v0  }
0x5e8: {  	[tilespmem:$0x1E8B0] =	vst v0;
	v0 =	vld [tilespmem:$0x1E340]  }
0x5e9: {  	v1 =	vsel vm11, $0x1D03, v1  }
0x5ea: {  	[tilespmem:$0x1E420] =	vst v1;
	v1 =	vld [tilespmem:$0x1DFB0];
	_ =	sdelay $0x2  }
0x5eb: {  	v0 =	vsel vm12, $0x2D82, v0  }
0x5ec: {  	[tilespmem:$0x1E8C0] =	vst v0;
	v0 =	vld [tilespmem:$0x1E350]  }
0x5ed: {  	v1 =	vsel vm11, $0x2503, v1  }
0x5ee: {  	[tilespmem:$0x1E430] =	vst v1;
	v1 =	vld [tilespmem:$0x1DFC0];
	_ =	sdelay $0x2  }
0x5ef: {  	v0 =	vsel vm12, $0x3582, v0  }
0x5f0: {  	[tilespmem:$0x1E8D0] =	vst v0;
	v0 =	vld [tilespmem:$0x1E360]  }
0x5f1: {  	v1 =	vsel vm11, $0x2D03, v1  }
0x5f2: {  	[tilespmem:$0x1E440] =	vst v1;
	v1 =	vld [tilespmem:$0x1DFD0];
	_ =	sdelay $0x2  }
0x5f3: {  	v0 =	vsel vm12, $0x3D82, v0  }
0x5f4: {  	[tilespmem:$0x1E8E0] =	vst v0;
	v0 =	vld [tilespmem:$0x1E370]  }
0x5f5: {  	v1 =	vsel vm11, $0x3503, v1  }
0x5f6: {  	[tilespmem:$0x1E450] =	vst v1;
	v1 =	vld [tilespmem:$0x1DFE0];
	_ =	sdelay $0x2  }
0x5f7: {  	v0 =	vsel vm12, $0x583, v0  }
0x5f8: {  	[tilespmem:$0x1E8F0] =	vst v0;
	v0 =	vld [tilespmem:$0x1E380]  }
0x5f9: {  	v1 =	vsel vm11, $0x3D03, v1  }
0x5fa: {  	[tilespmem:$0x1E460] =	vst v1;
	v1 =	vld [tilespmem:$0x1DFF0];
	_ =	sdelay $0x2  }
0x5fb: {  	v0 =	vsel vm12, $0xD83, v0  }
0x5fc: {  	[tilespmem:$0x1E900] =	vst v0;
	v0 =	vld [tilespmem:$0x1E390]  }
0x5fd: {  	v1 =	vsel vm11, $0x504, v1  }
0x5fe: {  	[tilespmem:$0x1E470] =	vst v1;
	v1 =	vld [tilespmem:$0x1E000];
	_ =	sdelay $0x2  }
0x5ff: {  	v0 =	vsel vm12, $0x1583, v0  }
0x600: {  	[tilespmem:$0x1E910] =	vst v0;
	v0 =	vld [tilespmem:$0x1E3A0]  }
0x601: {  	v1 =	vsel vm11, $0xD04, v1  }
0x602: {  	[tilespmem:$0x1E480] =	vst v1;
	v1 =	vld [tilespmem:$0x1E010];
	_ =	sdelay $0x2  }
0x603: {  	v0 =	vsel vm12, $0x1D83, v0  }
0x604: {  	[tilespmem:$0x1E920] =	vst v0;
	v0 =	vld [tilespmem:$0x1E3B0]  }
0x605: {  	v1 =	vsel vm11, $0x1504, v1  }
0x606: {  	[tilespmem:$0x1E490] =	vst v1;
	v1 =	vld [tilespmem:$0x1E020];
	_ =	sdelay $0x2  }
0x607: {  	v0 =	vsel vm12, $0x2583, v0  }
0x608: {  	[tilespmem:$0x1E930] =	vst v0;
	v0 =	vld [tilespmem:$0x1E3C0]  }
0x609: {  	v1 =	vsel vm11, $0x1D04, v1  }
0x60a: {  	[tilespmem:$0x1E4A0] =	vst v1;
	v1 =	vld [tilespmem:$0x1E030];
	_ =	sdelay $0x2  }
0x60b: {  	v0 =	vsel vm12, $0x2D83, v0  }
0x60c: {  	[tilespmem:$0x1E940] =	vst v0;
	v0 =	vld [tilespmem:$0x1E3D0]  }
0x60d: {  	v1 =	vsel vm11, $0x2504, v1  }
0x60e: {  	[tilespmem:$0x1E4B0] =	vst v1;
	v1 =	vld [tilespmem:$0x1E040];
	_ =	sdelay $0x2  }
0x60f: {  	v0 =	vsel vm12, $0x3583, v0  }
0x610: {  	[tilespmem:$0x1E950] =	vst v0;
	v0 =	vld [tilespmem:$0x1E3E0]  }
0x611: {  	v1 =	vsel vm11, $0x2D04, v1  }
0x612: {  	[tilespmem:$0x1E4C0] =	vst v1;
	v1 =	vld [tilespmem:$0x1E050];
	_ =	sdelay $0x2  }
0x613: {  	v0 =	vsel vm12, $0x3D83, v0  }
0x614: {  	[tilespmem:$0x1E960] =	vst v0;
	v0 =	vld [tilespmem:$0x1E3F0]  }
0x615: {  	v1 =	vsel vm11, $0x3504, v1  }
0x616: {  	[tilespmem:$0x1E4D0] =	vst v1;
	v1 =	vld [tilespmem:$0x1E060];
	_ =	sdelay $0x2  }
0x617: {  	v0 =	vsel vm12, $0x584, v0  }
0x618: {  	[tilespmem:$0x1E970] =	vst v0;
	v0 =	vld [tilespmem:$0x1E400]  }
0x619: {  	v1 =	vsel vm11, $0x3D04, v1  }
0x61a: {  	[tilespmem:$0x1E4E0] =	vst v1;
	v1 =	vld [tilespmem:$0x1E070];
	_ =	sdelay $0x2  }
0x61b: {  	v0 =	vsel vm12, $0xD84, v0  }
0x61c: {  	[tilespmem:$0x1E980] =	vst v0;
	v0 =	vld [tilespmem:$0x1E410]  }
0x61d: {  	v1 =	vsel vm11, $0x505, v1  }
0x61e: {  	[tilespmem:$0x1E4F0] =	vst v1;
	v1 =	vld [tilespmem:$0x1E080];
	_ =	sdelay $0x2  }
0x61f: {  	v0 =	vsel vm12, $0x1584, v0  }
0x620: {  	[tilespmem:$0x1E990] =	vst v0;
	v0 =	vld [tilespmem:$0x1E420]  }
0x621: {  	v1 =	vsel vm11, $0xD05, v1  }
0x622: {  	[tilespmem:$0x1E500] =	vst v1;
	v1 =	vld [tilespmem:$0x1E090];
	_ =	sdelay $0x2  }
0x623: {  	v0 =	vsel vm12, $0x1D84, v0  }
0x624: {  	[tilespmem:$0x1E9A0] =	vst v0;
	v0 =	vld [tilespmem:$0x1E430]  }
0x625: {  	v1 =	vsel vm11, $0x1505, v1  }
0x626: {  	[tilespmem:$0x1E510] =	vst v1;
	v1 =	vld [tilespmem:$0x1E0A0];
	_ =	sdelay $0x2  }
0x627: {  	v0 =	vsel vm12, $0x2584, v0  }
0x628: {  	[tilespmem:$0x1E9B0] =	vst v0;
	v0 =	vld [tilespmem:$0x1E440]  }
0x629: {  	v1 =	vsel vm11, $0x1D05, v1  }
0x62a: {  	[tilespmem:$0x1E520] =	vst v1;
	v1 =	vld [tilespmem:$0x1E0B0];
	_ =	sdelay $0x2  }
0x62b: {  	v0 =	vsel vm12, $0x2D84, v0  }
0x62c: {  	[tilespmem:$0x1E9C0] =	vst v0;
	v0 =	vld [tilespmem:$0x1E450]  }
0x62d: {  	v1 =	vsel vm11, $0x2505, v1  }
0x62e: {  	[tilespmem:$0x1E530] =	vst v1;
	v1 =	vld [tilespmem:$0x1E0C0];
	_ =	sdelay $0x2  }
0x62f: {  	v0 =	vsel vm12, $0x3584, v0  }
0x630: {  	[tilespmem:$0x1E9D0] =	vst v0;
	v0 =	vld [tilespmem:$0x1E460]  }
0x631: {  	v1 =	vsel vm11, $0x2D05, v1  }
0x632: {  	[tilespmem:$0x1E540] =	vst v1;
	v1 =	vld [tilespmem:$0x1E0D0];
	_ =	sdelay $0x2  }
0x633: {  	v0 =	vsel vm12, $0x3D84, v0  }
0x634: {  	[tilespmem:$0x1E9E0] =	vst v0;
	v0 =	vld [tilespmem:$0x1E470]  }
0x635: {  	v1 =	vsel vm11, $0x3505, v1  }
0x636: {  	[tilespmem:$0x1E550] =	vst v1;
	v1 =	vld [tilespmem:$0x1E0E0];
	_ =	sdelay $0x2  }
0x637: {  	v0 =	vsel vm12, $0x585, v0  }
0x638: {  	[tilespmem:$0x1E9F0] =	vst v0;
	v0 =	vld [tilespmem:$0x1E480]  }
0x639: {  	v1 =	vsel vm11, $0x3D05, v1  }
0x63a: {  	[tilespmem:$0x1E560] =	vst v1;
	v1 =	vld [tilespmem:$0x1E0F0];
	_ =	sdelay $0x2  }
0x63b: {  	v0 =	vsel vm12, $0xD85, v0  }
0x63c: {  	[tilespmem:$0x1EA00] =	vst v0;
	v0 =	vld [tilespmem:$0x1E490]  }
0x63d: {  	v1 =	vsel vm11, $0x506, v1  }
0x63e: {  	[tilespmem:$0x1E570] =	vst v1;
	v1 =	vld [tilespmem:$0x1E100];
	_ =	sdelay $0x2  }
0x63f: {  	v0 =	vsel vm12, $0x1585, v0  }
0x640: {  	[tilespmem:$0x1EA10] =	vst v0;
	v0 =	vld [tilespmem:$0x1E4A0]  }
0x641: {  	v1 =	vsel vm11, $0xD06, v1  }
0x642: {  	[tilespmem:$0x1E580] =	vst v1;
	v1 =	vld [tilespmem:$0x1E110];
	_ =	sdelay $0x2  }
0x643: {  	v0 =	vsel vm12, $0x1D85, v0  }
0x644: {  	[tilespmem:$0x1EA20] =	vst v0;
	v0 =	vld [tilespmem:$0x1E4B0]  }
0x645: {  	v1 =	vsel vm11, $0x1506, v1  }
0x646: {  	[tilespmem:$0x1E590] =	vst v1;
	v1 =	vld [tilespmem:$0x1E120];
	_ =	sdelay $0x2  }
0x647: {  	v0 =	vsel vm12, $0x2585, v0  }
0x648: {  	[tilespmem:$0x1EA30] =	vst v0;
	v0 =	vld [tilespmem:$0x1E4C0]  }
0x649: {  	v1 =	vsel vm11, $0x1D06, v1  }
0x64a: {  	[tilespmem:$0x1E5A0] =	vst v1;
	v1 =	vld [tilespmem:$0x1E130];
	_ =	sdelay $0x2  }
0x64b: {  	v0 =	vsel vm12, $0x2D85, v0  }
0x64c: {  	[tilespmem:$0x1EA40] =	vst v0;
	v0 =	vld [tilespmem:$0x1E4D0]  }
0x64d: {  	v1 =	vsel vm11, $0x2506, v1  }
0x64e: {  	[tilespmem:$0x1E5B0] =	vst v1;
	v1 =	vld [tilespmem:$0x1E140];
	_ =	sdelay $0x2  }
0x64f: {  	v0 =	vsel vm12, $0x3585, v0  }
0x650: {  	[tilespmem:$0x1EA50] =	vst v0;
	v0 =	vld [tilespmem:$0x1E4E0]  }
0x651: {  	v1 =	vsel vm11, $0x2D06, v1  }
0x652: {  	[tilespmem:$0x1E5C0] =	vst v1;
	v1 =	vld [tilespmem:$0x1E150];
	_ =	sdelay $0x2  }
0x653: {  	v0 =	vsel vm12, $0x3D85, v0  }
0x654: {  	[tilespmem:$0x1EA60] =	vst v0;
	v0 =	vld [tilespmem:$0x1E4F0]  }
0x655: {  	v1 =	vsel vm11, $0x3506, v1  }
0x656: {  	[tilespmem:$0x1E5D0] =	vst v1;
	v1 =	vld [tilespmem:$0x1E160];
	_ =	sdelay $0x2  }
0x657: {  	v0 =	vsel vm12, $0x586, v0  }
0x658: {  	vm13 =	vcmask $0x3330;
	v8 =	vsel vm15, $0x580, v8;
	[tilespmem:$0x1EA70] =	vst v0;
	v0 =	vld [tilespmem:$0x1E500]  }
0x659: {  	v8 =	vsel vm4, $0x600, v8;
	v4 =	vsel vm5, $0x80, v4;
	v1 =	vsel vm11, $0x3D06, v1  }
0x65a: {  	v8 =	vsel vm5, $0x680, v8;
	v5 =	vsel vm4, $0x780, v5;
	v4 =	vsel vm6, $0x100, v4;
	[tilespmem:$0x1E5E0] =	vst v1;
	v1 =	vld [tilespmem:$0x1E170]  }
0x65b: {  	v8 =	vsel vm6, $0x700, v8;
	v5 =	vsel vm5, $0x0, v5;
	v4 =	vsel vm7, $0x180, v4  }
0x65c: {  	v8 =	vsel vm7, $0x780, v8;
	v5 =	vsel vm6, $0x80, v5;
	v4 =	vsel vm8, $0x200, v4  }
0x65d: {  	v8 =	vsel vm8, $0x0, v8;
	v5 =	vsel vm7, $0x100, v5;
	v0 =	vsel vm12, $0xD86, v0  }
0x65e: {  	v4 =	vsel vm9, $0x280, v4;
	v8 =	vsel vm9, $0x80, v8;
	v5 =	vsel vm8, $0x180, v5;
	[tilespmem:$0x1EA80] =	vst v0;
	v0 =	vld [tilespmem:$0x1E510]  }
0x65f: {  	v4 =	vsel vm10, $0x300, v4;
	v5 =	vsel vm9, $0x200, v5;
	v1 =	vsel vm11, $0x507, v1  }
0x660: {  	v8 =	vsel vm10, $0x100, v8;
	v4 =	vsel vm11, $0x380, v4;
	v5 =	vsel vm10, $0x280, v5;
	[tilespmem:$0x1E5F0] =	vst v1;
	v1 =	vld [tilespmem:$0x1E180]  }
0x661: {  	v8 =	vsel vm11, $0x180, v8;
	v5 =	vsel vm11, $0x300, v5;
	v6 =	vsel vm5, $0x780, v6  }
0x662: {  	v7 =	vsel vm5, $0x700, v7;
	v9 =	vsel vm5, $0x600, v9;
	v10 =	vsel vm5, $0x580, v10  }
0x663: {  	v11 =	vsel vm5, $0x500, v11;
	v12 =	vsel vm5, $0x480, v12;
	v0 =	vsel vm12, $0x1586, v0  }
0x664: {  	v13 =	vsel vm5, $0x400, v13;
	v14 =	vsel vm5, $0x380, v14;
	v15 =	vsel vm5, $0x300, v15;
	[tilespmem:$0x1EA90] =	vst v0;
	v0 =	vld [tilespmem:$0x1E520]  }
0x665: {  	v16 =	vsel vm5, $0x280, v16;
	v17 =	vsel vm5, $0x205, v17;
	v1 =	vsel vm11, $0xD07, v1  }
0x666: {  	v18 =	vsel vm5, $0xA05, v18;
	v19 =	vsel vm5, $0x1205, v19;
	v20 =	vsel vm5, $0x1A05, v20;
	[tilespmem:$0x1E600] =	vst v1;
	v1 =	vld [tilespmem:$0x1E190]  }
0x667: {  	v21 =	vsel vm5, $0x2205, v21;
	v22 =	vsel vm5, $0x2A05, v22;
	v23 =	vsel vm5, $0x3205, v23  }
0x668: {  	v24 =	vsel vm5, $0x3A05, v24;
	v25 =	vsel vm5, $0x206, v25;
	v26 =	vsel vm5, $0xA06, v26  }
0x669: {  	v27 =	vsel vm5, $0x1206, v27;
	v28 =	vsel vm5, $0x1A06, v28;
	v0 =	vsel vm12, $0x1D86, v0  }
0x66a: {  	v29 =	vsel vm5, $0x2206, v29;
	v30 =	vsel vm5, $0x2A06, v30;
	v31 =	vsel vm5, $0x3206, v31;
	[tilespmem:$0x1EAA0] =	vst v0;
	v0 =	vld [tilespmem:$0x1E530]  }
0x66b: {  	v32 =	vsel vm5, $0x3A06, v32;
	v33 =	vsel vm5, $0x207, v33;
	v1 =	vsel vm11, $0x1507, v1  }
0x66c: {  	v34 =	vsel vm5, $0xA07, v34;
	v35 =	vsel vm5, $0x1207, v35;
	v36 =	vsel vm5, $0x1A07, v36;
	[tilespmem:$0x1E610] =	vst v1;
	v1 =	vld [tilespmem:$0x1E1A0]  }
0x66d: {  	v37 =	vsel vm5, $0x2207, v37;
	v38 =	vsel vm5, $0x2A07, v38;
	v39 =	vsel vm5, $0x3207, v39  }
0x66e: {  	v40 =	vsel vm5, $0x3A07, v40;
	v41 =	vsel vm5, $0x208, v41;
	v42 =	vsel vm5, $0xA08, v42  }
0x66f: {  	v43 =	vsel vm5, $0x1208, v43;
	v44 =	vsel vm5, $0x1A08, v44;
	v0 =	vsel vm12, $0x2586, v0  }
0x670: {  	v45 =	vsel vm5, $0x2208, v45;
	v46 =	vsel vm5, $0x2A08, v46;
	v47 =	vsel vm5, $0x3208, v47;
	[tilespmem:$0x1EAB0] =	vst v0;
	v0 =	vld [tilespmem:$0x1E540]  }
0x671: {  	v48 =	vsel vm5, $0x3A08, v48;
	v49 =	vsel vm5, $0x209, v49;
	v1 =	vsel vm11, $0x1D07, v1  }
0x672: {  	v50 =	vsel vm5, $0xA09, v50;
	v51 =	vsel vm5, $0x1209, v51;
	v52 =	vsel vm5, $0x1A09, v52;
	[tilespmem:$0x1E620] =	vst v1;
	v1 =	vld [tilespmem:$0x1E1B0]  }
0x673: {  	v53 =	vsel vm5, $0x2209, v53;
	v54 =	vsel vm5, $0x2A09, v54;
	v55 =	vsel vm5, $0x3209, v55  }
0x674: {  	v56 =	vsel vm5, $0x3A09, v56;
	v57 =	vsel vm5, $0x20A, v57;
	v58 =	vsel vm5, $0xA0A, v58  }
0x675: {  	v59 =	vsel vm5, $0x120A, v59;
	v60 =	vsel vm5, $0x1A0A, v60;
	v0 =	vsel vm12, $0x2D86, v0  }
0x676: {  	v61 =	vsel vm5, $0x220A, v61;
	v62 =	vsel vm5, $0x2A0A, v62;
	v6 =	vsel vm6, $0x0, v6;
	[tilespmem:$0x1EAC0] =	vst v0;
	v0 =	vld [tilespmem:$0x1E550]  }
0x677: {  	v7 =	vsel vm6, $0x780, v7;
	v9 =	vsel vm6, $0x680, v9;
	v1 =	vsel vm11, $0x2507, v1  }
0x678: {  	v10 =	vsel vm6, $0x600, v10;
	v11 =	vsel vm6, $0x580, v11;
	v12 =	vsel vm6, $0x500, v12;
	[tilespmem:$0x1E630] =	vst v1;
	v1 =	vld [tilespmem:$0x1E1C0]  }
0x679: {  	v13 =	vsel vm6, $0x480, v13;
	v14 =	vsel vm6, $0x400, v14;
	v15 =	vsel vm6, $0x380, v15  }
0x67a: {  	v16 =	vsel vm6, $0x300, v16;
	v17 =	vsel vm6, $0x286, v17;
	v18 =	vsel vm6, $0xA86, v18  }
0x67b: {  	v19 =	vsel vm6, $0x1286, v19;
	v20 =	vsel vm6, $0x1A86, v20;
	v0 =	vsel vm12, $0x3586, v0  }
0x67c: {  	v21 =	vsel vm6, $0x2286, v21;
	v22 =	vsel vm6, $0x2A86, v22;
	v23 =	vsel vm6, $0x3286, v23;
	[tilespmem:$0x1EAD0] =	vst v0;
	v0 =	vld [tilespmem:$0x1E560]  }
0x67d: {  	v24 =	vsel vm6, $0x3A86, v24;
	v25 =	vsel vm6, $0x287, v25;
	v1 =	vsel vm11, $0x2D07, v1  }
0x67e: {  	v26 =	vsel vm6, $0xA87, v26;
	v27 =	vsel vm6, $0x1287, v27;
	v28 =	vsel vm6, $0x1A87, v28;
	[tilespmem:$0x1E640] =	vst v1;
	v1 =	vld [tilespmem:$0x1E1D0]  }
0x67f: {  	v29 =	vsel vm6, $0x2287, v29;
	v30 =	vsel vm6, $0x2A87, v30;
	v31 =	vsel vm6, $0x3287, v31  }
0x680: {  	v32 =	vsel vm6, $0x3A87, v32;
	v33 =	vsel vm6, $0x288, v33;
	v34 =	vsel vm6, $0xA88, v34  }
0x681: {  	v35 =	vsel vm6, $0x1288, v35;
	v36 =	vsel vm6, $0x1A88, v36;
	v0 =	vsel vm12, $0x3D86, v0  }
0x682: {  	v37 =	vsel vm6, $0x2288, v37;
	v38 =	vsel vm6, $0x2A88, v38;
	v39 =	vsel vm6, $0x3288, v39;
	[tilespmem:$0x1EAE0] =	vst v0;
	v0 =	vld [tilespmem:$0x1E570]  }
0x683: {  	v40 =	vsel vm6, $0x3A88, v40;
	v41 =	vsel vm6, $0x289, v41;
	v1 =	vsel vm11, $0x3507, v1  }
0x684: {  	v42 =	vsel vm6, $0xA89, v42;
	v43 =	vsel vm6, $0x1289, v43;
	v44 =	vsel vm6, $0x1A89, v44;
	[tilespmem:$0x1E650] =	vst v1;
	v1 =	vld [tilespmem:$0x1E1E0]  }
0x685: {  	v45 =	vsel vm6, $0x2289, v45;
	v46 =	vsel vm6, $0x2A89, v46;
	v47 =	vsel vm6, $0x3289, v47  }
0x686: {  	v48 =	vsel vm6, $0x3A89, v48;
	v49 =	vsel vm6, $0x28A, v49;
	v50 =	vsel vm6, $0xA8A, v50  }
0x687: {  	v51 =	vsel vm6, $0x128A, v51;
	v52 =	vsel vm6, $0x1A8A, v52;
	v0 =	vsel vm12, $0x587, v0  }
0x688: {  	v53 =	vsel vm6, $0x228A, v53;
	v54 =	vsel vm6, $0x2A8A, v54;
	v55 =	vsel vm6, $0x328A, v55;
	[tilespmem:$0x1EAF0] =	vst v0;
	v0 =	vld [tilespmem:$0x1E580]  }
0x689: {  	v56 =	vsel vm6, $0x3A8A, v56;
	v57 =	vsel vm6, $0x28B, v57;
	v1 =	vsel vm11, $0x3D07, v1  }
0x68a: {  	v58 =	vsel vm6, $0xA8B, v58;
	v59 =	vsel vm6, $0x128B, v59;
	v60 =	vsel vm6, $0x1A8B, v60;
	[tilespmem:$0x1E660] =	vst v1;
	v1 =	vld [tilespmem:$0x1E1F0]  }
0x68b: {  	v61 =	vsel vm6, $0x228B, v61;
	v62 =	vsel vm6, $0x2A8B, v62;
	v6 =	vsel vm7, $0x80, v6  }
0x68c: {  	v7 =	vsel vm7, $0x0, v7;
	v9 =	vsel vm7, $0x700, v9;
	v10 =	vsel vm7, $0x680, v10  }
0x68d: {  	v11 =	vsel vm7, $0x600, v11;
	v12 =	vsel vm7, $0x580, v12;
	v0 =	vsel vm12, $0xD87, v0  }
0x68e: {  	v13 =	vsel vm7, $0x500, v13;
	v14 =	vsel vm7, $0x480, v14;
	v15 =	vsel vm7, $0x400, v15;
	[tilespmem:$0x1EB00] =	vst v0;
	v0 =	vld [tilespmem:$0x1E590]  }
0x68f: {  	v16 =	vsel vm7, $0x380, v16;
	v17 =	vsel vm7, $0x307, v17;
	v1 =	vsel vm11, $0x508, v1  }
0x690: {  	v18 =	vsel vm7, $0xB07, v18;
	v19 =	vsel vm7, $0x1307, v19;
	v20 =	vsel vm7, $0x1B07, v20;
	[tilespmem:$0x1E670] =	vst v1;
	v1 =	vld [tilespmem:$0x1E200]  }
0x691: {  	v21 =	vsel vm7, $0x2307, v21;
	v22 =	vsel vm7, $0x2B07, v22;
	v23 =	vsel vm7, $0x3307, v23  }
0x692: {  	v24 =	vsel vm7, $0x3B07, v24;
	v25 =	vsel vm7, $0x308, v25;
	v26 =	vsel vm7, $0xB08, v26  }
0x693: {  	v27 =	vsel vm7, $0x1308, v27;
	v28 =	vsel vm7, $0x1B08, v28;
	v0 =	vsel vm12, $0x1587, v0  }
0x694: {  	v29 =	vsel vm7, $0x2308, v29;
	v30 =	vsel vm7, $0x2B08, v30;
	v31 =	vsel vm7, $0x3308, v31;
	[tilespmem:$0x1EB10] =	vst v0;
	v0 =	vld [tilespmem:$0x1E5A0]  }
0x695: {  	v32 =	vsel vm7, $0x3B08, v32;
	v33 =	vsel vm7, $0x309, v33;
	v1 =	vsel vm11, $0xD08, v1  }
0x696: {  	v34 =	vsel vm7, $0xB09, v34;
	v35 =	vsel vm7, $0x1309, v35;
	v36 =	vsel vm7, $0x1B09, v36;
	[tilespmem:$0x1E680] =	vst v1;
	v1 =	vld [tilespmem:$0x1E210]  }
0x697: {  	v37 =	vsel vm7, $0x2309, v37;
	v38 =	vsel vm7, $0x2B09, v38;
	v39 =	vsel vm7, $0x3309, v39  }
0x698: {  	v40 =	vsel vm7, $0x3B09, v40;
	v41 =	vsel vm7, $0x30A, v41;
	v42 =	vsel vm7, $0xB0A, v42  }
0x699: {  	v43 =	vsel vm7, $0x130A, v43;
	v44 =	vsel vm7, $0x1B0A, v44;
	v0 =	vsel vm12, $0x1D87, v0  }
0x69a: {  	v45 =	vsel vm7, $0x230A, v45;
	v46 =	vsel vm7, $0x2B0A, v46;
	v47 =	vsel vm7, $0x330A, v47;
	[tilespmem:$0x1EB20] =	vst v0;
	v0 =	vld [tilespmem:$0x1E5B0]  }
0x69b: {  	v48 =	vsel vm7, $0x3B0A, v48;
	v49 =	vsel vm7, $0x30B, v49;
	v1 =	vsel vm11, $0x1508, v1  }
0x69c: {  	v50 =	vsel vm7, $0xB0B, v50;
	v51 =	vsel vm7, $0x130B, v51;
	v52 =	vsel vm7, $0x1B0B, v52;
	[tilespmem:$0x1E690] =	vst v1;
	v1 =	vld [tilespmem:$0x1E220]  }
0x69d: {  	v53 =	vsel vm7, $0x230B, v53;
	v54 =	vsel vm7, $0x2B0B, v54;
	v55 =	vsel vm7, $0x330B, v55  }
0x69e: {  	v56 =	vsel vm7, $0x3B0B, v56;
	v57 =	vsel vm7, $0x30C, v57;
	v58 =	vsel vm7, $0xB0C, v58  }
0x69f: {  	v59 =	vsel vm7, $0x130C, v59;
	v60 =	vsel vm7, $0x1B0C, v60;
	v0 =	vsel vm12, $0x2587, v0  }
0x6a0: {  	v61 =	vsel vm7, $0x230C, v61;
	v62 =	vsel vm7, $0x2B0C, v62;
	v6 =	vsel vm8, $0x100, v6;
	[tilespmem:$0x1EB30] =	vst v0;
	v0 =	vld [tilespmem:$0x1E5C0]  }
0x6a1: {  	v7 =	vsel vm8, $0x80, v7;
	v9 =	vsel vm8, $0x780, v9;
	v1 =	vsel vm11, $0x1D08, v1  }
0x6a2: {  	v10 =	vsel vm8, $0x700, v10;
	v11 =	vsel vm8, $0x680, v11;
	v12 =	vsel vm8, $0x600, v12;
	[tilespmem:$0x1E6A0] =	vst v1;
	v1 =	vld [tilespmem:$0x1E230]  }
0x6a3: {  	v13 =	vsel vm8, $0x580, v13;
	v14 =	vsel vm8, $0x500, v14;
	v15 =	vsel vm8, $0x480, v15  }
0x6a4: {  	v16 =	vsel vm8, $0x400, v16;
	v17 =	vsel vm8, $0x388, v17;
	v18 =	vsel vm8, $0xB88, v18  }
0x6a5: {  	v19 =	vsel vm8, $0x1388, v19;
	v20 =	vsel vm8, $0x1B88, v20;
	v0 =	vsel vm12, $0x2D87, v0  }
0x6a6: {  	v21 =	vsel vm8, $0x2388, v21;
	v22 =	vsel vm8, $0x2B88, v22;
	v23 =	vsel vm8, $0x3388, v23;
	[tilespmem:$0x1EB40] =	vst v0;
	v0 =	vld [tilespmem:$0x1E5D0]  }
0x6a7: {  	v24 =	vsel vm8, $0x3B88, v24;
	v25 =	vsel vm8, $0x389, v25;
	v1 =	vsel vm11, $0x2508, v1  }
0x6a8: {  	v26 =	vsel vm8, $0xB89, v26;
	v27 =	vsel vm8, $0x1389, v27;
	v28 =	vsel vm8, $0x1B89, v28;
	[tilespmem:$0x1E6B0] =	vst v1;
	v1 =	vld [tilespmem:$0x1E240]  }
0x6a9: {  	v29 =	vsel vm8, $0x2389, v29;
	v30 =	vsel vm8, $0x2B89, v30;
	v31 =	vsel vm8, $0x3389, v31  }
0x6aa: {  	v32 =	vsel vm8, $0x3B89, v32;
	v33 =	vsel vm8, $0x38A, v33;
	v34 =	vsel vm8, $0xB8A, v34  }
0x6ab: {  	v35 =	vsel vm8, $0x138A, v35;
	v36 =	vsel vm8, $0x1B8A, v36;
	v0 =	vsel vm12, $0x3587, v0  }
0x6ac: {  	v37 =	vsel vm8, $0x238A, v37;
	v38 =	vsel vm8, $0x2B8A, v38;
	v39 =	vsel vm8, $0x338A, v39;
	[tilespmem:$0x1EB50] =	vst v0;
	v0 =	vld [tilespmem:$0x1E5E0]  }
0x6ad: {  	v40 =	vsel vm8, $0x3B8A, v40;
	v41 =	vsel vm8, $0x38B, v41;
	v1 =	vsel vm11, $0x2D08, v1  }
0x6ae: {  	v42 =	vsel vm8, $0xB8B, v42;
	v43 =	vsel vm8, $0x138B, v43;
	v44 =	vsel vm8, $0x1B8B, v44;
	[tilespmem:$0x1E6C0] =	vst v1;
	v1 =	vld [tilespmem:$0x1E250]  }
0x6af: {  	v45 =	vsel vm8, $0x238B, v45;
	v46 =	vsel vm8, $0x2B8B, v46;
	v47 =	vsel vm8, $0x338B, v47  }
0x6b0: {  	v48 =	vsel vm8, $0x3B8B, v48;
	v49 =	vsel vm8, $0x38C, v49;
	v50 =	vsel vm8, $0xB8C, v50  }
0x6b1: {  	v51 =	vsel vm8, $0x138C, v51;
	v52 =	vsel vm8, $0x1B8C, v52;
	v0 =	vsel vm12, $0x3D87, v0  }
0x6b2: {  	v53 =	vsel vm8, $0x238C, v53;
	v54 =	vsel vm8, $0x2B8C, v54;
	v55 =	vsel vm8, $0x338C, v55;
	[tilespmem:$0x1EB60] =	vst v0;
	v0 =	vld [tilespmem:$0x1E5F0]  }
0x6b3: {  	v56 =	vsel vm8, $0x3B8C, v56;
	v57 =	vsel vm8, $0x38D, v57;
	v1 =	vsel vm11, $0x3508, v1  }
0x6b4: {  	v58 =	vsel vm8, $0xB8D, v58;
	v59 =	vsel vm8, $0x138D, v59;
	v60 =	vsel vm8, $0x1B8D, v60;
	[tilespmem:$0x1E6D0] =	vst v1;
	v1 =	vld [tilespmem:$0x1E260]  }
0x6b5: {  	v61 =	vsel vm8, $0x238D, v61;
	v62 =	vsel vm8, $0x2B8D, v62;
	v6 =	vsel vm9, $0x180, v6  }
0x6b6: {  	v7 =	vsel vm9, $0x100, v7;
	v9 =	vsel vm9, $0x0, v9;
	v10 =	vsel vm9, $0x780, v10  }
0x6b7: {  	v11 =	vsel vm9, $0x700, v11;
	v12 =	vsel vm9, $0x680, v12;
	v0 =	vsel vm12, $0x588, v0  }
0x6b8: {  	v13 =	vsel vm9, $0x600, v13;
	v14 =	vsel vm9, $0x580, v14;
	v15 =	vsel vm9, $0x500, v15;
	[tilespmem:$0x1EB70] =	vst v0;
	v0 =	vld [tilespmem:$0x1E600]  }
0x6b9: {  	v16 =	vsel vm9, $0x480, v16;
	v17 =	vsel vm9, $0x409, v17;
	v1 =	vsel vm11, $0x3D08, v1  }
0x6ba: {  	v18 =	vsel vm9, $0xC09, v18;
	v19 =	vsel vm9, $0x1409, v19;
	v20 =	vsel vm9, $0x1C09, v20;
	[tilespmem:$0x1E6E0] =	vst v1;
	v1 =	vld [tilespmem:$0x1E270]  }
0x6bb: {  	v21 =	vsel vm9, $0x2409, v21;
	v22 =	vsel vm9, $0x2C09, v22;
	v23 =	vsel vm9, $0x3409, v23  }
0x6bc: {  	v24 =	vsel vm9, $0x3C09, v24;
	v25 =	vsel vm9, $0x40A, v25;
	v26 =	vsel vm9, $0xC0A, v26  }
0x6bd: {  	v27 =	vsel vm9, $0x140A, v27;
	v28 =	vsel vm9, $0x1C0A, v28;
	v0 =	vsel vm12, $0xD88, v0  }
0x6be: {  	v29 =	vsel vm9, $0x240A, v29;
	v30 =	vsel vm9, $0x2C0A, v30;
	v31 =	vsel vm9, $0x340A, v31;
	[tilespmem:$0x1EB80] =	vst v0;
	v0 =	vld [tilespmem:$0x1E610]  }
0x6bf: {  	v32 =	vsel vm9, $0x3C0A, v32;
	v33 =	vsel vm9, $0x40B, v33;
	v1 =	vsel vm11, $0x509, v1  }
0x6c0: {  	v34 =	vsel vm9, $0xC0B, v34;
	v35 =	vsel vm9, $0x140B, v35;
	v36 =	vsel vm9, $0x1C0B, v36;
	[tilespmem:$0x1E6F0] =	vst v1;
	v1 =	vld [tilespmem:$0x1E280]  }
0x6c1: {  	v37 =	vsel vm9, $0x240B, v37;
	v38 =	vsel vm9, $0x2C0B, v38;
	v39 =	vsel vm9, $0x340B, v39  }
0x6c2: {  	v40 =	vsel vm9, $0x3C0B, v40;
	v41 =	vsel vm9, $0x40C, v41;
	v42 =	vsel vm9, $0xC0C, v42  }
0x6c3: {  	v43 =	vsel vm9, $0x140C, v43;
	v44 =	vsel vm9, $0x1C0C, v44;
	v0 =	vsel vm12, $0x1588, v0  }
0x6c4: {  	v45 =	vsel vm9, $0x240C, v45;
	v46 =	vsel vm9, $0x2C0C, v46;
	v47 =	vsel vm9, $0x340C, v47;
	[tilespmem:$0x1EB90] =	vst v0;
	v0 =	vld [tilespmem:$0x1E620]  }
0x6c5: {  	v48 =	vsel vm9, $0x3C0C, v48;
	v49 =	vsel vm9, $0x40D, v49;
	v1 =	vsel vm11, $0xD09, v1  }
0x6c6: {  	v50 =	vsel vm9, $0xC0D, v50;
	v51 =	vsel vm9, $0x140D, v51;
	v52 =	vsel vm9, $0x1C0D, v52;
	[tilespmem:$0x1E700] =	vst v1;
	v1 =	vld [tilespmem:$0x1E290]  }
0x6c7: {  	v53 =	vsel vm9, $0x240D, v53;
	v54 =	vsel vm9, $0x2C0D, v54;
	v55 =	vsel vm9, $0x340D, v55  }
0x6c8: {  	v56 =	vsel vm9, $0x3C0D, v56;
	v57 =	vsel vm9, $0x40E, v57;
	v58 =	vsel vm9, $0xC0E, v58  }
0x6c9: {  	v59 =	vsel vm9, $0x140E, v59;
	v60 =	vsel vm9, $0x1C0E, v60;
	v0 =	vsel vm12, $0x1D88, v0  }
0x6ca: {  	v61 =	vsel vm9, $0x240E, v61;
	v62 =	vsel vm9, $0x2C0E, v62;
	v6 =	vsel vm10, $0x200, v6;
	[tilespmem:$0x1EBA0] =	vst v0;
	v0 =	vld [tilespmem:$0x1E630]  }
0x6cb: {  	v63 =	vsel vm5, $0x320A, v63;
	v7 =	vsel vm10, $0x180, v7;
	v1 =	vsel vm11, $0x1509, v1  }
0x6cc: {  	v9 =	vsel vm10, $0x80, v9;
	v10 =	vsel vm10, $0x0, v10;
	v11 =	vsel vm10, $0x780, v11;
	[tilespmem:$0x1E710] =	vst v1;
	v1 =	vld [tilespmem:$0x1E2A0]  }
0x6cd: {  	v12 =	vsel vm10, $0x700, v12;
	v13 =	vsel vm10, $0x680, v13;
	v14 =	vsel vm10, $0x600, v14  }
0x6ce: {  	v15 =	vsel vm10, $0x580, v15;
	v16 =	vsel vm10, $0x500, v16;
	v17 =	vsel vm10, $0x48A, v17  }
0x6cf: {  	v18 =	vsel vm10, $0xC8A, v18;
	v19 =	vsel vm10, $0x148A, v19;
	v0 =	vsel vm12, $0x2588, v0  }
0x6d0: {  	v20 =	vsel vm10, $0x1C8A, v20;
	v21 =	vsel vm10, $0x248A, v21;
	v22 =	vsel vm10, $0x2C8A, v22;
	[tilespmem:$0x1EBB0] =	vst v0;
	v0 =	vld [tilespmem:$0x1E640]  }
0x6d1: {  	v23 =	vsel vm10, $0x348A, v23;
	v24 =	vsel vm10, $0x3C8A, v24;
	v1 =	vsel vm11, $0x1D09, v1  }
0x6d2: {  	v25 =	vsel vm10, $0x48B, v25;
	v26 =	vsel vm10, $0xC8B, v26;
	v27 =	vsel vm10, $0x148B, v27;
	[tilespmem:$0x1E720] =	vst v1;
	v1 =	vld [tilespmem:$0x1E2B0]  }
0x6d3: {  	v28 =	vsel vm10, $0x1C8B, v28;
	v29 =	vsel vm10, $0x248B, v29;
	v30 =	vsel vm10, $0x2C8B, v30  }
0x6d4: {  	v31 =	vsel vm10, $0x348B, v31;
	v32 =	vsel vm10, $0x3C8B, v32;
	v33 =	vsel vm10, $0x48C, v33  }
0x6d5: {  	v34 =	vsel vm10, $0xC8C, v34;
	v35 =	vsel vm10, $0x148C, v35;
	v0 =	vsel vm12, $0x2D88, v0  }
0x6d6: {  	v36 =	vsel vm10, $0x1C8C, v36;
	v37 =	vsel vm10, $0x248C, v37;
	v38 =	vsel vm10, $0x2C8C, v38;
	[tilespmem:$0x1EBC0] =	vst v0;
	v0 =	vld [tilespmem:$0x1E650]  }
0x6d7: {  	v39 =	vsel vm10, $0x348C, v39;
	v40 =	vsel vm10, $0x3C8C, v40;
	v1 =	vsel vm11, $0x2509, v1  }
0x6d8: {  	v41 =	vsel vm10, $0x48D, v41;
	v42 =	vsel vm10, $0xC8D, v42;
	v43 =	vsel vm10, $0x148D, v43;
	[tilespmem:$0x1E730] =	vst v1;
	v1 =	vld [tilespmem:$0x1E2C0]  }
0x6d9: {  	v44 =	vsel vm10, $0x1C8D, v44;
	v45 =	vsel vm10, $0x248D, v45;
	v46 =	vsel vm10, $0x2C8D, v46  }
0x6da: {  	v47 =	vsel vm10, $0x348D, v47;
	v48 =	vsel vm10, $0x3C8D, v48;
	v49 =	vsel vm10, $0x48E, v49  }
0x6db: {  	v50 =	vsel vm10, $0xC8E, v50;
	v51 =	vsel vm10, $0x148E, v51;
	v0 =	vsel vm12, $0x3588, v0  }
0x6dc: {  	v6 =	vsel vm11, $0x280, v6;
	v7 =	vsel vm11, $0x200, v7;
	v9 =	vsel vm11, $0x100, v9;
	[tilespmem:$0x1EBD0] =	vst v0;
	v0 =	vld [tilespmem:$0x1E660]  }
0x6dd: {  	v10 =	vsel vm11, $0x80, v10;
	v11 =	vsel vm11, $0x0, v11;
	v1 =	vsel vm11, $0x2D09, v1  }
0x6de: {  	v12 =	vsel vm11, $0x780, v12;
	v13 =	vsel vm11, $0x700, v13;
	v14 =	vsel vm11, $0x680, v14;
	[tilespmem:$0x1E740] =	vst v1;
	v1 =	vld [tilespmem:$0x1E2D0]  }
0x6df: {  	v15 =	vsel vm11, $0x600, v15;
	v16 =	vsel vm11, $0x580, v16;
	v17 =	vsel vm11, $0x50B, v17  }
0x6e0: {  	v18 =	vsel vm11, $0xD0B, v18;
	v19 =	vsel vm11, $0x150B, v19;
	v20 =	vsel vm11, $0x1D0B, v20  }
0x6e1: {  	v21 =	vsel vm11, $0x250B, v21;
	v22 =	vsel vm11, $0x2D0B, v22;
	v0 =	vsel vm12, $0x3D88, v0  }
0x6e2: {  	v23 =	vsel vm11, $0x350B, v23;
	v24 =	vsel vm11, $0x3D0B, v24;
	v25 =	vsel vm11, $0x50C, v25;
	[tilespmem:$0x1EBE0] =	vst v0;
	v0 =	vld [tilespmem:$0x1E670]  }
0x6e3: {  	v26 =	vsel vm11, $0xD0C, v26;
	v27 =	vsel vm11, $0x150C, v27;
	v1 =	vsel vm11, $0x3509, v1  }
0x6e4: {  	v28 =	vsel vm11, $0x1D0C, v28;
	v29 =	vsel vm11, $0x250C, v29;
	v30 =	vsel vm11, $0x2D0C, v30;
	[tilespmem:$0x1E750] =	vst v1;
	v1 =	vld [tilespmem:$0x1E2E0]  }
0x6e5: {  	v31 =	vsel vm11, $0x350C, v31;
	v32 =	vsel vm11, $0x3D0C, v32;
	v33 =	vsel vm11, $0x50D, v33  }
0x6e6: {  	v34 =	vsel vm11, $0xD0D, v34;
	v35 =	vsel vm11, $0x150D, v35;
	v36 =	vsel vm11, $0x1D0D, v36  }
0x6e7: {  	v37 =	vsel vm11, $0x250D, v37;
	v38 =	vsel vm11, $0x2D0D, v38;
	v0 =	vsel vm12, $0x589, v0  }
0x6e8: {  	v39 =	vsel vm11, $0x350D, v39;
	v40 =	vsel vm11, $0x3D0D, v40;
	v41 =	vsel vm11, $0x50E, v41;
	[tilespmem:$0x1EBF0] =	vst v0;
	v0 =	vld [tilespmem:$0x1E680]  }
0x6e9: {  	v42 =	vsel vm11, $0xD0E, v42;
	v43 =	vsel vm11, $0x150E, v43;
	v1 =	vsel vm11, $0x3D09, v1  }
0x6ea: {  	v50 =	vsel vm11, $0xD0F, v50;
	v3 =	vsel vm11, $0x400, v3;
	[tilespmem:$0x1E760] =	vst v1;
	v1 =	vsel vm12, $0x500, v2  }
0x6eb: {  	v2 =	vsel vm12, $0x480, v3;
	v3 =	vsel vm12, $0x400, v4;
	v4 =	vsel vm12, $0x380, v5  }
0x6ec: {  	v5 =	vsel vm12, $0x300, v6;
	v6 =	vsel vm12, $0x280, v7;
	v7 =	vsel vm12, $0x200, v8  }
0x6ed: {  	v8 =	vsel vm12, $0x180, v9;
	v9 =	vsel vm12, $0x100, v10;
	v0 =	vsel vm12, $0xD89, v0  }
0x6ee: {  	v10 =	vsel vm12, $0x80, v11;
	v11 =	vsel vm12, $0x0, v12;
	v12 =	vsel vm12, $0x780, v13;
	[tilespmem:$0x1EC00] =	vst v0;
	v0 =	vld [tilespmem:$0x1E690]  }
0x6ef: {  	v13 =	vsel vm12, $0x700, v14;
	v14 =	vsel vm12, $0x680, v15;
	v15 =	vsel vm12, $0x600, v16  }
0x6f0: {  	v16 =	vsel vm12, $0x58C, v17;
	v17 =	vsel vm12, $0xD8C, v18;
	v18 =	vsel vm12, $0x158C, v19  }
0x6f1: {  	v19 =	vsel vm12, $0x1D8C, v20;
	v20 =	vsel vm12, $0x258C, v21;
	v21 =	vsel vm12, $0x2D8C, v22  }
0x6f2: {  	v22 =	vsel vm12, $0x358C, v23;
	v23 =	vsel vm12, $0x3D8C, v24;
	v24 =	vsel vm12, $0x58D, v25  }
0x6f3: {  	v25 =	vsel vm12, $0xD8D, v26;
	v26 =	vsel vm12, $0x158D, v27;
	v0 =	vsel vm12, $0x1589, v0  }
0x6f4: {  	v27 =	vsel vm12, $0x1D8D, v28;
	v28 =	vsel vm12, $0x258D, v29;
	v29 =	vsel vm12, $0x2D8D, v30;
	[tilespmem:$0x1EC10] =	vst v0;
	v0 =	vld [tilespmem:$0x1E6A0]  }
0x6f5: {  	v30 =	vsel vm12, $0x358D, v31;
	v31 =	vsel vm12, $0x3D8D, v32;
	v32 =	vsel vm12, $0x58E, v33  }
0x6f6: {  	v33 =	vsel vm12, $0xD8E, v34;
	v34 =	vsel vm12, $0x158E, v35;
	v35 =	vsel vm12, $0x1D8E, v36  }
0x6f7: {  	v36 =	vsel vm12, $0x258E, v37;
	v37 =	vsel vm12, $0x2D8E, v38;
	[tilespmem:$0x1E770] =	vst v1;
	v1 =	vsel vm12, $0xD80, v50  }
0x6f8: {  	v38 =	vsel vm12, $0x358E, v39;
	v39 =	vsel vm12, $0x3D8E, v40;
	v2 =	vsel vm13, $0x500, v2;
	[tilespmem:$0x1E780] =	vst v1  }
0x6f9: {  	v40 =	vsel vm12, $0x58F, v41;
	v41 =	vsel vm12, $0xD8F, v42;
	[tilespmem:$0x1ECE0] =	vst v2;
	v0 =	vsel vm12, $0x1D89, v0  }
0x6fa: {  	v44 =	vsel vm11, $0x1D0E, v44;
	v42 =	vsel vm12, $0x158F, v43;
	v41 =	vsel vm13, $0xE00, v41;
	[tilespmem:$0x1EC20] =	vst v0;
	v0 =	vld [tilespmem:$0x1E6B0]  }
0x6fb: {  	v45 =	vsel vm11, $0x250E, v45;
	v43 =	vsel vm12, $0x1D8F, v44;
	v42 =	vsel vm13, $0x1600, v42;
	[tilespmem:$0x1ECF0] =	vst v41  }
0x6fc: {  	v46 =	vsel vm11, $0x2D0E, v46;
	v44 =	vsel vm12, $0x258F, v45;
	v43 =	vsel vm13, $0x1E00, v43;
	[tilespmem:$0x1ED00] =	vst v42  }
0x6fd: {  	v52 =	vsel vm10, $0x1C8E, v52;
	v45 =	vsel vm12, $0x2D8F, v46;
	v44 =	vsel vm13, $0x2600, v44;
	[tilespmem:$0x1ED10] =	vst v43  }
0x6fe: {  	v53 =	vsel vm10, $0x248E, v53;
	v54 =	vsel vm10, $0x2C8E, v54;
	v45 =	vsel vm13, $0x2E00, v45;
	[tilespmem:$0x1ED20] =	vst v44  }
0x6ff: {  	v55 =	vsel vm10, $0x348E, v55;
	v51 =	vsel vm11, $0x150F, v51;
	[tilespmem:$0x1ED30] =	vst v45;
	v0 =	vsel vm12, $0x2589, v0  }
0x700: {  	v56 =	vsel vm10, $0x3C8E, v56;
	v52 =	vsel vm11, $0x1D0F, v52;
	v1 =	vsel vm12, $0x1580, v51;
	[tilespmem:$0x1EC30] =	vst v0;
	v0 =	vld [tilespmem:$0x1E6C0]  }
0x701: {  	v57 =	vsel vm10, $0x48F, v57;
	v53 =	vsel vm11, $0x250F, v53;
	[tilespmem:$0x1E790] =	vst v1;
	v1 =	vsel vm12, $0x1D80, v52  }
0x702: {  	v58 =	vsel vm10, $0xC8F, v58;
	v54 =	vsel vm11, $0x2D0F, v54;
	[tilespmem:$0x1E7A0] =	vst v1;
	v1 =	vsel vm12, $0x2580, v53  }
0x703: {  	v59 =	vsel vm10, $0x148F, v59;
	v55 =	vsel vm11, $0x350F, v55;
	[tilespmem:$0x1E7B0] =	vst v1;
	v1 =	vsel vm12, $0x2D80, v54  }
0x704: {  	v60 =	vsel vm10, $0x1C8F, v60;
	v61 =	vsel vm10, $0x248F, v61;
	[tilespmem:$0x1E7C0] =	vst v1;
	v1 =	vsel vm12, $0x3580, v55  }
0x705: {  	v62 =	vsel vm10, $0x2C8F, v62;
	v56 =	vsel vm11, $0x3D0F, v56;
	[tilespmem:$0x1E7D0] =	vst v1;
	v0 =	vsel vm12, $0x2D89, v0  }
0x706: {  	v63 =	vsel vm6, $0x328B, v63;
	v57 =	vsel vm11, $0x500, v57;
	v1 =	vsel vm12, $0x3D80, v56;
	[tilespmem:$0x1EC40] =	vst v0;
	v0 =	vld [tilespmem:$0x1E6D0]  }
0x707: {  	v47 =	vsel vm11, $0x350E, v47;
	v58 =	vsel vm11, $0xD00, v58;
	[tilespmem:$0x1E7E0] =	vst v1;
	v1 =	vsel vm12, $0x581, v57  }
0x708: {  	v48 =	vsel vm11, $0x3D0E, v48;
	v59 =	vsel vm11, $0x1500, v59;
	[tilespmem:$0x1E7F0] =	vst v1;
	v1 =	vsel vm12, $0xD81, v58  }
0x709: {  	v60 =	vsel vm11, $0x1D00, v60;
	v63 =	vsel vm7, $0x330C, v63;
	[tilespmem:$0x1E800] =	vst v1;
	v1 =	vsel vm12, $0x1581, v59  }
0x70a: {  	v49 =	vsel vm11, $0x50F, v49;
	v63 =	vsel vm8, $0x338D, v63;
	[tilespmem:$0x1E810] =	vst v1;
	v1 =	vsel vm12, $0x1D81, v60  }
0x70b: {  	v61 =	vsel vm11, $0x2500, v61;
	v63 =	vsel vm9, $0x340E, v63;
	[tilespmem:$0x1E820] =	vst v1;
	v0 =	vsel vm12, $0x3589, v0  }
0x70c: {  	v62 =	vsel vm11, $0x2D00, v62;
	v63 =	vsel vm10, $0x348F, v63;
	v1 =	vsel vm12, $0x2581, v61;
	[tilespmem:$0x1EC50] =	vst v0;
	v0 =	vld [tilespmem:$0x1E6E0]  }
0x70d: {  	v63 =	vsel vm11, $0x3500, v63;
	v46 =	vsel vm12, $0x358F, v47;
	[tilespmem:$0x1E830] =	vst v1;
	v1 =	vsel vm12, $0x2D81, v62  }
0x70e: {  	v47 =	vsel vm12, $0x3D8F, v48;
	v46 =	vsel vm13, $0x3600, v46;
	[tilespmem:$0x1E840] =	vst v1;
	v1 =	vsel vm12, $0x3581, v63;
	v63 =	vld [tilespmem:$0x1E770]  }
0x70f: {  	v48 =	vsel vm12, $0x580, v49;
	v47 =	vsel vm13, $0x3E00, v47;
	[tilespmem:$0x1ED40] =	vst v46;
	v57 =	vsel vm13, $0xE0F, v33;
	v33 =	vld [tilespmem:$0x1E780]  }
0x710: {  	[tilespmem:$0x1ED50] =	vst v47;
	v56 =	vsel vm13, $0x60F, v32;
	v32 =	vsel vm13, $0x601, v48;
	v58 =	vsel vm13, $0x160F, v34;
	v34 =	vld [tilespmem:$0x1E790]  }
0x711: {  	[tilespmem:$0x1ED60] =	vst v32;
	v59 =	vsel vm13, $0x1E0F, v35;
	v35 =	vld [tilespmem:$0x1E7A0];
	v0 =	vsel vm12, $0x3D89, v0  }
0x712: {  	v2 =	vsel vm13, $0x480, v3;
	v3 =	vsel vm13, $0x400, v4;
	[tilespmem:$0x1EC60] =	vst v0;
	v0 =	vld [tilespmem:$0x1E6F0]  }
0x713: {  	v4 =	vsel vm13, $0x380, v5;
	v60 =	vsel vm13, $0x260F, v36;
	v36 =	vld [tilespmem:$0x1E7B0];
	[tilespmem:$0x1E850] =	vst v1;
	v49 =	vsel vm13, $0x580, v63  }
0x714: {  	v61 =	vsel vm13, $0x2E0F, v37;
	v37 =	vld [tilespmem:$0x1E7C0];
	[tilespmem:$0x1ECD0] =	vst v49;
	v49 =	vsel vm13, $0xE0E, v25;
	v25 =	vsel vm13, $0xE01, v33  }
0x715: {  	v5 =	vsel vm13, $0x300, v6;
	v62 =	vsel vm13, $0x360F, v38;
	v38 =	vld [tilespmem:$0x1E7D0];
	[tilespmem:$0x1ED70] =	vst v25;
	v25 =	vsel vm13, $0x1601, v34  }
0x716: {  	v6 =	vsel vm13, $0x280, v7;
	v63 =	vsel vm13, $0x3E0F, v39;
	v39 =	vld [tilespmem:$0x1E7E0];
	[tilespmem:$0x1ED80] =	vst v25;
	v25 =	vsel vm13, $0x1E01, v35  }
0x717: {  	v7 =	vsel vm13, $0x200, v8;
	v8 =	vsel vm13, $0x600, v40;
	v40 =	vld [tilespmem:$0x1E7F0];
	[tilespmem:$0x1ED90] =	vst v25;
	v0 =	vsel vm12, $0x58A, v0  }
0x718: {  	v25 =	vsel vm13, $0x2601, v36;
	[tilespmem:$0x1EC70] =	vst v0;
	v0 =	vld [tilespmem:$0x1E700]  }
0x719: {  	v41 =	vld [tilespmem:$0x1E800];
	[tilespmem:$0x1EDA0] =	vst v25;
	v25 =	vsel vm13, $0x2E01, v37  }
0x71a: {  	v42 =	vld [tilespmem:$0x1E810];
	[tilespmem:$0x1EDB0] =	vst v25;
	v25 =	vsel vm13, $0x3601, v38  }
0x71b: {  	v43 =	vld [tilespmem:$0x1E820];
	[tilespmem:$0x1EDC0] =	vst v25;
	v25 =	vsel vm13, $0x3E01, v39  }
0x71c: {  	v44 =	vld [tilespmem:$0x1E830];
	[tilespmem:$0x1EDD0] =	vst v25;
	v25 =	vsel vm13, $0x602, v40  }
0x71d: {  	v45 =	vld [tilespmem:$0x1E840];
	[tilespmem:$0x1EDE0] =	vst v25;
	v0 =	vsel vm12, $0xD8A, v0  }
0x71e: {  	v25 =	vsel vm13, $0xE02, v41;
	[tilespmem:$0x1EC80] =	vst v0;
	v0 =	vld [tilespmem:$0x1E710]  }
0x71f: {  	v46 =	vld [tilespmem:$0x1E850];
	[tilespmem:$0x1EDF0] =	vst v25;
	v25 =	vsel vm13, $0x1602, v42  }
0x720: {  	v47 =	vld [tilespmem:$0x1E860];
	[tilespmem:$0x1EE00] =	vst v25;
	v25 =	vsel vm13, $0x1E02, v43  }
0x721: {  	v48 =	vld [tilespmem:$0x1E870];
	[tilespmem:$0x1EE10] =	vst v25;
	v25 =	vsel vm13, $0x2602, v44  }
0x722: {  	v32 =	vld [tilespmem:$0x1E880];
	[tilespmem:$0x1EE20] =	vst v25;
	v25 =	vsel vm13, $0x2E02, v45  }
0x723: {  	v33 =	vld [tilespmem:$0x1E890];
	[tilespmem:$0x1EE30] =	vst v25;
	v0 =	vsel vm12, $0x158A, v0  }
0x724: {  	v25 =	vsel vm13, $0x3602, v46;
	[tilespmem:$0x1EC90] =	vst v0;
	v0 =	vld [tilespmem:$0x1E720]  }
0x725: {  	v34 =	vld [tilespmem:$0x1E8A0];
	[tilespmem:$0x1EE40] =	vst v25;
	v25 =	vsel vm13, $0x3E02, v47  }
0x726: {  	v35 =	vld [tilespmem:$0x1E8B0];
	[tilespmem:$0x1EE50] =	vst v25;
	v25 =	vsel vm13, $0x603, v48  }
0x727: {  	v36 =	vld [tilespmem:$0x1E8C0];
	[tilespmem:$0x1EE60] =	vst v25;
	v25 =	vsel vm13, $0xE03, v32  }
0x728: {  	v37 =	vld [tilespmem:$0x1E8D0];
	[tilespmem:$0x1EE70] =	vst v25;
	v25 =	vsel vm13, $0x1603, v33  }
0x729: {  	v38 =	vld [tilespmem:$0x1E8E0];
	[tilespmem:$0x1EE80] =	vst v25;
	v0 =	vsel vm12, $0x1D8A, v0  }
0x72a: {  	v25 =	vsel vm13, $0x1E03, v34;
	[tilespmem:$0x1ECA0] =	vst v0;
	v0 =	vld [tilespmem:$0x1E730]  }
0x72b: {  	v39 =	vld [tilespmem:$0x1E8F0];
	[tilespmem:$0x1EE90] =	vst v25;
	v25 =	vsel vm13, $0x2603, v35  }
0x72c: {  	v40 =	vld [tilespmem:$0x1E900];
	[tilespmem:$0x1EEA0] =	vst v25;
	v25 =	vsel vm13, $0x2E03, v36  }
0x72d: {  	v41 =	vld [tilespmem:$0x1E910];
	[tilespmem:$0x1EEB0] =	vst v25;
	v25 =	vsel vm13, $0x3603, v37  }
0x72e: {  	v42 =	vld [tilespmem:$0x1E920];
	[tilespmem:$0x1EEC0] =	vst v25;
	v25 =	vsel vm13, $0x3E03, v38  }
0x72f: {  	v43 =	vld [tilespmem:$0x1E930];
	[tilespmem:$0x1EED0] =	vst v25;
	v0 =	vsel vm12, $0x258A, v0  }
0x730: {  	v25 =	vsel vm13, $0x604, v39;
	[tilespmem:$0x1ECB0] =	vst v0;
	v0 =	vld [tilespmem:$0x1E740]  }
0x731: {  	[tilespmem:$0x1EEE0] =	vst v25;
	v25 =	vsel vm13, $0xE04, v40  }
0x732: {  	[tilespmem:$0x1EEF0] =	vst v25;
	v25 =	vsel vm13, $0x1604, v41  }
0x733: {  	[tilespmem:$0x1EF00] =	vst v25;
	v25 =	vsel vm13, $0x1E04, v42  }
0x734: {  	[tilespmem:$0x1EF10] =	vst v25;
	v25 =	vsel vm13, $0x2604, v43  }
0x735: {  	v1 =	vld [tilespmem:$0x1E760];
	[tilespmem:$0x1EF20] =	vst v25;
	v0 =	vsel vm12, $0x2D8A, v0  }
0x736: {  	[tilespmem:$0x1ECC0] =	vst v0;
	v0 =	vld [tilespmem:$0x1E750]  }
0x737: {  	v25 =	vld [tilespmem:$0x1E940];
	_ =	sdelay $0x1  }
0x738: {  	v44 =	vld [tilespmem:$0x1E950];
	_ =	sdelay $0x1  }
0x739: {  	v45 =	vld [tilespmem:$0x1E960]  }
0x73a: {  	v46 =	vld [tilespmem:$0x1E970];
	v0 =	vsel vm12, $0x358A, v0;
	v25 =	vsel vm13, $0x2E04, v25  }
0x73b: {  	v47 =	vld [tilespmem:$0x1E980];
	v0 =	vsel vm13, $0x360B, v0;
	[tilespmem:$0x1EF30] =	vst v25  }
0x73c: {  	v1 =	vsel vm12, $0x3D8A, v1;
	v48 =	vld [tilespmem:$0x1E990];
	v25 =	vsel vm13, $0x3604, v44;
	[tilespmem:$0x1F2C0] =	vst v0  }
0x73d: {  	v32 =	vld [tilespmem:$0x1E9A0];
	v0 =	vsel vm13, $0x3E0B, v1;
	[tilespmem:$0x1EF40] =	vst v25  }
0x73e: {  	v33 =	vld [tilespmem:$0x1E9B0];
	v25 =	vsel vm13, $0x3E04, v45;
	[tilespmem:$0x1F2D0] =	vst v0  }
0x73f: {  	v34 =	vld [tilespmem:$0x1E9C0];
	[tilespmem:$0x1EF50] =	vst v25;
	v25 =	vsel vm13, $0x605, v46  }
0x740: {  	v35 =	vld [tilespmem:$0x1E9D0];
	[tilespmem:$0x1EF60] =	vst v25;
	v25 =	vsel vm13, $0xE05, v47  }
0x741: {  	v36 =	vld [tilespmem:$0x1E9E0];
	[tilespmem:$0x1EF70] =	vst v25;
	v25 =	vsel vm13, $0x1605, v48  }
0x742: {  	v37 =	vld [tilespmem:$0x1E9F0];
	[tilespmem:$0x1EF80] =	vst v25;
	v25 =	vsel vm13, $0x1E05, v32  }
0x743: {  	v38 =	vld [tilespmem:$0x1EA00];
	[tilespmem:$0x1EF90] =	vst v25;
	v25 =	vsel vm13, $0x2605, v33  }
0x744: {  	v39 =	vld [tilespmem:$0x1EA10];
	[tilespmem:$0x1EFA0] =	vst v25;
	v25 =	vsel vm13, $0x2E05, v34  }
0x745: {  	v40 =	vld [tilespmem:$0x1EA20];
	[tilespmem:$0x1EFB0] =	vst v25;
	v25 =	vsel vm13, $0x3605, v35  }
0x746: {  	v41 =	vld [tilespmem:$0x1EA30];
	[tilespmem:$0x1EFC0] =	vst v25;
	v25 =	vsel vm13, $0x3E05, v36  }
0x747: {  	v42 =	vld [tilespmem:$0x1EA40];
	[tilespmem:$0x1EFD0] =	vst v25;
	v25 =	vsel vm13, $0x606, v37  }
0x748: {  	v43 =	vld [tilespmem:$0x1EA50];
	[tilespmem:$0x1EFE0] =	vst v25;
	v25 =	vsel vm13, $0xE06, v38  }
0x749: {  	v44 =	vld [tilespmem:$0x1EA60];
	[tilespmem:$0x1EFF0] =	vst v25;
	v25 =	vsel vm13, $0x1606, v39  }
0x74a: {  	v45 =	vld [tilespmem:$0x1EA70];
	[tilespmem:$0x1F000] =	vst v25;
	v25 =	vsel vm13, $0x1E06, v40  }
0x74b: {  	v46 =	vld [tilespmem:$0x1EA80];
	[tilespmem:$0x1F010] =	vst v25;
	v25 =	vsel vm13, $0x2606, v41  }
0x74c: {  	v47 =	vld [tilespmem:$0x1EA90];
	[tilespmem:$0x1F020] =	vst v25;
	v25 =	vsel vm13, $0x2E06, v42  }
0x74d: {  	v48 =	vld [tilespmem:$0x1EAA0];
	[tilespmem:$0x1F030] =	vst v25;
	v25 =	vsel vm13, $0x3606, v43  }
0x74e: {  	v32 =	vld [tilespmem:$0x1EAB0];
	[tilespmem:$0x1F040] =	vst v25;
	v25 =	vsel vm13, $0x3E06, v44  }
0x74f: {  	v33 =	vld [tilespmem:$0x1EAC0];
	[tilespmem:$0x1F050] =	vst v25;
	v25 =	vsel vm13, $0x607, v45  }
0x750: {  	v34 =	vld [tilespmem:$0x1EAD0];
	[tilespmem:$0x1F060] =	vst v25;
	v25 =	vsel vm13, $0xE07, v46  }
0x751: {  	v35 =	vld [tilespmem:$0x1EAE0];
	[tilespmem:$0x1F070] =	vst v25;
	v25 =	vsel vm13, $0x1607, v47  }
0x752: {  	v36 =	vld [tilespmem:$0x1EAF0];
	[tilespmem:$0x1F080] =	vst v25;
	v25 =	vsel vm13, $0x1E07, v48  }
0x753: {  	v37 =	vld [tilespmem:$0x1EB00];
	[tilespmem:$0x1F090] =	vst v25;
	v25 =	vsel vm13, $0x2607, v32  }
0x754: {  	v38 =	vld [tilespmem:$0x1EB10];
	[tilespmem:$0x1F0A0] =	vst v25;
	v25 =	vsel vm13, $0x2E07, v33  }
0x755: {  	v39 =	vld [tilespmem:$0x1EB20];
	[tilespmem:$0x1F0B0] =	vst v25;
	v25 =	vsel vm13, $0x3607, v34  }
0x756: {  	v40 =	vld [tilespmem:$0x1EB30];
	[tilespmem:$0x1F0C0] =	vst v25;
	v25 =	vsel vm13, $0x3E07, v35  }
0x757: {  	v41 =	vld [tilespmem:$0x1EB40];
	[tilespmem:$0x1F0D0] =	vst v25;
	v25 =	vsel vm13, $0x608, v36  }
0x758: {  	v42 =	vld [tilespmem:$0x1EB50];
	[tilespmem:$0x1F0E0] =	vst v25;
	v25 =	vsel vm13, $0xE08, v37  }
0x759: {  	v43 =	vld [tilespmem:$0x1EB60];
	[tilespmem:$0x1F0F0] =	vst v25;
	v25 =	vsel vm13, $0x1608, v38  }
0x75a: {  	v44 =	vld [tilespmem:$0x1EB70];
	[tilespmem:$0x1F100] =	vst v25;
	v25 =	vsel vm13, $0x1E08, v39  }
0x75b: {  	v45 =	vld [tilespmem:$0x1EB80];
	[tilespmem:$0x1F110] =	vst v25;
	v25 =	vsel vm13, $0x2608, v40  }
0x75c: {  	v46 =	vld [tilespmem:$0x1EB90];
	[tilespmem:$0x1F120] =	vst v25;
	v25 =	vsel vm13, $0x2E08, v41  }
0x75d: {  	v47 =	vld [tilespmem:$0x1EBA0];
	[tilespmem:$0x1F130] =	vst v25;
	v25 =	vsel vm13, $0x3608, v42  }
0x75e: {  	v48 =	vld [tilespmem:$0x1EBB0];
	[tilespmem:$0x1F140] =	vst v25;
	v25 =	vsel vm13, $0x3E08, v43  }
0x75f: {  	v32 =	vld [tilespmem:$0x1EBC0];
	[tilespmem:$0x1F150] =	vst v25;
	v25 =	vsel vm13, $0x609, v44  }
0x760: {  	v33 =	vld [tilespmem:$0x1EBD0];
	[tilespmem:$0x1F160] =	vst v25;
	v25 =	vsel vm13, $0xE09, v45  }
0x761: {  	v34 =	vld [tilespmem:$0x1EBE0];
	[tilespmem:$0x1F170] =	vst v25;
	v25 =	vsel vm13, $0x1609, v46  }
0x762: {  	v35 =	vld [tilespmem:$0x1EBF0];
	[tilespmem:$0x1F180] =	vst v25;
	v25 =	vsel vm13, $0x1E09, v47  }
0x763: {  	v36 =	vld [tilespmem:$0x1EC00];
	[tilespmem:$0x1F190] =	vst v25;
	v25 =	vsel vm13, $0x2609, v48  }
0x764: {  	v37 =	vld [tilespmem:$0x1EC10];
	[tilespmem:$0x1F1A0] =	vst v25;
	v25 =	vsel vm13, $0x2E09, v32  }
0x765: {  	v38 =	vld [tilespmem:$0x1EC20];
	[tilespmem:$0x1F1B0] =	vst v25;
	v25 =	vsel vm13, $0x3609, v33  }
0x766: {  	v39 =	vld [tilespmem:$0x1EC30];
	[tilespmem:$0x1F1C0] =	vst v25;
	v25 =	vsel vm13, $0x3E09, v34  }
0x767: {  	v40 =	vld [tilespmem:$0x1EC40];
	[tilespmem:$0x1F1D0] =	vst v25;
	v25 =	vsel vm13, $0x60A, v35  }
0x768: {  	v41 =	vld [tilespmem:$0x1EC50];
	[tilespmem:$0x1F1E0] =	vst v25;
	v25 =	vsel vm13, $0xE0A, v36  }
0x769: {  	v42 =	vld [tilespmem:$0x1EC60];
	[tilespmem:$0x1F1F0] =	vst v25;
	v25 =	vsel vm13, $0x160A, v37  }
0x76a: {  	v43 =	vld [tilespmem:$0x1EC70];
	[tilespmem:$0x1F200] =	vst v25;
	v25 =	vsel vm13, $0x1E0A, v38  }
0x76b: {  	v44 =	vld [tilespmem:$0x1EC80];
	[tilespmem:$0x1F210] =	vst v25;
	v25 =	vsel vm13, $0x260A, v39  }
0x76c: {  	v45 =	vld [tilespmem:$0x1EC90];
	[tilespmem:$0x1F220] =	vst v25;
	v25 =	vsel vm13, $0x2E0A, v40  }
0x76d: {  	v46 =	vld [tilespmem:$0x1ECA0];
	[tilespmem:$0x1F230] =	vst v25;
	v25 =	vsel vm13, $0x360A, v41  }
0x76e: {  	v47 =	vld [tilespmem:$0x1ECB0];
	[tilespmem:$0x1F240] =	vst v25;
	v25 =	vsel vm13, $0x3E0A, v42  }
0x76f: {  	v48 =	vld [tilespmem:$0x1ECC0];
	[tilespmem:$0x1F250] =	vst v25;
	v25 =	vsel vm13, $0x60B, v43  }
0x770: {  	v0 =	vld [tilespmem:$0x1ECD0];
	[tilespmem:$0x1F260] =	vst v25;
	v25 =	vsel vm13, $0xE0B, v44  }
0x771: {  	[tilespmem:$0x1F270] =	vst v25;
	v25 =	vsel vm13, $0x160B, v45  }
0x772: {  	[tilespmem:$0x1F280] =	vst v25;
	v25 =	vsel vm13, $0x1E0B, v46  }
0x773: {  	[tilespmem:$0x1F290] =	vst v25;
	v25 =	vsel vm13, $0x260B, v47  }
0x774: {  	vm14 =	vcmask $0x3734;
	[tilespmem:$0x1F2A0] =	vst v25;
	v25 =	vsel vm13, $0x2E0B, v48  }
0x775: {  	[tilespmem:$0x1F2B0] =	vst v25;
	v25 =	vsel vm14, $0x600, v0;
	v0 =	vld [tilespmem:$0x1ECE0];
	_ =	sdelay $0x4  }
0x776: {  	v50 =	vsel vm13, $0x160E, v26;
	v26 =	vsel vm14, $0x580, v0;
	v0 =	vsel vm14, $0x681, v8  }
0x777: {  	[tilespmem:$0x1F550] =	vst v0;
	v0 =	vld [tilespmem:$0x1ECF0];
	_ =	sdelay $0x4  }
0x778: {  	v1 =	vsel vm14, $0xE81, v0;
	v0 =	vld [tilespmem:$0x1ED00];
	_ =	sdelay $0x4  }
0x779: {  	v51 =	vsel vm13, $0x1E0E, v27;
	v27 =	vsel vm14, $0x500, v2;
	v2 =	vsel vm14, $0x1681, v0;
	v0 =	vld [tilespmem:$0x1ED10];
	_ =	sdelay $0x4  }
0x77a: {  	v52 =	vsel vm13, $0x260E, v28;
	v28 =	vsel vm14, $0x480, v3;
	v3 =	vsel vm14, $0x1E81, v0;
	v0 =	vld [tilespmem:$0x1ED20];
	_ =	sdelay $0x4  }
0x77b: {  	v53 =	vsel vm13, $0x2E0E, v29;
	v29 =	vsel vm14, $0x400, v4;
	v4 =	vsel vm14, $0x2681, v0;
	v0 =	vld [tilespmem:$0x1ED30];
	_ =	sdelay $0x4  }
0x77c: {  	v54 =	vsel vm13, $0x360E, v30;
	v30 =	vsel vm14, $0x380, v5;
	v5 =	vsel vm14, $0x2E81, v0;
	v0 =	vld [tilespmem:$0x1ED40];
	_ =	sdelay $0x4  }
0x77d: {  	v55 =	vsel vm13, $0x3E0E, v31;
	v31 =	vsel vm14, $0x300, v6;
	v6 =	vsel vm14, $0x3681, v0;
	v0 =	vld [tilespmem:$0x1ED50];
	_ =	sdelay $0x4  }
0x77e: {  	v32 =	vsel vm14, $0x280, v7;
	v7 =	vsel vm14, $0x3E81, v0;
	v0 =	vld [tilespmem:$0x1ED60];
	_ =	sdelay $0x4  }
0x77f: {  	v8 =	vsel vm14, $0x682, v0;
	v0 =	vld [tilespmem:$0x1ED70];
	_ =	sdelay $0x3  }
0x780: {  	v9 =	vsel vm13, $0x180, v9  }
0x781: {  	v33 =	vsel vm14, $0x200, v9;
	v9 =	vsel vm14, $0xE82, v0;
	v0 =	vld [tilespmem:$0x1ED80];
	_ =	sdelay $0x3  }
0x782: {  	v10 =	vsel vm13, $0x100, v10  }
0x783: {  	v34 =	vsel vm14, $0x180, v10;
	v10 =	vsel vm14, $0x1682, v0;
	v0 =	vld [tilespmem:$0x1ED90];
	_ =	sdelay $0x3  }
0x784: {  	v11 =	vsel vm13, $0x80, v11  }
0x785: {  	v35 =	vsel vm14, $0x100, v11;
	v11 =	vsel vm14, $0x1E82, v0;
	v0 =	vld [tilespmem:$0x1EDA0];
	_ =	sdelay $0x3  }
0x786: {  	v12 =	vsel vm13, $0x0, v12  }
0x787: {  	v36 =	vsel vm14, $0x80, v12;
	v12 =	vsel vm14, $0x2682, v0;
	v0 =	vld [tilespmem:$0x1EDB0];
	_ =	sdelay $0x3  }
0x788: {  	v13 =	vsel vm13, $0x780, v13  }
0x789: {  	v37 =	vsel vm14, $0x0, v13;
	v13 =	vsel vm14, $0x2E82, v0;
	v0 =	vld [tilespmem:$0x1EDC0];
	_ =	sdelay $0x3  }
0x78a: {  	v14 =	vsel vm13, $0x700, v14  }
0x78b: {  	v38 =	vsel vm14, $0x780, v14;
	v14 =	vsel vm14, $0x3682, v0;
	v0 =	vld [tilespmem:$0x1EDD0];
	_ =	sdelay $0x3  }
0x78c: {  	v15 =	vsel vm13, $0x680, v15  }
0x78d: {  	v39 =	vsel vm14, $0x700, v15;
	v15 =	vsel vm14, $0x3E82, v0;
	v0 =	vld [tilespmem:$0x1EDE0];
	_ =	sdelay $0x3  }
0x78e: {  	v16 =	vsel vm13, $0x60D, v16  }
0x78f: {  	v40 =	vsel vm14, $0x68E, v16;
	v16 =	vsel vm14, $0x683, v0;
	v0 =	vld [tilespmem:$0x1EDF0];
	_ =	sdelay $0x3  }
0x790: {  	v17 =	vsel vm13, $0xE0D, v17  }
0x791: {  	v41 =	vsel vm14, $0xE8E, v17;
	v17 =	vsel vm14, $0xE83, v0;
	v0 =	vld [tilespmem:$0x1EE00];
	_ =	sdelay $0x3  }
0x792: {  	v18 =	vsel vm13, $0x160D, v18  }
0x793: {  	v42 =	vsel vm14, $0x168E, v18;
	v18 =	vsel vm14, $0x1683, v0;
	v0 =	vld [tilespmem:$0x1EE10];
	_ =	sdelay $0x3  }
0x794: {  	v19 =	vsel vm13, $0x1E0D, v19  }
0x795: {  	v43 =	vsel vm14, $0x1E8E, v19;
	v19 =	vsel vm14, $0x1E83, v0;
	v0 =	vld [tilespmem:$0x1EE20];
	_ =	sdelay $0x3  }
0x796: {  	v20 =	vsel vm13, $0x260D, v20  }
0x797: {  	v44 =	vsel vm14, $0x268E, v20;
	v20 =	vsel vm14, $0x2683, v0;
	v0 =	vld [tilespmem:$0x1EE30];
	_ =	sdelay $0x3  }
0x798: {  	v21 =	vsel vm13, $0x2E0D, v21  }
0x799: {  	v45 =	vsel vm14, $0x2E8E, v21;
	v21 =	vsel vm14, $0x2E83, v0;
	v0 =	vld [tilespmem:$0x1EE40];
	_ =	sdelay $0x3  }
0x79a: {  	v22 =	vsel vm13, $0x360D, v22  }
0x79b: {  	v46 =	vsel vm14, $0x368E, v22;
	v22 =	vsel vm14, $0x3683, v0;
	v0 =	vld [tilespmem:$0x1EE50];
	_ =	sdelay $0x3  }
0x79c: {  	v23 =	vsel vm13, $0x3E0D, v23  }
0x79d: {  	v47 =	vsel vm14, $0x3E8E, v23;
	v23 =	vsel vm14, $0x3E83, v0;
	v0 =	vld [tilespmem:$0x1EE60];
	_ =	sdelay $0x3  }
0x79e: {  	v24 =	vsel vm13, $0x60E, v24  }
0x79f: {  	v48 =	vsel vm14, $0x68F, v24;
	v24 =	vsel vm14, $0x684, v0;
	v0 =	vld [tilespmem:$0x1EE70];
	_ =	sdelay $0x4  }
0x7a0: {  	v0 =	vsel vm14, $0xE84, v0  }
0x7a1: {  	[tilespmem:$0x1F6F0] =	vst v0;
	v0 =	vld [tilespmem:$0x1EE80];
	_ =	sdelay $0x4  }
0x7a2: {  	v0 =	vsel vm14, $0x1684, v0  }
0x7a3: {  	[tilespmem:$0x1F710] =	vst v0;
	v0 =	vld [tilespmem:$0x1EE90];
	_ =	sdelay $0x4  }
0x7a4: {  	v0 =	vsel vm14, $0x1E84, v0  }
0x7a5: {  	[tilespmem:$0x1F730] =	vst v0;
	v0 =	vld [tilespmem:$0x1EEA0];
	_ =	sdelay $0x4  }
0x7a6: {  	v0 =	vsel vm14, $0x2684, v0  }
0x7a7: {  	[tilespmem:$0x1F750] =	vst v0;
	v0 =	vld [tilespmem:$0x1EEB0];
	_ =	sdelay $0x4  }
0x7a8: {  	v0 =	vsel vm14, $0x2E84, v0  }
0x7a9: {  	[tilespmem:$0x1F770] =	vst v0;
	v0 =	vld [tilespmem:$0x1EEC0];
	_ =	sdelay $0x4  }
0x7aa: {  	v0 =	vsel vm14, $0x3684, v0  }
0x7ab: {  	[tilespmem:$0x1F790] =	vst v0;
	v0 =	vld [tilespmem:$0x1EED0];
	_ =	sdelay $0x4  }
0x7ac: {  	v0 =	vsel vm14, $0x3E84, v0  }
0x7ad: {  	[tilespmem:$0x1F7B0] =	vst v0;
	v0 =	vld [tilespmem:$0x1EEE0];
	_ =	sdelay $0x4  }
0x7ae: {  	v0 =	vsel vm14, $0x685, v0  }
0x7af: {  	[tilespmem:$0x1F7D0] =	vst v0;
	v0 =	vld [tilespmem:$0x1EEF0];
	_ =	sdelay $0x4  }
0x7b0: {  	v0 =	vsel vm14, $0xE85, v0  }
0x7b1: {  	[tilespmem:$0x1F7F0] =	vst v0;
	v0 =	vld [tilespmem:$0x1EF00];
	_ =	sdelay $0x4  }
0x7b2: {  	v0 =	vsel vm14, $0x1685, v0  }
0x7b3: {  	[tilespmem:$0x1F810] =	vst v0;
	v0 =	vld [tilespmem:$0x1EF10];
	_ =	sdelay $0x4  }
0x7b4: {  	v0 =	vsel vm14, $0x1E85, v0  }
0x7b5: {  	[tilespmem:$0x1F830] =	vst v0;
	v0 =	vld [tilespmem:$0x1EF20];
	_ =	sdelay $0x4  }
0x7b6: {  	v0 =	vsel vm14, $0x2685, v0  }
0x7b7: {  	[tilespmem:$0x1F850] =	vst v0;
	v0 =	vld [tilespmem:$0x1EF30];
	_ =	sdelay $0x4  }
0x7b8: {  	v0 =	vsel vm14, $0x2E85, v0  }
0x7b9: {  	[tilespmem:$0x1F870] =	vst v0;
	v0 =	vld [tilespmem:$0x1EF40];
	_ =	sdelay $0x4  }
0x7ba: {  	v0 =	vsel vm14, $0x3685, v0  }
0x7bb: {  	[tilespmem:$0x1F890] =	vst v0;
	v0 =	vld [tilespmem:$0x1EF50];
	_ =	sdelay $0x4  }
0x7bc: {  	v0 =	vsel vm14, $0x3E85, v0  }
0x7bd: {  	[tilespmem:$0x1F8B0] =	vst v0;
	v0 =	vld [tilespmem:$0x1EF60];
	_ =	sdelay $0x4  }
0x7be: {  	v0 =	vsel vm14, $0x686, v0  }
0x7bf: {  	[tilespmem:$0x1F8D0] =	vst v0;
	v0 =	vld [tilespmem:$0x1EF70];
	_ =	sdelay $0x4  }
0x7c0: {  	v0 =	vsel vm14, $0xE86, v0  }
0x7c1: {  	[tilespmem:$0x1F8F0] =	vst v0;
	v0 =	vld [tilespmem:$0x1EF80];
	_ =	sdelay $0x4  }
0x7c2: {  	v0 =	vsel vm14, $0x1686, v0  }
0x7c3: {  	[tilespmem:$0x1F910] =	vst v0;
	v0 =	vld [tilespmem:$0x1EF90];
	_ =	sdelay $0x4  }
0x7c4: {  	v0 =	vsel vm14, $0x1E86, v0  }
0x7c5: {  	[tilespmem:$0x1F930] =	vst v0;
	v0 =	vld [tilespmem:$0x1EFA0];
	_ =	sdelay $0x4  }
0x7c6: {  	v0 =	vsel vm14, $0x2686, v0  }
0x7c7: {  	[tilespmem:$0x1F950] =	vst v0;
	v0 =	vld [tilespmem:$0x1EFB0];
	_ =	sdelay $0x4  }
0x7c8: {  	v0 =	vsel vm14, $0x2E86, v0  }
0x7c9: {  	[tilespmem:$0x1F970] =	vst v0;
	v0 =	vld [tilespmem:$0x1EFC0];
	_ =	sdelay $0x4  }
0x7ca: {  	v0 =	vsel vm14, $0x3686, v0  }
0x7cb: {  	[tilespmem:$0x1F990] =	vst v0;
	v0 =	vld [tilespmem:$0x1EFD0];
	_ =	sdelay $0x4  }
0x7cc: {  	v0 =	vsel vm14, $0x3E86, v0  }
0x7cd: {  	[tilespmem:$0x1F9B0] =	vst v0;
	v0 =	vld [tilespmem:$0x1EFE0];
	_ =	sdelay $0x4  }
0x7ce: {  	v0 =	vsel vm14, $0x687, v0  }
0x7cf: {  	[tilespmem:$0x1F9D0] =	vst v0;
	v0 =	vld [tilespmem:$0x1EFF0];
	_ =	sdelay $0x4  }
0x7d0: {  	v0 =	vsel vm14, $0xE87, v0  }
0x7d1: {  	[tilespmem:$0x1F9F0] =	vst v0;
	v0 =	vld [tilespmem:$0x1F000];
	_ =	sdelay $0x4  }
0x7d2: {  	v0 =	vsel vm14, $0x1687, v0  }
0x7d3: {  	[tilespmem:$0x1FA10] =	vst v0;
	v0 =	vld [tilespmem:$0x1F010];
	_ =	sdelay $0x4  }
0x7d4: {  	v0 =	vsel vm14, $0x1E87, v0  }
0x7d5: {  	[tilespmem:$0x1FA30] =	vst v0;
	v0 =	vld [tilespmem:$0x1F020];
	_ =	sdelay $0x4  }
0x7d6: {  	v0 =	vsel vm14, $0x2687, v0  }
0x7d7: {  	[tilespmem:$0x1FA50] =	vst v0;
	v0 =	vld [tilespmem:$0x1F030];
	_ =	sdelay $0x4  }
0x7d8: {  	v0 =	vsel vm14, $0x2E87, v0  }
0x7d9: {  	[tilespmem:$0x1FA70] =	vst v0;
	v0 =	vld [tilespmem:$0x1F040];
	_ =	sdelay $0x4  }
0x7da: {  	v0 =	vsel vm14, $0x3687, v0  }
0x7db: {  	[tilespmem:$0x1FA90] =	vst v0;
	v0 =	vld [tilespmem:$0x1F050];
	_ =	sdelay $0x4  }
0x7dc: {  	v0 =	vsel vm14, $0x3E87, v0  }
0x7dd: {  	[tilespmem:$0x1FAB0] =	vst v0;
	v0 =	vld [tilespmem:$0x1F060];
	_ =	sdelay $0x4  }
0x7de: {  	v0 =	vsel vm14, $0x688, v0  }
0x7df: {  	[tilespmem:$0x1FAD0] =	vst v0;
	v0 =	vld [tilespmem:$0x1F070];
	_ =	sdelay $0x4  }
0x7e0: {  	v0 =	vsel vm14, $0xE88, v0  }
0x7e1: {  	[tilespmem:$0x1FAF0] =	vst v0;
	v0 =	vld [tilespmem:$0x1F080];
	_ =	sdelay $0x4  }
0x7e2: {  	v0 =	vsel vm14, $0x1688, v0  }
0x7e3: {  	[tilespmem:$0x1FB10] =	vst v0;
	v0 =	vld [tilespmem:$0x1F090];
	_ =	sdelay $0x4  }
0x7e4: {  	v0 =	vsel vm14, $0x1E88, v0  }
0x7e5: {  	[tilespmem:$0x1FB30] =	vst v0;
	v0 =	vld [tilespmem:$0x1F0A0];
	_ =	sdelay $0x4  }
0x7e6: {  	v0 =	vsel vm14, $0x2688, v0  }
0x7e7: {  	[tilespmem:$0x1FB50] =	vst v0;
	v0 =	vld [tilespmem:$0x1F0B0];
	_ =	sdelay $0x4  }
0x7e8: {  	v0 =	vsel vm14, $0x2E88, v0  }
0x7e9: {  	[tilespmem:$0x1FB70] =	vst v0;
	v0 =	vld [tilespmem:$0x1F0C0];
	_ =	sdelay $0x4  }
0x7ea: {  	v0 =	vsel vm14, $0x3688, v0  }
0x7eb: {  	[tilespmem:$0x1FB90] =	vst v0;
	v0 =	vld [tilespmem:$0x1F0D0];
	_ =	sdelay $0x4  }
0x7ec: {  	v0 =	vsel vm14, $0x3E88, v0  }
0x7ed: {  	[tilespmem:$0x1FBB0] =	vst v0;
	v0 =	vld [tilespmem:$0x1F0E0];
	_ =	sdelay $0x4  }
0x7ee: {  	v0 =	vsel vm14, $0x689, v0  }
0x7ef: {  	[tilespmem:$0x1FBD0] =	vst v0;
	v0 =	vld [tilespmem:$0x1F0F0];
	_ =	sdelay $0x4  }
0x7f0: {  	v0 =	vsel vm14, $0xE89, v0  }
0x7f1: {  	[tilespmem:$0x1FBF0] =	vst v0;
	v0 =	vld [tilespmem:$0x1F100];
	_ =	sdelay $0x4  }
0x7f2: {  	v0 =	vsel vm14, $0x1689, v0  }
0x7f3: {  	[tilespmem:$0x1FC10] =	vst v0;
	v0 =	vld [tilespmem:$0x1F110];
	_ =	sdelay $0x4  }
0x7f4: {  	v0 =	vsel vm14, $0x1E89, v0  }
0x7f5: {  	[tilespmem:$0x1FC30] =	vst v0;
	v0 =	vld [tilespmem:$0x1F120];
	_ =	sdelay $0x4  }
0x7f6: {  	v0 =	vsel vm14, $0x2689, v0  }
0x7f7: {  	[tilespmem:$0x1FC50] =	vst v0;
	v0 =	vld [tilespmem:$0x1F130];
	_ =	sdelay $0x4  }
0x7f8: {  	v0 =	vsel vm14, $0x2E89, v0  }
0x7f9: {  	[tilespmem:$0x1FC70] =	vst v0;
	v0 =	vld [tilespmem:$0x1F140];
	_ =	sdelay $0x4  }
0x7fa: {  	v0 =	vsel vm14, $0x3689, v0  }
0x7fb: {  	[tilespmem:$0x1FC90] =	vst v0;
	v0 =	vld [tilespmem:$0x1F150];
	_ =	sdelay $0x4  }
0x7fc: {  	v0 =	vsel vm14, $0x3E89, v0  }
0x7fd: {  	[tilespmem:$0x1FCB0] =	vst v0;
	v0 =	vld [tilespmem:$0x1F160];
	_ =	sdelay $0x4  }
0x7fe: {  	v0 =	vsel vm14, $0x68A, v0  }
0x7ff: {  	[tilespmem:$0x1FCD0] =	vst v0;
	v0 =	vld [tilespmem:$0x1F170];
	_ =	sdelay $0x4  }
0x800: {  	v0 =	vsel vm14, $0xE8A, v0  }
0x801: {  	[tilespmem:$0x1FCF0] =	vst v0;
	v0 =	vld [tilespmem:$0x1F180];
	_ =	sdelay $0x4  }
0x802: {  	v0 =	vsel vm14, $0x168A, v0  }
0x803: {  	[tilespmem:$0x1FD10] =	vst v0;
	v0 =	vld [tilespmem:$0x1F190];
	_ =	sdelay $0x4  }
0x804: {  	v0 =	vsel vm14, $0x1E8A, v0  }
0x805: {  	[tilespmem:$0x1FD30] =	vst v0;
	v0 =	vld [tilespmem:$0x1F1A0];
	_ =	sdelay $0x4  }
0x806: {  	v0 =	vsel vm14, $0x268A, v0  }
0x807: {  	[tilespmem:$0x1FD50] =	vst v0;
	v0 =	vld [tilespmem:$0x1F1B0];
	_ =	sdelay $0x4  }
0x808: {  	v0 =	vsel vm14, $0x2E8A, v0  }
0x809: {  	[tilespmem:$0x1FD70] =	vst v0;
	v0 =	vld [tilespmem:$0x1F1C0];
	_ =	sdelay $0x4  }
0x80a: {  	v0 =	vsel vm14, $0x368A, v0  }
0x80b: {  	[tilespmem:$0x1FD90] =	vst v0;
	v0 =	vld [tilespmem:$0x1F1D0];
	_ =	sdelay $0x4  }
0x80c: {  	v0 =	vsel vm14, $0x3E8A, v0  }
0x80d: {  	[tilespmem:$0x1FDB0] =	vst v0;
	v0 =	vld [tilespmem:$0x1F1E0];
	_ =	sdelay $0x4  }
0x80e: {  	v0 =	vsel vm14, $0x68B, v0  }
0x80f: {  	[tilespmem:$0x1FDD0] =	vst v0;
	v0 =	vld [tilespmem:$0x1F1F0];
	_ =	sdelay $0x4  }
0x810: {  	v0 =	vsel vm14, $0xE8B, v0  }
0x811: {  	[tilespmem:$0x1FDF0] =	vst v0;
	v0 =	vld [tilespmem:$0x1F200];
	_ =	sdelay $0x4  }
0x812: {  	v0 =	vsel vm14, $0x168B, v0  }
0x813: {  	[tilespmem:$0x1FE10] =	vst v0;
	v0 =	vld [tilespmem:$0x1F210];
	_ =	sdelay $0x4  }
0x814: {  	v0 =	vsel vm14, $0x1E8B, v0  }
0x815: {  	[tilespmem:$0x1FE30] =	vst v0;
	v0 =	vld [tilespmem:$0x1F220];
	_ =	sdelay $0x4  }
0x816: {  	v0 =	vsel vm14, $0x268B, v0  }
0x817: {  	[tilespmem:$0x1FE50] =	vst v0;
	v0 =	vld [tilespmem:$0x1F230];
	_ =	sdelay $0x4  }
0x818: {  	v0 =	vsel vm14, $0x2E8B, v0  }
0x819: {  	[tilespmem:$0x1FE70] =	vst v0;
	v0 =	vld [tilespmem:$0x1F240];
	_ =	sdelay $0x4  }
0x81a: {  	v0 =	vsel vm14, $0x368B, v0  }
0x81b: {  	[tilespmem:$0x1FE90] =	vst v0;
	v0 =	vld [tilespmem:$0x1F250];
	_ =	sdelay $0x4  }
0x81c: {  	v0 =	vsel vm14, $0x3E8B, v0  }
0x81d: {  	[tilespmem:$0x1FEB0] =	vst v0;
	v0 =	vld [tilespmem:$0x1F260];
	_ =	sdelay $0x4  }
0x81e: {  	v0 =	vsel vm14, $0x68C, v0  }
0x81f: {  	[tilespmem:$0x1FED0] =	vst v0;
	v0 =	vld [tilespmem:$0x1F270];
	_ =	sdelay $0x4  }
0x820: {  	v0 =	vsel vm14, $0xE8C, v0  }
0x821: {  	[tilespmem:$0x1FEE0] =	vst v0;
	v0 =	vld [tilespmem:$0x1F280];
	_ =	sdelay $0x4  }
0x822: {  	v0 =	vsel vm14, $0x168C, v0  }
0x823: {  	[tilespmem:$0x1FEF0] =	vst v0;
	v0 =	vld [tilespmem:$0x1F290];
	_ =	sdelay $0x4  }
0x824: {  	v0 =	vsel vm14, $0x1E8C, v0  }
0x825: {  	[tilespmem:$0x1FF10] =	vst v0;
	v0 =	vld [tilespmem:$0x1F2A0];
	_ =	sdelay $0x4  }
0x826: {  	v0 =	vsel vm14, $0x268C, v0  }
0x827: {  	[tilespmem:$0x1FF30] =	vst v0;
	v0 =	vld [tilespmem:$0x1F2B0];
	_ =	sdelay $0x4  }
0x828: {  	v0 =	vsel vm14, $0x2E8C, v0  }
0x829: {  	[tilespmem:$0x1FF50] =	vst v0;
	v0 =	vld [tilespmem:$0x1F2C0];
	_ =	sdelay $0x4  }
0x82a: {  	v0 =	vsel vm14, $0x368C, v0  }
0x82b: {  	[tilespmem:$0x1FF70] =	vst v0;
	v0 =	vld [tilespmem:$0x1F2D0];
	_ =	sdelay $0x4  }
0x82c: {  	v0 =	vsel vm14, $0x3E8C, v0  }
0x82d: {  	[tilespmem:$0x1FF90] =	vst v0;
	v0 =	vld [tilespmem:$0x1F550];
	_ =	sdelay $0x3  }
0x82e: {  	vm15 =	vcmask $0x3B38  }
0x82f: {  	v0 =	vsel vm15, $0x702, v0  }
0x830: {  	[tilespmem:$0x1F560] =	vst v0;
	v0 =	vsel vm15, $0xF02, v1  }
0x831: {  	[tilespmem:$0x1F570] =	vst v0;
	v0 =	vsel vm15, $0x1702, v2  }
0x832: {  	[tilespmem:$0x1F580] =	vst v0;
	v0 =	vsel vm15, $0x1F02, v3  }
0x833: {  	[tilespmem:$0x1F590] =	vst v0;
	v0 =	vsel vm15, $0x2702, v4  }
0x834: {  	[tilespmem:$0x1F5A0] =	vst v0;
	v0 =	vsel vm15, $0x2F02, v5  }
0x835: {  	[tilespmem:$0x1F5B0] =	vst v0;
	v0 =	vsel vm15, $0x3702, v6  }
0x836: {  	[tilespmem:$0x1F5C0] =	vst v0;
	v0 =	vsel vm15, $0x3F02, v7  }
0x837: {  	[tilespmem:$0x1F5D0] =	vst v0;
	v0 =	vsel vm15, $0x703, v8  }
0x838: {  	[tilespmem:$0x1F5E0] =	vst v0;
	v0 =	vsel vm15, $0xF03, v9  }
0x839: {  	[tilespmem:$0x1F5F0] =	vst v0;
	v0 =	vsel vm15, $0x1703, v10  }
0x83a: {  	[tilespmem:$0x1F600] =	vst v0;
	v0 =	vsel vm15, $0x1F03, v11  }
0x83b: {  	[tilespmem:$0x1F610] =	vst v0;
	v0 =	vsel vm15, $0x2703, v12  }
0x83c: {  	[tilespmem:$0x1F620] =	vst v0;
	v0 =	vsel vm15, $0x2F03, v13  }
0x83d: {  	[tilespmem:$0x1F630] =	vst v0;
	v0 =	vsel vm15, $0x3703, v14  }
0x83e: {  	[tilespmem:$0x1F640] =	vst v0;
	v0 =	vsel vm15, $0x3F03, v15  }
0x83f: {  	[tilespmem:$0x1F650] =	vst v0;
	v0 =	vsel vm15, $0x704, v16  }
0x840: {  	[tilespmem:$0x1F660] =	vst v0;
	v0 =	vsel vm15, $0xF04, v17  }
0x841: {  	[tilespmem:$0x1F670] =	vst v0;
	v0 =	vsel vm15, $0x1704, v18  }
0x842: {  	[tilespmem:$0x1F680] =	vst v0;
	v0 =	vsel vm15, $0x1F04, v19  }
0x843: {  	[tilespmem:$0x1F690] =	vst v0;
	v0 =	vsel vm15, $0x2704, v20  }
0x844: {  	[tilespmem:$0x1F6A0] =	vst v0;
	v0 =	vsel vm15, $0x2F04, v21  }
0x845: {  	[tilespmem:$0x1F6B0] =	vst v0;
	v0 =	vsel vm15, $0x3704, v22  }
0x846: {  	[tilespmem:$0x1F6C0] =	vst v0;
	v0 =	vsel vm15, $0x3F04, v23  }
0x847: {  	[tilespmem:$0x1F6D0] =	vst v0;
	v0 =	vsel vm15, $0x705, v24  }
0x848: {  	[tilespmem:$0x1F6E0] =	vst v0;
	v0 =	vld [tilespmem:$0x1F6F0];
	_ =	sdelay $0x4  }
0x849: {  	v0 =	vsel vm15, $0xF05, v0  }
0x84a: {  	[tilespmem:$0x1F700] =	vst v0;
	v0 =	vld [tilespmem:$0x1F710];
	_ =	sdelay $0x4  }
0x84b: {  	v0 =	vsel vm15, $0x1705, v0  }
0x84c: {  	[tilespmem:$0x1F720] =	vst v0;
	v0 =	vld [tilespmem:$0x1F730];
	_ =	sdelay $0x4  }
0x84d: {  	v0 =	vsel vm15, $0x1F05, v0  }
0x84e: {  	[tilespmem:$0x1F740] =	vst v0;
	v0 =	vld [tilespmem:$0x1F750];
	_ =	sdelay $0x4  }
0x84f: {  	v0 =	vsel vm15, $0x2705, v0  }
0x850: {  	[tilespmem:$0x1F760] =	vst v0;
	v0 =	vld [tilespmem:$0x1F770];
	_ =	sdelay $0x4  }
0x851: {  	v0 =	vsel vm15, $0x2F05, v0  }
0x852: {  	[tilespmem:$0x1F780] =	vst v0;
	v0 =	vld [tilespmem:$0x1F790];
	_ =	sdelay $0x4  }
0x853: {  	v0 =	vsel vm15, $0x3705, v0  }
0x854: {  	[tilespmem:$0x1F7A0] =	vst v0;
	v0 =	vld [tilespmem:$0x1F7B0];
	_ =	sdelay $0x4  }
0x855: {  	v0 =	vsel vm15, $0x3F05, v0  }
0x856: {  	[tilespmem:$0x1F7C0] =	vst v0;
	v0 =	vld [tilespmem:$0x1F7D0];
	_ =	sdelay $0x4  }
0x857: {  	v0 =	vsel vm15, $0x706, v0  }
0x858: {  	[tilespmem:$0x1F7E0] =	vst v0;
	v0 =	vld [tilespmem:$0x1F7F0];
	_ =	sdelay $0x4  }
0x859: {  	v0 =	vsel vm15, $0xF06, v0  }
0x85a: {  	[tilespmem:$0x1F800] =	vst v0;
	v0 =	vld [tilespmem:$0x1F810];
	_ =	sdelay $0x4  }
0x85b: {  	v0 =	vsel vm15, $0x1706, v0  }
0x85c: {  	[tilespmem:$0x1F820] =	vst v0;
	v0 =	vld [tilespmem:$0x1F830];
	_ =	sdelay $0x4  }
0x85d: {  	v0 =	vsel vm15, $0x1F06, v0  }
0x85e: {  	[tilespmem:$0x1F840] =	vst v0;
	v0 =	vld [tilespmem:$0x1F850];
	_ =	sdelay $0x4  }
0x85f: {  	v0 =	vsel vm15, $0x2706, v0  }
0x860: {  	[tilespmem:$0x1F860] =	vst v0;
	v0 =	vld [tilespmem:$0x1F870];
	_ =	sdelay $0x4  }
0x861: {  	v0 =	vsel vm15, $0x2F06, v0  }
0x862: {  	[tilespmem:$0x1F880] =	vst v0;
	v0 =	vld [tilespmem:$0x1F890];
	_ =	sdelay $0x4  }
0x863: {  	v0 =	vsel vm15, $0x3706, v0  }
0x864: {  	[tilespmem:$0x1F8A0] =	vst v0;
	v0 =	vld [tilespmem:$0x1F8B0];
	_ =	sdelay $0x4  }
0x865: {  	v0 =	vsel vm15, $0x3F06, v0  }
0x866: {  	[tilespmem:$0x1F8C0] =	vst v0;
	v0 =	vld [tilespmem:$0x1F8D0];
	_ =	sdelay $0x4  }
0x867: {  	v0 =	vsel vm15, $0x707, v0  }
0x868: {  	[tilespmem:$0x1F8E0] =	vst v0;
	v0 =	vld [tilespmem:$0x1F8F0];
	_ =	sdelay $0x4  }
0x869: {  	v0 =	vsel vm15, $0xF07, v0  }
0x86a: {  	[tilespmem:$0x1F900] =	vst v0;
	v0 =	vld [tilespmem:$0x1F910];
	_ =	sdelay $0x4  }
0x86b: {  	v0 =	vsel vm15, $0x1707, v0  }
0x86c: {  	[tilespmem:$0x1F920] =	vst v0;
	v0 =	vld [tilespmem:$0x1F930];
	_ =	sdelay $0x4  }
0x86d: {  	v0 =	vsel vm15, $0x1F07, v0  }
0x86e: {  	[tilespmem:$0x1F940] =	vst v0;
	v0 =	vld [tilespmem:$0x1F950];
	_ =	sdelay $0x4  }
0x86f: {  	v0 =	vsel vm15, $0x2707, v0  }
0x870: {  	[tilespmem:$0x1F960] =	vst v0;
	v0 =	vld [tilespmem:$0x1F970];
	_ =	sdelay $0x4  }
0x871: {  	v0 =	vsel vm15, $0x2F07, v0  }
0x872: {  	[tilespmem:$0x1F980] =	vst v0;
	v0 =	vld [tilespmem:$0x1F990];
	_ =	sdelay $0x4  }
0x873: {  	v0 =	vsel vm15, $0x3707, v0  }
0x874: {  	[tilespmem:$0x1F9A0] =	vst v0;
	v0 =	vld [tilespmem:$0x1F9B0];
	_ =	sdelay $0x4  }
0x875: {  	v0 =	vsel vm15, $0x3F07, v0  }
0x876: {  	[tilespmem:$0x1F9C0] =	vst v0;
	v0 =	vld [tilespmem:$0x1F9D0];
	_ =	sdelay $0x4  }
0x877: {  	v0 =	vsel vm15, $0x708, v0  }
0x878: {  	[tilespmem:$0x1F9E0] =	vst v0;
	v0 =	vld [tilespmem:$0x1F9F0];
	_ =	sdelay $0x4  }
0x879: {  	v0 =	vsel vm15, $0xF08, v0  }
0x87a: {  	[tilespmem:$0x1FA00] =	vst v0;
	v0 =	vld [tilespmem:$0x1FA10];
	_ =	sdelay $0x4  }
0x87b: {  	v0 =	vsel vm15, $0x1708, v0  }
0x87c: {  	[tilespmem:$0x1FA20] =	vst v0;
	v0 =	vld [tilespmem:$0x1FA30];
	_ =	sdelay $0x4  }
0x87d: {  	v0 =	vsel vm15, $0x1F08, v0  }
0x87e: {  	[tilespmem:$0x1FA40] =	vst v0;
	v0 =	vld [tilespmem:$0x1FA50];
	_ =	sdelay $0x4  }
0x87f: {  	v0 =	vsel vm15, $0x2708, v0  }
0x880: {  	[tilespmem:$0x1FA60] =	vst v0;
	v0 =	vld [tilespmem:$0x1FA70];
	_ =	sdelay $0x4  }
0x881: {  	v0 =	vsel vm15, $0x2F08, v0  }
0x882: {  	[tilespmem:$0x1FA80] =	vst v0;
	v0 =	vld [tilespmem:$0x1FA90];
	_ =	sdelay $0x4  }
0x883: {  	v0 =	vsel vm15, $0x3708, v0  }
0x884: {  	[tilespmem:$0x1FAA0] =	vst v0;
	v0 =	vld [tilespmem:$0x1FAB0];
	_ =	sdelay $0x4  }
0x885: {  	v0 =	vsel vm15, $0x3F08, v0  }
0x886: {  	[tilespmem:$0x1FAC0] =	vst v0;
	v0 =	vld [tilespmem:$0x1FAD0];
	_ =	sdelay $0x4  }
0x887: {  	v0 =	vsel vm15, $0x709, v0  }
0x888: {  	[tilespmem:$0x1FAE0] =	vst v0;
	v0 =	vld [tilespmem:$0x1FAF0];
	_ =	sdelay $0x4  }
0x889: {  	v0 =	vsel vm15, $0xF09, v0  }
0x88a: {  	[tilespmem:$0x1FB00] =	vst v0;
	v0 =	vld [tilespmem:$0x1FB10];
	_ =	sdelay $0x4  }
0x88b: {  	v0 =	vsel vm15, $0x1709, v0  }
0x88c: {  	[tilespmem:$0x1FB20] =	vst v0;
	v0 =	vld [tilespmem:$0x1FB30];
	_ =	sdelay $0x4  }
0x88d: {  	v0 =	vsel vm15, $0x1F09, v0  }
0x88e: {  	[tilespmem:$0x1FB40] =	vst v0;
	v0 =	vld [tilespmem:$0x1FB50];
	_ =	sdelay $0x4  }
0x88f: {  	v0 =	vsel vm15, $0x2709, v0  }
0x890: {  	[tilespmem:$0x1FB60] =	vst v0;
	v0 =	vld [tilespmem:$0x1FB70];
	_ =	sdelay $0x4  }
0x891: {  	v0 =	vsel vm15, $0x2F09, v0  }
0x892: {  	[tilespmem:$0x1FB80] =	vst v0;
	v0 =	vld [tilespmem:$0x1FB90];
	_ =	sdelay $0x4  }
0x893: {  	v0 =	vsel vm15, $0x3709, v0  }
0x894: {  	[tilespmem:$0x1FBA0] =	vst v0;
	v0 =	vld [tilespmem:$0x1FBB0];
	_ =	sdelay $0x4  }
0x895: {  	v0 =	vsel vm15, $0x3F09, v0  }
0x896: {  	[tilespmem:$0x1FBC0] =	vst v0;
	v0 =	vld [tilespmem:$0x1FBD0];
	_ =	sdelay $0x4  }
0x897: {  	v0 =	vsel vm15, $0x70A, v0  }
0x898: {  	[tilespmem:$0x1FBE0] =	vst v0;
	v0 =	vld [tilespmem:$0x1FBF0];
	_ =	sdelay $0x4  }
0x899: {  	v0 =	vsel vm15, $0xF0A, v0  }
0x89a: {  	[tilespmem:$0x1FC00] =	vst v0;
	v0 =	vld [tilespmem:$0x1FC10];
	_ =	sdelay $0x4  }
0x89b: {  	v0 =	vsel vm15, $0x170A, v0  }
0x89c: {  	[tilespmem:$0x1FC20] =	vst v0;
	v0 =	vld [tilespmem:$0x1FC30];
	_ =	sdelay $0x4  }
0x89d: {  	v0 =	vsel vm15, $0x1F0A, v0  }
0x89e: {  	[tilespmem:$0x1FC40] =	vst v0;
	v0 =	vld [tilespmem:$0x1FC50];
	_ =	sdelay $0x4  }
0x89f: {  	v0 =	vsel vm15, $0x270A, v0  }
0x8a0: {  	[tilespmem:$0x1FC60] =	vst v0;
	v0 =	vld [tilespmem:$0x1FC70];
	_ =	sdelay $0x4  }
0x8a1: {  	v0 =	vsel vm15, $0x2F0A, v0  }
0x8a2: {  	[tilespmem:$0x1FC80] =	vst v0;
	v0 =	vld [tilespmem:$0x1FC90];
	_ =	sdelay $0x4  }
0x8a3: {  	v0 =	vsel vm15, $0x370A, v0  }
0x8a4: {  	[tilespmem:$0x1FCA0] =	vst v0;
	v0 =	vld [tilespmem:$0x1FCB0];
	_ =	sdelay $0x4  }
0x8a5: {  	v0 =	vsel vm15, $0x3F0A, v0  }
0x8a6: {  	[tilespmem:$0x1FCC0] =	vst v0;
	v0 =	vld [tilespmem:$0x1FCD0];
	_ =	sdelay $0x4  }
0x8a7: {  	v0 =	vsel vm15, $0x70B, v0  }
0x8a8: {  	[tilespmem:$0x1FCE0] =	vst v0;
	v0 =	vld [tilespmem:$0x1FCF0];
	_ =	sdelay $0x4  }
0x8a9: {  	v0 =	vsel vm15, $0xF0B, v0  }
0x8aa: {  	[tilespmem:$0x1FD00] =	vst v0;
	v0 =	vld [tilespmem:$0x1FD10];
	_ =	sdelay $0x4  }
0x8ab: {  	v0 =	vsel vm15, $0x170B, v0  }
0x8ac: {  	[tilespmem:$0x1FD20] =	vst v0;
	v0 =	vld [tilespmem:$0x1FD30];
	_ =	sdelay $0x4  }
0x8ad: {  	v0 =	vsel vm15, $0x1F0B, v0  }
0x8ae: {  	[tilespmem:$0x1FD40] =	vst v0;
	v0 =	vld [tilespmem:$0x1FD50];
	_ =	sdelay $0x4  }
0x8af: {  	v0 =	vsel vm15, $0x270B, v0  }
0x8b0: {  	[tilespmem:$0x1FD60] =	vst v0;
	v0 =	vld [tilespmem:$0x1FD70];
	_ =	sdelay $0x4  }
0x8b1: {  	v0 =	vsel vm15, $0x2F0B, v0  }
0x8b2: {  	[tilespmem:$0x1FD80] =	vst v0;
	v0 =	vld [tilespmem:$0x1FD90];
	_ =	sdelay $0x4  }
0x8b3: {  	v0 =	vsel vm15, $0x370B, v0  }
0x8b4: {  	[tilespmem:$0x1FDA0] =	vst v0;
	v0 =	vld [tilespmem:$0x1FDB0];
	_ =	sdelay $0x4  }
0x8b5: {  	v0 =	vsel vm15, $0x3F0B, v0  }
0x8b6: {  	[tilespmem:$0x1FDC0] =	vst v0;
	v0 =	vld [tilespmem:$0x1FDD0];
	_ =	sdelay $0x2  }
0x8b7: {  	v49 =	vsel vm14, $0xE8F, v49  }
0x8b8: {  	v49 =	vsel vm15, $0xF00, v49  }
0x8b9: {  	v50 =	vsel vm14, $0x168F, v50;
	[tilespmem:$0x1F460] =	vst v49;
	v0 =	vsel vm15, $0x70C, v0  }
0x8ba: {  	v51 =	vsel vm14, $0x1E8F, v51;
	v50 =	vsel vm15, $0x1700, v50;
	[tilespmem:$0x1FDE0] =	vst v0;
	v0 =	vld [tilespmem:$0x1FDF0]  }
0x8bb: {  	v52 =	vsel vm14, $0x268F, v52;
	v51 =	vsel vm15, $0x1F00, v51;
	[tilespmem:$0x1F470] =	vst v50  }
0x8bc: {  	v53 =	vsel vm14, $0x2E8F, v53;
	v52 =	vsel vm15, $0x2700, v52;
	[tilespmem:$0x1F480] =	vst v51  }
0x8bd: {  	v54 =	vsel vm14, $0x368F, v54;
	v53 =	vsel vm15, $0x2F00, v53;
	[tilespmem:$0x1F490] =	vst v52  }
0x8be: {  	v54 =	vsel vm15, $0x3700, v54;
	[tilespmem:$0x1F4A0] =	vst v53  }
0x8bf: {  	v55 =	vsel vm14, $0x3E8F, v55;
	[tilespmem:$0x1F4B0] =	vst v54;
	v0 =	vsel vm15, $0xF0C, v0  }
0x8c0: {  	v56 =	vsel vm14, $0x680, v56;
	v55 =	vsel vm15, $0x3F00, v55;
	[tilespmem:$0x1FE00] =	vst v0;
	v0 =	vld [tilespmem:$0x1FE10]  }
0x8c1: {  	v57 =	vsel vm14, $0xE80, v57;
	v56 =	vsel vm15, $0x701, v56;
	[tilespmem:$0x1F4C0] =	vst v55  }
0x8c2: {  	v58 =	vsel vm14, $0x1680, v58;
	v57 =	vsel vm15, $0xF01, v57;
	[tilespmem:$0x1F4D0] =	vst v56  }
0x8c3: {  	v59 =	vsel vm14, $0x1E80, v59;
	v58 =	vsel vm15, $0x1701, v58;
	[tilespmem:$0x1F4E0] =	vst v57  }
0x8c4: {  	v59 =	vsel vm15, $0x1F01, v59;
	[tilespmem:$0x1F4F0] =	vst v58  }
0x8c5: {  	v60 =	vsel vm14, $0x2680, v60;
	[tilespmem:$0x1F500] =	vst v59;
	v0 =	vsel vm15, $0x170C, v0  }
0x8c6: {  	v61 =	vsel vm14, $0x2E80, v61;
	v60 =	vsel vm15, $0x2701, v60;
	[tilespmem:$0x1FE20] =	vst v0;
	v0 =	vld [tilespmem:$0x1FE30]  }
0x8c7: {  	v62 =	vsel vm14, $0x3680, v62;
	v61 =	vsel vm15, $0x2F01, v61;
	[tilespmem:$0x1F510] =	vst v60  }
0x8c8: {  	v62 =	vsel vm15, $0x3701, v62;
	v63 =	vsel vm14, $0x3E80, v63;
	[tilespmem:$0x1F520] =	vst v61  }
0x8c9: {  	v63 =	vsel vm15, $0x3F01, v63;
	[tilespmem:$0x1F530] =	vst v62  }
0x8ca: {  	[tilespmem:$0x1F540] =	vst v63;
	v32 =	vsel vm15, $0x300, v32  }
0x8cb: {  	[tilespmem:$0x1F350] =	vst v32;
	v0 =	vsel vm15, $0x1F0C, v0  }
0x8cc: {  	v33 =	vsel vm15, $0x280, v33;
	[tilespmem:$0x1FE40] =	vst v0;
	v0 =	vld [tilespmem:$0x1FE50]  }
0x8cd: {  	[tilespmem:$0x1F360] =	vst v33;
	v34 =	vsel vm15, $0x200, v34  }
0x8ce: {  	[tilespmem:$0x1F370] =	vst v34;
	v35 =	vsel vm15, $0x180, v35  }
0x8cf: {  	[tilespmem:$0x1F380] =	vst v35;
	v36 =	vsel vm15, $0x100, v36  }
0x8d0: {  	[tilespmem:$0x1F390] =	vst v36;
	v37 =	vsel vm15, $0x80, v37  }
0x8d1: {  	[tilespmem:$0x1F3A0] =	vst v37;
	v0 =	vsel vm15, $0x270C, v0  }
0x8d2: {  	v38 =	vsel vm15, $0x0, v38;
	[tilespmem:$0x1FE60] =	vst v0;
	v0 =	vld [tilespmem:$0x1FE70]  }
0x8d3: {  	[tilespmem:$0x1F3B0] =	vst v38;
	v39 =	vsel vm15, $0x780, v39  }
0x8d4: {  	[tilespmem:$0x1F3C0] =	vst v39;
	v40 =	vsel vm15, $0x70F, v40  }
0x8d5: {  	[tilespmem:$0x1F3D0] =	vst v40;
	v41 =	vsel vm15, $0xF0F, v41  }
0x8d6: {  	[tilespmem:$0x1F3E0] =	vst v41;
	v42 =	vsel vm15, $0x170F, v42  }
0x8d7: {  	[tilespmem:$0x1F3F0] =	vst v42;
	v0 =	vsel vm15, $0x2F0C, v0  }
0x8d8: {  	v43 =	vsel vm15, $0x1F0F, v43;
	[tilespmem:$0x1FE80] =	vst v0;
	v0 =	vld [tilespmem:$0x1FE90]  }
0x8d9: {  	[tilespmem:$0x1F400] =	vst v43;
	v44 =	vsel vm15, $0x270F, v44  }
0x8da: {  	[tilespmem:$0x1F410] =	vst v44;
	v45 =	vsel vm15, $0x2F0F, v45  }
0x8db: {  	[tilespmem:$0x1F420] =	vst v45;
	v46 =	vsel vm15, $0x370F, v46  }
0x8dc: {  	[tilespmem:$0x1F430] =	vst v46;
	v47 =	vsel vm15, $0x3F0F, v47  }
0x8dd: {  	[tilespmem:$0x1F440] =	vst v47;
	v0 =	vsel vm15, $0x370C, v0  }
0x8de: {  	v48 =	vsel vm15, $0x700, v48;
	[tilespmem:$0x1FEA0] =	vst v0;
	v0 =	vld [tilespmem:$0x1FEB0]  }
0x8df: {  	v25 =	vsel vm15, $0x680, v25;
	[tilespmem:$0x1F450] =	vst v48  }
0x8e0: {  	[tilespmem:$0x1F2E0] =	vst v25;
	v25 =	vsel vm15, $0x600, v26  }
0x8e1: {  	[tilespmem:$0x1F2F0] =	vst v25;
	v25 =	vsel vm15, $0x580, v27  }
0x8e2: {  	[tilespmem:$0x1F300] =	vst v25;
	v25 =	vsel vm15, $0x500, v28  }
0x8e3: {  	[tilespmem:$0x1F310] =	vst v25;
	v0 =	vsel vm15, $0x3F0C, v0  }
0x8e4: {  	s6 =	rddreg [dreg:$0x0];
	v25 =	vsel vm15, $0x480, v29;
	[tilespmem:$0x1FEC0] =	vst v0;
	v0 =	vld [tilespmem:$0x1FED0]  }
0x8e5: {  	s4 =	srdreg.scid;
	s0 =	rddreg [dreg:$0x1];
	[tilespmem:$0x1F320] =	vst v25;
	v25 =	vsel vm15, $0x400, v30  }
0x8e6: {  	s7 =	sand.u32 $0x1, s4;
	s4 =	simm.s32 $0x0;
	s2 =	rddreg [dreg:$0x2];
	[tilespmem:$0x1F330] =	vst v25;
	v25 =	vsel vm15, $0x380, v31  }
0x8e7: {  	[smem:$0x7FF] =	sst s4;
	[tilespmem:$0x1F340] =	vst v25  }
0x8e8: {  	s1 =	rddreg [dreg:$0x3];
	_ =	strace $0x80000047  }
0x8e9: {  	v32 =	vsel vm15, $0x70D, v0;
	v0 =	vld [tilespmem:$0x1FEE0];
	_ =	sdelay $0x4  }
0x8ea: {  	v33 =	vsel vm15, $0xF0D, v0;
	v0 =	vld [tilespmem:$0x1FEF0];
	_ =	sdelay $0x4  }
0x8eb: {  	v0 =	vsel vm15, $0x170D, v0  }
0x8ec: {  	[tilespmem:$0x1FF00] =	vst v0;
	v0 =	vld [tilespmem:$0x1FF10];
	_ =	sdelay $0x4  }
0x8ed: {  	v0 =	vsel vm15, $0x1F0D, v0  }
0x8ee: {  	[tilespmem:$0x1FF20] =	vst v0;
	v0 =	vld [tilespmem:$0x1FF30];
	_ =	sdelay $0x4  }
0x8ef: {  	v0 =	vsel vm15, $0x270D, v0  }
0x8f0: {  	[tilespmem:$0x1FF40] =	vst v0;
	v0 =	vld [tilespmem:$0x1FF50];
	_ =	sdelay $0x4  }
0x8f1: {  	v0 =	vsel vm15, $0x2F0D, v0  }
0x8f2: {  	[tilespmem:$0x1FF60] =	vst v0;
	v0 =	vld [tilespmem:$0x1FF70];
	_ =	sdelay $0x4  }
0x8f3: {  	v0 =	vsel vm15, $0x370D, v0  }
0x8f4: {  	[tilespmem:$0x1FF80] =	vst v0;
	v0 =	vld [tilespmem:$0x1FF90];
	_ =	sdelay $0x1  }
0x8f5: {  	s3 =	stileid.u32  }
0x8f6: {  	s11 =	simm.s32 $0x80;
	s12 =	simm.s32 $0x1;
	s13 =	simm.s32 $0x100;
	v2 =	vlaneseq.u32  }
0x8f7: {  	s14 =	simm.s32 $0x2;
	s15 =	simm.s32 $0x4100;
	s16 =	simm.s32 $0x3;
	v29 =	vmul.u32 $0x81, v2  }
0x8f8: {  	s17 =	simm.s32 $0x8100;
	s18 =	simm.s32 $0x400;
	s19 =	simm.s32 $0x8000;
	v0 =	vsel vm15, $0x3F0D, v0  }
0x8f9: {  	s20 =	simm.s32 $0x4;
	s21 =	simm.s32 $0x6;
	s8 =	sshll.u32 s3, $0xA;
	[tilespmem:$0x1FFA0] =	vst v0;
	v0 =	vor.u32 $0x1800, v29  }
.Ltmp0:
0x8fa: {  	s5 =	sshll.u32 s7, $0xE;
	s30 =	ssub.s32 $0x2, s7;
	v31 =	vmul.u32 $0x80, v2;
	[tilespmem:$0x1FFB0] =	vst v0;
	v0 =	vor.u32 $0x2000, v29;
	(pc) =	sbr.rel .LBB2_1-.Ltmp0, $4  }
0x8fb: {  	s22 =	simm.s32 $0xA100;
	s5 =	sor.u32 s8, s5;
	s9 =	sshrl.u32 s30, $0x1;
	v28 =	vor.u32 $0x800, v29;
	v30 =	vor.u32 $0x1000, v29;
	[tilespmem:$0x1FFC0] =	vst v0;
	v0 =	vor.u32 $0x2800, v29  }
0x8fc: {  	s23 =	simm.s32 $0x5;
	s31 =	sshrl.u32 s5, $0x3;
	s10 =	ssub.s32 s30, s9;
	v11 =	vor.u32 $0x10, v2;
	v13 =	vor.u32 $0x20, v2;
	[tilespmem:$0x1FFD0] =	vst v0;
	v0 =	vor.u32 $0x3000, v29  }
0x8fd: {  	s24 =	simm.s32 $0x0;
	s10 =	smax.u32 s10, $0x1;
	s7 =	sadd.s32 s0, s31;
	v15 =	vor.u32 $0x30, v2;
	v17 =	vor.u32 $0x40, v2;
	[tilespmem:$0x1FFE0] =	vst v0;
	v0 =	vor.u32 $0x3800, v29  }
0x8fe: {  	s6 =	sadd.s32 $0x400, s6;
	s9 =	sadd.s32 $0x8000, s2;
	s8 =	sadd.s32 $0x10, s7;
	v19 =	vor.u32 $0x50, v2;
	v21 =	vor.u32 $0x60, v2;
	v23 =	vor.u32 $0x70, v2;
	[tilespmem:$0x1FFF0] =	vst v0  }
.LBB2_12:
0x8ff: {  	s24 =	sadd.s32 $0x1, s24  }
0x900: {  	_ =	swait.ge [sflag:s23], $0x2000;
	p0 =	sne.s32 s24, s10  }
.Ltmp1:
0x901: {  	[sflag:s23] =	ssyncset.done $0x0;
	(pc) =	sbr.rel @!p0 .LBB2_13-.Ltmp1, $4  }
0x902: {  	[sflag:s23] =	ssyncadd.s32 $0xFFFFE000  }
0x903: {  	_ =	swait.ge [sflag:s21], $0x2000  }
0x904: {  	[sflag:s21] =	ssyncset.done $0x0  }
0x905: {  	[sflag:s21] =	ssyncadd.s32 $0xFFFFE000  }
.LBB2_1:
0x906: {  	[tilespmem:s4], [sflag:$0x1] =	stream.linear.gather [hbm4b:s7+s4], $0x80, $0x38;
	[tilespmem:$0xC100] =	vst v63  }
0x907: {  	s25 =	simm.s32 $0x0  }
0x908: {  	[tilespmem:s11], [sflag:$0x2] =	stream.linear.gather [hbm4b:s8+s4], $0x80, $0x38;
	[tilespmem:$0xC100] =	vst v63  }
.LBB2_2:
0x909: {  	_ =	swait.ge [sflag:s12], $0x80  }
0x90a: {  	[sflag:s12] =	ssyncset.done $0x0  }
0x90b: {  	[sflag:s12] =	ssyncadd.s32 $0xFFFFFF80  }
0x90c: {  	[tilespmem:s13], [sflag:$0x3] =	stream.indirect.gather [hbm4b:s6+s11], $0x80, s4, s11, $0xb8;
	[tilespmem:$0xC100] =	vst v63  }
0x90d: {  	_ =	swait.ge [sflag:s14], $0x80  }
0x90e: {  	[sflag:s14] =	ssyncset.done $0x0  }
0x90f: {  	[sflag:s14] =	ssyncadd.s32 $0xFFFFFF80  }
0x910: {  	[tilespmem:s15], [sflag:$0x4] =	stream.indirect.gather [hbm4b:s6+s11], $0x80, s11, s11, $0xb8;
	[tilespmem:$0xC100] =	vst v63  }
0x911: {  	_ =	swait.ge [sflag:s16], $0x4000  }
0x912: {  	p0 =	seq.s32 s25, $0x0;
	[sflag:s16] =	ssyncset.done $0x0  }
0x913: {  	s28 =	simm.s32 @!p0 $0x5;
	[sflag:s16] =	ssyncadd.s32 $0xFFFFC000  }
0x914: {  	_ =	swait.ge @!p0 [sflag:s28], $0x2000  }
0x915: {  	v41 =	vld [tilespmem:$0x1FB60]  }
0x916: {  	v42 =	vld [tilespmem:$0x1FB80]  }
0x917: {  	v43 =	vld [tilespmem:$0x1FBA0]  }
0x918: {  	v44 =	vld [tilespmem:$0x1FBC0]  }
0x919: {  	v45 =	vld [tilespmem:$0x1FBE0]  }
0x91a: {  	v46 =	vld [tilespmem:$0x1FC00]  }
0x91b: {  	v47 =	vld [tilespmem:$0x1FC20]  }
0x91c: {  	v48 =	vld [tilespmem:$0x1FC40]  }
0x91d: {  	v49 =	vld [tilespmem:$0x1FC60]  }
0x91e: {  	v50 =	vld [tilespmem:$0x1FC80]  }
0x91f: {  	v51 =	vld [tilespmem:$0x1FCA0]  }
0x920: {  	v52 =	vld [tilespmem:$0x1FCC0]  }
0x921: {  	v53 =	vld [tilespmem:$0x1FCE0]  }
0x922: {  	v54 =	vld [tilespmem:$0x1FD00]  }
0x923: {  	v55 =	vld [tilespmem:$0x1FD20]  }
0x924: {  	v56 =	vld [tilespmem:$0x1FD40]  }
0x925: {  	v57 =	vld [tilespmem:$0x1FD60]  }
0x926: {  	v58 =	vld [tilespmem:$0x1FD80]  }
0x927: {  	v59 =	vld [tilespmem:$0x1FDA0]  }
0x928: {  	v60 =	vld [tilespmem:$0x1FDC0]  }
0x929: {  	v61 =	vld [tilespmem:$0x1FDE0]  }
0x92a: {  	v62 =	vld [tilespmem:$0x1FE00]  }
0x92b: {  	v63 =	vld [tilespmem:$0x1FE20]  }
0x92c: {  	v0 =	vld [tilespmem:$0x1FE40]  }
0x92d: {  	v1 =	vld [tilespmem:$0x1FE60]  }
0x92e: {  	v3 =	vld [tilespmem:$0x1FE80]  }
0x92f: {  	v4 =	vld [tilespmem:$0x1FEA0]  }
0x930: {  	v5 =	vld [tilespmem:$0x1FEC0]  }
0x931: {  	v8 =	vld [tilespmem:$0x1FF00]  }
0x932: {  	v9 =	vld [tilespmem:$0x1FF20]  }
0x933: {  	v12 =	vld [tilespmem:$0x1FF40]  }
0x934: {  	v14 =	vld [tilespmem:$0x1FF60]  }
0x935: {  	v16 =	vld [tilespmem:$0x1FF80]  }
0x936: {  	v18 =	vld [tilespmem:$0x1FFA0]  }
0x937: {  	v35 =	vld [tilespmem:$0x1FFB0]  }
0x938: {  	v36 =	vld [tilespmem:$0x1FFC0]  }
0x939: {  	v37 =	vld [tilespmem:$0x1FFD0]  }
0x93a: {  	s26 =	sshll.u32 s25, $0x1;
	[sflag:s28] =	ssyncset.done @!p0 $0x0;
	v38 =	vld [tilespmem:$0x1FFE0]  }
0x93b: {  	p1 =	por $0x1, $0x1;
	v39 =	vld [tilespmem:$0x1FFF0];
	[sflag:s28] =	ssyncadd.s32 @!p0 $0xFFFFE000;
	s28 =	simm.s32 $0x0  }
.LBB2_3:
0x93c: {  	v25 =	vor.u32 s28, v29;
	_ =	sdelay $0x1  }
0x93d: {  	v24 =	vmov s28  }
0x93e: {  	v24 =	vshll.u32 v24, $0x7  }
0x93f: {  	v26 =	vor.u32 v31, v24  }
0x940: {  	v27 =	vor.u32 v2, v26;
	v25 =	vld.idx.msk [tilespmem:v25+s13+$0x0], $0xffff  }
0x941: {  	v22 =	vmov v28;
	v28 =	vor.u32 s28, v28;
	_ =	sdelay $0x3  }
0x942: {  	[tilespmem:v27+s17+$0x0] =	vst.idx.msk $0xffff, v25  }
0x943: {  	v27 =	vor.u32 v11, v26;
	v25 =	vld.idx.msk [tilespmem:v28+s13+$0x0], $0xffff  }
0x944: {  	v28 =	vor.u32 s28, v30;
	_ =	sdelay $0x3  }
0x945: {  	[tilespmem:v27+s17+$0x0] =	vst.idx.msk $0xffff, v25  }
0x946: {  	v27 =	vor.u32 v13, v26;
	v25 =	vld.idx.msk [tilespmem:v28+s13+$0x0], $0xffff  }
0x947: {  	v28 =	vor.u32 s28, v35;
	_ =	sdelay $0x3  }
0x948: {  	[tilespmem:v27+s17+$0x0] =	vst.idx.msk $0xffff, v25  }
0x949: {  	v27 =	vor.u32 v15, v26;
	v25 =	vld.idx.msk [tilespmem:v28+s13+$0x0], $0xffff  }
0x94a: {  	v28 =	vor.u32 s28, v36;
	_ =	sdelay $0x3  }
0x94b: {  	[tilespmem:v27+s17+$0x0] =	vst.idx.msk $0xffff, v25  }
0x94c: {  	v27 =	vor.u32 v17, v26;
	v25 =	vld.idx.msk [tilespmem:v28+s13+$0x0], $0xffff  }
0x94d: {  	v28 =	vor.u32 s28, v37;
	_ =	sdelay $0x3  }
0x94e: {  	[tilespmem:v27+s17+$0x0] =	vst.idx.msk $0xffff, v25  }
0x94f: {  	v27 =	vor.u32 v19, v26;
	v25 =	vld.idx.msk [tilespmem:v28+s13+$0x0], $0xffff  }
0x950: {  	s29 =	sor.u32 $0x10, s28;
	v28 =	vor.u32 s28, v38  }
0x951: {  	v10 =	vmov v29;
	v29 =	vor.u32 s29, v29;
	_ =	sdelay $0x1  }
0x952: {  	v34 =	vmov v30;
	v30 =	vmov s29  }
0x953: {  	[tilespmem:v27+s17+$0x0] =	vst.idx.msk $0xffff, v25;
	v25 =	vshll.u32 v30, $0x7  }
0x954: {  	v27 =	vld.idx.msk [tilespmem:v28+s13+$0x0], $0xffff;
	v28 =	vor.u32 v31, v25  }
0x955: {  	v29 =	vld.idx.msk [tilespmem:v29+s13+$0x0], $0xffff;
	v30 =	vor.u32 v2, v28  }
0x956: {  	v20 =	vmov v31;
	v31 =	vor.u32 s29, v22;
	_ =	sdelay $0x3  }
0x957: {  	[tilespmem:v30+s17+$0x0] =	vst.idx.msk $0xffff, v29  }
0x958: {  	v30 =	vor.u32 v11, v28;
	v29 =	vld.idx.msk [tilespmem:v31+s13+$0x0], $0xffff  }
0x959: {  	v31 =	vor.u32 s29, v34;
	_ =	sdelay $0x3  }
0x95a: {  	[tilespmem:v30+s17+$0x0] =	vst.idx.msk $0xffff, v29  }
0x95b: {  	v30 =	vor.u32 v13, v28;
	v29 =	vld.idx.msk [tilespmem:v31+s13+$0x0], $0xffff  }
0x95c: {  	v31 =	vor.u32 s29, v35;
	_ =	sdelay $0x3  }
0x95d: {  	[tilespmem:v30+s17+$0x0] =	vst.idx.msk $0xffff, v29  }
0x95e: {  	v30 =	vor.u32 v15, v28;
	v29 =	vld.idx.msk [tilespmem:v31+s13+$0x0], $0xffff  }
0x95f: {  	v31 =	vor.u32 s29, v36;
	_ =	sdelay $0x3  }
0x960: {  	[tilespmem:v30+s17+$0x0] =	vst.idx.msk $0xffff, v29  }
0x961: {  	v30 =	vor.u32 v17, v28;
	v29 =	vld.idx.msk [tilespmem:v31+s13+$0x0], $0xffff  }
0x962: {  	v31 =	vor.u32 s29, v37;
	_ =	sdelay $0x3  }
0x963: {  	[tilespmem:v30+s17+$0x0] =	vst.idx.msk $0xffff, v29  }
0x964: {  	v30 =	vor.u32 v19, v28;
	v29 =	vld.idx.msk [tilespmem:v31+s13+$0x0], $0xffff  }
0x965: {  	v31 =	vor.u32 s29, v38;
	_ =	sdelay $0x2  }
0x966: {  	v6 =	vmov v32;
	v32 =	vor.u32 v21, v26  }
0x967: {  	[tilespmem:v30+s17+$0x0] =	vst.idx.msk $0xffff, v29;
	v29 =	vor.u32 s28, v39  }
0x968: {  	v30 =	vld.idx.msk [tilespmem:v31+s13+$0x0], $0xffff;
	v31 =	vor.u32 v21, v28  }
0x969: {  	v40 =	vor.u32 s29, v39;
	_ =	sdelay $0x1  }
0x96a: {  	[tilespmem:v32+s17+$0x0] =	vst.idx.msk $0xffff, v27  }
0x96b: {  	v27 =	vld.idx.msk [tilespmem:v29+s13+$0x0], $0xffff  }
0x96c: {  	[tilespmem:v31+s17+$0x0] =	vst.idx.msk $0xffff, v30;
	v31 =	vld [tilespmem:$0x1F3D0]  }
0x96d: {  	v26 =	vor.u32 v23, v26;
	v30 =	vld.idx.msk [tilespmem:v40+s13+$0x0], $0xffff  }
0x96e: {  	v28 =	vor.u32 v23, v28;
	v40 =	vld [tilespmem:$0x1F3C0];
	_ =	sdelay $0x3  }
0x96f: {  	[tilespmem:v26+s17+$0x0] =	vst.idx.msk $0xffff, v27;
	v29 =	vor.u32 s28, v31  }
0x970: {  	v31 =	vor.u32 s29, v31;
	v26 =	vor.u32 v40, v24;
	[tilespmem:v28+s17+$0x0] =	vst.idx.msk $0xffff, v30;
	v28 =	vor.u32 v40, v25;
	v40 =	vld [tilespmem:$0x1F3E0];
	_ =	sdelay $0x3  }
0x971: {  	v27 =	vld.idx.msk [tilespmem:v29+s13+$0x0], $0xffff;
	v29 =	vor.u32 v2, v26  }
0x972: {  	v32 =	vor.u32 v2, v28;
	v31 =	vld.idx.msk [tilespmem:v31+s13+$0x0], $0xffff;
	v30 =	vor.u32 s28, v40  }
0x973: {  	v7 =	vmov v33;
	v33 =	vor.u32 s29, v40;
	v40 =	vld [tilespmem:$0x1F3F0];
	_ =	sdelay $0x2  }
0x974: {  	[tilespmem:v29+s17+$0x0] =	vst.idx.msk $0xffff, v27  }
0x975: {  	v29 =	vor.u32 v11, v26;
	[tilespmem:v32+s17+$0x0] =	vst.idx.msk $0xffff, v31;
	v27 =	vld.idx.msk [tilespmem:v30+s13+$0x0], $0xffff  }
0x976: {  	v32 =	vor.u32 v11, v28;
	v30 =	vor.u32 s28, v40;
	v31 =	vld.idx.msk [tilespmem:v33+s13+$0x0], $0xffff  }
0x977: {  	v33 =	vor.u32 s29, v40;
	v40 =	vld [tilespmem:$0x1F400];
	_ =	sdelay $0x2  }
0x978: {  	[tilespmem:v29+s17+$0x0] =	vst.idx.msk $0xffff, v27  }
0x979: {  	v29 =	vor.u32 v13, v26;
	[tilespmem:v32+s17+$0x0] =	vst.idx.msk $0xffff, v31;
	v27 =	vld.idx.msk [tilespmem:v30+s13+$0x0], $0xffff  }
0x97a: {  	v32 =	vor.u32 v13, v28;
	v30 =	vor.u32 s28, v40;
	v31 =	vld.idx.msk [tilespmem:v33+s13+$0x0], $0xffff  }
0x97b: {  	v33 =	vor.u32 s29, v40;
	v40 =	vld [tilespmem:$0x1F410];
	_ =	sdelay $0x2  }
0x97c: {  	[tilespmem:v29+s17+$0x0] =	vst.idx.msk $0xffff, v27  }
0x97d: {  	v29 =	vor.u32 v15, v26;
	[tilespmem:v32+s17+$0x0] =	vst.idx.msk $0xffff, v31;
	v27 =	vld.idx.msk [tilespmem:v30+s13+$0x0], $0xffff  }
0x97e: {  	v32 =	vor.u32 v15, v28;
	v30 =	vor.u32 s28, v40;
	v31 =	vld.idx.msk [tilespmem:v33+s13+$0x0], $0xffff  }
0x97f: {  	v33 =	vor.u32 s29, v40;
	v40 =	vld [tilespmem:$0x1F420];
	_ =	sdelay $0x2  }
0x980: {  	[tilespmem:v29+s17+$0x0] =	vst.idx.msk $0xffff, v27  }
0x981: {  	v29 =	vor.u32 v17, v26;
	[tilespmem:v32+s17+$0x0] =	vst.idx.msk $0xffff, v31;
	v27 =	vld.idx.msk [tilespmem:v30+s13+$0x0], $0xffff  }
0x982: {  	v32 =	vor.u32 v17, v28;
	v30 =	vor.u32 s28, v40;
	v31 =	vld.idx.msk [tilespmem:v33+s13+$0x0], $0xffff  }
0x983: {  	v33 =	vor.u32 s29, v40;
	v40 =	vld [tilespmem:$0x1F430];
	_ =	sdelay $0x2  }
0x984: {  	[tilespmem:v29+s17+$0x0] =	vst.idx.msk $0xffff, v27  }
0x985: {  	v29 =	vor.u32 v19, v26;
	[tilespmem:v32+s17+$0x0] =	vst.idx.msk $0xffff, v31;
	v27 =	vld.idx.msk [tilespmem:v30+s13+$0x0], $0xffff  }
0x986: {  	v32 =	vor.u32 v19, v28;
	v30 =	vor.u32 s28, v40;
	v31 =	vld.idx.msk [tilespmem:v33+s13+$0x0], $0xffff  }
0x987: {  	v33 =	vor.u32 s29, v40  }
0x988: {  	v40 =	vld [tilespmem:$0x1F440];
	_ =	sdelay $0x1  }
0x989: {  	[tilespmem:v29+s17+$0x0] =	vst.idx.msk $0xffff, v27  }
0x98a: {  	v29 =	vor.u32 v21, v26;
	[tilespmem:v32+s17+$0x0] =	vst.idx.msk $0xffff, v31;
	v27 =	vld.idx.msk [tilespmem:v30+s13+$0x0], $0xffff  }
0x98b: {  	v32 =	vor.u32 v21, v28;
	v31 =	vld.idx.msk [tilespmem:v33+s13+$0x0], $0xffff  }
0x98c: {  	v30 =	vor.u32 s28, v40  }
0x98d: {  	v40 =	vor.u32 s29, v40;
	_ =	sdelay $0x1  }
0x98e: {  	[tilespmem:v29+s17+$0x0] =	vst.idx.msk $0xffff, v27  }
0x98f: {  	[tilespmem:v32+s17+$0x0] =	vst.idx.msk $0xffff, v31;
	v31 =	vld [tilespmem:$0x1F450]  }
0x990: {  	v27 =	vld.idx.msk [tilespmem:v30+s13+$0x0], $0xffff  }
0x991: {  	v26 =	vor.u32 v23, v26;
	v30 =	vld.idx.msk [tilespmem:v40+s13+$0x0], $0xffff  }
0x992: {  	v28 =	vor.u32 v23, v28;
	v40 =	vld [tilespmem:$0x1F3B0];
	_ =	sdelay $0x3  }
0x993: {  	v29 =	vor.u32 s28, v31;
	[tilespmem:v26+s17+$0x0] =	vst.idx.msk $0xffff, v27  }
0x994: {  	v31 =	vor.u32 s29, v31;
	v26 =	vor.u32 v40, v24;
	[tilespmem:v28+s17+$0x0] =	vst.idx.msk $0xffff, v30;
	v28 =	vor.u32 v40, v25;
	v40 =	vld [tilespmem:$0x1F460];
	_ =	sdelay $0x3  }
0x995: {  	v27 =	vld.idx.msk [tilespmem:v29+s13+$0x0], $0xffff;
	v29 =	vor.u32 v2, v26  }
0x996: {  	v32 =	vor.u32 v2, v28;
	v31 =	vld.idx.msk [tilespmem:v31+s13+$0x0], $0xffff;
	v30 =	vor.u32 s28, v40  }
0x997: {  	v33 =	vor.u32 s29, v40;
	v40 =	vld [tilespmem:$0x1F470];
	_ =	sdelay $0x2  }
0x998: {  	[tilespmem:v29+s17+$0x0] =	vst.idx.msk $0xffff, v27  }
0x999: {  	v29 =	vor.u32 v11, v26;
	[tilespmem:v32+s17+$0x0] =	vst.idx.msk $0xffff, v31;
	v27 =	vld.idx.msk [tilespmem:v30+s13+$0x0], $0xffff  }
0x99a: {  	v32 =	vor.u32 v11, v28;
	v30 =	vor.u32 s28, v40;
	v31 =	vld.idx.msk [tilespmem:v33+s13+$0x0], $0xffff  }
0x99b: {  	v33 =	vor.u32 s29, v40;
	v40 =	vld [tilespmem:$0x1F480];
	_ =	sdelay $0x2  }
0x99c: {  	[tilespmem:v29+s17+$0x0] =	vst.idx.msk $0xffff, v27  }
0x99d: {  	v29 =	vor.u32 v13, v26;
	[tilespmem:v32+s17+$0x0] =	vst.idx.msk $0xffff, v31;
	v27 =	vld.idx.msk [tilespmem:v30+s13+$0x0], $0xffff  }
0x99e: {  	v32 =	vor.u32 v13, v28;
	v30 =	vor.u32 s28, v40;
	v31 =	vld.idx.msk [tilespmem:v33+s13+$0x0], $0xffff  }
0x99f: {  	v33 =	vor.u32 s29, v40;
	v40 =	vld [tilespmem:$0x1F490];
	_ =	sdelay $0x2  }
0x9a0: {  	[tilespmem:v29+s17+$0x0] =	vst.idx.msk $0xffff, v27  }
0x9a1: {  	v29 =	vor.u32 v15, v26;
	[tilespmem:v32+s17+$0x0] =	vst.idx.msk $0xffff, v31;
	v27 =	vld.idx.msk [tilespmem:v30+s13+$0x0], $0xffff  }
0x9a2: {  	v32 =	vor.u32 v15, v28;
	v30 =	vor.u32 s28, v40;
	v31 =	vld.idx.msk [tilespmem:v33+s13+$0x0], $0xffff  }
0x9a3: {  	v33 =	vor.u32 s29, v40;
	v40 =	vld [tilespmem:$0x1F4A0];
	_ =	sdelay $0x2  }
0x9a4: {  	[tilespmem:v29+s17+$0x0] =	vst.idx.msk $0xffff, v27  }
0x9a5: {  	v29 =	vor.u32 v17, v26;
	[tilespmem:v32+s17+$0x0] =	vst.idx.msk $0xffff, v31;
	v27 =	vld.idx.msk [tilespmem:v30+s13+$0x0], $0xffff  }
0x9a6: {  	v32 =	vor.u32 v17, v28;
	v30 =	vor.u32 s28, v40;
	v31 =	vld.idx.msk [tilespmem:v33+s13+$0x0], $0xffff  }
0x9a7: {  	v33 =	vor.u32 s29, v40;
	v40 =	vld [tilespmem:$0x1F4B0];
	_ =	sdelay $0x2  }
0x9a8: {  	[tilespmem:v29+s17+$0x0] =	vst.idx.msk $0xffff, v27  }
0x9a9: {  	v29 =	vor.u32 v19, v26;
	[tilespmem:v32+s17+$0x0] =	vst.idx.msk $0xffff, v31;
	v27 =	vld.idx.msk [tilespmem:v30+s13+$0x0], $0xffff  }
0x9aa: {  	v32 =	vor.u32 v19, v28;
	v30 =	vor.u32 s28, v40;
	v31 =	vld.idx.msk [tilespmem:v33+s13+$0x0], $0xffff  }
0x9ab: {  	v33 =	vor.u32 s29, v40;
	v40 =	vld [tilespmem:$0x1F4C0];
	_ =	sdelay $0x2  }
0x9ac: {  	[tilespmem:v29+s17+$0x0] =	vst.idx.msk $0xffff, v27  }
0x9ad: {  	v29 =	vor.u32 v21, v26;
	[tilespmem:v32+s17+$0x0] =	vst.idx.msk $0xffff, v31;
	v27 =	vld.idx.msk [tilespmem:v30+s13+$0x0], $0xffff  }
0x9ae: {  	v32 =	vor.u32 v21, v28;
	v30 =	vor.u32 s28, v40;
	v31 =	vld.idx.msk [tilespmem:v33+s13+$0x0], $0xffff;
	_ =	sdelay $0x1  }
0x9af: {  	v40 =	vor.u32 s29, v40;
	_ =	sdelay $0x1  }
0x9b0: {  	[tilespmem:v29+s17+$0x0] =	vst.idx.msk $0xffff, v27  }
0x9b1: {  	[tilespmem:v32+s17+$0x0] =	vst.idx.msk $0xffff, v31;
	v27 =	vld.idx.msk [tilespmem:v30+s13+$0x0], $0xffff  }
0x9b2: {  	v31 =	vld [tilespmem:$0x1F4D0]  }
0x9b3: {  	v26 =	vor.u32 v23, v26;
	v30 =	vld.idx.msk [tilespmem:v40+s13+$0x0], $0xffff  }
0x9b4: {  	v28 =	vor.u32 v23, v28;
	v40 =	vld [tilespmem:$0x1F3A0];
	_ =	sdelay $0x3  }
0x9b5: {  	v29 =	vor.u32 s28, v31;
	[tilespmem:v26+s17+$0x0] =	vst.idx.msk $0xffff, v27  }
0x9b6: {  	v31 =	vor.u32 s29, v31;
	v26 =	vor.u32 v40, v24;
	[tilespmem:v28+s17+$0x0] =	vst.idx.msk $0xffff, v30;
	v28 =	vor.u32 v40, v25;
	v40 =	vld [tilespmem:$0x1F4E0];
	_ =	sdelay $0x3  }
0x9b7: {  	v27 =	vld.idx.msk [tilespmem:v29+s13+$0x0], $0xffff;
	v29 =	vor.u32 v2, v26  }
0x9b8: {  	v32 =	vor.u32 v2, v28;
	v30 =	vor.u32 s28, v40;
	v31 =	vld.idx.msk [tilespmem:v31+s13+$0x0], $0xffff  }
0x9b9: {  	v33 =	vor.u32 s29, v40;
	v40 =	vld [tilespmem:$0x1F4F0];
	_ =	sdelay $0x2  }
0x9ba: {  	[tilespmem:v29+s17+$0x0] =	vst.idx.msk $0xffff, v27  }
0x9bb: {  	v29 =	vor.u32 v11, v26;
	[tilespmem:v32+s17+$0x0] =	vst.idx.msk $0xffff, v31;
	v27 =	vld.idx.msk [tilespmem:v30+s13+$0x0], $0xffff  }
0x9bc: {  	v32 =	vor.u32 v11, v28;
	v30 =	vor.u32 s28, v40;
	v31 =	vld.idx.msk [tilespmem:v33+s13+$0x0], $0xffff  }
0x9bd: {  	v33 =	vor.u32 s29, v40;
	v40 =	vld [tilespmem:$0x1F500];
	_ =	sdelay $0x2  }
0x9be: {  	[tilespmem:v29+s17+$0x0] =	vst.idx.msk $0xffff, v27  }
0x9bf: {  	v29 =	vor.u32 v13, v26;
	[tilespmem:v32+s17+$0x0] =	vst.idx.msk $0xffff, v31;
	v27 =	vld.idx.msk [tilespmem:v30+s13+$0x0], $0xffff  }
0x9c0: {  	v32 =	vor.u32 v13, v28;
	v30 =	vor.u32 s28, v40;
	v31 =	vld.idx.msk [tilespmem:v33+s13+$0x0], $0xffff  }
0x9c1: {  	v33 =	vor.u32 s29, v40;
	v40 =	vld [tilespmem:$0x1F510];
	_ =	sdelay $0x2  }
0x9c2: {  	[tilespmem:v29+s17+$0x0] =	vst.idx.msk $0xffff, v27  }
0x9c3: {  	v29 =	vor.u32 v15, v26;
	[tilespmem:v32+s17+$0x0] =	vst.idx.msk $0xffff, v31;
	v27 =	vld.idx.msk [tilespmem:v30+s13+$0x0], $0xffff  }
0x9c4: {  	v32 =	vor.u32 v15, v28;
	v30 =	vor.u32 s28, v40;
	v31 =	vld.idx.msk [tilespmem:v33+s13+$0x0], $0xffff  }
0x9c5: {  	v33 =	vor.u32 s29, v40;
	v40 =	vld [tilespmem:$0x1F520];
	_ =	sdelay $0x2  }
0x9c6: {  	[tilespmem:v29+s17+$0x0] =	vst.idx.msk $0xffff, v27  }
0x9c7: {  	v29 =	vor.u32 v17, v26;
	[tilespmem:v32+s17+$0x0] =	vst.idx.msk $0xffff, v31;
	v27 =	vld.idx.msk [tilespmem:v30+s13+$0x0], $0xffff  }
0x9c8: {  	v32 =	vor.u32 v17, v28;
	v30 =	vor.u32 s28, v40;
	v31 =	vld.idx.msk [tilespmem:v33+s13+$0x0], $0xffff  }
0x9c9: {  	v33 =	vor.u32 s29, v40;
	v40 =	vld [tilespmem:$0x1F530];
	_ =	sdelay $0x2  }
0x9ca: {  	[tilespmem:v29+s17+$0x0] =	vst.idx.msk $0xffff, v27  }
0x9cb: {  	v29 =	vor.u32 v19, v26;
	[tilespmem:v32+s17+$0x0] =	vst.idx.msk $0xffff, v31;
	v27 =	vld.idx.msk [tilespmem:v30+s13+$0x0], $0xffff  }
0x9cc: {  	v32 =	vor.u32 v19, v28;
	v30 =	vor.u32 s28, v40;
	v31 =	vld.idx.msk [tilespmem:v33+s13+$0x0], $0xffff  }
0x9cd: {  	v33 =	vor.u32 s29, v40  }
0x9ce: {  	v40 =	vld [tilespmem:$0x1F540];
	_ =	sdelay $0x1  }
0x9cf: {  	[tilespmem:v29+s17+$0x0] =	vst.idx.msk $0xffff, v27  }
0x9d0: {  	v29 =	vor.u32 v21, v26;
	[tilespmem:v32+s17+$0x0] =	vst.idx.msk $0xffff, v31;
	v27 =	vld.idx.msk [tilespmem:v30+s13+$0x0], $0xffff  }
0x9d1: {  	v32 =	vor.u32 v21, v28;
	v31 =	vld.idx.msk [tilespmem:v33+s13+$0x0], $0xffff  }
0x9d2: {  	v30 =	vor.u32 s28, v40  }
0x9d3: {  	v40 =	vor.u32 s29, v40;
	_ =	sdelay $0x1  }
0x9d4: {  	[tilespmem:v29+s17+$0x0] =	vst.idx.msk $0xffff, v27  }
0x9d5: {  	[tilespmem:v32+s17+$0x0] =	vst.idx.msk $0xffff, v31;
	v31 =	vld [tilespmem:$0x1F560]  }
0x9d6: {  	v27 =	vld.idx.msk [tilespmem:v30+s13+$0x0], $0xffff  }
0x9d7: {  	v26 =	vor.u32 v23, v26;
	v30 =	vld.idx.msk [tilespmem:v40+s13+$0x0], $0xffff  }
0x9d8: {  	v28 =	vor.u32 v23, v28;
	v40 =	vld [tilespmem:$0x1F390];
	_ =	sdelay $0x3  }
0x9d9: {  	v29 =	vor.u32 s28, v31;
	[tilespmem:v26+s17+$0x0] =	vst.idx.msk $0xffff, v27  }
0x9da: {  	v31 =	vor.u32 s29, v31;
	v26 =	vor.u32 v40, v24;
	[tilespmem:v28+s17+$0x0] =	vst.idx.msk $0xffff, v30;
	v28 =	vor.u32 v40, v25;
	v40 =	vld [tilespmem:$0x1F570];
	_ =	sdelay $0x3  }
0x9db: {  	v27 =	vld.idx.msk [tilespmem:v29+s13+$0x0], $0xffff;
	v29 =	vor.u32 v2, v26  }
0x9dc: {  	v32 =	vor.u32 v2, v28;
	v31 =	vld.idx.msk [tilespmem:v31+s13+$0x0], $0xffff;
	v30 =	vor.u32 s28, v40  }
0x9dd: {  	v33 =	vor.u32 s29, v40;
	v40 =	vld [tilespmem:$0x1F580];
	_ =	sdelay $0x2  }
0x9de: {  	[tilespmem:v29+s17+$0x0] =	vst.idx.msk $0xffff, v27  }
0x9df: {  	v29 =	vor.u32 v11, v26;
	[tilespmem:v32+s17+$0x0] =	vst.idx.msk $0xffff, v31;
	v27 =	vld.idx.msk [tilespmem:v30+s13+$0x0], $0xffff  }
0x9e0: {  	v32 =	vor.u32 v11, v28;
	v30 =	vor.u32 s28, v40;
	v31 =	vld.idx.msk [tilespmem:v33+s13+$0x0], $0xffff  }
0x9e1: {  	v33 =	vor.u32 s29, v40;
	v40 =	vld [tilespmem:$0x1F590];
	_ =	sdelay $0x2  }
0x9e2: {  	[tilespmem:v29+s17+$0x0] =	vst.idx.msk $0xffff, v27  }
0x9e3: {  	v29 =	vor.u32 v13, v26;
	[tilespmem:v32+s17+$0x0] =	vst.idx.msk $0xffff, v31;
	v27 =	vld.idx.msk [tilespmem:v30+s13+$0x0], $0xffff  }
0x9e4: {  	v32 =	vor.u32 v13, v28;
	v30 =	vor.u32 s28, v40;
	v31 =	vld.idx.msk [tilespmem:v33+s13+$0x0], $0xffff  }
0x9e5: {  	v33 =	vor.u32 s29, v40;
	v40 =	vld [tilespmem:$0x1F5A0];
	_ =	sdelay $0x2  }
0x9e6: {  	[tilespmem:v29+s17+$0x0] =	vst.idx.msk $0xffff, v27  }
0x9e7: {  	v29 =	vor.u32 v15, v26;
	[tilespmem:v32+s17+$0x0] =	vst.idx.msk $0xffff, v31;
	v27 =	vld.idx.msk [tilespmem:v30+s13+$0x0], $0xffff  }
0x9e8: {  	v32 =	vor.u32 v15, v28;
	v30 =	vor.u32 s28, v40;
	v31 =	vld.idx.msk [tilespmem:v33+s13+$0x0], $0xffff  }
0x9e9: {  	v33 =	vor.u32 s29, v40;
	v40 =	vld [tilespmem:$0x1F5B0];
	_ =	sdelay $0x2  }
0x9ea: {  	[tilespmem:v29+s17+$0x0] =	vst.idx.msk $0xffff, v27  }
0x9eb: {  	v29 =	vor.u32 v17, v26;
	[tilespmem:v32+s17+$0x0] =	vst.idx.msk $0xffff, v31;
	v27 =	vld.idx.msk [tilespmem:v30+s13+$0x0], $0xffff  }
0x9ec: {  	v32 =	vor.u32 v17, v28;
	v30 =	vor.u32 s28, v40;
	v31 =	vld.idx.msk [tilespmem:v33+s13+$0x0], $0xffff  }
0x9ed: {  	v33 =	vor.u32 s29, v40;
	v40 =	vld [tilespmem:$0x1F5C0];
	_ =	sdelay $0x2  }
0x9ee: {  	[tilespmem:v29+s17+$0x0] =	vst.idx.msk $0xffff, v27  }
0x9ef: {  	v29 =	vor.u32 v19, v26;
	[tilespmem:v32+s17+$0x0] =	vst.idx.msk $0xffff, v31;
	v27 =	vld.idx.msk [tilespmem:v30+s13+$0x0], $0xffff  }
0x9f0: {  	v32 =	vor.u32 v19, v28;
	v30 =	vor.u32 s28, v40;
	v31 =	vld.idx.msk [tilespmem:v33+s13+$0x0], $0xffff  }
0x9f1: {  	v33 =	vor.u32 s29, v40  }
0x9f2: {  	v40 =	vld [tilespmem:$0x1F5D0];
	_ =	sdelay $0x1  }
0x9f3: {  	[tilespmem:v29+s17+$0x0] =	vst.idx.msk $0xffff, v27  }
0x9f4: {  	v29 =	vor.u32 v21, v26;
	[tilespmem:v32+s17+$0x0] =	vst.idx.msk $0xffff, v31;
	v27 =	vld.idx.msk [tilespmem:v30+s13+$0x0], $0xffff  }
0x9f5: {  	v32 =	vor.u32 v21, v28;
	v31 =	vld.idx.msk [tilespmem:v33+s13+$0x0], $0xffff  }
0x9f6: {  	v30 =	vor.u32 s28, v40  }
0x9f7: {  	v40 =	vor.u32 s29, v40;
	_ =	sdelay $0x1  }
0x9f8: {  	[tilespmem:v29+s17+$0x0] =	vst.idx.msk $0xffff, v27  }
0x9f9: {  	[tilespmem:v32+s17+$0x0] =	vst.idx.msk $0xffff, v31;
	v31 =	vld [tilespmem:$0x1F5E0]  }
0x9fa: {  	v27 =	vld.idx.msk [tilespmem:v30+s13+$0x0], $0xffff  }
0x9fb: {  	v26 =	vor.u32 v23, v26;
	v30 =	vld.idx.msk [tilespmem:v40+s13+$0x0], $0xffff  }
0x9fc: {  	v28 =	vor.u32 v23, v28;
	v40 =	vld [tilespmem:$0x1F380];
	_ =	sdelay $0x3  }
0x9fd: {  	v29 =	vor.u32 s28, v31;
	[tilespmem:v26+s17+$0x0] =	vst.idx.msk $0xffff, v27  }
0x9fe: {  	v31 =	vor.u32 s29, v31;
	v26 =	vor.u32 v40, v24;
	[tilespmem:v28+s17+$0x0] =	vst.idx.msk $0xffff, v30;
	v28 =	vor.u32 v40, v25;
	v40 =	vld [tilespmem:$0x1F5F0];
	_ =	sdelay $0x3  }
0x9ff: {  	v27 =	vld.idx.msk [tilespmem:v29+s13+$0x0], $0xffff;
	v29 =	vor.u32 v2, v26  }
0xa00: {  	v32 =	vor.u32 v2, v28;
	v31 =	vld.idx.msk [tilespmem:v31+s13+$0x0], $0xffff;
	v30 =	vor.u32 s28, v40  }
0xa01: {  	v33 =	vor.u32 s29, v40;
	v40 =	vld [tilespmem:$0x1F600];
	_ =	sdelay $0x2  }
0xa02: {  	[tilespmem:v29+s17+$0x0] =	vst.idx.msk $0xffff, v27  }
0xa03: {  	v29 =	vor.u32 v11, v26;
	[tilespmem:v32+s17+$0x0] =	vst.idx.msk $0xffff, v31;
	v27 =	vld.idx.msk [tilespmem:v30+s13+$0x0], $0xffff  }
0xa04: {  	v32 =	vor.u32 v11, v28;
	v30 =	vor.u32 s28, v40;
	v31 =	vld.idx.msk [tilespmem:v33+s13+$0x0], $0xffff  }
0xa05: {  	v33 =	vor.u32 s29, v40;
	v40 =	vld [tilespmem:$0x1F610];
	_ =	sdelay $0x2  }
0xa06: {  	[tilespmem:v29+s17+$0x0] =	vst.idx.msk $0xffff, v27  }
0xa07: {  	v29 =	vor.u32 v13, v26;
	[tilespmem:v32+s17+$0x0] =	vst.idx.msk $0xffff, v31;
	v27 =	vld.idx.msk [tilespmem:v30+s13+$0x0], $0xffff  }
0xa08: {  	v32 =	vor.u32 v13, v28;
	v30 =	vor.u32 s28, v40;
	v31 =	vld.idx.msk [tilespmem:v33+s13+$0x0], $0xffff  }
0xa09: {  	v33 =	vor.u32 s29, v40;
	v40 =	vld [tilespmem:$0x1F620];
	_ =	sdelay $0x2  }
0xa0a: {  	[tilespmem:v29+s17+$0x0] =	vst.idx.msk $0xffff, v27  }
0xa0b: {  	v29 =	vor.u32 v15, v26;
	[tilespmem:v32+s17+$0x0] =	vst.idx.msk $0xffff, v31;
	v27 =	vld.idx.msk [tilespmem:v30+s13+$0x0], $0xffff  }
0xa0c: {  	v32 =	vor.u32 v15, v28;
	v30 =	vor.u32 s28, v40;
	v31 =	vld.idx.msk [tilespmem:v33+s13+$0x0], $0xffff  }
0xa0d: {  	v33 =	vor.u32 s29, v40;
	v40 =	vld [tilespmem:$0x1F630];
	_ =	sdelay $0x2  }
0xa0e: {  	[tilespmem:v29+s17+$0x0] =	vst.idx.msk $0xffff, v27  }
0xa0f: {  	v29 =	vor.u32 v17, v26;
	[tilespmem:v32+s17+$0x0] =	vst.idx.msk $0xffff, v31;
	v27 =	vld.idx.msk [tilespmem:v30+s13+$0x0], $0xffff  }
0xa10: {  	v32 =	vor.u32 v17, v28;
	v30 =	vor.u32 s28, v40;
	v31 =	vld.idx.msk [tilespmem:v33+s13+$0x0], $0xffff  }
0xa11: {  	v33 =	vor.u32 s29, v40;
	v40 =	vld [tilespmem:$0x1F640];
	_ =	sdelay $0x2  }
0xa12: {  	[tilespmem:v29+s17+$0x0] =	vst.idx.msk $0xffff, v27  }
0xa13: {  	v29 =	vor.u32 v19, v26;
	[tilespmem:v32+s17+$0x0] =	vst.idx.msk $0xffff, v31;
	v27 =	vld.idx.msk [tilespmem:v30+s13+$0x0], $0xffff  }
0xa14: {  	v32 =	vor.u32 v19, v28;
	v30 =	vor.u32 s28, v40;
	v31 =	vld.idx.msk [tilespmem:v33+s13+$0x0], $0xffff  }
0xa15: {  	v33 =	vor.u32 s29, v40  }
0xa16: {  	v40 =	vld [tilespmem:$0x1F650];
	_ =	sdelay $0x1  }
0xa17: {  	[tilespmem:v29+s17+$0x0] =	vst.idx.msk $0xffff, v27  }
0xa18: {  	v29 =	vor.u32 v21, v26;
	[tilespmem:v32+s17+$0x0] =	vst.idx.msk $0xffff, v31;
	v27 =	vld.idx.msk [tilespmem:v30+s13+$0x0], $0xffff  }
0xa19: {  	v32 =	vor.u32 v21, v28;
	v31 =	vld.idx.msk [tilespmem:v33+s13+$0x0], $0xffff  }
0xa1a: {  	v30 =	vor.u32 s28, v40  }
0xa1b: {  	v40 =	vor.u32 s29, v40;
	_ =	sdelay $0x1  }
0xa1c: {  	[tilespmem:v29+s17+$0x0] =	vst.idx.msk $0xffff, v27  }
0xa1d: {  	[tilespmem:v32+s17+$0x0] =	vst.idx.msk $0xffff, v31;
	v31 =	vld [tilespmem:$0x1F660]  }
0xa1e: {  	v27 =	vld.idx.msk [tilespmem:v30+s13+$0x0], $0xffff  }
0xa1f: {  	v26 =	vor.u32 v23, v26;
	v30 =	vld.idx.msk [tilespmem:v40+s13+$0x0], $0xffff  }
0xa20: {  	v28 =	vor.u32 v23, v28;
	v40 =	vld [tilespmem:$0x1F370];
	_ =	sdelay $0x3  }
0xa21: {  	v29 =	vor.u32 s28, v31;
	[tilespmem:v26+s17+$0x0] =	vst.idx.msk $0xffff, v27  }
0xa22: {  	v31 =	vor.u32 s29, v31;
	v26 =	vor.u32 v40, v24;
	[tilespmem:v28+s17+$0x0] =	vst.idx.msk $0xffff, v30;
	v28 =	vor.u32 v40, v25;
	v40 =	vld [tilespmem:$0x1F670];
	_ =	sdelay $0x3  }
0xa23: {  	v27 =	vld.idx.msk [tilespmem:v29+s13+$0x0], $0xffff;
	v29 =	vor.u32 v2, v26  }
0xa24: {  	v32 =	vor.u32 v2, v28;
	v31 =	vld.idx.msk [tilespmem:v31+s13+$0x0], $0xffff;
	v30 =	vor.u32 s28, v40  }
0xa25: {  	v33 =	vor.u32 s29, v40;
	v40 =	vld [tilespmem:$0x1F680];
	_ =	sdelay $0x2  }
0xa26: {  	[tilespmem:v29+s17+$0x0] =	vst.idx.msk $0xffff, v27  }
0xa27: {  	v29 =	vor.u32 v11, v26;
	[tilespmem:v32+s17+$0x0] =	vst.idx.msk $0xffff, v31;
	v27 =	vld.idx.msk [tilespmem:v30+s13+$0x0], $0xffff  }
0xa28: {  	v32 =	vor.u32 v11, v28;
	v30 =	vor.u32 s28, v40;
	v31 =	vld.idx.msk [tilespmem:v33+s13+$0x0], $0xffff  }
0xa29: {  	v33 =	vor.u32 s29, v40;
	v40 =	vld [tilespmem:$0x1F690];
	_ =	sdelay $0x2  }
0xa2a: {  	[tilespmem:v29+s17+$0x0] =	vst.idx.msk $0xffff, v27  }
0xa2b: {  	v29 =	vor.u32 v13, v26;
	[tilespmem:v32+s17+$0x0] =	vst.idx.msk $0xffff, v31;
	v27 =	vld.idx.msk [tilespmem:v30+s13+$0x0], $0xffff  }
0xa2c: {  	v32 =	vor.u32 v13, v28;
	v30 =	vor.u32 s28, v40;
	v31 =	vld.idx.msk [tilespmem:v33+s13+$0x0], $0xffff  }
0xa2d: {  	v33 =	vor.u32 s29, v40;
	v40 =	vld [tilespmem:$0x1F6A0];
	_ =	sdelay $0x2  }
0xa2e: {  	[tilespmem:v29+s17+$0x0] =	vst.idx.msk $0xffff, v27  }
0xa2f: {  	v29 =	vor.u32 v15, v26;
	[tilespmem:v32+s17+$0x0] =	vst.idx.msk $0xffff, v31;
	v27 =	vld.idx.msk [tilespmem:v30+s13+$0x0], $0xffff  }
0xa30: {  	v32 =	vor.u32 v15, v28;
	v30 =	vor.u32 s28, v40;
	v31 =	vld.idx.msk [tilespmem:v33+s13+$0x0], $0xffff  }
0xa31: {  	v33 =	vor.u32 s29, v40;
	v40 =	vld [tilespmem:$0x1F6B0];
	_ =	sdelay $0x2  }
0xa32: {  	[tilespmem:v29+s17+$0x0] =	vst.idx.msk $0xffff, v27  }
0xa33: {  	v29 =	vor.u32 v17, v26;
	[tilespmem:v32+s17+$0x0] =	vst.idx.msk $0xffff, v31;
	v27 =	vld.idx.msk [tilespmem:v30+s13+$0x0], $0xffff  }
0xa34: {  	v32 =	vor.u32 v17, v28;
	v30 =	vor.u32 s28, v40;
	v31 =	vld.idx.msk [tilespmem:v33+s13+$0x0], $0xffff  }
0xa35: {  	v33 =	vor.u32 s29, v40;
	v40 =	vld [tilespmem:$0x1F6C0];
	_ =	sdelay $0x2  }
0xa36: {  	[tilespmem:v29+s17+$0x0] =	vst.idx.msk $0xffff, v27  }
0xa37: {  	v29 =	vor.u32 v19, v26;
	[tilespmem:v32+s17+$0x0] =	vst.idx.msk $0xffff, v31;
	v27 =	vld.idx.msk [tilespmem:v30+s13+$0x0], $0xffff  }
0xa38: {  	v32 =	vor.u32 v19, v28;
	v30 =	vor.u32 s28, v40;
	v31 =	vld.idx.msk [tilespmem:v33+s13+$0x0], $0xffff  }
0xa39: {  	v33 =	vor.u32 s29, v40  }
0xa3a: {  	v40 =	vld [tilespmem:$0x1F6D0];
	_ =	sdelay $0x1  }
0xa3b: {  	[tilespmem:v29+s17+$0x0] =	vst.idx.msk $0xffff, v27  }
0xa3c: {  	v29 =	vor.u32 v21, v26;
	[tilespmem:v32+s17+$0x0] =	vst.idx.msk $0xffff, v31;
	v27 =	vld.idx.msk [tilespmem:v30+s13+$0x0], $0xffff  }
0xa3d: {  	v32 =	vor.u32 v21, v28;
	v31 =	vld.idx.msk [tilespmem:v33+s13+$0x0], $0xffff  }
0xa3e: {  	v30 =	vor.u32 s28, v40  }
0xa3f: {  	v40 =	vor.u32 s29, v40;
	_ =	sdelay $0x1  }
0xa40: {  	[tilespmem:v29+s17+$0x0] =	vst.idx.msk $0xffff, v27  }
0xa41: {  	[tilespmem:v32+s17+$0x0] =	vst.idx.msk $0xffff, v31;
	v31 =	vld [tilespmem:$0x1F6E0]  }
0xa42: {  	v27 =	vld.idx.msk [tilespmem:v30+s13+$0x0], $0xffff  }
0xa43: {  	v26 =	vor.u32 v23, v26;
	v30 =	vld.idx.msk [tilespmem:v40+s13+$0x0], $0xffff  }
0xa44: {  	v28 =	vor.u32 v23, v28;
	v40 =	vld [tilespmem:$0x1F360];
	_ =	sdelay $0x3  }
0xa45: {  	v29 =	vor.u32 s28, v31;
	[tilespmem:v26+s17+$0x0] =	vst.idx.msk $0xffff, v27  }
0xa46: {  	v31 =	vor.u32 s29, v31;
	v26 =	vor.u32 v40, v24;
	[tilespmem:v28+s17+$0x0] =	vst.idx.msk $0xffff, v30;
	v28 =	vor.u32 v40, v25;
	v40 =	vld [tilespmem:$0x1F700];
	_ =	sdelay $0x3  }
0xa47: {  	v27 =	vld.idx.msk [tilespmem:v29+s13+$0x0], $0xffff;
	v29 =	vor.u32 v2, v26  }
0xa48: {  	v32 =	vor.u32 v2, v28;
	v31 =	vld.idx.msk [tilespmem:v31+s13+$0x0], $0xffff;
	v30 =	vor.u32 s28, v40  }
0xa49: {  	v33 =	vor.u32 s29, v40;
	v40 =	vld [tilespmem:$0x1F720];
	_ =	sdelay $0x2  }
0xa4a: {  	[tilespmem:v29+s17+$0x0] =	vst.idx.msk $0xffff, v27  }
0xa4b: {  	v29 =	vor.u32 v11, v26;
	[tilespmem:v32+s17+$0x0] =	vst.idx.msk $0xffff, v31;
	v27 =	vld.idx.msk [tilespmem:v30+s13+$0x0], $0xffff  }
0xa4c: {  	v32 =	vor.u32 v11, v28;
	v30 =	vor.u32 s28, v40;
	v31 =	vld.idx.msk [tilespmem:v33+s13+$0x0], $0xffff  }
0xa4d: {  	v33 =	vor.u32 s29, v40;
	v40 =	vld [tilespmem:$0x1F740];
	_ =	sdelay $0x2  }
0xa4e: {  	[tilespmem:v29+s17+$0x0] =	vst.idx.msk $0xffff, v27  }
0xa4f: {  	v29 =	vor.u32 v13, v26;
	[tilespmem:v32+s17+$0x0] =	vst.idx.msk $0xffff, v31;
	v27 =	vld.idx.msk [tilespmem:v30+s13+$0x0], $0xffff  }
0xa50: {  	v32 =	vor.u32 v13, v28;
	v30 =	vor.u32 s28, v40;
	v31 =	vld.idx.msk [tilespmem:v33+s13+$0x0], $0xffff  }
0xa51: {  	v33 =	vor.u32 s29, v40;
	v40 =	vld [tilespmem:$0x1F760];
	_ =	sdelay $0x2  }
0xa52: {  	[tilespmem:v29+s17+$0x0] =	vst.idx.msk $0xffff, v27  }
0xa53: {  	v29 =	vor.u32 v15, v26;
	[tilespmem:v32+s17+$0x0] =	vst.idx.msk $0xffff, v31;
	v27 =	vld.idx.msk [tilespmem:v30+s13+$0x0], $0xffff  }
0xa54: {  	v32 =	vor.u32 v15, v28;
	v30 =	vor.u32 s28, v40;
	v31 =	vld.idx.msk [tilespmem:v33+s13+$0x0], $0xffff  }
0xa55: {  	v33 =	vor.u32 s29, v40;
	v40 =	vld [tilespmem:$0x1F780];
	_ =	sdelay $0x2  }
0xa56: {  	[tilespmem:v29+s17+$0x0] =	vst.idx.msk $0xffff, v27  }
0xa57: {  	v29 =	vor.u32 v17, v26;
	[tilespmem:v32+s17+$0x0] =	vst.idx.msk $0xffff, v31;
	v27 =	vld.idx.msk [tilespmem:v30+s13+$0x0], $0xffff  }
0xa58: {  	v32 =	vor.u32 v17, v28;
	v30 =	vor.u32 s28, v40;
	v31 =	vld.idx.msk [tilespmem:v33+s13+$0x0], $0xffff  }
0xa59: {  	v33 =	vor.u32 s29, v40;
	v40 =	vld [tilespmem:$0x1F7A0];
	_ =	sdelay $0x2  }
0xa5a: {  	[tilespmem:v29+s17+$0x0] =	vst.idx.msk $0xffff, v27  }
0xa5b: {  	v29 =	vor.u32 v19, v26;
	[tilespmem:v32+s17+$0x0] =	vst.idx.msk $0xffff, v31;
	v27 =	vld.idx.msk [tilespmem:v30+s13+$0x0], $0xffff  }
0xa5c: {  	v32 =	vor.u32 v19, v28;
	v30 =	vor.u32 s28, v40;
	v31 =	vld.idx.msk [tilespmem:v33+s13+$0x0], $0xffff  }
0xa5d: {  	v33 =	vor.u32 s29, v40  }
0xa5e: {  	v40 =	vld [tilespmem:$0x1F7C0];
	_ =	sdelay $0x1  }
0xa5f: {  	[tilespmem:v29+s17+$0x0] =	vst.idx.msk $0xffff, v27  }
0xa60: {  	v29 =	vor.u32 v21, v26;
	[tilespmem:v32+s17+$0x0] =	vst.idx.msk $0xffff, v31;
	v27 =	vld.idx.msk [tilespmem:v30+s13+$0x0], $0xffff  }
0xa61: {  	v32 =	vor.u32 v21, v28;
	v31 =	vld.idx.msk [tilespmem:v33+s13+$0x0], $0xffff  }
0xa62: {  	v30 =	vor.u32 s28, v40  }
0xa63: {  	v40 =	vor.u32 s29, v40;
	_ =	sdelay $0x1  }
0xa64: {  	[tilespmem:v29+s17+$0x0] =	vst.idx.msk $0xffff, v27  }
0xa65: {  	[tilespmem:v32+s17+$0x0] =	vst.idx.msk $0xffff, v31;
	v31 =	vld [tilespmem:$0x1F7E0]  }
0xa66: {  	v27 =	vld.idx.msk [tilespmem:v30+s13+$0x0], $0xffff  }
0xa67: {  	v26 =	vor.u32 v23, v26;
	v30 =	vld.idx.msk [tilespmem:v40+s13+$0x0], $0xffff  }
0xa68: {  	v28 =	vor.u32 v23, v28;
	v40 =	vld [tilespmem:$0x1F350];
	_ =	sdelay $0x3  }
0xa69: {  	v29 =	vor.u32 s28, v31;
	[tilespmem:v26+s17+$0x0] =	vst.idx.msk $0xffff, v27  }
0xa6a: {  	v31 =	vor.u32 s29, v31;
	v26 =	vor.u32 v40, v24;
	[tilespmem:v28+s17+$0x0] =	vst.idx.msk $0xffff, v30;
	v28 =	vor.u32 v40, v25;
	v40 =	vld [tilespmem:$0x1F800];
	_ =	sdelay $0x3  }
0xa6b: {  	v27 =	vld.idx.msk [tilespmem:v29+s13+$0x0], $0xffff;
	v29 =	vor.u32 v2, v26  }
0xa6c: {  	v32 =	vor.u32 v2, v28;
	v31 =	vld.idx.msk [tilespmem:v31+s13+$0x0], $0xffff;
	v30 =	vor.u32 s28, v40  }
0xa6d: {  	v33 =	vor.u32 s29, v40;
	v40 =	vld [tilespmem:$0x1F820];
	_ =	sdelay $0x2  }
0xa6e: {  	[tilespmem:v29+s17+$0x0] =	vst.idx.msk $0xffff, v27  }
0xa6f: {  	v29 =	vor.u32 v11, v26;
	[tilespmem:v32+s17+$0x0] =	vst.idx.msk $0xffff, v31;
	v27 =	vld.idx.msk [tilespmem:v30+s13+$0x0], $0xffff  }
0xa70: {  	v32 =	vor.u32 v11, v28;
	v30 =	vor.u32 s28, v40;
	v31 =	vld.idx.msk [tilespmem:v33+s13+$0x0], $0xffff  }
0xa71: {  	v33 =	vor.u32 s29, v40;
	v40 =	vld [tilespmem:$0x1F840];
	_ =	sdelay $0x2  }
0xa72: {  	[tilespmem:v29+s17+$0x0] =	vst.idx.msk $0xffff, v27  }
0xa73: {  	v29 =	vor.u32 v13, v26;
	[tilespmem:v32+s17+$0x0] =	vst.idx.msk $0xffff, v31;
	v27 =	vld.idx.msk [tilespmem:v30+s13+$0x0], $0xffff  }
0xa74: {  	v32 =	vor.u32 v13, v28;
	v30 =	vor.u32 s28, v40;
	v31 =	vld.idx.msk [tilespmem:v33+s13+$0x0], $0xffff  }
0xa75: {  	v33 =	vor.u32 s29, v40;
	v40 =	vld [tilespmem:$0x1F860];
	_ =	sdelay $0x2  }
0xa76: {  	[tilespmem:v29+s17+$0x0] =	vst.idx.msk $0xffff, v27  }
0xa77: {  	v29 =	vor.u32 v15, v26;
	[tilespmem:v32+s17+$0x0] =	vst.idx.msk $0xffff, v31;
	v27 =	vld.idx.msk [tilespmem:v30+s13+$0x0], $0xffff  }
0xa78: {  	v32 =	vor.u32 v15, v28;
	v30 =	vor.u32 s28, v40;
	v31 =	vld.idx.msk [tilespmem:v33+s13+$0x0], $0xffff  }
0xa79: {  	v33 =	vor.u32 s29, v40;
	v40 =	vld [tilespmem:$0x1F880];
	_ =	sdelay $0x2  }
0xa7a: {  	[tilespmem:v29+s17+$0x0] =	vst.idx.msk $0xffff, v27  }
0xa7b: {  	v29 =	vor.u32 v17, v26;
	[tilespmem:v32+s17+$0x0] =	vst.idx.msk $0xffff, v31;
	v27 =	vld.idx.msk [tilespmem:v30+s13+$0x0], $0xffff  }
0xa7c: {  	v32 =	vor.u32 v17, v28;
	v30 =	vor.u32 s28, v40;
	v31 =	vld.idx.msk [tilespmem:v33+s13+$0x0], $0xffff  }
0xa7d: {  	v33 =	vor.u32 s29, v40;
	v40 =	vld [tilespmem:$0x1F8A0];
	_ =	sdelay $0x2  }
0xa7e: {  	[tilespmem:v29+s17+$0x0] =	vst.idx.msk $0xffff, v27  }
0xa7f: {  	v29 =	vor.u32 v19, v26;
	[tilespmem:v32+s17+$0x0] =	vst.idx.msk $0xffff, v31;
	v27 =	vld.idx.msk [tilespmem:v30+s13+$0x0], $0xffff  }
0xa80: {  	v32 =	vor.u32 v19, v28;
	v30 =	vor.u32 s28, v40;
	v31 =	vld.idx.msk [tilespmem:v33+s13+$0x0], $0xffff  }
0xa81: {  	v33 =	vor.u32 s29, v40  }
0xa82: {  	v40 =	vld [tilespmem:$0x1F8C0];
	_ =	sdelay $0x1  }
0xa83: {  	[tilespmem:v29+s17+$0x0] =	vst.idx.msk $0xffff, v27  }
0xa84: {  	v29 =	vor.u32 v21, v26;
	[tilespmem:v32+s17+$0x0] =	vst.idx.msk $0xffff, v31;
	v27 =	vld.idx.msk [tilespmem:v30+s13+$0x0], $0xffff  }
0xa85: {  	v32 =	vor.u32 v21, v28;
	v31 =	vld.idx.msk [tilespmem:v33+s13+$0x0], $0xffff  }
0xa86: {  	v30 =	vor.u32 s28, v40  }
0xa87: {  	v40 =	vor.u32 s29, v40;
	_ =	sdelay $0x1  }
0xa88: {  	[tilespmem:v29+s17+$0x0] =	vst.idx.msk $0xffff, v27  }
0xa89: {  	[tilespmem:v32+s17+$0x0] =	vst.idx.msk $0xffff, v31;
	v31 =	vld [tilespmem:$0x1F8E0]  }
0xa8a: {  	v27 =	vld.idx.msk [tilespmem:v30+s13+$0x0], $0xffff  }
0xa8b: {  	v26 =	vor.u32 v23, v26;
	v30 =	vld.idx.msk [tilespmem:v40+s13+$0x0], $0xffff  }
0xa8c: {  	v28 =	vor.u32 v23, v28;
	v40 =	vld [tilespmem:$0x1F340];
	_ =	sdelay $0x3  }
0xa8d: {  	v29 =	vor.u32 s28, v31;
	[tilespmem:v26+s17+$0x0] =	vst.idx.msk $0xffff, v27  }
0xa8e: {  	v31 =	vor.u32 s29, v31;
	v26 =	vor.u32 v40, v24;
	[tilespmem:v28+s17+$0x0] =	vst.idx.msk $0xffff, v30;
	v28 =	vor.u32 v40, v25;
	v40 =	vld [tilespmem:$0x1F900];
	_ =	sdelay $0x3  }
0xa8f: {  	v27 =	vld.idx.msk [tilespmem:v29+s13+$0x0], $0xffff;
	v29 =	vor.u32 v2, v26  }
0xa90: {  	v32 =	vor.u32 v2, v28;
	v31 =	vld.idx.msk [tilespmem:v31+s13+$0x0], $0xffff;
	v30 =	vor.u32 s28, v40  }
0xa91: {  	v33 =	vor.u32 s29, v40;
	v40 =	vld [tilespmem:$0x1F920];
	_ =	sdelay $0x2  }
0xa92: {  	[tilespmem:v29+s17+$0x0] =	vst.idx.msk $0xffff, v27  }
0xa93: {  	v29 =	vor.u32 v11, v26;
	[tilespmem:v32+s17+$0x0] =	vst.idx.msk $0xffff, v31;
	v27 =	vld.idx.msk [tilespmem:v30+s13+$0x0], $0xffff  }
0xa94: {  	v32 =	vor.u32 v11, v28;
	v30 =	vor.u32 s28, v40;
	v31 =	vld.idx.msk [tilespmem:v33+s13+$0x0], $0xffff  }
0xa95: {  	v33 =	vor.u32 s29, v40;
	v40 =	vld [tilespmem:$0x1F940];
	_ =	sdelay $0x2  }
0xa96: {  	[tilespmem:v29+s17+$0x0] =	vst.idx.msk $0xffff, v27  }
0xa97: {  	v29 =	vor.u32 v13, v26;
	[tilespmem:v32+s17+$0x0] =	vst.idx.msk $0xffff, v31;
	v27 =	vld.idx.msk [tilespmem:v30+s13+$0x0], $0xffff  }
0xa98: {  	v32 =	vor.u32 v13, v28;
	v30 =	vor.u32 s28, v40;
	v31 =	vld.idx.msk [tilespmem:v33+s13+$0x0], $0xffff  }
0xa99: {  	v33 =	vor.u32 s29, v40;
	v40 =	vld [tilespmem:$0x1F960];
	_ =	sdelay $0x2  }
0xa9a: {  	[tilespmem:v29+s17+$0x0] =	vst.idx.msk $0xffff, v27  }
0xa9b: {  	v29 =	vor.u32 v15, v26;
	[tilespmem:v32+s17+$0x0] =	vst.idx.msk $0xffff, v31;
	v27 =	vld.idx.msk [tilespmem:v30+s13+$0x0], $0xffff  }
0xa9c: {  	v32 =	vor.u32 v15, v28;
	v30 =	vor.u32 s28, v40;
	v31 =	vld.idx.msk [tilespmem:v33+s13+$0x0], $0xffff  }
0xa9d: {  	v33 =	vor.u32 s29, v40;
	v40 =	vld [tilespmem:$0x1F980];
	_ =	sdelay $0x2  }
0xa9e: {  	[tilespmem:v29+s17+$0x0] =	vst.idx.msk $0xffff, v27  }
0xa9f: {  	v29 =	vor.u32 v17, v26;
	[tilespmem:v32+s17+$0x0] =	vst.idx.msk $0xffff, v31;
	v27 =	vld.idx.msk [tilespmem:v30+s13+$0x0], $0xffff  }
0xaa0: {  	v32 =	vor.u32 v17, v28;
	v30 =	vor.u32 s28, v40;
	v31 =	vld.idx.msk [tilespmem:v33+s13+$0x0], $0xffff  }
0xaa1: {  	v33 =	vor.u32 s29, v40;
	v40 =	vld [tilespmem:$0x1F9A0];
	_ =	sdelay $0x2  }
0xaa2: {  	[tilespmem:v29+s17+$0x0] =	vst.idx.msk $0xffff, v27  }
0xaa3: {  	v29 =	vor.u32 v19, v26;
	[tilespmem:v32+s17+$0x0] =	vst.idx.msk $0xffff, v31;
	v27 =	vld.idx.msk [tilespmem:v30+s13+$0x0], $0xffff  }
0xaa4: {  	v32 =	vor.u32 v19, v28;
	v30 =	vor.u32 s28, v40;
	v31 =	vld.idx.msk [tilespmem:v33+s13+$0x0], $0xffff  }
0xaa5: {  	v33 =	vor.u32 s29, v40  }
0xaa6: {  	v40 =	vld [tilespmem:$0x1F9C0];
	_ =	sdelay $0x1  }
0xaa7: {  	[tilespmem:v29+s17+$0x0] =	vst.idx.msk $0xffff, v27  }
0xaa8: {  	v29 =	vor.u32 v21, v26;
	[tilespmem:v32+s17+$0x0] =	vst.idx.msk $0xffff, v31;
	v27 =	vld.idx.msk [tilespmem:v30+s13+$0x0], $0xffff  }
0xaa9: {  	v32 =	vor.u32 v21, v28;
	v31 =	vld.idx.msk [tilespmem:v33+s13+$0x0], $0xffff  }
0xaaa: {  	v30 =	vor.u32 s28, v40  }
0xaab: {  	v40 =	vor.u32 s29, v40;
	_ =	sdelay $0x1  }
0xaac: {  	[tilespmem:v29+s17+$0x0] =	vst.idx.msk $0xffff, v27  }
0xaad: {  	[tilespmem:v32+s17+$0x0] =	vst.idx.msk $0xffff, v31;
	v31 =	vld [tilespmem:$0x1F9E0]  }
0xaae: {  	v27 =	vld.idx.msk [tilespmem:v30+s13+$0x0], $0xffff  }
0xaaf: {  	v26 =	vor.u32 v23, v26;
	v30 =	vld.idx.msk [tilespmem:v40+s13+$0x0], $0xffff  }
0xab0: {  	v28 =	vor.u32 v23, v28;
	v40 =	vld [tilespmem:$0x1F330];
	_ =	sdelay $0x3  }
0xab1: {  	v29 =	vor.u32 s28, v31;
	[tilespmem:v26+s17+$0x0] =	vst.idx.msk $0xffff, v27  }
0xab2: {  	v31 =	vor.u32 s29, v31;
	v26 =	vor.u32 v40, v24;
	[tilespmem:v28+s17+$0x0] =	vst.idx.msk $0xffff, v30;
	v28 =	vor.u32 v40, v25;
	v40 =	vld [tilespmem:$0x1FA00];
	_ =	sdelay $0x3  }
0xab3: {  	v27 =	vld.idx.msk [tilespmem:v29+s13+$0x0], $0xffff;
	v29 =	vor.u32 v2, v26  }
0xab4: {  	v32 =	vor.u32 v2, v28;
	v31 =	vld.idx.msk [tilespmem:v31+s13+$0x0], $0xffff;
	v30 =	vor.u32 s28, v40  }
0xab5: {  	v33 =	vor.u32 s29, v40;
	v40 =	vld [tilespmem:$0x1FA20];
	_ =	sdelay $0x2  }
0xab6: {  	[tilespmem:v29+s17+$0x0] =	vst.idx.msk $0xffff, v27  }
0xab7: {  	v29 =	vor.u32 v11, v26;
	[tilespmem:v32+s17+$0x0] =	vst.idx.msk $0xffff, v31;
	v27 =	vld.idx.msk [tilespmem:v30+s13+$0x0], $0xffff  }
0xab8: {  	v32 =	vor.u32 v11, v28;
	v30 =	vor.u32 s28, v40;
	v31 =	vld.idx.msk [tilespmem:v33+s13+$0x0], $0xffff  }
0xab9: {  	v33 =	vor.u32 s29, v40;
	v40 =	vld [tilespmem:$0x1FA40];
	_ =	sdelay $0x2  }
0xaba: {  	[tilespmem:v29+s17+$0x0] =	vst.idx.msk $0xffff, v27  }
0xabb: {  	v29 =	vor.u32 v13, v26;
	[tilespmem:v32+s17+$0x0] =	vst.idx.msk $0xffff, v31;
	v27 =	vld.idx.msk [tilespmem:v30+s13+$0x0], $0xffff  }
0xabc: {  	v32 =	vor.u32 v13, v28;
	v30 =	vor.u32 s28, v40;
	v31 =	vld.idx.msk [tilespmem:v33+s13+$0x0], $0xffff  }
0xabd: {  	v33 =	vor.u32 s29, v40;
	v40 =	vld [tilespmem:$0x1FA60];
	_ =	sdelay $0x2  }
0xabe: {  	[tilespmem:v29+s17+$0x0] =	vst.idx.msk $0xffff, v27  }
0xabf: {  	v29 =	vor.u32 v15, v26;
	[tilespmem:v32+s17+$0x0] =	vst.idx.msk $0xffff, v31;
	v27 =	vld.idx.msk [tilespmem:v30+s13+$0x0], $0xffff  }
0xac0: {  	v32 =	vor.u32 v15, v28;
	v30 =	vor.u32 s28, v40;
	v31 =	vld.idx.msk [tilespmem:v33+s13+$0x0], $0xffff  }
0xac1: {  	v33 =	vor.u32 s29, v40;
	v40 =	vld [tilespmem:$0x1FA80];
	_ =	sdelay $0x2  }
0xac2: {  	[tilespmem:v29+s17+$0x0] =	vst.idx.msk $0xffff, v27  }
0xac3: {  	v29 =	vor.u32 v17, v26;
	[tilespmem:v32+s17+$0x0] =	vst.idx.msk $0xffff, v31;
	v27 =	vld.idx.msk [tilespmem:v30+s13+$0x0], $0xffff  }
0xac4: {  	v32 =	vor.u32 v17, v28;
	v30 =	vor.u32 s28, v40;
	v31 =	vld.idx.msk [tilespmem:v33+s13+$0x0], $0xffff  }
0xac5: {  	v33 =	vor.u32 s29, v40;
	v40 =	vld [tilespmem:$0x1FAA0];
	_ =	sdelay $0x2  }
0xac6: {  	[tilespmem:v29+s17+$0x0] =	vst.idx.msk $0xffff, v27  }
0xac7: {  	v29 =	vor.u32 v19, v26;
	[tilespmem:v32+s17+$0x0] =	vst.idx.msk $0xffff, v31;
	v27 =	vld.idx.msk [tilespmem:v30+s13+$0x0], $0xffff  }
0xac8: {  	v32 =	vor.u32 v19, v28;
	v30 =	vor.u32 s28, v40;
	v31 =	vld.idx.msk [tilespmem:v33+s13+$0x0], $0xffff  }
0xac9: {  	v33 =	vor.u32 s29, v40  }
0xaca: {  	v40 =	vld [tilespmem:$0x1FAC0];
	_ =	sdelay $0x1  }
0xacb: {  	[tilespmem:v29+s17+$0x0] =	vst.idx.msk $0xffff, v27  }
0xacc: {  	v29 =	vor.u32 v21, v26;
	[tilespmem:v32+s17+$0x0] =	vst.idx.msk $0xffff, v31;
	v27 =	vld.idx.msk [tilespmem:v30+s13+$0x0], $0xffff  }
0xacd: {  	v32 =	vor.u32 v21, v28;
	v31 =	vld.idx.msk [tilespmem:v33+s13+$0x0], $0xffff  }
0xace: {  	v30 =	vor.u32 s28, v40  }
0xacf: {  	v40 =	vor.u32 s29, v40;
	_ =	sdelay $0x1  }
0xad0: {  	[tilespmem:v29+s17+$0x0] =	vst.idx.msk $0xffff, v27  }
0xad1: {  	[tilespmem:v32+s17+$0x0] =	vst.idx.msk $0xffff, v31;
	v31 =	vld [tilespmem:$0x1FAE0]  }
0xad2: {  	v27 =	vld.idx.msk [tilespmem:v30+s13+$0x0], $0xffff  }
0xad3: {  	v26 =	vor.u32 v23, v26;
	v30 =	vld.idx.msk [tilespmem:v40+s13+$0x0], $0xffff  }
0xad4: {  	v28 =	vor.u32 v23, v28;
	v40 =	vld [tilespmem:$0x1F320];
	_ =	sdelay $0x3  }
0xad5: {  	v29 =	vor.u32 s28, v31;
	[tilespmem:v26+s17+$0x0] =	vst.idx.msk $0xffff, v27  }
0xad6: {  	v31 =	vor.u32 s29, v31;
	v26 =	vor.u32 v40, v24;
	[tilespmem:v28+s17+$0x0] =	vst.idx.msk $0xffff, v30;
	v28 =	vor.u32 v40, v25;
	v40 =	vld [tilespmem:$0x1FB00];
	_ =	sdelay $0x3  }
0xad7: {  	v27 =	vld.idx.msk [tilespmem:v29+s13+$0x0], $0xffff;
	v29 =	vor.u32 v2, v26  }
0xad8: {  	v32 =	vor.u32 v2, v28;
	v31 =	vld.idx.msk [tilespmem:v31+s13+$0x0], $0xffff;
	v30 =	vor.u32 s28, v40  }
0xad9: {  	v33 =	vor.u32 s29, v40;
	v40 =	vld [tilespmem:$0x1FB20];
	_ =	sdelay $0x2  }
0xada: {  	[tilespmem:v29+s17+$0x0] =	vst.idx.msk $0xffff, v27  }
0xadb: {  	v29 =	vor.u32 v11, v26;
	[tilespmem:v32+s17+$0x0] =	vst.idx.msk $0xffff, v31;
	v27 =	vld.idx.msk [tilespmem:v30+s13+$0x0], $0xffff  }
0xadc: {  	v32 =	vor.u32 v11, v28;
	v30 =	vor.u32 s28, v40;
	v31 =	vld.idx.msk [tilespmem:v33+s13+$0x0], $0xffff  }
0xadd: {  	v33 =	vor.u32 s29, v40;
	v40 =	vld [tilespmem:$0x1FB40];
	_ =	sdelay $0x2  }
0xade: {  	[tilespmem:v29+s17+$0x0] =	vst.idx.msk $0xffff, v27  }
0xadf: {  	v29 =	vor.u32 v13, v26;
	[tilespmem:v32+s17+$0x0] =	vst.idx.msk $0xffff, v31;
	v27 =	vld.idx.msk [tilespmem:v30+s13+$0x0], $0xffff  }
0xae0: {  	v32 =	vor.u32 v13, v28;
	v30 =	vor.u32 s28, v40;
	v31 =	vld.idx.msk [tilespmem:v33+s13+$0x0], $0xffff  }
0xae1: {  	v40 =	vor.u32 s29, v40;
	_ =	sdelay $0x2  }
0xae2: {  	[tilespmem:v29+s17+$0x0] =	vst.idx.msk $0xffff, v27  }
0xae3: {  	v29 =	vor.u32 v15, v26;
	[tilespmem:v32+s17+$0x0] =	vst.idx.msk $0xffff, v31;
	v27 =	vld.idx.msk [tilespmem:v30+s13+$0x0], $0xffff  }
0xae4: {  	v32 =	vor.u32 v15, v28;
	v30 =	vor.u32 s28, v41;
	v31 =	vld.idx.msk [tilespmem:v40+s13+$0x0], $0xffff  }
0xae5: {  	v40 =	vor.u32 s29, v41;
	_ =	sdelay $0x2  }
0xae6: {  	[tilespmem:v29+s17+$0x0] =	vst.idx.msk $0xffff, v27  }
0xae7: {  	v29 =	vor.u32 v17, v26;
	[tilespmem:v32+s17+$0x0] =	vst.idx.msk $0xffff, v31;
	v27 =	vld.idx.msk [tilespmem:v30+s13+$0x0], $0xffff  }
0xae8: {  	v32 =	vor.u32 v17, v28;
	v30 =	vor.u32 s28, v42;
	v31 =	vld.idx.msk [tilespmem:v40+s13+$0x0], $0xffff  }
0xae9: {  	v40 =	vor.u32 s29, v42;
	_ =	sdelay $0x2  }
0xaea: {  	[tilespmem:v29+s17+$0x0] =	vst.idx.msk $0xffff, v27  }
0xaeb: {  	v29 =	vor.u32 v19, v26;
	[tilespmem:v32+s17+$0x0] =	vst.idx.msk $0xffff, v31;
	v27 =	vld.idx.msk [tilespmem:v30+s13+$0x0], $0xffff  }
0xaec: {  	v32 =	vor.u32 v19, v28;
	v30 =	vor.u32 s28, v43;
	v31 =	vld.idx.msk [tilespmem:v40+s13+$0x0], $0xffff  }
0xaed: {  	v40 =	vor.u32 s29, v43;
	_ =	sdelay $0x2  }
0xaee: {  	[tilespmem:v29+s17+$0x0] =	vst.idx.msk $0xffff, v27  }
0xaef: {  	v29 =	vor.u32 v21, v26;
	[tilespmem:v32+s17+$0x0] =	vst.idx.msk $0xffff, v31;
	v27 =	vld.idx.msk [tilespmem:v30+s13+$0x0], $0xffff  }
0xaf0: {  	v32 =	vor.u32 v21, v28;
	v30 =	vor.u32 s28, v44;
	v31 =	vld.idx.msk [tilespmem:v40+s13+$0x0], $0xffff  }
0xaf1: {  	v40 =	vor.u32 s29, v44;
	_ =	sdelay $0x2  }
0xaf2: {  	[tilespmem:v29+s17+$0x0] =	vst.idx.msk $0xffff, v27  }
0xaf3: {  	[tilespmem:v32+s17+$0x0] =	vst.idx.msk $0xffff, v31;
	v27 =	vld.idx.msk [tilespmem:v30+s13+$0x0], $0xffff  }
0xaf4: {  	v30 =	vld.idx.msk [tilespmem:v40+s13+$0x0], $0xffff  }
0xaf5: {  	v26 =	vor.u32 v23, v26;
	v40 =	vld [tilespmem:$0x1F310]  }
0xaf6: {  	v28 =	vor.u32 v23, v28;
	v29 =	vor.u32 s28, v45  }
0xaf7: {  	v31 =	vor.u32 s29, v45;
	_ =	sdelay $0x2  }
0xaf8: {  	[tilespmem:v26+s17+$0x0] =	vst.idx.msk $0xffff, v27;
	v26 =	vor.u32 v40, v24  }
0xaf9: {  	[tilespmem:v28+s17+$0x0] =	vst.idx.msk $0xffff, v30;
	v28 =	vor.u32 v40, v25;
	v27 =	vld.idx.msk [tilespmem:v29+s13+$0x0], $0xffff;
	v29 =	vor.u32 v2, v26  }
0xafa: {  	v30 =	vor.u32 s28, v46;
	v31 =	vld.idx.msk [tilespmem:v31+s13+$0x0], $0xffff;
	v32 =	vor.u32 v2, v28  }
0xafb: {  	v40 =	vor.u32 s29, v46;
	_ =	sdelay $0x2  }
0xafc: {  	[tilespmem:v29+s17+$0x0] =	vst.idx.msk $0xffff, v27  }
0xafd: {  	v29 =	vor.u32 v11, v26;
	[tilespmem:v32+s17+$0x0] =	vst.idx.msk $0xffff, v31;
	v27 =	vld.idx.msk [tilespmem:v30+s13+$0x0], $0xffff  }
0xafe: {  	v32 =	vor.u32 v11, v28;
	v30 =	vor.u32 s28, v47;
	v31 =	vld.idx.msk [tilespmem:v40+s13+$0x0], $0xffff  }
0xaff: {  	v40 =	vor.u32 s29, v47;
	_ =	sdelay $0x2  }
0xb00: {  	[tilespmem:v29+s17+$0x0] =	vst.idx.msk $0xffff, v27  }
0xb01: {  	v29 =	vor.u32 v13, v26;
	[tilespmem:v32+s17+$0x0] =	vst.idx.msk $0xffff, v31;
	v27 =	vld.idx.msk [tilespmem:v30+s13+$0x0], $0xffff  }
0xb02: {  	v32 =	vor.u32 v13, v28;
	v30 =	vor.u32 s28, v48;
	v31 =	vld.idx.msk [tilespmem:v40+s13+$0x0], $0xffff  }
0xb03: {  	v40 =	vor.u32 s29, v48;
	_ =	sdelay $0x2  }
0xb04: {  	[tilespmem:v29+s17+$0x0] =	vst.idx.msk $0xffff, v27  }
0xb05: {  	v29 =	vor.u32 v15, v26;
	[tilespmem:v32+s17+$0x0] =	vst.idx.msk $0xffff, v31;
	v27 =	vld.idx.msk [tilespmem:v30+s13+$0x0], $0xffff  }
0xb06: {  	v32 =	vor.u32 v15, v28;
	v30 =	vor.u32 s28, v49;
	v31 =	vld.idx.msk [tilespmem:v40+s13+$0x0], $0xffff  }
0xb07: {  	v40 =	vor.u32 s29, v49;
	_ =	sdelay $0x2  }
0xb08: {  	[tilespmem:v29+s17+$0x0] =	vst.idx.msk $0xffff, v27  }
0xb09: {  	v29 =	vor.u32 v17, v26;
	[tilespmem:v32+s17+$0x0] =	vst.idx.msk $0xffff, v31;
	v27 =	vld.idx.msk [tilespmem:v30+s13+$0x0], $0xffff  }
0xb0a: {  	v32 =	vor.u32 v17, v28;
	v30 =	vor.u32 s28, v50;
	v31 =	vld.idx.msk [tilespmem:v40+s13+$0x0], $0xffff  }
0xb0b: {  	v40 =	vor.u32 s29, v50;
	_ =	sdelay $0x2  }
0xb0c: {  	[tilespmem:v29+s17+$0x0] =	vst.idx.msk $0xffff, v27  }
0xb0d: {  	v29 =	vor.u32 v19, v26;
	[tilespmem:v32+s17+$0x0] =	vst.idx.msk $0xffff, v31;
	v27 =	vld.idx.msk [tilespmem:v30+s13+$0x0], $0xffff  }
0xb0e: {  	v32 =	vor.u32 v19, v28;
	v30 =	vor.u32 s28, v51;
	v31 =	vld.idx.msk [tilespmem:v40+s13+$0x0], $0xffff  }
0xb0f: {  	v40 =	vor.u32 s29, v51;
	_ =	sdelay $0x2  }
0xb10: {  	[tilespmem:v29+s17+$0x0] =	vst.idx.msk $0xffff, v27  }
0xb11: {  	v29 =	vor.u32 v21, v26;
	[tilespmem:v32+s17+$0x0] =	vst.idx.msk $0xffff, v31;
	v27 =	vld.idx.msk [tilespmem:v30+s13+$0x0], $0xffff  }
0xb12: {  	v32 =	vor.u32 v21, v28;
	v30 =	vor.u32 s28, v52;
	v31 =	vld.idx.msk [tilespmem:v40+s13+$0x0], $0xffff  }
0xb13: {  	v40 =	vor.u32 s29, v52;
	_ =	sdelay $0x2  }
0xb14: {  	[tilespmem:v29+s17+$0x0] =	vst.idx.msk $0xffff, v27  }
0xb15: {  	[tilespmem:v32+s17+$0x0] =	vst.idx.msk $0xffff, v31;
	v27 =	vld.idx.msk [tilespmem:v30+s13+$0x0], $0xffff  }
0xb16: {  	v30 =	vld.idx.msk [tilespmem:v40+s13+$0x0], $0xffff  }
0xb17: {  	v26 =	vor.u32 v23, v26;
	v40 =	vld [tilespmem:$0x1F300]  }
0xb18: {  	v28 =	vor.u32 v23, v28;
	v29 =	vor.u32 s28, v53  }
0xb19: {  	v31 =	vor.u32 s29, v53;
	_ =	sdelay $0x2  }
0xb1a: {  	[tilespmem:v26+s17+$0x0] =	vst.idx.msk $0xffff, v27;
	v26 =	vor.u32 v40, v24  }
0xb1b: {  	[tilespmem:v28+s17+$0x0] =	vst.idx.msk $0xffff, v30;
	v28 =	vor.u32 v40, v25;
	v27 =	vld.idx.msk [tilespmem:v29+s13+$0x0], $0xffff;
	v29 =	vor.u32 v2, v26  }
0xb1c: {  	v30 =	vor.u32 s28, v54;
	v31 =	vld.idx.msk [tilespmem:v31+s13+$0x0], $0xffff;
	v32 =	vor.u32 v2, v28  }
0xb1d: {  	v40 =	vor.u32 s29, v54;
	_ =	sdelay $0x2  }
0xb1e: {  	[tilespmem:v29+s17+$0x0] =	vst.idx.msk $0xffff, v27  }
0xb1f: {  	v29 =	vor.u32 v11, v26;
	[tilespmem:v32+s17+$0x0] =	vst.idx.msk $0xffff, v31;
	v27 =	vld.idx.msk [tilespmem:v30+s13+$0x0], $0xffff  }
0xb20: {  	v32 =	vor.u32 v11, v28;
	v30 =	vor.u32 s28, v55;
	v31 =	vld.idx.msk [tilespmem:v40+s13+$0x0], $0xffff  }
0xb21: {  	v40 =	vor.u32 s29, v55;
	_ =	sdelay $0x2  }
0xb22: {  	[tilespmem:v29+s17+$0x0] =	vst.idx.msk $0xffff, v27  }
0xb23: {  	v29 =	vor.u32 v13, v26;
	[tilespmem:v32+s17+$0x0] =	vst.idx.msk $0xffff, v31;
	v27 =	vld.idx.msk [tilespmem:v30+s13+$0x0], $0xffff  }
0xb24: {  	v32 =	vor.u32 v13, v28;
	v30 =	vor.u32 s28, v56;
	v31 =	vld.idx.msk [tilespmem:v40+s13+$0x0], $0xffff  }
0xb25: {  	v40 =	vor.u32 s29, v56;
	_ =	sdelay $0x2  }
0xb26: {  	[tilespmem:v29+s17+$0x0] =	vst.idx.msk $0xffff, v27  }
0xb27: {  	v29 =	vor.u32 v15, v26;
	[tilespmem:v32+s17+$0x0] =	vst.idx.msk $0xffff, v31;
	v27 =	vld.idx.msk [tilespmem:v30+s13+$0x0], $0xffff  }
0xb28: {  	v32 =	vor.u32 v15, v28;
	v30 =	vor.u32 s28, v57;
	v31 =	vld.idx.msk [tilespmem:v40+s13+$0x0], $0xffff  }
0xb29: {  	v40 =	vor.u32 s29, v57;
	_ =	sdelay $0x2  }
0xb2a: {  	[tilespmem:v29+s17+$0x0] =	vst.idx.msk $0xffff, v27  }
0xb2b: {  	v29 =	vor.u32 v17, v26;
	[tilespmem:v32+s17+$0x0] =	vst.idx.msk $0xffff, v31;
	v27 =	vld.idx.msk [tilespmem:v30+s13+$0x0], $0xffff  }
0xb2c: {  	v32 =	vor.u32 v17, v28;
	v30 =	vor.u32 s28, v58;
	v31 =	vld.idx.msk [tilespmem:v40+s13+$0x0], $0xffff  }
0xb2d: {  	v40 =	vor.u32 s29, v58;
	_ =	sdelay $0x2  }
0xb2e: {  	[tilespmem:v29+s17+$0x0] =	vst.idx.msk $0xffff, v27  }
0xb2f: {  	v29 =	vor.u32 v19, v26;
	[tilespmem:v32+s17+$0x0] =	vst.idx.msk $0xffff, v31;
	v27 =	vld.idx.msk [tilespmem:v30+s13+$0x0], $0xffff  }
0xb30: {  	v32 =	vor.u32 v19, v28;
	v30 =	vor.u32 s28, v59;
	v31 =	vld.idx.msk [tilespmem:v40+s13+$0x0], $0xffff  }
0xb31: {  	v40 =	vor.u32 s29, v59;
	_ =	sdelay $0x2  }
0xb32: {  	[tilespmem:v29+s17+$0x0] =	vst.idx.msk $0xffff, v27  }
0xb33: {  	v29 =	vor.u32 v21, v26;
	[tilespmem:v32+s17+$0x0] =	vst.idx.msk $0xffff, v31;
	v27 =	vld.idx.msk [tilespmem:v30+s13+$0x0], $0xffff  }
0xb34: {  	v32 =	vor.u32 v21, v28;
	v30 =	vor.u32 s28, v60;
	v31 =	vld.idx.msk [tilespmem:v40+s13+$0x0], $0xffff  }
0xb35: {  	v40 =	vor.u32 s29, v60;
	_ =	sdelay $0x2  }
0xb36: {  	[tilespmem:v29+s17+$0x0] =	vst.idx.msk $0xffff, v27  }
0xb37: {  	[tilespmem:v32+s17+$0x0] =	vst.idx.msk $0xffff, v31;
	v27 =	vld.idx.msk [tilespmem:v30+s13+$0x0], $0xffff  }
0xb38: {  	v30 =	vld.idx.msk [tilespmem:v40+s13+$0x0], $0xffff  }
0xb39: {  	v26 =	vor.u32 v23, v26;
	v40 =	vld [tilespmem:$0x1F2F0]  }
0xb3a: {  	v28 =	vor.u32 v23, v28;
	v29 =	vor.u32 s28, v61  }
0xb3b: {  	v31 =	vor.u32 s29, v61;
	_ =	sdelay $0x2  }
0xb3c: {  	[tilespmem:v26+s17+$0x0] =	vst.idx.msk $0xffff, v27;
	v26 =	vor.u32 v40, v24  }
0xb3d: {  	[tilespmem:v28+s17+$0x0] =	vst.idx.msk $0xffff, v30;
	v28 =	vor.u32 v40, v25;
	v27 =	vld.idx.msk [tilespmem:v29+s13+$0x0], $0xffff;
	v29 =	vor.u32 v2, v26  }
0xb3e: {  	v30 =	vor.u32 s28, v62;
	v31 =	vld.idx.msk [tilespmem:v31+s13+$0x0], $0xffff;
	v32 =	vor.u32 v2, v28  }
0xb3f: {  	v40 =	vor.u32 s29, v62;
	_ =	sdelay $0x2  }
0xb40: {  	[tilespmem:v29+s17+$0x0] =	vst.idx.msk $0xffff, v27  }
0xb41: {  	v29 =	vor.u32 v11, v26;
	[tilespmem:v32+s17+$0x0] =	vst.idx.msk $0xffff, v31;
	v27 =	vld.idx.msk [tilespmem:v30+s13+$0x0], $0xffff  }
0xb42: {  	v32 =	vor.u32 v11, v28;
	v30 =	vor.u32 s28, v63;
	v31 =	vld.idx.msk [tilespmem:v40+s13+$0x0], $0xffff  }
0xb43: {  	v40 =	vor.u32 s29, v63;
	_ =	sdelay $0x2  }
0xb44: {  	[tilespmem:v29+s17+$0x0] =	vst.idx.msk $0xffff, v27  }
0xb45: {  	v29 =	vor.u32 v13, v26;
	[tilespmem:v32+s17+$0x0] =	vst.idx.msk $0xffff, v31;
	v27 =	vld.idx.msk [tilespmem:v30+s13+$0x0], $0xffff  }
0xb46: {  	v32 =	vor.u32 v13, v28;
	v30 =	vor.u32 s28, v0;
	v31 =	vld.idx.msk [tilespmem:v40+s13+$0x0], $0xffff  }
0xb47: {  	v40 =	vor.u32 s29, v0;
	_ =	sdelay $0x2  }
0xb48: {  	[tilespmem:v29+s17+$0x0] =	vst.idx.msk $0xffff, v27  }
0xb49: {  	v29 =	vor.u32 v15, v26;
	[tilespmem:v32+s17+$0x0] =	vst.idx.msk $0xffff, v31;
	v27 =	vld.idx.msk [tilespmem:v30+s13+$0x0], $0xffff  }
0xb4a: {  	v32 =	vor.u32 v15, v28;
	v30 =	vor.u32 s28, v1;
	v31 =	vld.idx.msk [tilespmem:v40+s13+$0x0], $0xffff  }
0xb4b: {  	v40 =	vor.u32 s29, v1;
	_ =	sdelay $0x2  }
0xb4c: {  	[tilespmem:v29+s17+$0x0] =	vst.idx.msk $0xffff, v27  }
0xb4d: {  	v29 =	vor.u32 v17, v26;
	[tilespmem:v32+s17+$0x0] =	vst.idx.msk $0xffff, v31;
	v27 =	vld.idx.msk [tilespmem:v30+s13+$0x0], $0xffff  }
0xb4e: {  	v32 =	vor.u32 v17, v28;
	v30 =	vor.u32 s28, v3;
	v31 =	vld.idx.msk [tilespmem:v40+s13+$0x0], $0xffff  }
0xb4f: {  	v40 =	vor.u32 s29, v3;
	_ =	sdelay $0x2  }
0xb50: {  	[tilespmem:v29+s17+$0x0] =	vst.idx.msk $0xffff, v27  }
0xb51: {  	v29 =	vor.u32 v19, v26;
	[tilespmem:v32+s17+$0x0] =	vst.idx.msk $0xffff, v31;
	v27 =	vld.idx.msk [tilespmem:v30+s13+$0x0], $0xffff  }
0xb52: {  	v32 =	vor.u32 v19, v28;
	v30 =	vor.u32 s28, v4;
	v31 =	vld.idx.msk [tilespmem:v40+s13+$0x0], $0xffff  }
0xb53: {  	v40 =	vor.u32 s29, v4;
	_ =	sdelay $0x2  }
0xb54: {  	[tilespmem:v29+s17+$0x0] =	vst.idx.msk $0xffff, v27  }
0xb55: {  	v29 =	vor.u32 v21, v26;
	[tilespmem:v32+s17+$0x0] =	vst.idx.msk $0xffff, v31;
	v27 =	vld.idx.msk [tilespmem:v30+s13+$0x0], $0xffff  }
0xb56: {  	v32 =	vor.u32 v21, v28;
	v30 =	vor.u32 s28, v5;
	v31 =	vld.idx.msk [tilespmem:v40+s13+$0x0], $0xffff  }
0xb57: {  	v40 =	vor.u32 s29, v5;
	_ =	sdelay $0x2  }
0xb58: {  	[tilespmem:v29+s17+$0x0] =	vst.idx.msk $0xffff, v27  }
0xb59: {  	[tilespmem:v32+s17+$0x0] =	vst.idx.msk $0xffff, v31;
	v27 =	vld.idx.msk [tilespmem:v30+s13+$0x0], $0xffff  }
0xb5a: {  	v30 =	vld.idx.msk [tilespmem:v40+s13+$0x0], $0xffff  }
0xb5b: {  	v26 =	vor.u32 v23, v26;
	v40 =	vld [tilespmem:$0x1F2E0]  }
0xb5c: {  	v28 =	vor.u32 v23, v28;
	v29 =	vor.u32 s28, v6  }
0xb5d: {  	v31 =	vor.u32 s29, v6;
	_ =	sdelay $0x2  }
0xb5e: {  	[tilespmem:v26+s17+$0x0] =	vst.idx.msk $0xffff, v27;
	v24 =	vor.u32 v40, v24  }
0xb5f: {  	[tilespmem:v28+s17+$0x0] =	vst.idx.msk $0xffff, v30;
	v25 =	vor.u32 v40, v25;
	v26 =	vld.idx.msk [tilespmem:v29+s13+$0x0], $0xffff;
	v27 =	vor.u32 v2, v24  }
0xb60: {  	v28 =	vor.u32 s28, v7;
	v29 =	vld.idx.msk [tilespmem:v31+s13+$0x0], $0xffff;
	v30 =	vor.u32 v2, v25  }
0xb61: {  	v31 =	vor.u32 s29, v7;
	_ =	sdelay $0x2  }
0xb62: {  	[tilespmem:v27+s17+$0x0] =	vst.idx.msk $0xffff, v26  }
0xb63: {  	v27 =	vor.u32 v11, v24;
	[tilespmem:v30+s17+$0x0] =	vst.idx.msk $0xffff, v29;
	v26 =	vld.idx.msk [tilespmem:v28+s13+$0x0], $0xffff  }
0xb64: {  	v30 =	vor.u32 v11, v25;
	v28 =	vor.u32 s28, v8;
	v29 =	vld.idx.msk [tilespmem:v31+s13+$0x0], $0xffff  }
0xb65: {  	v31 =	vor.u32 s29, v8;
	_ =	sdelay $0x2  }
0xb66: {  	[tilespmem:v27+s17+$0x0] =	vst.idx.msk $0xffff, v26  }
0xb67: {  	v27 =	vor.u32 v13, v24;
	[tilespmem:v30+s17+$0x0] =	vst.idx.msk $0xffff, v29;
	v26 =	vld.idx.msk [tilespmem:v28+s13+$0x0], $0xffff  }
0xb68: {  	v30 =	vor.u32 v13, v25;
	v28 =	vor.u32 s28, v9;
	v29 =	vld.idx.msk [tilespmem:v31+s13+$0x0], $0xffff  }
0xb69: {  	v31 =	vor.u32 s29, v9;
	_ =	sdelay $0x2  }
0xb6a: {  	[tilespmem:v27+s17+$0x0] =	vst.idx.msk $0xffff, v26  }
0xb6b: {  	v27 =	vor.u32 v15, v24;
	[tilespmem:v30+s17+$0x0] =	vst.idx.msk $0xffff, v29;
	v26 =	vld.idx.msk [tilespmem:v28+s13+$0x0], $0xffff  }
0xb6c: {  	v30 =	vor.u32 v15, v25;
	v28 =	vor.u32 s28, v12;
	v29 =	vld.idx.msk [tilespmem:v31+s13+$0x0], $0xffff  }
0xb6d: {  	v31 =	vor.u32 s29, v12;
	_ =	sdelay $0x2  }
0xb6e: {  	[tilespmem:v27+s17+$0x0] =	vst.idx.msk $0xffff, v26  }
0xb6f: {  	v27 =	vor.u32 v17, v24;
	[tilespmem:v30+s17+$0x0] =	vst.idx.msk $0xffff, v29;
	v26 =	vld.idx.msk [tilespmem:v28+s13+$0x0], $0xffff  }
0xb70: {  	v30 =	vor.u32 v17, v25;
	v28 =	vor.u32 s28, v14;
	v29 =	vld.idx.msk [tilespmem:v31+s13+$0x0], $0xffff  }
0xb71: {  	v31 =	vor.u32 s29, v14;
	_ =	sdelay $0x2  }
0xb72: {  	[tilespmem:v27+s17+$0x0] =	vst.idx.msk $0xffff, v26  }
0xb73: {  	v27 =	vor.u32 v19, v24;
	[tilespmem:v30+s17+$0x0] =	vst.idx.msk $0xffff, v29;
	v26 =	vld.idx.msk [tilespmem:v28+s13+$0x0], $0xffff  }
0xb74: {  	v30 =	vor.u32 v19, v25;
	v28 =	vor.u32 s28, v16;
	v29 =	vld.idx.msk [tilespmem:v31+s13+$0x0], $0xffff  }
0xb75: {  	v31 =	vor.u32 s29, v16;
	_ =	sdelay $0x2  }
0xb76: {  	[tilespmem:v27+s17+$0x0] =	vst.idx.msk $0xffff, v26  }
0xb77: {  	v27 =	vor.u32 v21, v24;
	[tilespmem:v30+s17+$0x0] =	vst.idx.msk $0xffff, v29;
	v26 =	vld.idx.msk [tilespmem:v28+s13+$0x0], $0xffff  }
0xb78: {  	v30 =	vor.u32 v21, v25;
	v28 =	vor.u32 s28, v18;
	v29 =	vld.idx.msk [tilespmem:v31+s13+$0x0], $0xffff  }
0xb79: {  	v31 =	vor.u32 s29, v18;
	_ =	sdelay $0x2  }
0xb7a: {  	[tilespmem:v27+s17+$0x0] =	vst.idx.msk $0xffff, v26  }
0xb7b: {  	v24 =	vor.u32 v23, v24;
	[tilespmem:v30+s17+$0x0] =	vst.idx.msk $0xffff, v29;
	v26 =	vld.idx.msk [tilespmem:v28+s13+$0x0], $0xffff  }
0xb7c: {  	p2 =	por p1, p1;
	v25 =	vor.u32 v23, v25;
	v27 =	vld.idx.msk [tilespmem:v31+s13+$0x0], $0xffff  }
.Ltmp2:
0xb7d: {  	_ = 	snop;
	(pc) =	sbr.rel @p2 .LBB2_3-.Ltmp2, $3  }
0xb7e: {  	_ =	sdelay $0x1  }
0xb7f: {  	v33 =	vmov v7;
	[tilespmem:v24+s17+$0x0] =	vst.idx.msk $0xffff, v26  }
0xb80: {  	p1 =	por $0x0, $0x0;
	v32 =	vmovc v6;
	s28 =	simm.s32 $0x20;
	v30 =	vmovc v34;
	v29 =	vmov v10;
	v28 =	vmov v22;
	v31 =	vmov v20;
	[tilespmem:v25+s17+$0x0] =	vst.idx.msk $0xffff, v27  }
0xb81: {  	p1 =	sne.s32 s25, $0x18  }
.Ltmp3:
0xb82: {  	s28 =	sshll.u32 s25, $0x13;
	(pc) =	sbr.rel @p1 .LBB2_6-.Ltmp3, $4  }
0xb83: {  	s28 =	sor.u32 s5, s28  }
0xb84: {  	s28 =	sshrl.u32 s28, $0x3  }
0xb85: {  	s29 =	sadd.s32 s2, s28  }
0xb86: {  	[hbm4b:s29+s18] =	stream.strided.scatter [tilespmem:s17], [sflag:$0x5], $0x2000, s19, s18, $0x38;
	[tilespmem:$0xC100] =	vst v63  }
.Ltmp4:
0xb87: {  	(pc) =	sbr.rel .LBB2_7-.Ltmp4, $4  }
0xb88: {  	_ = 	snop  }
0xb89: {  	_ =	swait.ge [sflag:s20], $0x4000  }
0xb8a: {  	[sflag:s20] =	ssyncset.done $0x0  }
0xb8b: {  	[sflag:s20] =	ssyncadd.s32 $0xFFFFC000  }
.LBB2_6:
0xb8c: {  	s29 =	sadd.s32 $0x2, s26  }
0xb8d: {  	s30 =	sshll.u32 s29, $0x7;
	s29 =	sshll.u32 s29, $0xC  }
0xb8e: {  	s30 =	sand.u32 $0x300, s30;
	s29 =	sand.u32 $0x78000, s29  }
0xb8f: {  	s29 =	sor.u32 s29, s30  }
0xb90: {  	s29 =	sor.u32 s5, s29  }
0xb91: {  	s29 =	sshrl.u32 s29, $0x3  }
.Ltmp5:
0xb92: {  	s29 =	sadd.s32 s0, s29;
	(pc) =	sbr.rel @p0 .LBB2_8-.Ltmp5, $4  }
0xb93: {  	[tilespmem:s4], [sflag:$0x1] =	stream.linear.gather [hbm4b:s29+s4], $0x80, $0x38;
	[tilespmem:$0xC100] =	vst v63  }
0xb94: {  	_ =	swait.ge [sflag:s20], $0x4000  }
0xb95: {  	[sflag:s20] =	ssyncset.done $0x0  }
0xb96: {  	[sflag:s20] =	ssyncadd.s32 $0xFFFFC000  }
.LBB2_7:
0xb97: {  	_ =	swait.ge [sflag:s21], $0x2000  }
0xb98: {  	[sflag:s21] =	ssyncset.done $0x0  }
0xb99: {  	[sflag:s21] =	ssyncadd.s32 $0xFFFFE000  }
.LBB2_8:
0xb9a: {  	v41 =	vld [tilespmem:$0x1FB60]  }
0xb9b: {  	v42 =	vld [tilespmem:$0x1FB80]  }
0xb9c: {  	v43 =	vld [tilespmem:$0x1FBA0]  }
0xb9d: {  	v44 =	vld [tilespmem:$0x1FBC0]  }
0xb9e: {  	v45 =	vld [tilespmem:$0x1FBE0]  }
0xb9f: {  	v46 =	vld [tilespmem:$0x1FC00]  }
0xba0: {  	v47 =	vld [tilespmem:$0x1FC20]  }
0xba1: {  	v48 =	vld [tilespmem:$0x1FC40]  }
0xba2: {  	v49 =	vld [tilespmem:$0x1FC60]  }
0xba3: {  	v50 =	vld [tilespmem:$0x1FC80]  }
0xba4: {  	v51 =	vld [tilespmem:$0x1FCA0]  }
0xba5: {  	v52 =	vld [tilespmem:$0x1FCC0]  }
0xba6: {  	v53 =	vld [tilespmem:$0x1FCE0]  }
0xba7: {  	v54 =	vld [tilespmem:$0x1FD00]  }
0xba8: {  	v55 =	vld [tilespmem:$0x1FD20]  }
0xba9: {  	v56 =	vld [tilespmem:$0x1FD40]  }
0xbaa: {  	v57 =	vld [tilespmem:$0x1FD60]  }
0xbab: {  	v58 =	vld [tilespmem:$0x1FD80]  }
0xbac: {  	v59 =	vld [tilespmem:$0x1FDA0]  }
0xbad: {  	v60 =	vld [tilespmem:$0x1FDC0]  }
0xbae: {  	v61 =	vld [tilespmem:$0x1FDE0]  }
0xbaf: {  	v62 =	vld [tilespmem:$0x1FE00]  }
0xbb0: {  	v63 =	vld [tilespmem:$0x1FE20]  }
0xbb1: {  	v0 =	vld [tilespmem:$0x1FE40]  }
0xbb2: {  	v1 =	vld [tilespmem:$0x1FE60]  }
0xbb3: {  	v3 =	vld [tilespmem:$0x1FE80]  }
0xbb4: {  	v4 =	vld [tilespmem:$0x1FEA0]  }
0xbb5: {  	v5 =	vld [tilespmem:$0x1FEC0]  }
0xbb6: {  	v8 =	vld [tilespmem:$0x1FF00]  }
0xbb7: {  	v9 =	vld [tilespmem:$0x1FF20]  }
0xbb8: {  	v12 =	vld [tilespmem:$0x1FF40]  }
0xbb9: {  	v14 =	vld [tilespmem:$0x1FF60]  }
0xbba: {  	v16 =	vld [tilespmem:$0x1FF80]  }
0xbbb: {  	v18 =	vld [tilespmem:$0x1FFA0]  }
0xbbc: {  	v35 =	vld [tilespmem:$0x1FFB0]  }
0xbbd: {  	v36 =	vld [tilespmem:$0x1FFC0]  }
0xbbe: {  	v37 =	vld [tilespmem:$0x1FFD0]  }
0xbbf: {  	v38 =	vld [tilespmem:$0x1FFE0]  }
0xbc0: {  	s29 =	simm.s32 $0x0;
	p0 =	por $0x1, $0x1;
	v39 =	vld [tilespmem:$0x1FFF0]  }
.LBB2_9:
0xbc1: {  	v25 =	vor.u32 s29, v29;
	_ =	sdelay $0x1  }
0xbc2: {  	v24 =	vmov s29  }
0xbc3: {  	v24 =	vshll.u32 v24, $0x7  }
0xbc4: {  	v26 =	vor.u32 v31, v24  }
0xbc5: {  	v27 =	vor.u32 v2, v26;
	v25 =	vld.idx.msk [tilespmem:v25+s15+$0x0], $0xffff  }
0xbc6: {  	v28 =	vor.u32 s29, v22;
	_ =	sdelay $0x3  }
0xbc7: {  	[tilespmem:v27+s22+$0x0] =	vst.idx.msk $0xffff, v25  }
0xbc8: {  	v27 =	vor.u32 v11, v26;
	v25 =	vld.idx.msk [tilespmem:v28+s15+$0x0], $0xffff  }
0xbc9: {  	v28 =	vor.u32 s29, v30;
	_ =	sdelay $0x3  }
0xbca: {  	[tilespmem:v27+s22+$0x0] =	vst.idx.msk $0xffff, v25  }
0xbcb: {  	v27 =	vor.u32 v13, v26;
	v25 =	vld.idx.msk [tilespmem:v28+s15+$0x0], $0xffff  }
0xbcc: {  	v28 =	vor.u32 s29, v35;
	_ =	sdelay $0x3  }
0xbcd: {  	[tilespmem:v27+s22+$0x0] =	vst.idx.msk $0xffff, v25  }
0xbce: {  	v27 =	vor.u32 v15, v26;
	v25 =	vld.idx.msk [tilespmem:v28+s15+$0x0], $0xffff  }
0xbcf: {  	v28 =	vor.u32 s29, v36;
	_ =	sdelay $0x3  }
0xbd0: {  	[tilespmem:v27+s22+$0x0] =	vst.idx.msk $0xffff, v25  }
0xbd1: {  	v27 =	vor.u32 v17, v26;
	v25 =	vld.idx.msk [tilespmem:v28+s15+$0x0], $0xffff  }
0xbd2: {  	v28 =	vor.u32 s29, v37;
	_ =	sdelay $0x3  }
0xbd3: {  	[tilespmem:v27+s22+$0x0] =	vst.idx.msk $0xffff, v25  }
0xbd4: {  	v27 =	vor.u32 v19, v26;
	v25 =	vld.idx.msk [tilespmem:v28+s15+$0x0], $0xffff  }
0xbd5: {  	s30 =	sor.u32 $0x10, s29;
	v28 =	vor.u32 s29, v38  }
0xbd6: {  	v29 =	vor.u32 s30, v10;
	_ =	sdelay $0x1  }
0xbd7: {  	v30 =	vmov s30  }
0xbd8: {  	[tilespmem:v27+s22+$0x0] =	vst.idx.msk $0xffff, v25;
	v25 =	vshll.u32 v30, $0x7  }
0xbd9: {  	v27 =	vld.idx.msk [tilespmem:v28+s15+$0x0], $0xffff;
	v28 =	vor.u32 v31, v25  }
0xbda: {  	v29 =	vld.idx.msk [tilespmem:v29+s15+$0x0], $0xffff;
	v30 =	vor.u32 v2, v28  }
0xbdb: {  	v31 =	vor.u32 s30, v22;
	_ =	sdelay $0x3  }
0xbdc: {  	[tilespmem:v30+s22+$0x0] =	vst.idx.msk $0xffff, v29  }
0xbdd: {  	v30 =	vor.u32 v11, v28;
	v29 =	vld.idx.msk [tilespmem:v31+s15+$0x0], $0xffff  }
0xbde: {  	v31 =	vor.u32 s30, v34;
	_ =	sdelay $0x3  }
0xbdf: {  	[tilespmem:v30+s22+$0x0] =	vst.idx.msk $0xffff, v29  }
0xbe0: {  	v30 =	vor.u32 v13, v28;
	v29 =	vld.idx.msk [tilespmem:v31+s15+$0x0], $0xffff  }
0xbe1: {  	v31 =	vor.u32 s30, v35;
	_ =	sdelay $0x3  }
0xbe2: {  	[tilespmem:v30+s22+$0x0] =	vst.idx.msk $0xffff, v29  }
0xbe3: {  	v30 =	vor.u32 v15, v28;
	v29 =	vld.idx.msk [tilespmem:v31+s15+$0x0], $0xffff  }
0xbe4: {  	v31 =	vor.u32 s30, v36;
	_ =	sdelay $0x3  }
0xbe5: {  	[tilespmem:v30+s22+$0x0] =	vst.idx.msk $0xffff, v29  }
0xbe6: {  	v30 =	vor.u32 v17, v28;
	v29 =	vld.idx.msk [tilespmem:v31+s15+$0x0], $0xffff  }
0xbe7: {  	v31 =	vor.u32 s30, v37;
	_ =	sdelay $0x3  }
0xbe8: {  	[tilespmem:v30+s22+$0x0] =	vst.idx.msk $0xffff, v29  }
0xbe9: {  	v30 =	vor.u32 v19, v28;
	v29 =	vld.idx.msk [tilespmem:v31+s15+$0x0], $0xffff  }
0xbea: {  	v31 =	vor.u32 s30, v38;
	_ =	sdelay $0x2  }
0xbeb: {  	v32 =	vor.u32 v21, v26  }
0xbec: {  	[tilespmem:v30+s22+$0x0] =	vst.idx.msk $0xffff, v29;
	v29 =	vor.u32 s29, v39  }
0xbed: {  	v30 =	vld.idx.msk [tilespmem:v31+s15+$0x0], $0xffff;
	v31 =	vor.u32 v21, v28  }
0xbee: {  	v33 =	vor.u32 s30, v39;
	_ =	sdelay $0x1  }
0xbef: {  	v40 =	vld [tilespmem:$0x1F3C0];
	[tilespmem:v32+s22+$0x0] =	vst.idx.msk $0xffff, v27  }
0xbf0: {  	v27 =	vld.idx.msk [tilespmem:v29+s15+$0x0], $0xffff  }
0xbf1: {  	v26 =	vor.u32 v23, v26;
	[tilespmem:v31+s22+$0x0] =	vst.idx.msk $0xffff, v30;
	v31 =	vld [tilespmem:$0x1F3D0]  }
0xbf2: {  	v28 =	vor.u32 v23, v28;
	v30 =	vld.idx.msk [tilespmem:v33+s15+$0x0], $0xffff;
	_ =	sdelay $0x3  }
0xbf3: {  	[tilespmem:v26+s22+$0x0] =	vst.idx.msk $0xffff, v27;
	v29 =	vor.u32 s29, v31  }
0xbf4: {  	v26 =	vor.u32 v40, v24;
	v31 =	vor.u32 s30, v31;
	[tilespmem:v28+s22+$0x0] =	vst.idx.msk $0xffff, v30;
	v28 =	vor.u32 v40, v25;
	v40 =	vld [tilespmem:$0x1F3E0];
	_ =	sdelay $0x3  }
0xbf5: {  	v27 =	vld.idx.msk [tilespmem:v29+s15+$0x0], $0xffff;
	v29 =	vor.u32 v2, v26  }
0xbf6: {  	v32 =	vor.u32 v2, v28;
	v31 =	vld.idx.msk [tilespmem:v31+s15+$0x0], $0xffff;
	v30 =	vor.u32 s29, v40  }
0xbf7: {  	v33 =	vor.u32 s30, v40;
	v40 =	vld [tilespmem:$0x1F3F0];
	_ =	sdelay $0x2  }
0xbf8: {  	[tilespmem:v29+s22+$0x0] =	vst.idx.msk $0xffff, v27  }
0xbf9: {  	v29 =	vor.u32 v11, v26;
	[tilespmem:v32+s22+$0x0] =	vst.idx.msk $0xffff, v31;
	v27 =	vld.idx.msk [tilespmem:v30+s15+$0x0], $0xffff  }
0xbfa: {  	v32 =	vor.u32 v11, v28;
	v30 =	vor.u32 s29, v40;
	v31 =	vld.idx.msk [tilespmem:v33+s15+$0x0], $0xffff  }
0xbfb: {  	v33 =	vor.u32 s30, v40;
	v40 =	vld [tilespmem:$0x1F400];
	_ =	sdelay $0x2  }
0xbfc: {  	[tilespmem:v29+s22+$0x0] =	vst.idx.msk $0xffff, v27  }
0xbfd: {  	v29 =	vor.u32 v13, v26;
	[tilespmem:v32+s22+$0x0] =	vst.idx.msk $0xffff, v31;
	v27 =	vld.idx.msk [tilespmem:v30+s15+$0x0], $0xffff  }
0xbfe: {  	v32 =	vor.u32 v13, v28;
	v30 =	vor.u32 s29, v40;
	v31 =	vld.idx.msk [tilespmem:v33+s15+$0x0], $0xffff  }
0xbff: {  	v33 =	vor.u32 s30, v40;
	v40 =	vld [tilespmem:$0x1F410];
	_ =	sdelay $0x2  }
0xc00: {  	[tilespmem:v29+s22+$0x0] =	vst.idx.msk $0xffff, v27  }
0xc01: {  	v29 =	vor.u32 v15, v26;
	[tilespmem:v32+s22+$0x0] =	vst.idx.msk $0xffff, v31;
	v27 =	vld.idx.msk [tilespmem:v30+s15+$0x0], $0xffff  }
0xc02: {  	v32 =	vor.u32 v15, v28;
	v30 =	vor.u32 s29, v40;
	v31 =	vld.idx.msk [tilespmem:v33+s15+$0x0], $0xffff  }
0xc03: {  	v33 =	vor.u32 s30, v40;
	v40 =	vld [tilespmem:$0x1F420];
	_ =	sdelay $0x2  }
0xc04: {  	[tilespmem:v29+s22+$0x0] =	vst.idx.msk $0xffff, v27  }
0xc05: {  	v29 =	vor.u32 v17, v26;
	[tilespmem:v32+s22+$0x0] =	vst.idx.msk $0xffff, v31;
	v27 =	vld.idx.msk [tilespmem:v30+s15+$0x0], $0xffff  }
0xc06: {  	v32 =	vor.u32 v17, v28;
	v30 =	vor.u32 s29, v40;
	v31 =	vld.idx.msk [tilespmem:v33+s15+$0x0], $0xffff  }
0xc07: {  	v33 =	vor.u32 s30, v40;
	v40 =	vld [tilespmem:$0x1F430];
	_ =	sdelay $0x2  }
0xc08: {  	[tilespmem:v29+s22+$0x0] =	vst.idx.msk $0xffff, v27  }
0xc09: {  	v29 =	vor.u32 v19, v26;
	[tilespmem:v32+s22+$0x0] =	vst.idx.msk $0xffff, v31;
	v27 =	vld.idx.msk [tilespmem:v30+s15+$0x0], $0xffff  }
0xc0a: {  	v32 =	vor.u32 v19, v28;
	v30 =	vor.u32 s29, v40;
	v31 =	vld.idx.msk [tilespmem:v33+s15+$0x0], $0xffff  }
0xc0b: {  	v33 =	vor.u32 s30, v40  }
0xc0c: {  	v40 =	vld [tilespmem:$0x1F440];
	_ =	sdelay $0x1  }
0xc0d: {  	[tilespmem:v29+s22+$0x0] =	vst.idx.msk $0xffff, v27  }
0xc0e: {  	v29 =	vor.u32 v21, v26;
	[tilespmem:v32+s22+$0x0] =	vst.idx.msk $0xffff, v31;
	v27 =	vld.idx.msk [tilespmem:v30+s15+$0x0], $0xffff  }
0xc0f: {  	v32 =	vor.u32 v21, v28;
	v31 =	vld.idx.msk [tilespmem:v33+s15+$0x0], $0xffff  }
0xc10: {  	v30 =	vor.u32 s29, v40  }
0xc11: {  	v40 =	vor.u32 s30, v40;
	_ =	sdelay $0x1  }
0xc12: {  	[tilespmem:v29+s22+$0x0] =	vst.idx.msk $0xffff, v27  }
0xc13: {  	[tilespmem:v32+s22+$0x0] =	vst.idx.msk $0xffff, v31;
	v31 =	vld [tilespmem:$0x1F450]  }
0xc14: {  	v27 =	vld.idx.msk [tilespmem:v30+s15+$0x0], $0xffff  }
0xc15: {  	v26 =	vor.u32 v23, v26;
	v30 =	vld.idx.msk [tilespmem:v40+s15+$0x0], $0xffff  }
0xc16: {  	v28 =	vor.u32 v23, v28;
	v40 =	vld [tilespmem:$0x1F3B0];
	_ =	sdelay $0x3  }
0xc17: {  	v29 =	vor.u32 s29, v31;
	[tilespmem:v26+s22+$0x0] =	vst.idx.msk $0xffff, v27  }
0xc18: {  	v31 =	vor.u32 s30, v31;
	v26 =	vor.u32 v40, v24;
	[tilespmem:v28+s22+$0x0] =	vst.idx.msk $0xffff, v30;
	v28 =	vor.u32 v40, v25;
	v40 =	vld [tilespmem:$0x1F460];
	_ =	sdelay $0x3  }
0xc19: {  	v27 =	vld.idx.msk [tilespmem:v29+s15+$0x0], $0xffff;
	v29 =	vor.u32 v2, v26  }
0xc1a: {  	v32 =	vor.u32 v2, v28;
	v31 =	vld.idx.msk [tilespmem:v31+s15+$0x0], $0xffff;
	v30 =	vor.u32 s29, v40  }
0xc1b: {  	v33 =	vor.u32 s30, v40;
	v40 =	vld [tilespmem:$0x1F470];
	_ =	sdelay $0x2  }
0xc1c: {  	[tilespmem:v29+s22+$0x0] =	vst.idx.msk $0xffff, v27  }
0xc1d: {  	v29 =	vor.u32 v11, v26;
	[tilespmem:v32+s22+$0x0] =	vst.idx.msk $0xffff, v31;
	v27 =	vld.idx.msk [tilespmem:v30+s15+$0x0], $0xffff  }
0xc1e: {  	v32 =	vor.u32 v11, v28;
	v30 =	vor.u32 s29, v40;
	v31 =	vld.idx.msk [tilespmem:v33+s15+$0x0], $0xffff  }
0xc1f: {  	v33 =	vor.u32 s30, v40;
	v40 =	vld [tilespmem:$0x1F480];
	_ =	sdelay $0x2  }
0xc20: {  	[tilespmem:v29+s22+$0x0] =	vst.idx.msk $0xffff, v27  }
0xc21: {  	v29 =	vor.u32 v13, v26;
	[tilespmem:v32+s22+$0x0] =	vst.idx.msk $0xffff, v31;
	v27 =	vld.idx.msk [tilespmem:v30+s15+$0x0], $0xffff  }
0xc22: {  	v32 =	vor.u32 v13, v28;
	v30 =	vor.u32 s29, v40;
	v31 =	vld.idx.msk [tilespmem:v33+s15+$0x0], $0xffff  }
0xc23: {  	v33 =	vor.u32 s30, v40;
	v40 =	vld [tilespmem:$0x1F490];
	_ =	sdelay $0x2  }
0xc24: {  	[tilespmem:v29+s22+$0x0] =	vst.idx.msk $0xffff, v27  }
0xc25: {  	v29 =	vor.u32 v15, v26;
	[tilespmem:v32+s22+$0x0] =	vst.idx.msk $0xffff, v31;
	v27 =	vld.idx.msk [tilespmem:v30+s15+$0x0], $0xffff  }
0xc26: {  	v32 =	vor.u32 v15, v28;
	v30 =	vor.u32 s29, v40;
	v31 =	vld.idx.msk [tilespmem:v33+s15+$0x0], $0xffff  }
0xc27: {  	v33 =	vor.u32 s30, v40;
	v40 =	vld [tilespmem:$0x1F4A0];
	_ =	sdelay $0x2  }
0xc28: {  	[tilespmem:v29+s22+$0x0] =	vst.idx.msk $0xffff, v27  }
0xc29: {  	v29 =	vor.u32 v17, v26;
	[tilespmem:v32+s22+$0x0] =	vst.idx.msk $0xffff, v31;
	v27 =	vld.idx.msk [tilespmem:v30+s15+$0x0], $0xffff  }
0xc2a: {  	v32 =	vor.u32 v17, v28;
	v30 =	vor.u32 s29, v40;
	v31 =	vld.idx.msk [tilespmem:v33+s15+$0x0], $0xffff  }
0xc2b: {  	v33 =	vor.u32 s30, v40;
	v40 =	vld [tilespmem:$0x1F4B0];
	_ =	sdelay $0x2  }
0xc2c: {  	[tilespmem:v29+s22+$0x0] =	vst.idx.msk $0xffff, v27  }
0xc2d: {  	v29 =	vor.u32 v19, v26;
	[tilespmem:v32+s22+$0x0] =	vst.idx.msk $0xffff, v31;
	v27 =	vld.idx.msk [tilespmem:v30+s15+$0x0], $0xffff  }
0xc2e: {  	v32 =	vor.u32 v19, v28;
	v30 =	vor.u32 s29, v40;
	v31 =	vld.idx.msk [tilespmem:v33+s15+$0x0], $0xffff  }
0xc2f: {  	v33 =	vor.u32 s30, v40;
	v40 =	vld [tilespmem:$0x1F4C0];
	_ =	sdelay $0x2  }
0xc30: {  	[tilespmem:v29+s22+$0x0] =	vst.idx.msk $0xffff, v27  }
0xc31: {  	v29 =	vor.u32 v21, v26;
	[tilespmem:v32+s22+$0x0] =	vst.idx.msk $0xffff, v31;
	v27 =	vld.idx.msk [tilespmem:v30+s15+$0x0], $0xffff  }
0xc32: {  	v32 =	vor.u32 v21, v28;
	v30 =	vor.u32 s29, v40;
	v31 =	vld.idx.msk [tilespmem:v33+s15+$0x0], $0xffff;
	_ =	sdelay $0x1  }
0xc33: {  	v40 =	vor.u32 s30, v40;
	_ =	sdelay $0x1  }
0xc34: {  	[tilespmem:v29+s22+$0x0] =	vst.idx.msk $0xffff, v27  }
0xc35: {  	[tilespmem:v32+s22+$0x0] =	vst.idx.msk $0xffff, v31;
	v27 =	vld.idx.msk [tilespmem:v30+s15+$0x0], $0xffff  }
0xc36: {  	v31 =	vld [tilespmem:$0x1F4D0]  }
0xc37: {  	v26 =	vor.u32 v23, v26;
	v30 =	vld.idx.msk [tilespmem:v40+s15+$0x0], $0xffff  }
0xc38: {  	v28 =	vor.u32 v23, v28;
	v40 =	vld [tilespmem:$0x1F3A0];
	_ =	sdelay $0x3  }
0xc39: {  	v29 =	vor.u32 s29, v31;
	[tilespmem:v26+s22+$0x0] =	vst.idx.msk $0xffff, v27  }
0xc3a: {  	v31 =	vor.u32 s30, v31;
	v26 =	vor.u32 v40, v24;
	[tilespmem:v28+s22+$0x0] =	vst.idx.msk $0xffff, v30;
	v28 =	vor.u32 v40, v25;
	v40 =	vld [tilespmem:$0x1F4E0];
	_ =	sdelay $0x3  }
0xc3b: {  	v27 =	vld.idx.msk [tilespmem:v29+s15+$0x0], $0xffff;
	v29 =	vor.u32 v2, v26  }
0xc3c: {  	v32 =	vor.u32 v2, v28;
	v30 =	vor.u32 s29, v40;
	v31 =	vld.idx.msk [tilespmem:v31+s15+$0x0], $0xffff  }
0xc3d: {  	v33 =	vor.u32 s30, v40;
	v40 =	vld [tilespmem:$0x1F4F0];
	_ =	sdelay $0x2  }
0xc3e: {  	[tilespmem:v29+s22+$0x0] =	vst.idx.msk $0xffff, v27  }
0xc3f: {  	v29 =	vor.u32 v11, v26;
	[tilespmem:v32+s22+$0x0] =	vst.idx.msk $0xffff, v31;
	v27 =	vld.idx.msk [tilespmem:v30+s15+$0x0], $0xffff  }
0xc40: {  	v32 =	vor.u32 v11, v28;
	v30 =	vor.u32 s29, v40;
	v31 =	vld.idx.msk [tilespmem:v33+s15+$0x0], $0xffff  }
0xc41: {  	v33 =	vor.u32 s30, v40;
	v40 =	vld [tilespmem:$0x1F500];
	_ =	sdelay $0x2  }
0xc42: {  	[tilespmem:v29+s22+$0x0] =	vst.idx.msk $0xffff, v27  }
0xc43: {  	v29 =	vor.u32 v13, v26;
	[tilespmem:v32+s22+$0x0] =	vst.idx.msk $0xffff, v31;
	v27 =	vld.idx.msk [tilespmem:v30+s15+$0x0], $0xffff  }
0xc44: {  	v32 =	vor.u32 v13, v28;
	v30 =	vor.u32 s29, v40;
	v31 =	vld.idx.msk [tilespmem:v33+s15+$0x0], $0xffff  }
0xc45: {  	v33 =	vor.u32 s30, v40;
	v40 =	vld [tilespmem:$0x1F510];
	_ =	sdelay $0x2  }
0xc46: {  	[tilespmem:v29+s22+$0x0] =	vst.idx.msk $0xffff, v27  }
0xc47: {  	v29 =	vor.u32 v15, v26;
	[tilespmem:v32+s22+$0x0] =	vst.idx.msk $0xffff, v31;
	v27 =	vld.idx.msk [tilespmem:v30+s15+$0x0], $0xffff  }
0xc48: {  	v32 =	vor.u32 v15, v28;
	v30 =	vor.u32 s29, v40;
	v31 =	vld.idx.msk [tilespmem:v33+s15+$0x0], $0xffff  }
0xc49: {  	v33 =	vor.u32 s30, v40;
	v40 =	vld [tilespmem:$0x1F520];
	_ =	sdelay $0x2  }
0xc4a: {  	[tilespmem:v29+s22+$0x0] =	vst.idx.msk $0xffff, v27  }
0xc4b: {  	v29 =	vor.u32 v17, v26;
	[tilespmem:v32+s22+$0x0] =	vst.idx.msk $0xffff, v31;
	v27 =	vld.idx.msk [tilespmem:v30+s15+$0x0], $0xffff  }
0xc4c: {  	v32 =	vor.u32 v17, v28;
	v30 =	vor.u32 s29, v40;
	v31 =	vld.idx.msk [tilespmem:v33+s15+$0x0], $0xffff  }
0xc4d: {  	v33 =	vor.u32 s30, v40;
	v40 =	vld [tilespmem:$0x1F530];
	_ =	sdelay $0x2  }
0xc4e: {  	[tilespmem:v29+s22+$0x0] =	vst.idx.msk $0xffff, v27  }
0xc4f: {  	v29 =	vor.u32 v19, v26;
	[tilespmem:v32+s22+$0x0] =	vst.idx.msk $0xffff, v31;
	v27 =	vld.idx.msk [tilespmem:v30+s15+$0x0], $0xffff  }
0xc50: {  	v32 =	vor.u32 v19, v28;
	v30 =	vor.u32 s29, v40;
	v31 =	vld.idx.msk [tilespmem:v33+s15+$0x0], $0xffff  }
0xc51: {  	v33 =	vor.u32 s30, v40  }
0xc52: {  	v40 =	vld [tilespmem:$0x1F540];
	_ =	sdelay $0x1  }
0xc53: {  	[tilespmem:v29+s22+$0x0] =	vst.idx.msk $0xffff, v27  }
0xc54: {  	v29 =	vor.u32 v21, v26;
	[tilespmem:v32+s22+$0x0] =	vst.idx.msk $0xffff, v31;
	v27 =	vld.idx.msk [tilespmem:v30+s15+$0x0], $0xffff  }
0xc55: {  	v32 =	vor.u32 v21, v28;
	v31 =	vld.idx.msk [tilespmem:v33+s15+$0x0], $0xffff  }
0xc56: {  	v30 =	vor.u32 s29, v40  }
0xc57: {  	v40 =	vor.u32 s30, v40;
	_ =	sdelay $0x1  }
0xc58: {  	[tilespmem:v29+s22+$0x0] =	vst.idx.msk $0xffff, v27  }
0xc59: {  	[tilespmem:v32+s22+$0x0] =	vst.idx.msk $0xffff, v31;
	v31 =	vld [tilespmem:$0x1F560]  }
0xc5a: {  	v27 =	vld.idx.msk [tilespmem:v30+s15+$0x0], $0xffff  }
0xc5b: {  	v26 =	vor.u32 v23, v26;
	v30 =	vld.idx.msk [tilespmem:v40+s15+$0x0], $0xffff  }
0xc5c: {  	v28 =	vor.u32 v23, v28;
	v40 =	vld [tilespmem:$0x1F390];
	_ =	sdelay $0x3  }
0xc5d: {  	v29 =	vor.u32 s29, v31;
	[tilespmem:v26+s22+$0x0] =	vst.idx.msk $0xffff, v27  }
0xc5e: {  	v31 =	vor.u32 s30, v31;
	v26 =	vor.u32 v40, v24;
	[tilespmem:v28+s22+$0x0] =	vst.idx.msk $0xffff, v30;
	v28 =	vor.u32 v40, v25;
	v40 =	vld [tilespmem:$0x1F570];
	_ =	sdelay $0x3  }
0xc5f: {  	v27 =	vld.idx.msk [tilespmem:v29+s15+$0x0], $0xffff;
	v29 =	vor.u32 v2, v26  }
0xc60: {  	v32 =	vor.u32 v2, v28;
	v31 =	vld.idx.msk [tilespmem:v31+s15+$0x0], $0xffff;
	v30 =	vor.u32 s29, v40  }
0xc61: {  	v33 =	vor.u32 s30, v40;
	v40 =	vld [tilespmem:$0x1F580];
	_ =	sdelay $0x2  }
0xc62: {  	[tilespmem:v29+s22+$0x0] =	vst.idx.msk $0xffff, v27  }
0xc63: {  	v29 =	vor.u32 v11, v26;
	[tilespmem:v32+s22+$0x0] =	vst.idx.msk $0xffff, v31;
	v27 =	vld.idx.msk [tilespmem:v30+s15+$0x0], $0xffff  }
0xc64: {  	v32 =	vor.u32 v11, v28;
	v30 =	vor.u32 s29, v40;
	v31 =	vld.idx.msk [tilespmem:v33+s15+$0x0], $0xffff  }
0xc65: {  	v33 =	vor.u32 s30, v40;
	v40 =	vld [tilespmem:$0x1F590];
	_ =	sdelay $0x2  }
0xc66: {  	[tilespmem:v29+s22+$0x0] =	vst.idx.msk $0xffff, v27  }
0xc67: {  	v29 =	vor.u32 v13, v26;
	[tilespmem:v32+s22+$0x0] =	vst.idx.msk $0xffff, v31;
	v27 =	vld.idx.msk [tilespmem:v30+s15+$0x0], $0xffff  }
0xc68: {  	v32 =	vor.u32 v13, v28;
	v30 =	vor.u32 s29, v40;
	v31 =	vld.idx.msk [tilespmem:v33+s15+$0x0], $0xffff  }
0xc69: {  	v33 =	vor.u32 s30, v40;
	v40 =	vld [tilespmem:$0x1F5A0];
	_ =	sdelay $0x2  }
0xc6a: {  	[tilespmem:v29+s22+$0x0] =	vst.idx.msk $0xffff, v27  }
0xc6b: {  	v29 =	vor.u32 v15, v26;
	[tilespmem:v32+s22+$0x0] =	vst.idx.msk $0xffff, v31;
	v27 =	vld.idx.msk [tilespmem:v30+s15+$0x0], $0xffff  }
0xc6c: {  	v32 =	vor.u32 v15, v28;
	v30 =	vor.u32 s29, v40;
	v31 =	vld.idx.msk [tilespmem:v33+s15+$0x0], $0xffff  }
0xc6d: {  	v33 =	vor.u32 s30, v40;
	v40 =	vld [tilespmem:$0x1F5B0];
	_ =	sdelay $0x2  }
0xc6e: {  	[tilespmem:v29+s22+$0x0] =	vst.idx.msk $0xffff, v27  }
0xc6f: {  	v29 =	vor.u32 v17, v26;
	[tilespmem:v32+s22+$0x0] =	vst.idx.msk $0xffff, v31;
	v27 =	vld.idx.msk [tilespmem:v30+s15+$0x0], $0xffff  }
0xc70: {  	v32 =	vor.u32 v17, v28;
	v30 =	vor.u32 s29, v40;
	v31 =	vld.idx.msk [tilespmem:v33+s15+$0x0], $0xffff  }
0xc71: {  	v33 =	vor.u32 s30, v40;
	v40 =	vld [tilespmem:$0x1F5C0];
	_ =	sdelay $0x2  }
0xc72: {  	[tilespmem:v29+s22+$0x0] =	vst.idx.msk $0xffff, v27  }
0xc73: {  	v29 =	vor.u32 v19, v26;
	[tilespmem:v32+s22+$0x0] =	vst.idx.msk $0xffff, v31;
	v27 =	vld.idx.msk [tilespmem:v30+s15+$0x0], $0xffff  }
0xc74: {  	v32 =	vor.u32 v19, v28;
	v30 =	vor.u32 s29, v40;
	v31 =	vld.idx.msk [tilespmem:v33+s15+$0x0], $0xffff  }
0xc75: {  	v33 =	vor.u32 s30, v40  }
0xc76: {  	v40 =	vld [tilespmem:$0x1F5D0];
	_ =	sdelay $0x1  }
0xc77: {  	[tilespmem:v29+s22+$0x0] =	vst.idx.msk $0xffff, v27  }
0xc78: {  	v29 =	vor.u32 v21, v26;
	[tilespmem:v32+s22+$0x0] =	vst.idx.msk $0xffff, v31;
	v27 =	vld.idx.msk [tilespmem:v30+s15+$0x0], $0xffff  }
0xc79: {  	v32 =	vor.u32 v21, v28;
	v31 =	vld.idx.msk [tilespmem:v33+s15+$0x0], $0xffff  }
0xc7a: {  	v30 =	vor.u32 s29, v40  }
0xc7b: {  	v40 =	vor.u32 s30, v40;
	_ =	sdelay $0x1  }
0xc7c: {  	[tilespmem:v29+s22+$0x0] =	vst.idx.msk $0xffff, v27  }
0xc7d: {  	[tilespmem:v32+s22+$0x0] =	vst.idx.msk $0xffff, v31;
	v31 =	vld [tilespmem:$0x1F5E0]  }
0xc7e: {  	v27 =	vld.idx.msk [tilespmem:v30+s15+$0x0], $0xffff  }
0xc7f: {  	v26 =	vor.u32 v23, v26;
	v30 =	vld.idx.msk [tilespmem:v40+s15+$0x0], $0xffff  }
0xc80: {  	v28 =	vor.u32 v23, v28;
	v40 =	vld [tilespmem:$0x1F380];
	_ =	sdelay $0x3  }
0xc81: {  	v29 =	vor.u32 s29, v31;
	[tilespmem:v26+s22+$0x0] =	vst.idx.msk $0xffff, v27  }
0xc82: {  	v31 =	vor.u32 s30, v31;
	v26 =	vor.u32 v40, v24;
	[tilespmem:v28+s22+$0x0] =	vst.idx.msk $0xffff, v30;
	v28 =	vor.u32 v40, v25;
	v40 =	vld [tilespmem:$0x1F5F0];
	_ =	sdelay $0x3  }
0xc83: {  	v27 =	vld.idx.msk [tilespmem:v29+s15+$0x0], $0xffff;
	v29 =	vor.u32 v2, v26  }
0xc84: {  	v32 =	vor.u32 v2, v28;
	v31 =	vld.idx.msk [tilespmem:v31+s15+$0x0], $0xffff;
	v30 =	vor.u32 s29, v40  }
0xc85: {  	v33 =	vor.u32 s30, v40;
	v40 =	vld [tilespmem:$0x1F600];
	_ =	sdelay $0x2  }
0xc86: {  	[tilespmem:v29+s22+$0x0] =	vst.idx.msk $0xffff, v27  }
0xc87: {  	v29 =	vor.u32 v11, v26;
	[tilespmem:v32+s22+$0x0] =	vst.idx.msk $0xffff, v31;
	v27 =	vld.idx.msk [tilespmem:v30+s15+$0x0], $0xffff  }
0xc88: {  	v32 =	vor.u32 v11, v28;
	v30 =	vor.u32 s29, v40;
	v31 =	vld.idx.msk [tilespmem:v33+s15+$0x0], $0xffff  }
0xc89: {  	v33 =	vor.u32 s30, v40;
	v40 =	vld [tilespmem:$0x1F610];
	_ =	sdelay $0x2  }
0xc8a: {  	[tilespmem:v29+s22+$0x0] =	vst.idx.msk $0xffff, v27  }
0xc8b: {  	v29 =	vor.u32 v13, v26;
	[tilespmem:v32+s22+$0x0] =	vst.idx.msk $0xffff, v31;
	v27 =	vld.idx.msk [tilespmem:v30+s15+$0x0], $0xffff  }
0xc8c: {  	v32 =	vor.u32 v13, v28;
	v30 =	vor.u32 s29, v40;
	v31 =	vld.idx.msk [tilespmem:v33+s15+$0x0], $0xffff  }
0xc8d: {  	v33 =	vor.u32 s30, v40;
	v40 =	vld [tilespmem:$0x1F620];
	_ =	sdelay $0x2  }
0xc8e: {  	[tilespmem:v29+s22+$0x0] =	vst.idx.msk $0xffff, v27  }
0xc8f: {  	v29 =	vor.u32 v15, v26;
	[tilespmem:v32+s22+$0x0] =	vst.idx.msk $0xffff, v31;
	v27 =	vld.idx.msk [tilespmem:v30+s15+$0x0], $0xffff  }
0xc90: {  	v32 =	vor.u32 v15, v28;
	v30 =	vor.u32 s29, v40;
	v31 =	vld.idx.msk [tilespmem:v33+s15+$0x0], $0xffff  }
0xc91: {  	v33 =	vor.u32 s30, v40;
	v40 =	vld [tilespmem:$0x1F630];
	_ =	sdelay $0x2  }
0xc92: {  	[tilespmem:v29+s22+$0x0] =	vst.idx.msk $0xffff, v27  }
0xc93: {  	v29 =	vor.u32 v17, v26;
	[tilespmem:v32+s22+$0x0] =	vst.idx.msk $0xffff, v31;
	v27 =	vld.idx.msk [tilespmem:v30+s15+$0x0], $0xffff  }
0xc94: {  	v32 =	vor.u32 v17, v28;
	v30 =	vor.u32 s29, v40;
	v31 =	vld.idx.msk [tilespmem:v33+s15+$0x0], $0xffff  }
0xc95: {  	v33 =	vor.u32 s30, v40;
	v40 =	vld [tilespmem:$0x1F640];
	_ =	sdelay $0x2  }
0xc96: {  	[tilespmem:v29+s22+$0x0] =	vst.idx.msk $0xffff, v27  }
0xc97: {  	v29 =	vor.u32 v19, v26;
	[tilespmem:v32+s22+$0x0] =	vst.idx.msk $0xffff, v31;
	v27 =	vld.idx.msk [tilespmem:v30+s15+$0x0], $0xffff  }
0xc98: {  	v32 =	vor.u32 v19, v28;
	v30 =	vor.u32 s29, v40;
	v31 =	vld.idx.msk [tilespmem:v33+s15+$0x0], $0xffff  }
0xc99: {  	v33 =	vor.u32 s30, v40  }
0xc9a: {  	v40 =	vld [tilespmem:$0x1F650];
	_ =	sdelay $0x1  }
0xc9b: {  	[tilespmem:v29+s22+$0x0] =	vst.idx.msk $0xffff, v27  }
0xc9c: {  	v29 =	vor.u32 v21, v26;
	[tilespmem:v32+s22+$0x0] =	vst.idx.msk $0xffff, v31;
	v27 =	vld.idx.msk [tilespmem:v30+s15+$0x0], $0xffff  }
0xc9d: {  	v32 =	vor.u32 v21, v28;
	v31 =	vld.idx.msk [tilespmem:v33+s15+$0x0], $0xffff  }
0xc9e: {  	v30 =	vor.u32 s29, v40  }
0xc9f: {  	v40 =	vor.u32 s30, v40;
	_ =	sdelay $0x1  }
0xca0: {  	[tilespmem:v29+s22+$0x0] =	vst.idx.msk $0xffff, v27  }
0xca1: {  	[tilespmem:v32+s22+$0x0] =	vst.idx.msk $0xffff, v31;
	v31 =	vld [tilespmem:$0x1F660]  }
0xca2: {  	v27 =	vld.idx.msk [tilespmem:v30+s15+$0x0], $0xffff  }
0xca3: {  	v26 =	vor.u32 v23, v26;
	v30 =	vld.idx.msk [tilespmem:v40+s15+$0x0], $0xffff  }
0xca4: {  	v28 =	vor.u32 v23, v28;
	v40 =	vld [tilespmem:$0x1F370];
	_ =	sdelay $0x3  }
0xca5: {  	v29 =	vor.u32 s29, v31;
	[tilespmem:v26+s22+$0x0] =	vst.idx.msk $0xffff, v27  }
0xca6: {  	v31 =	vor.u32 s30, v31;
	v26 =	vor.u32 v40, v24;
	[tilespmem:v28+s22+$0x0] =	vst.idx.msk $0xffff, v30;
	v28 =	vor.u32 v40, v25;
	v40 =	vld [tilespmem:$0x1F670];
	_ =	sdelay $0x3  }
0xca7: {  	v27 =	vld.idx.msk [tilespmem:v29+s15+$0x0], $0xffff;
	v29 =	vor.u32 v2, v26  }
0xca8: {  	v32 =	vor.u32 v2, v28;
	v31 =	vld.idx.msk [tilespmem:v31+s15+$0x0], $0xffff;
	v30 =	vor.u32 s29, v40  }
0xca9: {  	v33 =	vor.u32 s30, v40;
	v40 =	vld [tilespmem:$0x1F680];
	_ =	sdelay $0x2  }
0xcaa: {  	[tilespmem:v29+s22+$0x0] =	vst.idx.msk $0xffff, v27  }
0xcab: {  	v29 =	vor.u32 v11, v26;
	[tilespmem:v32+s22+$0x0] =	vst.idx.msk $0xffff, v31;
	v27 =	vld.idx.msk [tilespmem:v30+s15+$0x0], $0xffff  }
0xcac: {  	v32 =	vor.u32 v11, v28;
	v30 =	vor.u32 s29, v40;
	v31 =	vld.idx.msk [tilespmem:v33+s15+$0x0], $0xffff  }
0xcad: {  	v33 =	vor.u32 s30, v40;
	v40 =	vld [tilespmem:$0x1F690];
	_ =	sdelay $0x2  }
0xcae: {  	[tilespmem:v29+s22+$0x0] =	vst.idx.msk $0xffff, v27  }
0xcaf: {  	v29 =	vor.u32 v13, v26;
	[tilespmem:v32+s22+$0x0] =	vst.idx.msk $0xffff, v31;
	v27 =	vld.idx.msk [tilespmem:v30+s15+$0x0], $0xffff  }
0xcb0: {  	v32 =	vor.u32 v13, v28;
	v30 =	vor.u32 s29, v40;
	v31 =	vld.idx.msk [tilespmem:v33+s15+$0x0], $0xffff  }
0xcb1: {  	v33 =	vor.u32 s30, v40;
	v40 =	vld [tilespmem:$0x1F6A0];
	_ =	sdelay $0x2  }
0xcb2: {  	[tilespmem:v29+s22+$0x0] =	vst.idx.msk $0xffff, v27  }
0xcb3: {  	v29 =	vor.u32 v15, v26;
	[tilespmem:v32+s22+$0x0] =	vst.idx.msk $0xffff, v31;
	v27 =	vld.idx.msk [tilespmem:v30+s15+$0x0], $0xffff  }
0xcb4: {  	v32 =	vor.u32 v15, v28;
	v30 =	vor.u32 s29, v40;
	v31 =	vld.idx.msk [tilespmem:v33+s15+$0x0], $0xffff  }
0xcb5: {  	v33 =	vor.u32 s30, v40;
	v40 =	vld [tilespmem:$0x1F6B0];
	_ =	sdelay $0x2  }
0xcb6: {  	[tilespmem:v29+s22+$0x0] =	vst.idx.msk $0xffff, v27  }
0xcb7: {  	v29 =	vor.u32 v17, v26;
	[tilespmem:v32+s22+$0x0] =	vst.idx.msk $0xffff, v31;
	v27 =	vld.idx.msk [tilespmem:v30+s15+$0x0], $0xffff  }
0xcb8: {  	v32 =	vor.u32 v17, v28;
	v30 =	vor.u32 s29, v40;
	v31 =	vld.idx.msk [tilespmem:v33+s15+$0x0], $0xffff  }
0xcb9: {  	v33 =	vor.u32 s30, v40;
	v40 =	vld [tilespmem:$0x1F6C0];
	_ =	sdelay $0x2  }
0xcba: {  	[tilespmem:v29+s22+$0x0] =	vst.idx.msk $0xffff, v27  }
0xcbb: {  	v29 =	vor.u32 v19, v26;
	[tilespmem:v32+s22+$0x0] =	vst.idx.msk $0xffff, v31;
	v27 =	vld.idx.msk [tilespmem:v30+s15+$0x0], $0xffff  }
0xcbc: {  	v32 =	vor.u32 v19, v28;
	v30 =	vor.u32 s29, v40;
	v31 =	vld.idx.msk [tilespmem:v33+s15+$0x0], $0xffff  }
0xcbd: {  	v33 =	vor.u32 s30, v40  }
0xcbe: {  	v40 =	vld [tilespmem:$0x1F6D0];
	_ =	sdelay $0x1  }
0xcbf: {  	[tilespmem:v29+s22+$0x0] =	vst.idx.msk $0xffff, v27  }
0xcc0: {  	v29 =	vor.u32 v21, v26;
	[tilespmem:v32+s22+$0x0] =	vst.idx.msk $0xffff, v31;
	v27 =	vld.idx.msk [tilespmem:v30+s15+$0x0], $0xffff  }
0xcc1: {  	v32 =	vor.u32 v21, v28;
	v31 =	vld.idx.msk [tilespmem:v33+s15+$0x0], $0xffff  }
0xcc2: {  	v30 =	vor.u32 s29, v40  }
0xcc3: {  	v40 =	vor.u32 s30, v40;
	_ =	sdelay $0x1  }
0xcc4: {  	[tilespmem:v29+s22+$0x0] =	vst.idx.msk $0xffff, v27  }
0xcc5: {  	[tilespmem:v32+s22+$0x0] =	vst.idx.msk $0xffff, v31;
	v31 =	vld [tilespmem:$0x1F6E0]  }
0xcc6: {  	v27 =	vld.idx.msk [tilespmem:v30+s15+$0x0], $0xffff  }
0xcc7: {  	v26 =	vor.u32 v23, v26;
	v30 =	vld.idx.msk [tilespmem:v40+s15+$0x0], $0xffff  }
0xcc8: {  	v28 =	vor.u32 v23, v28;
	v40 =	vld [tilespmem:$0x1F360];
	_ =	sdelay $0x3  }
0xcc9: {  	v29 =	vor.u32 s29, v31;
	[tilespmem:v26+s22+$0x0] =	vst.idx.msk $0xffff, v27  }
0xcca: {  	v31 =	vor.u32 s30, v31;
	v26 =	vor.u32 v40, v24;
	[tilespmem:v28+s22+$0x0] =	vst.idx.msk $0xffff, v30;
	v28 =	vor.u32 v40, v25;
	v40 =	vld [tilespmem:$0x1F700];
	_ =	sdelay $0x3  }
0xccb: {  	v27 =	vld.idx.msk [tilespmem:v29+s15+$0x0], $0xffff;
	v29 =	vor.u32 v2, v26  }
0xccc: {  	v32 =	vor.u32 v2, v28;
	v31 =	vld.idx.msk [tilespmem:v31+s15+$0x0], $0xffff;
	v30 =	vor.u32 s29, v40  }
0xccd: {  	v33 =	vor.u32 s30, v40;
	v40 =	vld [tilespmem:$0x1F720];
	_ =	sdelay $0x2  }
0xcce: {  	[tilespmem:v29+s22+$0x0] =	vst.idx.msk $0xffff, v27  }
0xccf: {  	v29 =	vor.u32 v11, v26;
	[tilespmem:v32+s22+$0x0] =	vst.idx.msk $0xffff, v31;
	v27 =	vld.idx.msk [tilespmem:v30+s15+$0x0], $0xffff  }
0xcd0: {  	v32 =	vor.u32 v11, v28;
	v30 =	vor.u32 s29, v40;
	v31 =	vld.idx.msk [tilespmem:v33+s15+$0x0], $0xffff  }
0xcd1: {  	v33 =	vor.u32 s30, v40;
	v40 =	vld [tilespmem:$0x1F740];
	_ =	sdelay $0x2  }
0xcd2: {  	[tilespmem:v29+s22+$0x0] =	vst.idx.msk $0xffff, v27  }
0xcd3: {  	v29 =	vor.u32 v13, v26;
	[tilespmem:v32+s22+$0x0] =	vst.idx.msk $0xffff, v31;
	v27 =	vld.idx.msk [tilespmem:v30+s15+$0x0], $0xffff  }
0xcd4: {  	v32 =	vor.u32 v13, v28;
	v30 =	vor.u32 s29, v40;
	v31 =	vld.idx.msk [tilespmem:v33+s15+$0x0], $0xffff  }
0xcd5: {  	v33 =	vor.u32 s30, v40;
	v40 =	vld [tilespmem:$0x1F760];
	_ =	sdelay $0x2  }
0xcd6: {  	[tilespmem:v29+s22+$0x0] =	vst.idx.msk $0xffff, v27  }
0xcd7: {  	v29 =	vor.u32 v15, v26;
	[tilespmem:v32+s22+$0x0] =	vst.idx.msk $0xffff, v31;
	v27 =	vld.idx.msk [tilespmem:v30+s15+$0x0], $0xffff  }
0xcd8: {  	v32 =	vor.u32 v15, v28;
	v30 =	vor.u32 s29, v40;
	v31 =	vld.idx.msk [tilespmem:v33+s15+$0x0], $0xffff  }
0xcd9: {  	v33 =	vor.u32 s30, v40;
	v40 =	vld [tilespmem:$0x1F780];
	_ =	sdelay $0x2  }
0xcda: {  	[tilespmem:v29+s22+$0x0] =	vst.idx.msk $0xffff, v27  }
0xcdb: {  	v29 =	vor.u32 v17, v26;
	[tilespmem:v32+s22+$0x0] =	vst.idx.msk $0xffff, v31;
	v27 =	vld.idx.msk [tilespmem:v30+s15+$0x0], $0xffff  }
0xcdc: {  	v32 =	vor.u32 v17, v28;
	v30 =	vor.u32 s29, v40;
	v31 =	vld.idx.msk [tilespmem:v33+s15+$0x0], $0xffff  }
0xcdd: {  	v33 =	vor.u32 s30, v40;
	v40 =	vld [tilespmem:$0x1F7A0];
	_ =	sdelay $0x2  }
0xcde: {  	[tilespmem:v29+s22+$0x0] =	vst.idx.msk $0xffff, v27  }
0xcdf: {  	v29 =	vor.u32 v19, v26;
	[tilespmem:v32+s22+$0x0] =	vst.idx.msk $0xffff, v31;
	v27 =	vld.idx.msk [tilespmem:v30+s15+$0x0], $0xffff  }
0xce0: {  	v32 =	vor.u32 v19, v28;
	v30 =	vor.u32 s29, v40;
	v31 =	vld.idx.msk [tilespmem:v33+s15+$0x0], $0xffff  }
0xce1: {  	v33 =	vor.u32 s30, v40  }
0xce2: {  	v40 =	vld [tilespmem:$0x1F7C0];
	_ =	sdelay $0x1  }
0xce3: {  	[tilespmem:v29+s22+$0x0] =	vst.idx.msk $0xffff, v27  }
0xce4: {  	v29 =	vor.u32 v21, v26;
	[tilespmem:v32+s22+$0x0] =	vst.idx.msk $0xffff, v31;
	v27 =	vld.idx.msk [tilespmem:v30+s15+$0x0], $0xffff  }
0xce5: {  	v32 =	vor.u32 v21, v28;
	v31 =	vld.idx.msk [tilespmem:v33+s15+$0x0], $0xffff  }
0xce6: {  	v30 =	vor.u32 s29, v40  }
0xce7: {  	v40 =	vor.u32 s30, v40;
	_ =	sdelay $0x1  }
0xce8: {  	[tilespmem:v29+s22+$0x0] =	vst.idx.msk $0xffff, v27  }
0xce9: {  	[tilespmem:v32+s22+$0x0] =	vst.idx.msk $0xffff, v31;
	v31 =	vld [tilespmem:$0x1F7E0]  }
0xcea: {  	v27 =	vld.idx.msk [tilespmem:v30+s15+$0x0], $0xffff  }
0xceb: {  	v26 =	vor.u32 v23, v26;
	v30 =	vld.idx.msk [tilespmem:v40+s15+$0x0], $0xffff  }
0xcec: {  	v28 =	vor.u32 v23, v28;
	v40 =	vld [tilespmem:$0x1F350];
	_ =	sdelay $0x3  }
0xced: {  	v29 =	vor.u32 s29, v31;
	[tilespmem:v26+s22+$0x0] =	vst.idx.msk $0xffff, v27  }
0xcee: {  	v31 =	vor.u32 s30, v31;
	v26 =	vor.u32 v40, v24;
	[tilespmem:v28+s22+$0x0] =	vst.idx.msk $0xffff, v30;
	v28 =	vor.u32 v40, v25;
	v40 =	vld [tilespmem:$0x1F800];
	_ =	sdelay $0x3  }
0xcef: {  	v27 =	vld.idx.msk [tilespmem:v29+s15+$0x0], $0xffff;
	v29 =	vor.u32 v2, v26  }
0xcf0: {  	v32 =	vor.u32 v2, v28;
	v31 =	vld.idx.msk [tilespmem:v31+s15+$0x0], $0xffff;
	v30 =	vor.u32 s29, v40  }
0xcf1: {  	v33 =	vor.u32 s30, v40;
	v40 =	vld [tilespmem:$0x1F820];
	_ =	sdelay $0x2  }
0xcf2: {  	[tilespmem:v29+s22+$0x0] =	vst.idx.msk $0xffff, v27  }
0xcf3: {  	v29 =	vor.u32 v11, v26;
	[tilespmem:v32+s22+$0x0] =	vst.idx.msk $0xffff, v31;
	v27 =	vld.idx.msk [tilespmem:v30+s15+$0x0], $0xffff  }
0xcf4: {  	v32 =	vor.u32 v11, v28;
	v30 =	vor.u32 s29, v40;
	v31 =	vld.idx.msk [tilespmem:v33+s15+$0x0], $0xffff  }
0xcf5: {  	v33 =	vor.u32 s30, v40;
	v40 =	vld [tilespmem:$0x1F840];
	_ =	sdelay $0x2  }
0xcf6: {  	[tilespmem:v29+s22+$0x0] =	vst.idx.msk $0xffff, v27  }
0xcf7: {  	v29 =	vor.u32 v13, v26;
	[tilespmem:v32+s22+$0x0] =	vst.idx.msk $0xffff, v31;
	v27 =	vld.idx.msk [tilespmem:v30+s15+$0x0], $0xffff  }
0xcf8: {  	v32 =	vor.u32 v13, v28;
	v30 =	vor.u32 s29, v40;
	v31 =	vld.idx.msk [tilespmem:v33+s15+$0x0], $0xffff  }
0xcf9: {  	v33 =	vor.u32 s30, v40;
	v40 =	vld [tilespmem:$0x1F860];
	_ =	sdelay $0x2  }
0xcfa: {  	[tilespmem:v29+s22+$0x0] =	vst.idx.msk $0xffff, v27  }
0xcfb: {  	v29 =	vor.u32 v15, v26;
	[tilespmem:v32+s22+$0x0] =	vst.idx.msk $0xffff, v31;
	v27 =	vld.idx.msk [tilespmem:v30+s15+$0x0], $0xffff  }
0xcfc: {  	v32 =	vor.u32 v15, v28;
	v30 =	vor.u32 s29, v40;
	v31 =	vld.idx.msk [tilespmem:v33+s15+$0x0], $0xffff  }
0xcfd: {  	v33 =	vor.u32 s30, v40;
	v40 =	vld [tilespmem:$0x1F880];
	_ =	sdelay $0x2  }
0xcfe: {  	[tilespmem:v29+s22+$0x0] =	vst.idx.msk $0xffff, v27  }
0xcff: {  	v29 =	vor.u32 v17, v26;
	[tilespmem:v32+s22+$0x0] =	vst.idx.msk $0xffff, v31;
	v27 =	vld.idx.msk [tilespmem:v30+s15+$0x0], $0xffff  }
0xd00: {  	v32 =	vor.u32 v17, v28;
	v30 =	vor.u32 s29, v40;
	v31 =	vld.idx.msk [tilespmem:v33+s15+$0x0], $0xffff  }
0xd01: {  	v33 =	vor.u32 s30, v40;
	v40 =	vld [tilespmem:$0x1F8A0];
	_ =	sdelay $0x2  }
0xd02: {  	[tilespmem:v29+s22+$0x0] =	vst.idx.msk $0xffff, v27  }
0xd03: {  	v29 =	vor.u32 v19, v26;
	[tilespmem:v32+s22+$0x0] =	vst.idx.msk $0xffff, v31;
	v27 =	vld.idx.msk [tilespmem:v30+s15+$0x0], $0xffff  }
0xd04: {  	v32 =	vor.u32 v19, v28;
	v30 =	vor.u32 s29, v40;
	v31 =	vld.idx.msk [tilespmem:v33+s15+$0x0], $0xffff  }
0xd05: {  	v33 =	vor.u32 s30, v40  }
0xd06: {  	v40 =	vld [tilespmem:$0x1F8C0];
	_ =	sdelay $0x1  }
0xd07: {  	[tilespmem:v29+s22+$0x0] =	vst.idx.msk $0xffff, v27  }
0xd08: {  	v29 =	vor.u32 v21, v26;
	[tilespmem:v32+s22+$0x0] =	vst.idx.msk $0xffff, v31;
	v27 =	vld.idx.msk [tilespmem:v30+s15+$0x0], $0xffff  }
0xd09: {  	v32 =	vor.u32 v21, v28;
	v31 =	vld.idx.msk [tilespmem:v33+s15+$0x0], $0xffff  }
0xd0a: {  	v30 =	vor.u32 s29, v40  }
0xd0b: {  	v40 =	vor.u32 s30, v40;
	_ =	sdelay $0x1  }
0xd0c: {  	[tilespmem:v29+s22+$0x0] =	vst.idx.msk $0xffff, v27  }
0xd0d: {  	[tilespmem:v32+s22+$0x0] =	vst.idx.msk $0xffff, v31;
	v31 =	vld [tilespmem:$0x1F8E0]  }
0xd0e: {  	v27 =	vld.idx.msk [tilespmem:v30+s15+$0x0], $0xffff  }
0xd0f: {  	v26 =	vor.u32 v23, v26;
	v30 =	vld.idx.msk [tilespmem:v40+s15+$0x0], $0xffff  }
0xd10: {  	v28 =	vor.u32 v23, v28;
	v40 =	vld [tilespmem:$0x1F340];
	_ =	sdelay $0x3  }
0xd11: {  	v29 =	vor.u32 s29, v31;
	[tilespmem:v26+s22+$0x0] =	vst.idx.msk $0xffff, v27  }
0xd12: {  	v31 =	vor.u32 s30, v31;
	v26 =	vor.u32 v40, v24;
	[tilespmem:v28+s22+$0x0] =	vst.idx.msk $0xffff, v30;
	v28 =	vor.u32 v40, v25;
	v40 =	vld [tilespmem:$0x1F900];
	_ =	sdelay $0x3  }
0xd13: {  	v27 =	vld.idx.msk [tilespmem:v29+s15+$0x0], $0xffff;
	v29 =	vor.u32 v2, v26  }
0xd14: {  	v32 =	vor.u32 v2, v28;
	v31 =	vld.idx.msk [tilespmem:v31+s15+$0x0], $0xffff;
	v30 =	vor.u32 s29, v40  }
0xd15: {  	v33 =	vor.u32 s30, v40;
	v40 =	vld [tilespmem:$0x1F920];
	_ =	sdelay $0x2  }
0xd16: {  	[tilespmem:v29+s22+$0x0] =	vst.idx.msk $0xffff, v27  }
0xd17: {  	v29 =	vor.u32 v11, v26;
	[tilespmem:v32+s22+$0x0] =	vst.idx.msk $0xffff, v31;
	v27 =	vld.idx.msk [tilespmem:v30+s15+$0x0], $0xffff  }
0xd18: {  	v32 =	vor.u32 v11, v28;
	v30 =	vor.u32 s29, v40;
	v31 =	vld.idx.msk [tilespmem:v33+s15+$0x0], $0xffff  }
0xd19: {  	v33 =	vor.u32 s30, v40;
	v40 =	vld [tilespmem:$0x1F940];
	_ =	sdelay $0x2  }
0xd1a: {  	[tilespmem:v29+s22+$0x0] =	vst.idx.msk $0xffff, v27  }
0xd1b: {  	v29 =	vor.u32 v13, v26;
	[tilespmem:v32+s22+$0x0] =	vst.idx.msk $0xffff, v31;
	v27 =	vld.idx.msk [tilespmem:v30+s15+$0x0], $0xffff  }
0xd1c: {  	v32 =	vor.u32 v13, v28;
	v30 =	vor.u32 s29, v40;
	v31 =	vld.idx.msk [tilespmem:v33+s15+$0x0], $0xffff  }
0xd1d: {  	v33 =	vor.u32 s30, v40;
	v40 =	vld [tilespmem:$0x1F960];
	_ =	sdelay $0x2  }
0xd1e: {  	[tilespmem:v29+s22+$0x0] =	vst.idx.msk $0xffff, v27  }
0xd1f: {  	v29 =	vor.u32 v15, v26;
	[tilespmem:v32+s22+$0x0] =	vst.idx.msk $0xffff, v31;
	v27 =	vld.idx.msk [tilespmem:v30+s15+$0x0], $0xffff  }
0xd20: {  	v32 =	vor.u32 v15, v28;
	v30 =	vor.u32 s29, v40;
	v31 =	vld.idx.msk [tilespmem:v33+s15+$0x0], $0xffff  }
0xd21: {  	v33 =	vor.u32 s30, v40;
	v40 =	vld [tilespmem:$0x1F980];
	_ =	sdelay $0x2  }
0xd22: {  	[tilespmem:v29+s22+$0x0] =	vst.idx.msk $0xffff, v27  }
0xd23: {  	v29 =	vor.u32 v17, v26;
	[tilespmem:v32+s22+$0x0] =	vst.idx.msk $0xffff, v31;
	v27 =	vld.idx.msk [tilespmem:v30+s15+$0x0], $0xffff  }
0xd24: {  	v32 =	vor.u32 v17, v28;
	v30 =	vor.u32 s29, v40;
	v31 =	vld.idx.msk [tilespmem:v33+s15+$0x0], $0xffff  }
0xd25: {  	v33 =	vor.u32 s30, v40;
	v40 =	vld [tilespmem:$0x1F9A0];
	_ =	sdelay $0x2  }
0xd26: {  	[tilespmem:v29+s22+$0x0] =	vst.idx.msk $0xffff, v27  }
0xd27: {  	v29 =	vor.u32 v19, v26;
	[tilespmem:v32+s22+$0x0] =	vst.idx.msk $0xffff, v31;
	v27 =	vld.idx.msk [tilespmem:v30+s15+$0x0], $0xffff  }
0xd28: {  	v32 =	vor.u32 v19, v28;
	v30 =	vor.u32 s29, v40;
	v31 =	vld.idx.msk [tilespmem:v33+s15+$0x0], $0xffff  }
0xd29: {  	v33 =	vor.u32 s30, v40  }
0xd2a: {  	v40 =	vld [tilespmem:$0x1F9C0];
	_ =	sdelay $0x1  }
0xd2b: {  	[tilespmem:v29+s22+$0x0] =	vst.idx.msk $0xffff, v27  }
0xd2c: {  	v29 =	vor.u32 v21, v26;
	[tilespmem:v32+s22+$0x0] =	vst.idx.msk $0xffff, v31;
	v27 =	vld.idx.msk [tilespmem:v30+s15+$0x0], $0xffff  }
0xd2d: {  	v32 =	vor.u32 v21, v28;
	v31 =	vld.idx.msk [tilespmem:v33+s15+$0x0], $0xffff  }
0xd2e: {  	v30 =	vor.u32 s29, v40  }
0xd2f: {  	v40 =	vor.u32 s30, v40;
	_ =	sdelay $0x1  }
0xd30: {  	[tilespmem:v29+s22+$0x0] =	vst.idx.msk $0xffff, v27  }
0xd31: {  	[tilespmem:v32+s22+$0x0] =	vst.idx.msk $0xffff, v31;
	v31 =	vld [tilespmem:$0x1F9E0]  }
0xd32: {  	v27 =	vld.idx.msk [tilespmem:v30+s15+$0x0], $0xffff  }
0xd33: {  	v26 =	vor.u32 v23, v26;
	v30 =	vld.idx.msk [tilespmem:v40+s15+$0x0], $0xffff  }
0xd34: {  	v28 =	vor.u32 v23, v28;
	v40 =	vld [tilespmem:$0x1F330];
	_ =	sdelay $0x3  }
0xd35: {  	v29 =	vor.u32 s29, v31;
	[tilespmem:v26+s22+$0x0] =	vst.idx.msk $0xffff, v27  }
0xd36: {  	v31 =	vor.u32 s30, v31;
	v26 =	vor.u32 v40, v24;
	[tilespmem:v28+s22+$0x0] =	vst.idx.msk $0xffff, v30;
	v28 =	vor.u32 v40, v25;
	v40 =	vld [tilespmem:$0x1FA00];
	_ =	sdelay $0x3  }
0xd37: {  	v27 =	vld.idx.msk [tilespmem:v29+s15+$0x0], $0xffff;
	v29 =	vor.u32 v2, v26  }
0xd38: {  	v32 =	vor.u32 v2, v28;
	v31 =	vld.idx.msk [tilespmem:v31+s15+$0x0], $0xffff;
	v30 =	vor.u32 s29, v40  }
0xd39: {  	v33 =	vor.u32 s30, v40;
	v40 =	vld [tilespmem:$0x1FA20];
	_ =	sdelay $0x2  }
0xd3a: {  	[tilespmem:v29+s22+$0x0] =	vst.idx.msk $0xffff, v27  }
0xd3b: {  	v29 =	vor.u32 v11, v26;
	[tilespmem:v32+s22+$0x0] =	vst.idx.msk $0xffff, v31;
	v27 =	vld.idx.msk [tilespmem:v30+s15+$0x0], $0xffff  }
0xd3c: {  	v32 =	vor.u32 v11, v28;
	v30 =	vor.u32 s29, v40;
	v31 =	vld.idx.msk [tilespmem:v33+s15+$0x0], $0xffff  }
0xd3d: {  	v33 =	vor.u32 s30, v40;
	v40 =	vld [tilespmem:$0x1FA40];
	_ =	sdelay $0x2  }
0xd3e: {  	[tilespmem:v29+s22+$0x0] =	vst.idx.msk $0xffff, v27  }
0xd3f: {  	v29 =	vor.u32 v13, v26;
	[tilespmem:v32+s22+$0x0] =	vst.idx.msk $0xffff, v31;
	v27 =	vld.idx.msk [tilespmem:v30+s15+$0x0], $0xffff  }
0xd40: {  	v32 =	vor.u32 v13, v28;
	v30 =	vor.u32 s29, v40;
	v31 =	vld.idx.msk [tilespmem:v33+s15+$0x0], $0xffff  }
0xd41: {  	v33 =	vor.u32 s30, v40;
	v40 =	vld [tilespmem:$0x1FA60];
	_ =	sdelay $0x2  }
0xd42: {  	[tilespmem:v29+s22+$0x0] =	vst.idx.msk $0xffff, v27  }
0xd43: {  	v29 =	vor.u32 v15, v26;
	[tilespmem:v32+s22+$0x0] =	vst.idx.msk $0xffff, v31;
	v27 =	vld.idx.msk [tilespmem:v30+s15+$0x0], $0xffff  }
0xd44: {  	v32 =	vor.u32 v15, v28;
	v30 =	vor.u32 s29, v40;
	v31 =	vld.idx.msk [tilespmem:v33+s15+$0x0], $0xffff  }
0xd45: {  	v33 =	vor.u32 s30, v40;
	v40 =	vld [tilespmem:$0x1FA80];
	_ =	sdelay $0x2  }
0xd46: {  	[tilespmem:v29+s22+$0x0] =	vst.idx.msk $0xffff, v27  }
0xd47: {  	v29 =	vor.u32 v17, v26;
	[tilespmem:v32+s22+$0x0] =	vst.idx.msk $0xffff, v31;
	v27 =	vld.idx.msk [tilespmem:v30+s15+$0x0], $0xffff  }
0xd48: {  	v32 =	vor.u32 v17, v28;
	v30 =	vor.u32 s29, v40;
	v31 =	vld.idx.msk [tilespmem:v33+s15+$0x0], $0xffff  }
0xd49: {  	v33 =	vor.u32 s30, v40;
	v40 =	vld [tilespmem:$0x1FAA0];
	_ =	sdelay $0x2  }
0xd4a: {  	[tilespmem:v29+s22+$0x0] =	vst.idx.msk $0xffff, v27  }
0xd4b: {  	v29 =	vor.u32 v19, v26;
	[tilespmem:v32+s22+$0x0] =	vst.idx.msk $0xffff, v31;
	v27 =	vld.idx.msk [tilespmem:v30+s15+$0x0], $0xffff  }
0xd4c: {  	v32 =	vor.u32 v19, v28;
	v30 =	vor.u32 s29, v40;
	v31 =	vld.idx.msk [tilespmem:v33+s15+$0x0], $0xffff  }
0xd4d: {  	v33 =	vor.u32 s30, v40  }
0xd4e: {  	v40 =	vld [tilespmem:$0x1FAC0];
	_ =	sdelay $0x1  }
0xd4f: {  	[tilespmem:v29+s22+$0x0] =	vst.idx.msk $0xffff, v27  }
0xd50: {  	v29 =	vor.u32 v21, v26;
	[tilespmem:v32+s22+$0x0] =	vst.idx.msk $0xffff, v31;
	v27 =	vld.idx.msk [tilespmem:v30+s15+$0x0], $0xffff  }
0xd51: {  	v32 =	vor.u32 v21, v28;
	v31 =	vld.idx.msk [tilespmem:v33+s15+$0x0], $0xffff  }
0xd52: {  	v30 =	vor.u32 s29, v40  }
0xd53: {  	v40 =	vor.u32 s30, v40;
	_ =	sdelay $0x1  }
0xd54: {  	[tilespmem:v29+s22+$0x0] =	vst.idx.msk $0xffff, v27  }
0xd55: {  	[tilespmem:v32+s22+$0x0] =	vst.idx.msk $0xffff, v31;
	v31 =	vld [tilespmem:$0x1FAE0]  }
0xd56: {  	v27 =	vld.idx.msk [tilespmem:v30+s15+$0x0], $0xffff  }
0xd57: {  	v26 =	vor.u32 v23, v26;
	v30 =	vld.idx.msk [tilespmem:v40+s15+$0x0], $0xffff  }
0xd58: {  	v28 =	vor.u32 v23, v28;
	v40 =	vld [tilespmem:$0x1F320];
	_ =	sdelay $0x3  }
0xd59: {  	v29 =	vor.u32 s29, v31;
	[tilespmem:v26+s22+$0x0] =	vst.idx.msk $0xffff, v27  }
0xd5a: {  	v31 =	vor.u32 s30, v31;
	v26 =	vor.u32 v40, v24;
	[tilespmem:v28+s22+$0x0] =	vst.idx.msk $0xffff, v30;
	v28 =	vor.u32 v40, v25;
	v40 =	vld [tilespmem:$0x1FB00];
	_ =	sdelay $0x3  }
0xd5b: {  	v27 =	vld.idx.msk [tilespmem:v29+s15+$0x0], $0xffff;
	v29 =	vor.u32 v2, v26  }
0xd5c: {  	v32 =	vor.u32 v2, v28;
	v31 =	vld.idx.msk [tilespmem:v31+s15+$0x0], $0xffff;
	v30 =	vor.u32 s29, v40  }
0xd5d: {  	v33 =	vor.u32 s30, v40;
	v40 =	vld [tilespmem:$0x1FB20];
	_ =	sdelay $0x2  }
0xd5e: {  	[tilespmem:v29+s22+$0x0] =	vst.idx.msk $0xffff, v27  }
0xd5f: {  	v29 =	vor.u32 v11, v26;
	[tilespmem:v32+s22+$0x0] =	vst.idx.msk $0xffff, v31;
	v27 =	vld.idx.msk [tilespmem:v30+s15+$0x0], $0xffff  }
0xd60: {  	v32 =	vor.u32 v11, v28;
	v30 =	vor.u32 s29, v40;
	v31 =	vld.idx.msk [tilespmem:v33+s15+$0x0], $0xffff  }
0xd61: {  	v33 =	vor.u32 s30, v40;
	v40 =	vld [tilespmem:$0x1FB40];
	_ =	sdelay $0x2  }
0xd62: {  	[tilespmem:v29+s22+$0x0] =	vst.idx.msk $0xffff, v27  }
0xd63: {  	v29 =	vor.u32 v13, v26;
	[tilespmem:v32+s22+$0x0] =	vst.idx.msk $0xffff, v31;
	v27 =	vld.idx.msk [tilespmem:v30+s15+$0x0], $0xffff  }
0xd64: {  	v32 =	vor.u32 v13, v28;
	v30 =	vor.u32 s29, v40;
	v31 =	vld.idx.msk [tilespmem:v33+s15+$0x0], $0xffff  }
0xd65: {  	v40 =	vor.u32 s30, v40;
	_ =	sdelay $0x2  }
0xd66: {  	[tilespmem:v29+s22+$0x0] =	vst.idx.msk $0xffff, v27  }
0xd67: {  	v29 =	vor.u32 v15, v26;
	[tilespmem:v32+s22+$0x0] =	vst.idx.msk $0xffff, v31;
	v27 =	vld.idx.msk [tilespmem:v30+s15+$0x0], $0xffff  }
0xd68: {  	v32 =	vor.u32 v15, v28;
	v30 =	vor.u32 s29, v41;
	v31 =	vld.idx.msk [tilespmem:v40+s15+$0x0], $0xffff  }
0xd69: {  	v40 =	vor.u32 s30, v41;
	_ =	sdelay $0x2  }
0xd6a: {  	[tilespmem:v29+s22+$0x0] =	vst.idx.msk $0xffff, v27  }
0xd6b: {  	v29 =	vor.u32 v17, v26;
	[tilespmem:v32+s22+$0x0] =	vst.idx.msk $0xffff, v31;
	v27 =	vld.idx.msk [tilespmem:v30+s15+$0x0], $0xffff  }
0xd6c: {  	v32 =	vor.u32 v17, v28;
	v30 =	vor.u32 s29, v42;
	v31 =	vld.idx.msk [tilespmem:v40+s15+$0x0], $0xffff  }
0xd6d: {  	v40 =	vor.u32 s30, v42;
	_ =	sdelay $0x2  }
0xd6e: {  	[tilespmem:v29+s22+$0x0] =	vst.idx.msk $0xffff, v27  }
0xd6f: {  	v29 =	vor.u32 v19, v26;
	[tilespmem:v32+s22+$0x0] =	vst.idx.msk $0xffff, v31;
	v27 =	vld.idx.msk [tilespmem:v30+s15+$0x0], $0xffff  }
0xd70: {  	v32 =	vor.u32 v19, v28;
	v30 =	vor.u32 s29, v43;
	v31 =	vld.idx.msk [tilespmem:v40+s15+$0x0], $0xffff  }
0xd71: {  	v40 =	vor.u32 s30, v43;
	_ =	sdelay $0x2  }
0xd72: {  	[tilespmem:v29+s22+$0x0] =	vst.idx.msk $0xffff, v27  }
0xd73: {  	v29 =	vor.u32 v21, v26;
	[tilespmem:v32+s22+$0x0] =	vst.idx.msk $0xffff, v31;
	v27 =	vld.idx.msk [tilespmem:v30+s15+$0x0], $0xffff  }
0xd74: {  	v32 =	vor.u32 v21, v28;
	v30 =	vor.u32 s29, v44;
	v31 =	vld.idx.msk [tilespmem:v40+s15+$0x0], $0xffff  }
0xd75: {  	v40 =	vor.u32 s30, v44;
	_ =	sdelay $0x2  }
0xd76: {  	[tilespmem:v29+s22+$0x0] =	vst.idx.msk $0xffff, v27  }
0xd77: {  	[tilespmem:v32+s22+$0x0] =	vst.idx.msk $0xffff, v31;
	v27 =	vld.idx.msk [tilespmem:v30+s15+$0x0], $0xffff  }
0xd78: {  	v30 =	vld.idx.msk [tilespmem:v40+s15+$0x0], $0xffff  }
0xd79: {  	v26 =	vor.u32 v23, v26;
	v40 =	vld [tilespmem:$0x1F310]  }
0xd7a: {  	v28 =	vor.u32 v23, v28;
	v29 =	vor.u32 s29, v45  }
0xd7b: {  	v31 =	vor.u32 s30, v45;
	_ =	sdelay $0x2  }
0xd7c: {  	[tilespmem:v26+s22+$0x0] =	vst.idx.msk $0xffff, v27;
	v26 =	vor.u32 v40, v24  }
0xd7d: {  	[tilespmem:v28+s22+$0x0] =	vst.idx.msk $0xffff, v30;
	v28 =	vor.u32 v40, v25;
	v27 =	vld.idx.msk [tilespmem:v29+s15+$0x0], $0xffff;
	v29 =	vor.u32 v2, v26  }
0xd7e: {  	v30 =	vor.u32 s29, v46;
	v31 =	vld.idx.msk [tilespmem:v31+s15+$0x0], $0xffff;
	v32 =	vor.u32 v2, v28  }
0xd7f: {  	v40 =	vor.u32 s30, v46;
	_ =	sdelay $0x2  }
0xd80: {  	[tilespmem:v29+s22+$0x0] =	vst.idx.msk $0xffff, v27  }
0xd81: {  	v29 =	vor.u32 v11, v26;
	[tilespmem:v32+s22+$0x0] =	vst.idx.msk $0xffff, v31;
	v27 =	vld.idx.msk [tilespmem:v30+s15+$0x0], $0xffff  }
0xd82: {  	v32 =	vor.u32 v11, v28;
	v30 =	vor.u32 s29, v47;
	v31 =	vld.idx.msk [tilespmem:v40+s15+$0x0], $0xffff  }
0xd83: {  	v40 =	vor.u32 s30, v47;
	_ =	sdelay $0x2  }
0xd84: {  	[tilespmem:v29+s22+$0x0] =	vst.idx.msk $0xffff, v27  }
0xd85: {  	v29 =	vor.u32 v13, v26;
	[tilespmem:v32+s22+$0x0] =	vst.idx.msk $0xffff, v31;
	v27 =	vld.idx.msk [tilespmem:v30+s15+$0x0], $0xffff  }
0xd86: {  	v32 =	vor.u32 v13, v28;
	v30 =	vor.u32 s29, v48;
	v31 =	vld.idx.msk [tilespmem:v40+s15+$0x0], $0xffff  }
0xd87: {  	v40 =	vor.u32 s30, v48;
	_ =	sdelay $0x2  }
0xd88: {  	[tilespmem:v29+s22+$0x0] =	vst.idx.msk $0xffff, v27  }
0xd89: {  	v29 =	vor.u32 v15, v26;
	[tilespmem:v32+s22+$0x0] =	vst.idx.msk $0xffff, v31;
	v27 =	vld.idx.msk [tilespmem:v30+s15+$0x0], $0xffff  }
0xd8a: {  	v32 =	vor.u32 v15, v28;
	v30 =	vor.u32 s29, v49;
	v31 =	vld.idx.msk [tilespmem:v40+s15+$0x0], $0xffff  }
0xd8b: {  	v40 =	vor.u32 s30, v49;
	_ =	sdelay $0x2  }
0xd8c: {  	[tilespmem:v29+s22+$0x0] =	vst.idx.msk $0xffff, v27  }
0xd8d: {  	v29 =	vor.u32 v17, v26;
	[tilespmem:v32+s22+$0x0] =	vst.idx.msk $0xffff, v31;
	v27 =	vld.idx.msk [tilespmem:v30+s15+$0x0], $0xffff  }
0xd8e: {  	v32 =	vor.u32 v17, v28;
	v30 =	vor.u32 s29, v50;
	v31 =	vld.idx.msk [tilespmem:v40+s15+$0x0], $0xffff  }
0xd8f: {  	v40 =	vor.u32 s30, v50;
	_ =	sdelay $0x2  }
0xd90: {  	[tilespmem:v29+s22+$0x0] =	vst.idx.msk $0xffff, v27  }
0xd91: {  	v29 =	vor.u32 v19, v26;
	[tilespmem:v32+s22+$0x0] =	vst.idx.msk $0xffff, v31;
	v27 =	vld.idx.msk [tilespmem:v30+s15+$0x0], $0xffff  }
0xd92: {  	v32 =	vor.u32 v19, v28;
	v30 =	vor.u32 s29, v51;
	v31 =	vld.idx.msk [tilespmem:v40+s15+$0x0], $0xffff  }
0xd93: {  	v40 =	vor.u32 s30, v51;
	_ =	sdelay $0x2  }
0xd94: {  	[tilespmem:v29+s22+$0x0] =	vst.idx.msk $0xffff, v27  }
0xd95: {  	v29 =	vor.u32 v21, v26;
	[tilespmem:v32+s22+$0x0] =	vst.idx.msk $0xffff, v31;
	v27 =	vld.idx.msk [tilespmem:v30+s15+$0x0], $0xffff  }
0xd96: {  	v32 =	vor.u32 v21, v28;
	v30 =	vor.u32 s29, v52;
	v31 =	vld.idx.msk [tilespmem:v40+s15+$0x0], $0xffff  }
0xd97: {  	v40 =	vor.u32 s30, v52;
	_ =	sdelay $0x2  }
0xd98: {  	[tilespmem:v29+s22+$0x0] =	vst.idx.msk $0xffff, v27  }
0xd99: {  	[tilespmem:v32+s22+$0x0] =	vst.idx.msk $0xffff, v31;
	v27 =	vld.idx.msk [tilespmem:v30+s15+$0x0], $0xffff  }
0xd9a: {  	v30 =	vld.idx.msk [tilespmem:v40+s15+$0x0], $0xffff  }
0xd9b: {  	v26 =	vor.u32 v23, v26;
	v40 =	vld [tilespmem:$0x1F300]  }
0xd9c: {  	v28 =	vor.u32 v23, v28;
	v29 =	vor.u32 s29, v53  }
0xd9d: {  	v31 =	vor.u32 s30, v53;
	_ =	sdelay $0x2  }
0xd9e: {  	[tilespmem:v26+s22+$0x0] =	vst.idx.msk $0xffff, v27;
	v26 =	vor.u32 v40, v24  }
0xd9f: {  	[tilespmem:v28+s22+$0x0] =	vst.idx.msk $0xffff, v30;
	v28 =	vor.u32 v40, v25;
	v27 =	vld.idx.msk [tilespmem:v29+s15+$0x0], $0xffff;
	v29 =	vor.u32 v2, v26  }
0xda0: {  	v30 =	vor.u32 s29, v54;
	v31 =	vld.idx.msk [tilespmem:v31+s15+$0x0], $0xffff;
	v32 =	vor.u32 v2, v28  }
0xda1: {  	v40 =	vor.u32 s30, v54;
	_ =	sdelay $0x2  }
0xda2: {  	[tilespmem:v29+s22+$0x0] =	vst.idx.msk $0xffff, v27  }
0xda3: {  	v29 =	vor.u32 v11, v26;
	[tilespmem:v32+s22+$0x0] =	vst.idx.msk $0xffff, v31;
	v27 =	vld.idx.msk [tilespmem:v30+s15+$0x0], $0xffff  }
0xda4: {  	v32 =	vor.u32 v11, v28;
	v30 =	vor.u32 s29, v55;
	v31 =	vld.idx.msk [tilespmem:v40+s15+$0x0], $0xffff  }
0xda5: {  	v40 =	vor.u32 s30, v55;
	_ =	sdelay $0x2  }
0xda6: {  	[tilespmem:v29+s22+$0x0] =	vst.idx.msk $0xffff, v27  }
0xda7: {  	v29 =	vor.u32 v13, v26;
	[tilespmem:v32+s22+$0x0] =	vst.idx.msk $0xffff, v31;
	v27 =	vld.idx.msk [tilespmem:v30+s15+$0x0], $0xffff  }
0xda8: {  	v32 =	vor.u32 v13, v28;
	v30 =	vor.u32 s29, v56;
	v31 =	vld.idx.msk [tilespmem:v40+s15+$0x0], $0xffff  }
0xda9: {  	v40 =	vor.u32 s30, v56;
	_ =	sdelay $0x2  }
0xdaa: {  	[tilespmem:v29+s22+$0x0] =	vst.idx.msk $0xffff, v27  }
0xdab: {  	v29 =	vor.u32 v15, v26;
	[tilespmem:v32+s22+$0x0] =	vst.idx.msk $0xffff, v31;
	v27 =	vld.idx.msk [tilespmem:v30+s15+$0x0], $0xffff  }
0xdac: {  	v32 =	vor.u32 v15, v28;
	v30 =	vor.u32 s29, v57;
	v31 =	vld.idx.msk [tilespmem:v40+s15+$0x0], $0xffff  }
0xdad: {  	v40 =	vor.u32 s30, v57;
	_ =	sdelay $0x2  }
0xdae: {  	[tilespmem:v29+s22+$0x0] =	vst.idx.msk $0xffff, v27  }
0xdaf: {  	v29 =	vor.u32 v17, v26;
	[tilespmem:v32+s22+$0x0] =	vst.idx.msk $0xffff, v31;
	v27 =	vld.idx.msk [tilespmem:v30+s15+$0x0], $0xffff  }
0xdb0: {  	v32 =	vor.u32 v17, v28;
	v30 =	vor.u32 s29, v58;
	v31 =	vld.idx.msk [tilespmem:v40+s15+$0x0], $0xffff  }
0xdb1: {  	v40 =	vor.u32 s30, v58;
	_ =	sdelay $0x2  }
0xdb2: {  	[tilespmem:v29+s22+$0x0] =	vst.idx.msk $0xffff, v27  }
0xdb3: {  	v29 =	vor.u32 v19, v26;
	[tilespmem:v32+s22+$0x0] =	vst.idx.msk $0xffff, v31;
	v27 =	vld.idx.msk [tilespmem:v30+s15+$0x0], $0xffff  }
0xdb4: {  	v32 =	vor.u32 v19, v28;
	v30 =	vor.u32 s29, v59;
	v31 =	vld.idx.msk [tilespmem:v40+s15+$0x0], $0xffff  }
0xdb5: {  	v40 =	vor.u32 s30, v59;
	_ =	sdelay $0x2  }
0xdb6: {  	[tilespmem:v29+s22+$0x0] =	vst.idx.msk $0xffff, v27  }
0xdb7: {  	v29 =	vor.u32 v21, v26;
	[tilespmem:v32+s22+$0x0] =	vst.idx.msk $0xffff, v31;
	v27 =	vld.idx.msk [tilespmem:v30+s15+$0x0], $0xffff  }
0xdb8: {  	v32 =	vor.u32 v21, v28;
	v30 =	vor.u32 s29, v60;
	v31 =	vld.idx.msk [tilespmem:v40+s15+$0x0], $0xffff  }
0xdb9: {  	v40 =	vor.u32 s30, v60;
	_ =	sdelay $0x2  }
0xdba: {  	[tilespmem:v29+s22+$0x0] =	vst.idx.msk $0xffff, v27  }
0xdbb: {  	[tilespmem:v32+s22+$0x0] =	vst.idx.msk $0xffff, v31;
	v27 =	vld.idx.msk [tilespmem:v30+s15+$0x0], $0xffff  }
0xdbc: {  	v30 =	vld.idx.msk [tilespmem:v40+s15+$0x0], $0xffff  }
0xdbd: {  	v26 =	vor.u32 v23, v26;
	v40 =	vld [tilespmem:$0x1F2F0]  }
0xdbe: {  	v28 =	vor.u32 v23, v28;
	v29 =	vor.u32 s29, v61  }
0xdbf: {  	v31 =	vor.u32 s30, v61;
	_ =	sdelay $0x2  }
0xdc0: {  	[tilespmem:v26+s22+$0x0] =	vst.idx.msk $0xffff, v27;
	v26 =	vor.u32 v40, v24  }
0xdc1: {  	[tilespmem:v28+s22+$0x0] =	vst.idx.msk $0xffff, v30;
	v28 =	vor.u32 v40, v25;
	v27 =	vld.idx.msk [tilespmem:v29+s15+$0x0], $0xffff;
	v29 =	vor.u32 v2, v26  }
0xdc2: {  	v30 =	vor.u32 s29, v62;
	v31 =	vld.idx.msk [tilespmem:v31+s15+$0x0], $0xffff;
	v32 =	vor.u32 v2, v28  }
0xdc3: {  	v40 =	vor.u32 s30, v62;
	_ =	sdelay $0x2  }
0xdc4: {  	[tilespmem:v29+s22+$0x0] =	vst.idx.msk $0xffff, v27  }
0xdc5: {  	v29 =	vor.u32 v11, v26;
	[tilespmem:v32+s22+$0x0] =	vst.idx.msk $0xffff, v31;
	v27 =	vld.idx.msk [tilespmem:v30+s15+$0x0], $0xffff  }
0xdc6: {  	v32 =	vor.u32 v11, v28;
	v30 =	vor.u32 s29, v63;
	v31 =	vld.idx.msk [tilespmem:v40+s15+$0x0], $0xffff  }
0xdc7: {  	v40 =	vor.u32 s30, v63;
	_ =	sdelay $0x2  }
0xdc8: {  	[tilespmem:v29+s22+$0x0] =	vst.idx.msk $0xffff, v27  }
0xdc9: {  	v29 =	vor.u32 v13, v26;
	[tilespmem:v32+s22+$0x0] =	vst.idx.msk $0xffff, v31;
	v27 =	vld.idx.msk [tilespmem:v30+s15+$0x0], $0xffff  }
0xdca: {  	v32 =	vor.u32 v13, v28;
	v30 =	vor.u32 s29, v0;
	v31 =	vld.idx.msk [tilespmem:v40+s15+$0x0], $0xffff  }
0xdcb: {  	v40 =	vor.u32 s30, v0;
	_ =	sdelay $0x2  }
0xdcc: {  	[tilespmem:v29+s22+$0x0] =	vst.idx.msk $0xffff, v27  }
0xdcd: {  	v29 =	vor.u32 v15, v26;
	[tilespmem:v32+s22+$0x0] =	vst.idx.msk $0xffff, v31;
	v27 =	vld.idx.msk [tilespmem:v30+s15+$0x0], $0xffff  }
0xdce: {  	v32 =	vor.u32 v15, v28;
	v30 =	vor.u32 s29, v1;
	v31 =	vld.idx.msk [tilespmem:v40+s15+$0x0], $0xffff  }
0xdcf: {  	v40 =	vor.u32 s30, v1;
	_ =	sdelay $0x2  }
0xdd0: {  	[tilespmem:v29+s22+$0x0] =	vst.idx.msk $0xffff, v27  }
0xdd1: {  	v29 =	vor.u32 v17, v26;
	[tilespmem:v32+s22+$0x0] =	vst.idx.msk $0xffff, v31;
	v27 =	vld.idx.msk [tilespmem:v30+s15+$0x0], $0xffff  }
0xdd2: {  	v32 =	vor.u32 v17, v28;
	v30 =	vor.u32 s29, v3;
	v31 =	vld.idx.msk [tilespmem:v40+s15+$0x0], $0xffff  }
0xdd3: {  	v40 =	vor.u32 s30, v3;
	_ =	sdelay $0x2  }
0xdd4: {  	[tilespmem:v29+s22+$0x0] =	vst.idx.msk $0xffff, v27  }
0xdd5: {  	v29 =	vor.u32 v19, v26;
	[tilespmem:v32+s22+$0x0] =	vst.idx.msk $0xffff, v31;
	v27 =	vld.idx.msk [tilespmem:v30+s15+$0x0], $0xffff  }
0xdd6: {  	v32 =	vor.u32 v19, v28;
	v30 =	vor.u32 s29, v4;
	v31 =	vld.idx.msk [tilespmem:v40+s15+$0x0], $0xffff  }
0xdd7: {  	v40 =	vor.u32 s30, v4;
	_ =	sdelay $0x2  }
0xdd8: {  	[tilespmem:v29+s22+$0x0] =	vst.idx.msk $0xffff, v27  }
0xdd9: {  	v29 =	vor.u32 v21, v26;
	[tilespmem:v32+s22+$0x0] =	vst.idx.msk $0xffff, v31;
	v27 =	vld.idx.msk [tilespmem:v30+s15+$0x0], $0xffff  }
0xdda: {  	v32 =	vor.u32 v21, v28;
	v30 =	vor.u32 s29, v5;
	v31 =	vld.idx.msk [tilespmem:v40+s15+$0x0], $0xffff  }
0xddb: {  	v40 =	vor.u32 s30, v5;
	_ =	sdelay $0x2  }
0xddc: {  	v33 =	vld [tilespmem:$0x1F2E0];
	[tilespmem:v29+s22+$0x0] =	vst.idx.msk $0xffff, v27  }
0xddd: {  	v26 =	vor.u32 v23, v26;
	[tilespmem:v32+s22+$0x0] =	vst.idx.msk $0xffff, v31;
	v27 =	vld.idx.msk [tilespmem:v30+s15+$0x0], $0xffff  }
0xdde: {  	v28 =	vor.u32 v23, v28;
	v29 =	vor.u32 s29, v6;
	v30 =	vld.idx.msk [tilespmem:v40+s15+$0x0], $0xffff  }
0xddf: {  	v31 =	vor.u32 s30, v6;
	_ =	sdelay $0x2  }
0xde0: {  	v24 =	vor.u32 v33, v24;
	[tilespmem:v26+s22+$0x0] =	vst.idx.msk $0xffff, v27  }
0xde1: {  	v25 =	vor.u32 v33, v25;
	v27 =	vor.u32 v2, v24;
	[tilespmem:v28+s22+$0x0] =	vst.idx.msk $0xffff, v30;
	v26 =	vld.idx.msk [tilespmem:v29+s15+$0x0], $0xffff  }
0xde2: {  	v28 =	vor.u32 s29, v7;
	v30 =	vor.u32 v2, v25;
	v29 =	vld.idx.msk [tilespmem:v31+s15+$0x0], $0xffff  }
0xde3: {  	v31 =	vor.u32 s30, v7;
	_ =	sdelay $0x2  }
0xde4: {  	[tilespmem:v27+s22+$0x0] =	vst.idx.msk $0xffff, v26  }
0xde5: {  	v27 =	vor.u32 v11, v24;
	[tilespmem:v30+s22+$0x0] =	vst.idx.msk $0xffff, v29;
	v26 =	vld.idx.msk [tilespmem:v28+s15+$0x0], $0xffff  }
0xde6: {  	v30 =	vor.u32 v11, v25;
	v28 =	vor.u32 s29, v8;
	v29 =	vld.idx.msk [tilespmem:v31+s15+$0x0], $0xffff  }
0xde7: {  	v31 =	vor.u32 s30, v8;
	_ =	sdelay $0x2  }
0xde8: {  	[tilespmem:v27+s22+$0x0] =	vst.idx.msk $0xffff, v26  }
0xde9: {  	v27 =	vor.u32 v13, v24;
	[tilespmem:v30+s22+$0x0] =	vst.idx.msk $0xffff, v29;
	v26 =	vld.idx.msk [tilespmem:v28+s15+$0x0], $0xffff  }
0xdea: {  	v30 =	vor.u32 v13, v25;
	v28 =	vor.u32 s29, v9;
	v29 =	vld.idx.msk [tilespmem:v31+s15+$0x0], $0xffff  }
0xdeb: {  	v31 =	vor.u32 s30, v9;
	_ =	sdelay $0x2  }
0xdec: {  	[tilespmem:v27+s22+$0x0] =	vst.idx.msk $0xffff, v26  }
0xded: {  	v27 =	vor.u32 v15, v24;
	[tilespmem:v30+s22+$0x0] =	vst.idx.msk $0xffff, v29;
	v26 =	vld.idx.msk [tilespmem:v28+s15+$0x0], $0xffff  }
0xdee: {  	v30 =	vor.u32 v15, v25;
	v28 =	vor.u32 s29, v12;
	v29 =	vld.idx.msk [tilespmem:v31+s15+$0x0], $0xffff  }
0xdef: {  	v31 =	vor.u32 s30, v12;
	_ =	sdelay $0x2  }
0xdf0: {  	[tilespmem:v27+s22+$0x0] =	vst.idx.msk $0xffff, v26  }
0xdf1: {  	v27 =	vor.u32 v17, v24;
	[tilespmem:v30+s22+$0x0] =	vst.idx.msk $0xffff, v29;
	v26 =	vld.idx.msk [tilespmem:v28+s15+$0x0], $0xffff  }
0xdf2: {  	v30 =	vor.u32 v17, v25;
	v28 =	vor.u32 s29, v14;
	v29 =	vld.idx.msk [tilespmem:v31+s15+$0x0], $0xffff  }
0xdf3: {  	v31 =	vor.u32 s30, v14;
	_ =	sdelay $0x2  }
0xdf4: {  	[tilespmem:v27+s22+$0x0] =	vst.idx.msk $0xffff, v26  }
0xdf5: {  	v27 =	vor.u32 v19, v24;
	[tilespmem:v30+s22+$0x0] =	vst.idx.msk $0xffff, v29;
	v26 =	vld.idx.msk [tilespmem:v28+s15+$0x0], $0xffff  }
0xdf6: {  	v30 =	vor.u32 v19, v25;
	v28 =	vor.u32 s29, v16;
	v29 =	vld.idx.msk [tilespmem:v31+s15+$0x0], $0xffff  }
0xdf7: {  	v31 =	vor.u32 s30, v16;
	_ =	sdelay $0x2  }
0xdf8: {  	[tilespmem:v27+s22+$0x0] =	vst.idx.msk $0xffff, v26  }
0xdf9: {  	v27 =	vor.u32 v21, v24;
	[tilespmem:v30+s22+$0x0] =	vst.idx.msk $0xffff, v29;
	v26 =	vld.idx.msk [tilespmem:v28+s15+$0x0], $0xffff  }
0xdfa: {  	v30 =	vor.u32 v21, v25;
	v28 =	vor.u32 s29, v18;
	v29 =	vld.idx.msk [tilespmem:v31+s15+$0x0], $0xffff  }
0xdfb: {  	v31 =	vor.u32 s30, v18;
	_ =	sdelay $0x2  }
0xdfc: {  	[tilespmem:v27+s22+$0x0] =	vst.idx.msk $0xffff, v26  }
0xdfd: {  	v24 =	vor.u32 v23, v24;
	[tilespmem:v30+s22+$0x0] =	vst.idx.msk $0xffff, v29;
	v26 =	vld.idx.msk [tilespmem:v28+s15+$0x0], $0xffff  }
0xdfe: {  	p1 =	por p0, p0;
	v25 =	vor.u32 v23, v25;
	v27 =	vld.idx.msk [tilespmem:v31+s15+$0x0], $0xffff  }
.Ltmp6:
0xdff: {  	_ = 	snop;
	(pc) =	sbr.rel @p1 .LBB2_9-.Ltmp6, $3  }
0xe00: {  	_ =	sdelay $0x1  }
0xe01: {  	[tilespmem:v24+s22+$0x0] =	vst.idx.msk $0xffff, v26  }
0xe02: {  	p0 =	por $0x0, $0x0;
	s29 =	simm.s32 $0x20;
	v30 =	vmov v34;
	v29 =	vmov v10;
	v31 =	vmov v20;
	[tilespmem:v25+s22+$0x0] =	vst.idx.msk $0xffff, v27  }
0xe03: {  	p0 =	seq.s32 s25, $0x18  }
.Ltmp7:
0xe04: {  	_ = 	snop;
	(pc) =	sbr.rel @p0 .LBB2_12-.Ltmp7, $3  }
0xe05: {  	_ =	sdelay $0x1  }
0xe06: {  	s28 =	sadd.s32 s28, s9  }
0xe07: {  	v32 =	vmov v6;
	v33 =	vmov v7;
	v28 =	vmov v22;
	[hbm4b:s28+s18] =	stream.strided.scatter [tilespmem:s22], [sflag:$0x6], $0x2000, s19, s18, $0x38;
	[tilespmem:$0xC100] =	vst v63  }
0xe08: {  	s26 =	sadd.s32 $0x3, s26  }
0xe09: {  	s28 =	sshll.u32 s26, $0x7;
	s26 =	sshll.u32 s26, $0xC  }
0xe0a: {  	s28 =	sand.u32 $0x380, s28;
	s26 =	sand.u32 $0x78000, s26  }
.Ltmp8:
0xe0b: {  	s26 =	sor.u32 s26, s28;
	(pc) =	sbr.rel .LBB2_2-.Ltmp8, $4  }
0xe0c: {  	s26 =	sor.u32 s5, s26  }
0xe0d: {  	s26 =	sshrl.u32 s26, $0x3  }
0xe0e: {  	s25 =	sadd.s32 $0x1, s25;
	s26 =	sadd.s32 s0, s26  }
0xe0f: {  	[tilespmem:s11], [sflag:$0x2] =	stream.linear.gather [hbm4b:s26+s4], $0x80, $0x38;
	[tilespmem:$0xC100] =	vst v63  }
.LBB2_13:
0xe10: {  	_ =	sfence.sel $0x180000  }
0xe11: {  	[bflag:$0x0] =	sbarrier.arrive $0xFFFF  }
0xe12: {  	p0 =	sne.s32 s3, $0x0;
	_ =	strace $0x90000047  }
0xe13: {  	s0 =	sadd.s32 @!p0 $0x100000, s1;
	[bflag:$0x2] =	sbarrier.arrive $0xFFFF  }
0xe14: {  	[sflag:s0] =	ssyncadd.tile.s32 @!p0 $0x1;
	_ =	shalt  }
.Lfunc_end2:
_tile_overlayer_lowered:
.L_overlay_start_2:
0xe15: {  	(tag) =	ssettag $0x2  }
0xe16: {  	s0 =	rddreg [dreg:$0x0];
	s2 =	stileid.u32  }
0xe17: {  	s1 =	rddreg [dreg:$0x1];
	p0 =	sne.s32 s2, $0x0  }
0xe18: {  	s3 =	rddreg [dreg:$0x2];
	[bflag:$0x3] =	sbarrier.arrive $0xFFFF;
	s2 =	simm.s32 @!p0 $0x1C07  }
0xe19: {  	[timem:s3], [sflag:s2] =	dma.local @!p0 [hbm:s0], s1  }
0xe1a: {  	s0 =	simm.s32 @!p0 $0x7  }
0xe1b: {  	_ =	swait.ge @!p0 [sflag:s0], s1  }
0xe1c: {  	s1 =	ssub.s32 @!p0 $0x0, s1;
	[sflag:s0] =	ssyncset.done @!p0 $0x0  }
0xe1d: {  	[sflag:s0] =	ssyncadd.s32 @!p0 s1  }
0xe1e: {  	[bflag:$0x3] =	sbarrier.arrive $0xFFFF  }
0xe1f: {  	_ =	shalt  }

</sc_bundles>
